<compile_context>
chip_gen: v7x
topology: tpu7x:2x2x1
jax: 0.10.2.dev20260603
libtpu: 0.0.44.dev20260713+nightly
codegen_flags: <defaults>
</compile_context>

<pallas_src>
import functools

import jax
import jax.numpy as jnp
from jax import lax
from jax.experimental import pallas as pl
from jax.experimental.pallas import tpu as pltpu
from jax.experimental.pallas import tpu_sc as plsc

C = 7
CPAD = 8
A = 128
LANES = 16
IGNORE = 255


def _sc_partials(feat, labels, n_workers, rows_per_w, chunk):
    n_chunks = rows_per_w // chunk
    mesh = plsc.VectorSubcoreMesh(core_axis_name="c", subcore_axis_name="s")

    batch = 80
    n_batch = chunk // batch
    n_sub = 16

    @functools.partial(
        pl.kernel,
        mesh=mesh,
        out_type=(
            jax.ShapeDtypeStruct((n_workers, CPAD, A), jnp.float32),
            jax.ShapeDtypeStruct((n_workers, CPAD, LANES), jnp.float32),
        ),
        scratch_types=[
            pltpu.VMEM((chunk, A), jnp.float32),
            pltpu.VMEM((chunk, A), jnp.float32),
            pltpu.VMEM((chunk,), jnp.int32),
            pltpu.VMEM((chunk,), jnp.int32),
            pltpu.VMEM((n_batch, batch), jnp.int32),
            pltpu.VMEM((n_batch, batch), jnp.int32),
            pltpu.VMEM((CPAD, A), jnp.float32),
            pltpu.VMEM((CPAD, LANES), jnp.float32),
            pltpu.VMEM_SHARED((n_sub * CPAD, A), jnp.float32),
            pltpu.SemaphoreType.DMA,
            pltpu.SemaphoreType.DMA,
            pltpu.SemaphoreType.DMA,
            pltpu.SemaphoreType.DMA,
            pltpu.SemaphoreType.DMA,
            pltpu.SemaphoreType.DMA,
        ],
    )
    def body(feat_hbm, labels_hbm, sums_out, counts_out,
             fbuf0, fbuf1, lbuf0, lbuf1, ibuf0, ibuf1, zbuf, cacc, shared,
             fsem0, fsem1, lsem0, lsem1, ssem0, ssem1):
        n_cores = 2
        sid = lax.axis_index("s")
        wid = sid * n_cores + lax.axis_index("c")
        row0 = wid * rows_per_w
        region0 = sid * CPAD

        fbufs = (fbuf0, fbuf1)
        lbufs = (lbuf0, lbuf1)
        ibufs = (ibuf0, ibuf1)
        fsems = (fsem0, fsem1)
        lsems = (lsem0, lsem1)
        ssems = (ssem0, ssem1)

        def start_in(ci, slot):
            base = row0 + ci * chunk
            pltpu.make_async_copy(
                feat_hbm.at[pl.ds(base, chunk)], fbufs[slot], fsems[slot]
            ).start()
            pltpu.make_async_copy(
                labels_hbm.at[pl.ds(base, chunk)], lbufs[slot], lsems[slot]
            ).start()

        def wait_in(slot):
            pltpu.make_async_copy(
                feat_hbm.at[pl.ds(0, chunk)], fbufs[slot], fsems[slot]
            ).wait()
            pltpu.make_async_copy(
                labels_hbm.at[pl.ds(0, chunk)], lbufs[slot], lsems[slot]
            ).wait()

        zero = jnp.zeros((LANES,), jnp.float32)
        for r in range(CPAD):
            for k in range(A // LANES):
                zbuf[r, pl.ds(k * LANES, LANES)] = zero
        pltpu.sync_copy(zbuf, shared.at[pl.ds(region0, CPAD)])

        base_vec = jnp.full((LANES,), CPAD, dtype=jnp.int32) * sid
        sevenv = jnp.full((LANES,), C, dtype=jnp.uint32)
        one = jnp.ones((LANES,), jnp.float32)
        zf = jnp.zeros((LANES,), jnp.float32)

        def scat(slot, j):
            return pltpu.async_copy(
                fbufs[slot].at[pl.ds(j * batch, batch)],
                shared.at[ibufs[slot].at[j]],
                ssems[slot],
                add=True,
            )

        def consume(slot, cnts):
            lbuf = lbufs[slot]
            ibuf = ibufs[slot]
            for g in range(chunk // LANES):
                lab16 = lbuf[pl.ds(g * LANES, LANES)]
                cnts = tuple(
                    cnts[c] + jnp.where(lab16 == c, one, zf)
                    for c in range(C)
                )
                lab_u = jnp.minimum(
                    lab16.astype(jnp.uint32), sevenv).astype(jnp.int32)
                idx = lab_u + base_vec
                b = (g * LANES) // batch
                off = (g * LANES) % batch
                ibuf[b, pl.ds(off, LANES)] = idx
            descs = [scat(slot, j) for j in range(n_batch)]
            for d in descs:
                d.wait()
            return cnts

        start_in(0, 0)
        start_in(1, 1)
        n_pairs = n_chunks // 2
        zcnt = jnp.zeros((LANES,), jnp.float32)

        def pair_body(p, cnts):
            ci0 = 2 * p
            wait_in(0)
            cnts = consume(0, cnts)

            @pl.when(ci0 + 2 < n_chunks)
            def _():
                start_in(ci0 + 2, 0)

            wait_in(1)
            cnts = consume(1, cnts)

            @pl.when(ci0 + 3 < n_chunks)
            def _():
                start_in(ci0 + 3, 1)

            return cnts

        cnts = lax.fori_loop(0, n_pairs, pair_body, (zcnt,) * C)
        if n_chunks % 2 == 1:
            wait_in(0)
            cnts = consume(0, cnts)

        for c in range(C):
            cacc[c, :] = cnts[c]
        cacc[C, :] = zf

        pltpu.sync_copy(shared.at[pl.ds(region0, CPAD)], sums_out.at[wid])
        pltpu.sync_copy(cacc, counts_out.at[wid])

    return body(feat, labels)


def _tc_segment_body(feat_ref, labels_ref, sums_ref, counts_ref):
    labs = labels_ref[0, 0, :]
    oh = (labs[:, None] ==
          lax.broadcasted_iota(jnp.int32, (labs.shape[0], CPAD), 1)
          ).astype(jnp.float32)
    contrib = lax.dot_general(
        oh, feat_ref[...], (((0,), (0,)), ((), ())),
        preferred_element_type=jnp.float32)
    cnt = jnp.broadcast_to(jnp.sum(oh, axis=0)[:, None], (CPAD, A))

    @pl.when(pl.program_id(0) == 0)
    def _():
        sums_ref[...] = contrib
        counts_ref[...] = cnt

    @pl.when(pl.program_id(0) != 0)
    def _():
        sums_ref[...] += contrib
        counts_ref[...] += cnt


def _tc_segment(feat, labels, tc_row0, blk):
    n = feat.shape[0]
    n_blocks = (n - tc_row0) // blk
    off = tc_row0 // blk
    labels3 = labels.reshape(n // blk, 1, blk)
    return pl.pallas_call(
        _tc_segment_body,
        grid=(n_blocks,),
        in_specs=[
            pl.BlockSpec((blk, A), lambda i: (off + i, 0)),
            pl.BlockSpec((1, 1, blk), lambda i: (off + i, 0, 0)),
        ],
        out_specs=(
            pl.BlockSpec((CPAD, A), lambda i: (0, 0)),
            pl.BlockSpec((CPAD, A), lambda i: (0, 0)),
        ),
        out_shape=(
            jax.ShapeDtypeStruct((CPAD, A), jnp.float32),
            jax.ShapeDtypeStruct((CPAD, A), jnp.float32),
        ),
    )(feat, labels3)


def _tc_finish_body(proto_ref, sums_ref, counts_ref, tsums_ref, tcounts_ref,
                    loss_ref, mean_ref):
    sums = jnp.sum(sums_ref[...], axis=0) + tsums_ref[...]
    counts = (jnp.sum(counts_ref[...], axis=(0, 2))
              + tcounts_ref[..., 0])[:, None]
    denom = jnp.where(counts == 0.0, 1.0, counts)
    mean = (sums / denom)[:C]
    mean_ref[...] = mean

    proto = proto_ref[...]
    pn = proto / jnp.maximum(
        jnp.sqrt(jnp.sum(proto * proto, axis=1, keepdims=True)), 1e-12)
    cn = mean / jnp.maximum(
        jnp.sqrt(jnp.sum(mean * mean, axis=1, keepdims=True)), 1e-12)
    logits = lax.dot_general(
        cn, pn, (((1,), (1,)), ((), ())), preferred_element_type=jnp.float32)

    row_sum = jnp.sum(logits, axis=1)
    valid = row_sum != 0.0
    m = jnp.max(logits, axis=1)
    lse = jnp.log(jnp.sum(jnp.exp(logits - m[:, None]), axis=1)) + m
    eye = (lax.broadcasted_iota(jnp.int32, (C, C), 0)
           == lax.broadcasted_iota(jnp.int32, (C, C), 1))
    diag = jnp.sum(jnp.where(eye, logits, 0.0), axis=1)
    ce = lse - diag
    num = jnp.sum(valid.astype(jnp.int32))
    loss = jnp.sum(jnp.where(valid, ce, 0.0)) / jnp.maximum(num, 1)
    loss_ref[...] = jnp.reshape(loss, (1, 1))


def kernel(Proto, feat, labels):
    n = feat.shape[0]
    n_workers = 32
    sc_rows = 192000
    blk = 4000
    rows_per_w = sc_rows // n_workers
    chunk = 400

    sums, counts = _sc_partials(feat, labels, n_workers, rows_per_w, chunk)
    tsums, tcounts = _tc_segment(feat, labels, sc_rows, blk)

    loss2d, mean = pl.pallas_call(
        _tc_finish_body,
        out_shape=(
            jax.ShapeDtypeStruct((1, 1), jnp.float32),
            jax.ShapeDtypeStruct((C, A), jnp.float32),
        ),
    )(Proto, sums, counts, tsums, tcounts)
    return (loss2d[0, 0], mean)

# --- scband reference (transcript-rebuilt; emitter-appended) ---
"""Pipeline reference for scband-prototype-contrastive-loss-90048284328408 (READ-ONLY COPY).

The authoritative reference and input builder live on the scoring server;
editing this copy changes nothing except your own understanding.
"""

import jax, jax.numpy as jnp
import numpy as np

IGNORE_LABEL = 255


def _l2_normalize(x, eps=1e-12):
    n = jnp.linalg.norm(x, axis=1, keepdims=True)
    return x / jnp.maximum(n, eps)


def setup_inputs(seed: int = 0) -> dict:
    key = jax.random.key(seed)
    k1, k2, k3 = jax.random.split(key, 3)
    Proto = jax.random.normal(k1, (7, 128), dtype=jnp.float32)
    feat = jax.random.normal(k2, (320000, 128), dtype=jnp.float32)
    labels = jax.random.randint(k3, (320000,), 0, 7, dtype=jnp.int32)
    return {"Proto": Proto, "feat": feat, "labels": labels}


def reference(Proto, feat, labels):
    C, A = Proto.shape
    # mask out IGNORE_LABEL pixels (done with static-shape weighting instead of boolean gather)
    mask = labels != IGNORE_LABEL
    w = mask.astype(feat.dtype)
    labels_safe = jnp.where(mask, labels, 0)
    # one-hot scatter + sum over N == segment_sum of features by class label
    seg_sum = jax.ops.segment_sum(feat * w[:, None], labels_safe, num_segments=C)
    counts = jax.ops.segment_sum(w, labels_safe, num_segments=C)
    denom = jnp.where(counts == 0, jnp.ones_like(counts), counts)
    mean = seg_sum / denom[:, None]  # (C, A) per-class mean feature
    Proto_n = _l2_normalize(Proto)
    cur_proto = _l2_normalize(mean)
    logits = cur_proto @ Proto_n.T  # (C, C)
    # per-class cross entropy with target label i for row i, skipped if row sums to 0
    row_sum = jnp.sum(logits, axis=1)
    valid = row_sum != 0
    lse = jax.scipy.special.logsumexp(logits, axis=1)
    diag = jnp.diagonal(logits)
    ce = lse - diag
    num = jnp.sum(valid.astype(jnp.int32))
    loss = jnp.sum(jnp.where(valid, ce, 0.0)) / jnp.maximum(num, 1)
    return (loss, mean)

if __name__ == "__main__":
    import jax
    _d = setup_inputs()
    print(jax.jit(kernel)(*tuple(_d.values())))

</pallas_src>

<mosaic_0001>
#map = affine_map<(d0, d1) -> (0, 0)>
#map1 = affine_map<(d0, d1) -> (0)>
#map2 = affine_map<(d0, d1) -> (0, 0, 0)>
module attributes {stable_mosaic.version = 14 : i64} {
  func.func @body(%arg0: i32, %arg1: i32, %arg2: memref<320000x128xf32, #tpu.memory_space<hbm>>, %arg3: memref<320000xi32, #tpu.memory_space<hbm>>, %arg4: memref<32x8x128xf32, #tpu.memory_space<hbm>>, %arg5: memref<32x8x16xf32, #tpu.memory_space<hbm>>, %arg6: memref<400x128xf32, #tpu.memory_space<vmem>>, %arg7: memref<400x128xf32, #tpu.memory_space<vmem>>, %arg8: memref<400xi32, #tpu.memory_space<vmem>>, %arg9: memref<400xi32, #tpu.memory_space<vmem>>, %arg10: memref<5x80xi32, #tpu.memory_space<vmem>>, %arg11: memref<5x80xi32, #tpu.memory_space<vmem>>, %arg12: memref<8x128xf32, #tpu.memory_space<vmem>>, %arg13: memref<8x16xf32, #tpu.memory_space<vmem>>, %arg14: memref<128x128xf32, #tpu.memory_space<vmem_shared>>, %arg15: memref<!tpu.dma_semaphore, #tpu.memory_space<semaphore_mem>>, %arg16: memref<!tpu.dma_semaphore, #tpu.memory_space<semaphore_mem>>, %arg17: memref<!tpu.dma_semaphore, #tpu.memory_space<semaphore_mem>>, %arg18: memref<!tpu.dma_semaphore, #tpu.memory_space<semaphore_mem>>, %arg19: memref<!tpu.dma_semaphore, #tpu.memory_space<semaphore_mem>>, %arg20: memref<!tpu.dma_semaphore, #tpu.memory_space<semaphore_mem>>) attributes {dimension_semantics = [#tpu.dimension_semantics<core_parallel>, #tpu.dimension_semantics<subcore_parallel>], iteration_bounds = array<i64: 2, 16>, scalar_prefetch = 0 : i64, scratch_operands = 15 : i64, tpu.core_type = #tpu.core_type<sc_vector_subcore>, window_params = [{transform_indices = #map}, {transform_indices = #map1}, {transform_indices = #map2}, {transform_indices = #map2}]} {
    %mul3A = arith.constant 2 : i32
    %mul3A_0 = arith.muli %arg1, %mul3A : i32
    %add3A = arith.addi %mul3A_0, %arg0 : i32
    %mul3A_1 = arith.constant 6000 : i32
    %mul3A_2 = arith.muli %add3A, %mul3A_1 : i32
    %mul3A_3 = arith.constant 8 : i32
    %mul3A_4 = arith.muli %arg1, %mul3A_3 : i32
    %broadcast_in_dim3A = arith.constant 0.000000e+00 : f32
    %broadcast_in_dim3A_5 = vector.broadcast %broadcast_in_dim3A : f32 to vector<16xf32>
    %swap3A = arith.constant 0 : i32
    %swap3A_6 = arith.index_cast %swap3A : i32 to index
    %swap3A_7 = arith.constant 0 : index
    %swap3A_8 = tpu.vector_load %arg12[%swap3A_6, %swap3A_7] {strides = array<i32>} : memref<8x128xf32, #tpu.memory_space<vmem>>, vector<1x16xf32>,
    %swap3A_9 = vector.shape_cast %swap3A_8 : vector<1x16xf32> to vector<16xf32>
    %swap3A_10 = vector.shape_cast %broadcast_in_dim3A_5 : vector<16xf32> to vector<1x16xf32>
    tpu.vector_store %arg12[%swap3A_6, %swap3A_7], %swap3A_10 {strides = array<i32>} : memref<8x128xf32, #tpu.memory_space<vmem>>, vector<1x16xf32>,
    %swap3A_11 = arith.constant 0 : i32
    %swap3A_12 = arith.index_cast %swap3A_11 : i32 to index
    %swap3A_13 = arith.constant 16 : index
    %swap3A_14 = tpu.vector_load %arg12[%swap3A_12, %swap3A_13] {strides = array<i32>} : memref<8x128xf32, #tpu.memory_space<vmem>>, vector<1x16xf32>,
    %swap3A_15 = vector.shape_cast %swap3A_14 : vector<1x16xf32> to vector<16xf32>
    %swap3A_16 = vector.shape_cast %broadcast_in_dim3A_5 : vector<16xf32> to vector<1x16xf32>
    tpu.vector_store %arg12[%swap3A_12, %swap3A_13], %swap3A_16 {strides = array<i32>} : memref<8x128xf32, #tpu.memory_space<vmem>>, vector<1x16xf32>,
    %swap3A_17 = arith.constant 0 : i32
    %swap3A_18 = arith.index_cast %swap3A_17 : i32 to index
    %swap3A_19 = arith.constant 32 : index
    %swap3A_20 = tpu.vector_load %arg12[%swap3A_18, %swap3A_19] {strides = array<i32>} : memref<8x128xf32, #tpu.memory_space<vmem>>, vector<1x16xf32>,
    %swap3A_21 = vector.shape_cast %swap3A_20 : vector<1x16xf32> to vector<16xf32>
    %swap3A_22 = vector.shape_cast %broadcast_in_dim3A_5 : vector<16xf32> to vector<1x16xf32>
    tpu.vector_store %arg12[%swap3A_18, %swap3A_19], %swap3A_22 {strides = array<i32>} : memref<8x128xf32, #tpu.memory_space<vmem>>, vector<1x16xf32>,
    %swap3A_23 = arith.constant 0 : i32
    %swap3A_24 = arith.index_cast %swap3A_23 : i32 to index
    %swap3A_25 = arith.constant 48 : index
    %swap3A_26 = tpu.vector_load %arg12[%swap3A_24, %swap3A_25] {strides = array<i32>} : memref<8x128xf32, #tpu.memory_space<vmem>>, vector<1x16xf32>,
    %swap3A_27 = vector.shape_cast %swap3A_26 : vector<1x16xf32> to vector<16xf32>
    %swap3A_28 = vector.shape_cast %broadcast_in_dim3A_5 : vector<16xf32> to vector<1x16xf32>
    tpu.vector_store %arg12[%swap3A_24, %swap3A_25], %swap3A_28 {strides = array<i32>} : memref<8x128xf32, #tpu.memory_space<vmem>>, vector<1x16xf32>,
    %swap3A_29 = arith.constant 0 : i32
    %swap3A_30 = arith.index_cast %swap3A_29 : i32 to index
    %swap3A_31 = arith.constant 64 : index
    %swap3A_32 = tpu.vector_load %arg12[%swap3A_30, %swap3A_31] {strides = array<i32>} : memref<8x128xf32, #tpu.memory_space<vmem>>, vector<1x16xf32>,
    %swap3A_33 = vector.shape_cast %swap3A_32 : vector<1x16xf32> to vector<16xf32>
    %swap3A_34 = vector.shape_cast %broadcast_in_dim3A_5 : vector<16xf32> to vector<1x16xf32>
    tpu.vector_store %arg12[%swap3A_30, %swap3A_31], %swap3A_34 {strides = array<i32>} : memref<8x128xf32, #tpu.memory_space<vmem>>, vector<1x16xf32>,
    %swap3A_35 = arith.constant 0 : i32
    %swap3A_36 = arith.index_cast %swap3A_35 : i32 to index
    %swap3A_37 = arith.constant 80 : index
    %swap3A_38 = tpu.vector_load %arg12[%swap3A_36, %swap3A_37] {strides = array<i32>} : memref<8x128xf32, #tpu.memory_space<vmem>>, vector<1x16xf32>,
    %swap3A_39 = vector.shape_cast %swap3A_38 : vector<1x16xf32> to vector<16xf32>
    %swap3A_40 = vector.shape_cast %broadcast_in_dim3A_5 : vector<16xf32> to vector<1x16xf32>
    tpu.vector_store %arg12[%swap3A_36, %swap3A_37], %swap3A_40 {strides = array<i32>} : memref<8x128xf32, #tpu.memory_space<vmem>>, vector<1x16xf32>,
    %swap3A_41 = arith.constant 0 : i32
    %swap3A_42 = arith.index_cast %swap3A_41 : i32 to index
    %swap3A_43 = arith.constant 96 : index
    %swap3A_44 = tpu.vector_load %arg12[%swap3A_42, %swap3A_43] {strides = array<i32>} : memref<8x128xf32, #tpu.memory_space<vmem>>, vector<1x16xf32>,
    %swap3A_45 = vector.shape_cast %swap3A_44 : vector<1x16xf32> to vector<16xf32>
    %swap3A_46 = vector.shape_cast %broadcast_in_dim3A_5 : vector<16xf32> to vector<1x16xf32>
    tpu.vector_store %arg12[%swap3A_42, %swap3A_43], %swap3A_46 {strides = array<i32>} : memref<8x128xf32, #tpu.memory_space<vmem>>, vector<1x16xf32>,
    %swap3A_47 = arith.constant 0 : i32
    %swap3A_48 = arith.index_cast %swap3A_47 : i32 to index
    %swap3A_49 = arith.constant 112 : index
    %swap3A_50 = tpu.vector_load %arg12[%swap3A_48, %swap3A_49] {strides = array<i32>} : memref<8x128xf32, #tpu.memory_space<vmem>>, vector<1x16xf32>,
    %swap3A_51 = vector.shape_cast %swap3A_50 : vector<1x16xf32> to vector<16xf32>
    %swap3A_52 = vector.shape_cast %broadcast_in_dim3A_5 : vector<16xf32> to vector<1x16xf32>
    tpu.vector_store %arg12[%swap3A_48, %swap3A_49], %swap3A_52 {strides = array<i32>} : memref<8x128xf32, #tpu.memory_space<vmem>>, vector<1x16xf32>,
    %swap3A_53 = arith.constant 1 : i32
    %swap3A_54 = arith.index_cast %swap3A_53 : i32 to index
    %swap3A_55 = arith.constant 0 : index
    %swap3A_56 = tpu.vector_load %arg12[%swap3A_54, %swap3A_55] {strides = array<i32>} : memref<8x128xf32, #tpu.memory_space<vmem>>, vector<1x16xf32>,
    %swap3A_57 = vector.shape_cast %swap3A_56 : vector<1x16xf32> to vector<16xf32>
    %swap3A_58 = vector.shape_cast %broadcast_in_dim3A_5 : vector<16xf32> to vector<1x16xf32>
    tpu.vector_store %arg12[%swap3A_54, %swap3A_55], %swap3A_58 {strides = array<i32>} : memref<8x128xf32, #tpu.memory_space<vmem>>, vector<1x16xf32>,
    %swap3A_59 = arith.constant 1 : i32
    %swap3A_60 = arith.index_cast %swap3A_59 : i32 to index
    %swap3A_61 = arith.constant 16 : index
    %swap3A_62 = tpu.vector_load %arg12[%swap3A_60, %swap3A_61] {strides = array<i32>} : memref<8x128xf32, #tpu.memory_space<vmem>>, vector<1x16xf32>,
    %swap3A_63 = vector.shape_cast %swap3A_62 : vector<1x16xf32> to vector<16xf32>
    %swap3A_64 = vector.shape_cast %broadcast_in_dim3A_5 : vector<16xf32> to vector<1x16xf32>
    tpu.vector_store %arg12[%swap3A_60, %swap3A_61], %swap3A_64 {strides = array<i32>} : memref<8x128xf32, #tpu.memory_space<vmem>>, vector<1x16xf32>,
    %swap3A_65 = arith.constant 1 : i32
    %swap3A_66 = arith.index_cast %swap3A_65 : i32 to index
    %swap3A_67 = arith.constant 32 : index
    %swap3A_68 = tpu.vector_load %arg12[%swap3A_66, %swap3A_67] {strides = array<i32>} : memref<8x128xf32, #tpu.memory_space<vmem>>, vector<1x16xf32>,
    %swap3A_69 = vector.shape_cast %swap3A_68 : vector<1x16xf32> to vector<16xf32>
    %swap3A_70 = vector.shape_cast %broadcast_in_dim3A_5 : vector<16xf32> to vector<1x16xf32>
    tpu.vector_store %arg12[%swap3A_66, %swap3A_67], %swap3A_70 {strides = array<i32>} : memref<8x128xf32, #tpu.memory_space<vmem>>, vector<1x16xf32>,
    %swap3A_71 = arith.constant 1 : i32
    %swap3A_72 = arith.index_cast %swap3A_71 : i32 to index
    %swap3A_73 = arith.constant 48 : index
    %swap3A_74 = tpu.vector_load %arg12[%swap3A_72, %swap3A_73] {strides = array<i32>} : memref<8x128xf32, #tpu.memory_space<vmem>>, vector<1x16xf32>,
    %swap3A_75 = vector.shape_cast %swap3A_74 : vector<1x16xf32> to vector<16xf32>
    %swap3A_76 = vector.shape_cast %broadcast_in_dim3A_5 : vector<16xf32> to vector<1x16xf32>
    tpu.vector_store %arg12[%swap3A_72, %swap3A_73], %swap3A_76 {strides = array<i32>} : memref<8x128xf32, #tpu.memory_space<vmem>>, vector<1x16xf32>,
    %swap3A_77 = arith.constant 1 : i32
    %swap3A_78 = arith.index_cast %swap3A_77 : i32 to index
    %swap3A_79 = arith.constant 64 : index
    %swap3A_80 = tpu.vector_load %arg12[%swap3A_78, %swap3A_79] {strides = array<i32>} : memref<8x128xf32, #tpu.memory_space<vmem>>, vector<1x16xf32>,
    %swap3A_81 = vector.shape_cast %swap3A_80 : vector<1x16xf32> to vector<16xf32>
    %swap3A_82 = vector.shape_cast %broadcast_in_dim3A_5 : vector<16xf32> to vector<1x16xf32>
    tpu.vector_store %arg12[%swap3A_78, %swap3A_79], %swap3A_82 {strides = array<i32>} : memref<8x128xf32, #tpu.memory_space<vmem>>, vector<1x16xf32>,
    %swap3A_83 = arith.constant 1 : i32
    %swap3A_84 = arith.index_cast %swap3A_83 : i32 to index
    %swap3A_85 = arith.constant 80 : index
    %swap3A_86 = tpu.vector_load %arg12[%swap3A_84, %swap3A_85] {strides = array<i32>} : memref<8x128xf32, #tpu.memory_space<vmem>>, vector<1x16xf32>,
    %swap3A_87 = vector.shape_cast %swap3A_86 : vector<1x16xf32> to vector<16xf32>
    %swap3A_88 = vector.shape_cast %broadcast_in_dim3A_5 : vector<16xf32> to vector<1x16xf32>
    tpu.vector_store %arg12[%swap3A_84, %swap3A_85], %swap3A_88 {strides = array<i32>} : memref<8x128xf32, #tpu.memory_space<vmem>>, vector<1x16xf32>,
    %swap3A_89 = arith.constant 1 : i32
    %swap3A_90 = arith.index_cast %swap3A_89 : i32 to index
    %swap3A_91 = arith.constant 96 : index
    %swap3A_92 = tpu.vector_load %arg12[%swap3A_90, %swap3A_91] {strides = array<i32>} : memref<8x128xf32, #tpu.memory_space<vmem>>, vector<1x16xf32>,
    %swap3A_93 = vector.shape_cast %swap3A_92 : vector<1x16xf32> to vector<16xf32>
    %swap3A_94 = vector.shape_cast %broadcast_in_dim3A_5 : vector<16xf32> to vector<1x16xf32>
    tpu.vector_store %arg12[%swap3A_90, %swap3A_91], %swap3A_94 {strides = array<i32>} : memref<8x128xf32, #tpu.memory_space<vmem>>, vector<1x16xf32>,
    %swap3A_95 = arith.constant 1 : i32
    %swap3A_96 = arith.index_cast %swap3A_95 : i32 to index
    %swap3A_97 = arith.constant 112 : index
    %swap3A_98 = tpu.vector_load %arg12[%swap3A_96, %swap3A_97] {strides = array<i32>} : memref<8x128xf32, #tpu.memory_space<vmem>>, vector<1x16xf32>,
    %swap3A_99 = vector.shape_cast %swap3A_98 : vector<1x16xf32> to vector<16xf32>
    %swap3A_100 = vector.shape_cast %broadcast_in_dim3A_5 : vector<16xf32> to vector<1x16xf32>
    tpu.vector_store %arg12[%swap3A_96, %swap3A_97], %swap3A_100 {strides = array<i32>} : memref<8x128xf32, #tpu.memory_space<vmem>>, vector<1x16xf32>,
    %swap3A_101 = arith.constant 2 : i32
    %swap3A_102 = arith.index_cast %swap3A_101 : i32 to index
    %swap3A_103 = arith.constant 0 : index
    %swap3A_104 = tpu.vector_load %arg12[%swap3A_102, %swap3A_103] {strides = array<i32>} : memref<8x128xf32, #tpu.memory_space<vmem>>, vector<1x16xf32>,
    %swap3A_105 = vector.shape_cast %swap3A_104 : vector<1x16xf32> to vector<16xf32>
    %swap3A_106 = vector.shape_cast %broadcast_in_dim3A_5 : vector<16xf32> to vector<1x16xf32>
    tpu.vector_store %arg12[%swap3A_102, %swap3A_103], %swap3A_106 {strides = array<i32>} : memref<8x128xf32, #tpu.memory_space<vmem>>, vector<1x16xf32>,
    %swap3A_107 = arith.constant 2 : i32
    %swap3A_108 = arith.index_cast %swap3A_107 : i32 to index
    %swap3A_109 = arith.constant 16 : index
    %swap3A_110 = tpu.vector_load %arg12[%swap3A_108, %swap3A_109] {strides = array<i32>} : memref<8x128xf32, #tpu.memory_space<vmem>>, vector<1x16xf32>,
    %swap3A_111 = vector.shape_cast %swap3A_110 : vector<1x16xf32> to vector<16xf32>
    %swap3A_112 = vector.shape_cast %broadcast_in_dim3A_5 : vector<16xf32> to vector<1x16xf32>
    tpu.vector_store %arg12[%swap3A_108, %swap3A_109], %swap3A_112 {strides = array<i32>} : memref<8x128xf32, #tpu.memory_space<vmem>>, vector<1x16xf32>,
    %swap3A_113 = arith.constant 2 : i32
    %swap3A_114 = arith.index_cast %swap3A_113 : i32 to index
    %swap3A_115 = arith.constant 32 : index
    %swap3A_116 = tpu.vector_load %arg12[%swap3A_114, %swap3A_115] {strides = array<i32>} : memref<8x128xf32, #tpu.memory_space<vmem>>, vector<1x16xf32>,
    %swap3A_117 = vector.shape_cast %swap3A_116 : vector<1x16xf32> to vector<16xf32>
    %swap3A_118 = vector.shape_cast %broadcast_in_dim3A_5 : vector<16xf32> to vector<1x16xf32>
    tpu.vector_store %arg12[%swap3A_114, %swap3A_115], %swap3A_118 {strides = array<i32>} : memref<8x128xf32, #tpu.memory_space<vmem>>, vector<1x16xf32>,
    %swap3A_119 = arith.constant 2 : i32
    %swap3A_120 = arith.index_cast %swap3A_119 : i32 to index
    %swap3A_121 = arith.constant 48 : index
    %swap3A_122 = tpu.vector_load %arg12[%swap3A_120, %swap3A_121] {strides = array<i32>} : memref<8x128xf32, #tpu.memory_space<vmem>>, vector<1x16xf32>,
    %swap3A_123 = vector.shape_cast %swap3A_122 : vector<1x16xf32> to vector<16xf32>
    %swap3A_124 = vector.shape_cast %broadcast_in_dim3A_5 : vector<16xf32> to vector<1x16xf32>
    tpu.vector_store %arg12[%swap3A_120, %swap3A_121], %swap3A_124 {strides = array<i32>} : memref<8x128xf32, #tpu.memory_space<vmem>>, vector<1x16xf32>,
    %swap3A_125 = arith.constant 2 : i32
    %swap3A_126 = arith.index_cast %swap3A_125 : i32 to index
    %swap3A_127 = arith.constant 64 : index
    %swap3A_128 = tpu.vector_load %arg12[%swap3A_126, %swap3A_127] {strides = array<i32>} : memref<8x128xf32, #tpu.memory_space<vmem>>, vector<1x16xf32>,
    %swap3A_129 = vector.shape_cast %swap3A_128 : vector<1x16xf32> to vector<16xf32>
    %swap3A_130 = vector.shape_cast %broadcast_in_dim3A_5 : vector<16xf32> to vector<1x16xf32>
    tpu.vector_store %arg12[%swap3A_126, %swap3A_127], %swap3A_130 {strides = array<i32>} : memref<8x128xf32, #tpu.memory_space<vmem>>, vector<1x16xf32>,
    %swap3A_131 = arith.constant 2 : i32
    %swap3A_132 = arith.index_cast %swap3A_131 : i32 to index
    %swap3A_133 = arith.constant 80 : index
    %swap3A_134 = tpu.vector_load %arg12[%swap3A_132, %swap3A_133] {strides = array<i32>} : memref<8x128xf32, #tpu.memory_space<vmem>>, vector<1x16xf32>,
    %swap3A_135 = vector.shape_cast %swap3A_134 : vector<1x16xf32> to vector<16xf32>
    %swap3A_136 = vector.shape_cast %broadcast_in_dim3A_5 : vector<16xf32> to vector<1x16xf32>
    tpu.vector_store %arg12[%swap3A_132, %swap3A_133], %swap3A_136 {strides = array<i32>} : memref<8x128xf32, #tpu.memory_space<vmem>>, vector<1x16xf32>,
    %swap3A_137 = arith.constant 2 : i32
    %swap3A_138 = arith.index_cast %swap3A_137 : i32 to index
    %swap3A_139 = arith.constant 96 : index
    %swap3A_140 = tpu.vector_load %arg12[%swap3A_138, %swap3A_139] {strides = array<i32>} : memref<8x128xf32, #tpu.memory_space<vmem>>, vector<1x16xf32>,
    %swap3A_141 = vector.shape_cast %swap3A_140 : vector<1x16xf32> to vector<16xf32>
    %swap3A_142 = vector.shape_cast %broadcast_in_dim3A_5 : vector<16xf32> to vector<1x16xf32>
    tpu.vector_store %arg12[%swap3A_138, %swap3A_139], %swap3A_142 {strides = array<i32>} : memref<8x128xf32, #tpu.memory_space<vmem>>, vector<1x16xf32>,
    %swap3A_143 = arith.constant 2 : i32
    %swap3A_144 = arith.index_cast %swap3A_143 : i32 to index
    %swap3A_145 = arith.constant 112 : index
    %swap3A_146 = tpu.vector_load %arg12[%swap3A_144, %swap3A_145] {strides = array<i32>} : memref<8x128xf32, #tpu.memory_space<vmem>>, vector<1x16xf32>,
    %swap3A_147 = vector.shape_cast %swap3A_146 : vector<1x16xf32> to vector<16xf32>
    %swap3A_148 = vector.shape_cast %broadcast_in_dim3A_5 : vector<16xf32> to vector<1x16xf32>
    tpu.vector_store %arg12[%swap3A_144, %swap3A_145], %swap3A_148 {strides = array<i32>} : memref<8x128xf32, #tpu.memory_space<vmem>>, vector<1x16xf32>,
    %swap3A_149 = arith.constant 3 : i32
    %swap3A_150 = arith.index_cast %swap3A_149 : i32 to index
    %swap3A_151 = arith.constant 0 : index
    %swap3A_152 = tpu.vector_load %arg12[%swap3A_150, %swap3A_151] {strides = array<i32>} : memref<8x128xf32, #tpu.memory_space<vmem>>, vector<1x16xf32>,
    %swap3A_153 = vector.shape_cast %swap3A_152 : vector<1x16xf32> to vector<16xf32>
    %swap3A_154 = vector.shape_cast %broadcast_in_dim3A_5 : vector<16xf32> to vector<1x16xf32>
    tpu.vector_store %arg12[%swap3A_150, %swap3A_151], %swap3A_154 {strides = array<i32>} : memref<8x128xf32, #tpu.memory_space<vmem>>, vector<1x16xf32>,
    %swap3A_155 = arith.constant 3 : i32
    %swap3A_156 = arith.index_cast %swap3A_155 : i32 to index
    %swap3A_157 = arith.constant 16 : index
    %swap3A_158 = tpu.vector_load %arg12[%swap3A_156, %swap3A_157] {strides = array<i32>} : memref<8x128xf32, #tpu.memory_space<vmem>>, vector<1x16xf32>,
    %swap3A_159 = vector.shape_cast %swap3A_158 : vector<1x16xf32> to vector<16xf32>
    %swap3A_160 = vector.shape_cast %broadcast_in_dim3A_5 : vector<16xf32> to vector<1x16xf32>
    tpu.vector_store %arg12[%swap3A_156, %swap3A_157], %swap3A_160 {strides = array<i32>} : memref<8x128xf32, #tpu.memory_space<vmem>>, vector<1x16xf32>,
    %swap3A_161 = arith.constant 3 : i32
    %swap3A_162 = arith.index_cast %swap3A_161 : i32 to index
    %swap3A_163 = arith.constant 32 : index
    %swap3A_164 = tpu.vector_load %arg12[%swap3A_162, %swap3A_163] {strides = array<i32>} : memref<8x128xf32, #tpu.memory_space<vmem>>, vector<1x16xf32>,
    %swap3A_165 = vector.shape_cast %swap3A_164 : vector<1x16xf32> to vector<16xf32>
    %swap3A_166 = vector.shape_cast %broadcast_in_dim3A_5 : vector<16xf32> to vector<1x16xf32>
    tpu.vector_store %arg12[%swap3A_162, %swap3A_163], %swap3A_166 {strides = array<i32>} : memref<8x128xf32, #tpu.memory_space<vmem>>, vector<1x16xf32>,
    %swap3A_167 = arith.constant 3 : i32
    %swap3A_168 = arith.index_cast %swap3A_167 : i32 to index
    %swap3A_169 = arith.constant 48 : index
    %swap3A_170 = tpu.vector_load %arg12[%swap3A_168, %swap3A_169] {strides = array<i32>} : memref<8x128xf32, #tpu.memory_space<vmem>>, vector<1x16xf32>,
    %swap3A_171 = vector.shape_cast %swap3A_170 : vector<1x16xf32> to vector<16xf32>
    %swap3A_172 = vector.shape_cast %broadcast_in_dim3A_5 : vector<16xf32> to vector<1x16xf32>
    tpu.vector_store %arg12[%swap3A_168, %swap3A_169], %swap3A_172 {strides = array<i32>} : memref<8x128xf32, #tpu.memory_space<vmem>>, vector<1x16xf32>,
    %swap3A_173 = arith.constant 3 : i32
    %swap3A_174 = arith.index_cast %swap3A_173 : i32 to index
    %swap3A_175 = arith.constant 64 : index
    %swap3A_176 = tpu.vector_load %arg12[%swap3A_174, %swap3A_175] {strides = array<i32>} : memref<8x128xf32, #tpu.memory_space<vmem>>, vector<1x16xf32>,
    %swap3A_177 = vector.shape_cast %swap3A_176 : vector<1x16xf32> to vector<16xf32>
    %swap3A_178 = vector.shape_cast %broadcast_in_dim3A_5 : vector<16xf32> to vector<1x16xf32>
    tpu.vector_store %arg12[%swap3A_174, %swap3A_175], %swap3A_178 {strides = array<i32>} : memref<8x128xf32, #tpu.memory_space<vmem>>, vector<1x16xf32>,
    %swap3A_179 = arith.constant 3 : i32
    %swap3A_180 = arith.index_cast %swap3A_179 : i32 to index
    %swap3A_181 = arith.constant 80 : index
    %swap3A_182 = tpu.vector_load %arg12[%swap3A_180, %swap3A_181] {strides = array<i32>} : memref<8x128xf32, #tpu.memory_space<vmem>>, vector<1x16xf32>,
    %swap3A_183 = vector.shape_cast %swap3A_182 : vector<1x16xf32> to vector<16xf32>
    %swap3A_184 = vector.shape_cast %broadcast_in_dim3A_5 : vector<16xf32> to vector<1x16xf32>
    tpu.vector_store %arg12[%swap3A_180, %swap3A_181], %swap3A_184 {strides = array<i32>} : memref<8x128xf32, #tpu.memory_space<vmem>>, vector<1x16xf32>,
    %swap3A_185 = arith.constant 3 : i32
    %swap3A_186 = arith.index_cast %swap3A_185 : i32 to index
    %swap3A_187 = arith.constant 96 : index
    %swap3A_188 = tpu.vector_load %arg12[%swap3A_186, %swap3A_187] {strides = array<i32>} : memref<8x128xf32, #tpu.memory_space<vmem>>, vector<1x16xf32>,
    %swap3A_189 = vector.shape_cast %swap3A_188 : vector<1x16xf32> to vector<16xf32>
    %swap3A_190 = vector.shape_cast %broadcast_in_dim3A_5 : vector<16xf32> to vector<1x16xf32>
    tpu.vector_store %arg12[%swap3A_186, %swap3A_187], %swap3A_190 {strides = array<i32>} : memref<8x128xf32, #tpu.memory_space<vmem>>, vector<1x16xf32>,
    %swap3A_191 = arith.constant 3 : i32
    %swap3A_192 = arith.index_cast %swap3A_191 : i32 to index
    %swap3A_193 = arith.constant 112 : index
    %swap3A_194 = tpu.vector_load %arg12[%swap3A_192, %swap3A_193] {strides = array<i32>} : memref<8x128xf32, #tpu.memory_space<vmem>>, vector<1x16xf32>,
    %swap3A_195 = vector.shape_cast %swap3A_194 : vector<1x16xf32> to vector<16xf32>
    %swap3A_196 = vector.shape_cast %broadcast_in_dim3A_5 : vector<16xf32> to vector<1x16xf32>
    tpu.vector_store %arg12[%swap3A_192, %swap3A_193], %swap3A_196 {strides = array<i32>} : memref<8x128xf32, #tpu.memory_space<vmem>>, vector<1x16xf32>,
    %swap3A_197 = arith.constant 4 : i32
    %swap3A_198 = arith.index_cast %swap3A_197 : i32 to index
    %swap3A_199 = arith.constant 0 : index
    %swap3A_200 = tpu.vector_load %arg12[%swap3A_198, %swap3A_199] {strides = array<i32>} : memref<8x128xf32, #tpu.memory_space<vmem>>, vector<1x16xf32>,
    %swap3A_201 = vector.shape_cast %swap3A_200 : vector<1x16xf32> to vector<16xf32>
    %swap3A_202 = vector.shape_cast %broadcast_in_dim3A_5 : vector<16xf32> to vector<1x16xf32>
    tpu.vector_store %arg12[%swap3A_198, %swap3A_199], %swap3A_202 {strides = array<i32>} : memref<8x128xf32, #tpu.memory_space<vmem>>, vector<1x16xf32>,
    %swap3A_203 = arith.constant 4 : i32
    %swap3A_204 = arith.index_cast %swap3A_203 : i32 to index
    %swap3A_205 = arith.constant 16 : index
    %swap3A_206 = tpu.vector_load %arg12[%swap3A_204, %swap3A_205] {strides = array<i32>} : memref<8x128xf32, #tpu.memory_space<vmem>>, vector<1x16xf32>,
    %swap3A_207 = vector.shape_cast %swap3A_206 : vector<1x16xf32> to vector<16xf32>
    %swap3A_208 = vector.shape_cast %broadcast_in_dim3A_5 : vector<16xf32> to vector<1x16xf32>
    tpu.vector_store %arg12[%swap3A_204, %swap3A_205], %swap3A_208 {strides = array<i32>} : memref<8x128xf32, #tpu.memory_space<vmem>>, vector<1x16xf32>,
    %swap3A_209 = arith.constant 4 : i32
    %swap3A_210 = arith.index_cast %swap3A_209 : i32 to index
    %swap3A_211 = arith.constant 32 : index
    %swap3A_212 = tpu.vector_load %arg12[%swap3A_210, %swap3A_211] {strides = array<i32>} : memref<8x128xf32, #tpu.memory_space<vmem>>, vector<1x16xf32>,
    %swap3A_213 = vector.shape_cast %swap3A_212 : vector<1x16xf32> to vector<16xf32>
    %swap3A_214 = vector.shape_cast %broadcast_in_dim3A_5 : vector<16xf32> to vector<1x16xf32>
    tpu.vector_store %arg12[%swap3A_210, %swap3A_211], %swap3A_214 {strides = array<i32>} : memref<8x128xf32, #tpu.memory_space<vmem>>, vector<1x16xf32>,
    %swap3A_215 = arith.constant 4 : i32
    %swap3A_216 = arith.index_cast %swap3A_215 : i32 to index
    %swap3A_217 = arith.constant 48 : index
    %swap3A_218 = tpu.vector_load %arg12[%swap3A_216, %swap3A_217] {strides = array<i32>} : memref<8x128xf32, #tpu.memory_space<vmem>>, vector<1x16xf32>,
    %swap3A_219 = vector.shape_cast %swap3A_218 : vector<1x16xf32> to vector<16xf32>
    %swap3A_220 = vector.shape_cast %broadcast_in_dim3A_5 : vector<16xf32> to vector<1x16xf32>
    tpu.vector_store %arg12[%swap3A_216, %swap3A_217], %swap3A_220 {strides = array<i32>} : memref<8x128xf32, #tpu.memory_space<vmem>>, vector<1x16xf32>,
    %swap3A_221 = arith.constant 4 : i32
    %swap3A_222 = arith.index_cast %swap3A_221 : i32 to index
    %swap3A_223 = arith.constant 64 : index
    %swap3A_224 = tpu.vector_load %arg12[%swap3A_222, %swap3A_223] {strides = array<i32>} : memref<8x128xf32, #tpu.memory_space<vmem>>, vector<1x16xf32>,
    %swap3A_225 = vector.shape_cast %swap3A_224 : vector<1x16xf32> to vector<16xf32>
    %swap3A_226 = vector.shape_cast %broadcast_in_dim3A_5 : vector<16xf32> to vector<1x16xf32>
    tpu.vector_store %arg12[%swap3A_222, %swap3A_223], %swap3A_226 {strides = array<i32>} : memref<8x128xf32, #tpu.memory_space<vmem>>, vector<1x16xf32>,
    %swap3A_227 = arith.constant 4 : i32
    %swap3A_228 = arith.index_cast %swap3A_227 : i32 to index
    %swap3A_229 = arith.constant 80 : index
    %swap3A_230 = tpu.vector_load %arg12[%swap3A_228, %swap3A_229] {strides = array<i32>} : memref<8x128xf32, #tpu.memory_space<vmem>>, vector<1x16xf32>,
    %swap3A_231 = vector.shape_cast %swap3A_230 : vector<1x16xf32> to vector<16xf32>
    %swap3A_232 = vector.shape_cast %broadcast_in_dim3A_5 : vector<16xf32> to vector<1x16xf32>
    tpu.vector_store %arg12[%swap3A_228, %swap3A_229], %swap3A_232 {strides = array<i32>} : memref<8x128xf32, #tpu.memory_space<vmem>>, vector<1x16xf32>,
    %swap3A_233 = arith.constant 4 : i32
    %swap3A_234 = arith.index_cast %swap3A_233 : i32 to index
    %swap3A_235 = arith.constant 96 : index
    %swap3A_236 = tpu.vector_load %arg12[%swap3A_234, %swap3A_235] {strides = array<i32>} : memref<8x128xf32, #tpu.memory_space<vmem>>, vector<1x16xf32>,
    %swap3A_237 = vector.shape_cast %swap3A_236 : vector<1x16xf32> to vector<16xf32>
    %swap3A_238 = vector.shape_cast %broadcast_in_dim3A_5 : vector<16xf32> to vector<1x16xf32>
    tpu.vector_store %arg12[%swap3A_234, %swap3A_235], %swap3A_238 {strides = array<i32>} : memref<8x128xf32, #tpu.memory_space<vmem>>, vector<1x16xf32>,
    %swap3A_239 = arith.constant 4 : i32
    %swap3A_240 = arith.index_cast %swap3A_239 : i32 to index
    %swap3A_241 = arith.constant 112 : index
    %swap3A_242 = tpu.vector_load %arg12[%swap3A_240, %swap3A_241] {strides = array<i32>} : memref<8x128xf32, #tpu.memory_space<vmem>>, vector<1x16xf32>,
    %swap3A_243 = vector.shape_cast %swap3A_242 : vector<1x16xf32> to vector<16xf32>
    %swap3A_244 = vector.shape_cast %broadcast_in_dim3A_5 : vector<16xf32> to vector<1x16xf32>
    tpu.vector_store %arg12[%swap3A_240, %swap3A_241], %swap3A_244 {strides = array<i32>} : memref<8x128xf32, #tpu.memory_space<vmem>>, vector<1x16xf32>,
    %swap3A_245 = arith.constant 5 : i32
    %swap3A_246 = arith.index_cast %swap3A_245 : i32 to index
    %swap3A_247 = arith.constant 0 : index
    %swap3A_248 = tpu.vector_load %arg12[%swap3A_246, %swap3A_247] {strides = array<i32>} : memref<8x128xf32, #tpu.memory_space<vmem>>, vector<1x16xf32>,
    %swap3A_249 = vector.shape_cast %swap3A_248 : vector<1x16xf32> to vector<16xf32>
    %swap3A_250 = vector.shape_cast %broadcast_in_dim3A_5 : vector<16xf32> to vector<1x16xf32>
    tpu.vector_store %arg12[%swap3A_246, %swap3A_247], %swap3A_250 {strides = array<i32>} : memref<8x128xf32, #tpu.memory_space<vmem>>, vector<1x16xf32>,
    %swap3A_251 = arith.constant 5 : i32
    %swap3A_252 = arith.index_cast %swap3A_251 : i32 to index
    %swap3A_253 = arith.constant 16 : index
    %swap3A_254 = tpu.vector_load %arg12[%swap3A_252, %swap3A_253] {strides = array<i32>} : memref<8x128xf32, #tpu.memory_space<vmem>>, vector<1x16xf32>,
    %swap3A_255 = vector.shape_cast %swap3A_254 : vector<1x16xf32> to vector<16xf32>
    %swap3A_256 = vector.shape_cast %broadcast_in_dim3A_5 : vector<16xf32> to vector<1x16xf32>
    tpu.vector_store %arg12[%swap3A_252, %swap3A_253], %swap3A_256 {strides = array<i32>} : memref<8x128xf32, #tpu.memory_space<vmem>>, vector<1x16xf32>,
    %swap3A_257 = arith.constant 5 : i32
    %swap3A_258 = arith.index_cast %swap3A_257 : i32 to index
    %swap3A_259 = arith.constant 32 : index
    %swap3A_260 = tpu.vector_load %arg12[%swap3A_258, %swap3A_259] {strides = array<i32>} : memref<8x128xf32, #tpu.memory_space<vmem>>, vector<1x16xf32>,
    %swap3A_261 = vector.shape_cast %swap3A_260 : vector<1x16xf32> to vector<16xf32>
    %swap3A_262 = vector.shape_cast %broadcast_in_dim3A_5 : vector<16xf32> to vector<1x16xf32>
    tpu.vector_store %arg12[%swap3A_258, %swap3A_259], %swap3A_262 {strides = array<i32>} : memref<8x128xf32, #tpu.memory_space<vmem>>, vector<1x16xf32>,
    %swap3A_263 = arith.constant 5 : i32
    %swap3A_264 = arith.index_cast %swap3A_263 : i32 to index
    %swap3A_265 = arith.constant 48 : index
    %swap3A_266 = tpu.vector_load %arg12[%swap3A_264, %swap3A_265] {strides = array<i32>} : memref<8x128xf32, #tpu.memory_space<vmem>>, vector<1x16xf32>,
    %swap3A_267 = vector.shape_cast %swap3A_266 : vector<1x16xf32> to vector<16xf32>
    %swap3A_268 = vector.shape_cast %broadcast_in_dim3A_5 : vector<16xf32> to vector<1x16xf32>
    tpu.vector_store %arg12[%swap3A_264, %swap3A_265], %swap3A_268 {strides = array<i32>} : memref<8x128xf32, #tpu.memory_space<vmem>>, vector<1x16xf32>,
    %swap3A_269 = arith.constant 5 : i32
    %swap3A_270 = arith.index_cast %swap3A_269 : i32 to index
    %swap3A_271 = arith.constant 64 : index
    %swap3A_272 = tpu.vector_load %arg12[%swap3A_270, %swap3A_271] {strides = array<i32>} : memref<8x128xf32, #tpu.memory_space<vmem>>, vector<1x16xf32>,
    %swap3A_273 = vector.shape_cast %swap3A_272 : vector<1x16xf32> to vector<16xf32>
    %swap3A_274 = vector.shape_cast %broadcast_in_dim3A_5 : vector<16xf32> to vector<1x16xf32>
    tpu.vector_store %arg12[%swap3A_270, %swap3A_271], %swap3A_274 {strides = array<i32>} : memref<8x128xf32, #tpu.memory_space<vmem>>, vector<1x16xf32>,
    %swap3A_275 = arith.constant 5 : i32
    %swap3A_276 = arith.index_cast %swap3A_275 : i32 to index
    %swap3A_277 = arith.constant 80 : index
    %swap3A_278 = tpu.vector_load %arg12[%swap3A_276, %swap3A_277] {strides = array<i32>} : memref<8x128xf32, #tpu.memory_space<vmem>>, vector<1x16xf32>,
    %swap3A_279 = vector.shape_cast %swap3A_278 : vector<1x16xf32> to vector<16xf32>
    %swap3A_280 = vector.shape_cast %broadcast_in_dim3A_5 : vector<16xf32> to vector<1x16xf32>
    tpu.vector_store %arg12[%swap3A_276, %swap3A_277], %swap3A_280 {strides = array<i32>} : memref<8x128xf32, #tpu.memory_space<vmem>>, vector<1x16xf32>,
    %swap3A_281 = arith.constant 5 : i32
    %swap3A_282 = arith.index_cast %swap3A_281 : i32 to index
    %swap3A_283 = arith.constant 96 : index
    %swap3A_284 = tpu.vector_load %arg12[%swap3A_282, %swap3A_283] {strides = array<i32>} : memref<8x128xf32, #tpu.memory_space<vmem>>, vector<1x16xf32>,
    %swap3A_285 = vector.shape_cast %swap3A_284 : vector<1x16xf32> to vector<16xf32>
    %swap3A_286 = vector.shape_cast %broadcast_in_dim3A_5 : vector<16xf32> to vector<1x16xf32>
    tpu.vector_store %arg12[%swap3A_282, %swap3A_283], %swap3A_286 {strides = array<i32>} : memref<8x128xf32, #tpu.memory_space<vmem>>, vector<1x16xf32>,
    %swap3A_287 = arith.constant 5 : i32
    %swap3A_288 = arith.index_cast %swap3A_287 : i32 to index
    %swap3A_289 = arith.constant 112 : index
    %swap3A_290 = tpu.vector_load %arg12[%swap3A_288, %swap3A_289] {strides = array<i32>} : memref<8x128xf32, #tpu.memory_space<vmem>>, vector<1x16xf32>,
    %swap3A_291 = vector.shape_cast %swap3A_290 : vector<1x16xf32> to vector<16xf32>
    %swap3A_292 = vector.shape_cast %broadcast_in_dim3A_5 : vector<16xf32> to vector<1x16xf32>
    tpu.vector_store %arg12[%swap3A_288, %swap3A_289], %swap3A_292 {strides = array<i32>} : memref<8x128xf32, #tpu.memory_space<vmem>>, vector<1x16xf32>,
    %swap3A_293 = arith.constant 6 : i32
    %swap3A_294 = arith.index_cast %swap3A_293 : i32 to index
    %swap3A_295 = arith.constant 0 : index
    %swap3A_296 = tpu.vector_load %arg12[%swap3A_294, %swap3A_295] {strides = array<i32>} : memref<8x128xf32, #tpu.memory_space<vmem>>, vector<1x16xf32>,
    %swap3A_297 = vector.shape_cast %swap3A_296 : vector<1x16xf32> to vector<16xf32>
    %swap3A_298 = vector.shape_cast %broadcast_in_dim3A_5 : vector<16xf32> to vector<1x16xf32>
    tpu.vector_store %arg12[%swap3A_294, %swap3A_295], %swap3A_298 {strides = array<i32>} : memref<8x128xf32, #tpu.memory_space<vmem>>, vector<1x16xf32>,
    %swap3A_299 = arith.constant 6 : i32
    %swap3A_300 = arith.index_cast %swap3A_299 : i32 to index
    %swap3A_301 = arith.constant 16 : index
    %swap3A_302 = tpu.vector_load %arg12[%swap3A_300, %swap3A_301] {strides = array<i32>} : memref<8x128xf32, #tpu.memory_space<vmem>>, vector<1x16xf32>,
    %swap3A_303 = vector.shape_cast %swap3A_302 : vector<1x16xf32> to vector<16xf32>
    %swap3A_304 = vector.shape_cast %broadcast_in_dim3A_5 : vector<16xf32> to vector<1x16xf32>
    tpu.vector_store %arg12[%swap3A_300, %swap3A_301], %swap3A_304 {strides = array<i32>} : memref<8x128xf32, #tpu.memory_space<vmem>>, vector<1x16xf32>,
    %swap3A_305 = arith.constant 6 : i32
    %swap3A_306 = arith.index_cast %swap3A_305 : i32 to index
    %swap3A_307 = arith.constant 32 : index
    %swap3A_308 = tpu.vector_load %arg12[%swap3A_306, %swap3A_307] {strides = array<i32>} : memref<8x128xf32, #tpu.memory_space<vmem>>, vector<1x16xf32>,
    %swap3A_309 = vector.shape_cast %swap3A_308 : vector<1x16xf32> to vector<16xf32>
    %swap3A_310 = vector.shape_cast %broadcast_in_dim3A_5 : vector<16xf32> to vector<1x16xf32>
    tpu.vector_store %arg12[%swap3A_306, %swap3A_307], %swap3A_310 {strides = array<i32>} : memref<8x128xf32, #tpu.memory_space<vmem>>, vector<1x16xf32>,
    %swap3A_311 = arith.constant 6 : i32
    %swap3A_312 = arith.index_cast %swap3A_311 : i32 to index
    %swap3A_313 = arith.constant 48 : index
    %swap3A_314 = tpu.vector_load %arg12[%swap3A_312, %swap3A_313] {strides = array<i32>} : memref<8x128xf32, #tpu.memory_space<vmem>>, vector<1x16xf32>,
    %swap3A_315 = vector.shape_cast %swap3A_314 : vector<1x16xf32> to vector<16xf32>
    %swap3A_316 = vector.shape_cast %broadcast_in_dim3A_5 : vector<16xf32> to vector<1x16xf32>
    tpu.vector_store %arg12[%swap3A_312, %swap3A_313], %swap3A_316 {strides = array<i32>} : memref<8x128xf32, #tpu.memory_space<vmem>>, vector<1x16xf32>,
    %swap3A_317 = arith.constant 6 : i32
    %swap3A_318 = arith.index_cast %swap3A_317 : i32 to index
    %swap3A_319 = arith.constant 64 : index
    %swap3A_320 = tpu.vector_load %arg12[%swap3A_318, %swap3A_319] {strides = array<i32>} : memref<8x128xf32, #tpu.memory_space<vmem>>, vector<1x16xf32>,
    %swap3A_321 = vector.shape_cast %swap3A_320 : vector<1x16xf32> to vector<16xf32>
    %swap3A_322 = vector.shape_cast %broadcast_in_dim3A_5 : vector<16xf32> to vector<1x16xf32>
    tpu.vector_store %arg12[%swap3A_318, %swap3A_319], %swap3A_322 {strides = array<i32>} : memref<8x128xf32, #tpu.memory_space<vmem>>, vector<1x16xf32>,
    %swap3A_323 = arith.constant 6 : i32
    %swap3A_324 = arith.index_cast %swap3A_323 : i32 to index
    %swap3A_325 = arith.constant 80 : index
    %swap3A_326 = tpu.vector_load %arg12[%swap3A_324, %swap3A_325] {strides = array<i32>} : memref<8x128xf32, #tpu.memory_space<vmem>>, vector<1x16xf32>,
    %swap3A_327 = vector.shape_cast %swap3A_326 : vector<1x16xf32> to vector<16xf32>
    %swap3A_328 = vector.shape_cast %broadcast_in_dim3A_5 : vector<16xf32> to vector<1x16xf32>
    tpu.vector_store %arg12[%swap3A_324, %swap3A_325], %swap3A_328 {strides = array<i32>} : memref<8x128xf32, #tpu.memory_space<vmem>>, vector<1x16xf32>,
    %swap3A_329 = arith.constant 6 : i32
    %swap3A_330 = arith.index_cast %swap3A_329 : i32 to index
    %swap3A_331 = arith.constant 96 : index
    %swap3A_332 = tpu.vector_load %arg12[%swap3A_330, %swap3A_331] {strides = array<i32>} : memref<8x128xf32, #tpu.memory_space<vmem>>, vector<1x16xf32>,
    %swap3A_333 = vector.shape_cast %swap3A_332 : vector<1x16xf32> to vector<16xf32>
    %swap3A_334 = vector.shape_cast %broadcast_in_dim3A_5 : vector<16xf32> to vector<1x16xf32>
    tpu.vector_store %arg12[%swap3A_330, %swap3A_331], %swap3A_334 {strides = array<i32>} : memref<8x128xf32, #tpu.memory_space<vmem>>, vector<1x16xf32>,
    %swap3A_335 = arith.constant 6 : i32
    %swap3A_336 = arith.index_cast %swap3A_335 : i32 to index
    %swap3A_337 = arith.constant 112 : index
    %swap3A_338 = tpu.vector_load %arg12[%swap3A_336, %swap3A_337] {strides = array<i32>} : memref<8x128xf32, #tpu.memory_space<vmem>>, vector<1x16xf32>,
    %swap3A_339 = vector.shape_cast %swap3A_338 : vector<1x16xf32> to vector<16xf32>
    %swap3A_340 = vector.shape_cast %broadcast_in_dim3A_5 : vector<16xf32> to vector<1x16xf32>
    tpu.vector_store %arg12[%swap3A_336, %swap3A_337], %swap3A_340 {strides = array<i32>} : memref<8x128xf32, #tpu.memory_space<vmem>>, vector<1x16xf32>,
    %swap3A_341 = arith.constant 7 : i32
    %swap3A_342 = arith.index_cast %swap3A_341 : i32 to index
    %swap3A_343 = arith.constant 0 : index
    %swap3A_344 = tpu.vector_load %arg12[%swap3A_342, %swap3A_343] {strides = array<i32>} : memref<8x128xf32, #tpu.memory_space<vmem>>, vector<1x16xf32>,
    %swap3A_345 = vector.shape_cast %swap3A_344 : vector<1x16xf32> to vector<16xf32>
    %swap3A_346 = vector.shape_cast %broadcast_in_dim3A_5 : vector<16xf32> to vector<1x16xf32>
    tpu.vector_store %arg12[%swap3A_342, %swap3A_343], %swap3A_346 {strides = array<i32>} : memref<8x128xf32, #tpu.memory_space<vmem>>, vector<1x16xf32>,
    %swap3A_347 = arith.constant 7 : i32
    %swap3A_348 = arith.index_cast %swap3A_347 : i32 to index
    %swap3A_349 = arith.constant 16 : index
    %swap3A_350 = tpu.vector_load %arg12[%swap3A_348, %swap3A_349] {strides = array<i32>} : memref<8x128xf32, #tpu.memory_space<vmem>>, vector<1x16xf32>,
    %swap3A_351 = vector.shape_cast %swap3A_350 : vector<1x16xf32> to vector<16xf32>
    %swap3A_352 = vector.shape_cast %broadcast_in_dim3A_5 : vector<16xf32> to vector<1x16xf32>
    tpu.vector_store %arg12[%swap3A_348, %swap3A_349], %swap3A_352 {strides = array<i32>} : memref<8x128xf32, #tpu.memory_space<vmem>>, vector<1x16xf32>,
    %swap3A_353 = arith.constant 7 : i32
    %swap3A_354 = arith.index_cast %swap3A_353 : i32 to index
    %swap3A_355 = arith.constant 32 : index
    %swap3A_356 = tpu.vector_load %arg12[%swap3A_354, %swap3A_355] {strides = array<i32>} : memref<8x128xf32, #tpu.memory_space<vmem>>, vector<1x16xf32>,
    %swap3A_357 = vector.shape_cast %swap3A_356 : vector<1x16xf32> to vector<16xf32>
    %swap3A_358 = vector.shape_cast %broadcast_in_dim3A_5 : vector<16xf32> to vector<1x16xf32>
    tpu.vector_store %arg12[%swap3A_354, %swap3A_355], %swap3A_358 {strides = array<i32>} : memref<8x128xf32, #tpu.memory_space<vmem>>, vector<1x16xf32>,
    %swap3A_359 = arith.constant 7 : i32
    %swap3A_360 = arith.index_cast %swap3A_359 : i32 to index
    %swap3A_361 = arith.constant 48 : index
    %swap3A_362 = tpu.vector_load %arg12[%swap3A_360, %swap3A_361] {strides = array<i32>} : memref<8x128xf32, #tpu.memory_space<vmem>>, vector<1x16xf32>,
    %swap3A_363 = vector.shape_cast %swap3A_362 : vector<1x16xf32> to vector<16xf32>
    %swap3A_364 = vector.shape_cast %broadcast_in_dim3A_5 : vector<16xf32> to vector<1x16xf32>
    tpu.vector_store %arg12[%swap3A_360, %swap3A_361], %swap3A_364 {strides = array<i32>} : memref<8x128xf32, #tpu.memory_space<vmem>>, vector<1x16xf32>,
    %swap3A_365 = arith.constant 7 : i32
    %swap3A_366 = arith.index_cast %swap3A_365 : i32 to index
    %swap3A_367 = arith.constant 64 : index
    %swap3A_368 = tpu.vector_load %arg12[%swap3A_366, %swap3A_367] {strides = array<i32>} : memref<8x128xf32, #tpu.memory_space<vmem>>, vector<1x16xf32>,
    %swap3A_369 = vector.shape_cast %swap3A_368 : vector<1x16xf32> to vector<16xf32>
    %swap3A_370 = vector.shape_cast %broadcast_in_dim3A_5 : vector<16xf32> to vector<1x16xf32>
    tpu.vector_store %arg12[%swap3A_366, %swap3A_367], %swap3A_370 {strides = array<i32>} : memref<8x128xf32, #tpu.memory_space<vmem>>, vector<1x16xf32>,
    %swap3A_371 = arith.constant 7 : i32
    %swap3A_372 = arith.index_cast %swap3A_371 : i32 to index
    %swap3A_373 = arith.constant 80 : index
    %swap3A_374 = tpu.vector_load %arg12[%swap3A_372, %swap3A_373] {strides = array<i32>} : memref<8x128xf32, #tpu.memory_space<vmem>>, vector<1x16xf32>,
    %swap3A_375 = vector.shape_cast %swap3A_374 : vector<1x16xf32> to vector<16xf32>
    %swap3A_376 = vector.shape_cast %broadcast_in_dim3A_5 : vector<16xf32> to vector<1x16xf32>
    tpu.vector_store %arg12[%swap3A_372, %swap3A_373], %swap3A_376 {strides = array<i32>} : memref<8x128xf32, #tpu.memory_space<vmem>>, vector<1x16xf32>,
    %swap3A_377 = arith.constant 7 : i32
    %swap3A_378 = arith.index_cast %swap3A_377 : i32 to index
    %swap3A_379 = arith.constant 96 : index
    %swap3A_380 = tpu.vector_load %arg12[%swap3A_378, %swap3A_379] {strides = array<i32>} : memref<8x128xf32, #tpu.memory_space<vmem>>, vector<1x16xf32>,
    %swap3A_381 = vector.shape_cast %swap3A_380 : vector<1x16xf32> to vector<16xf32>
    %swap3A_382 = vector.shape_cast %broadcast_in_dim3A_5 : vector<16xf32> to vector<1x16xf32>
    tpu.vector_store %arg12[%swap3A_378, %swap3A_379], %swap3A_382 {strides = array<i32>} : memref<8x128xf32, #tpu.memory_space<vmem>>, vector<1x16xf32>,
    %swap3A_383 = arith.constant 7 : i32
    %swap3A_384 = arith.index_cast %swap3A_383 : i32 to index
    %swap3A_385 = arith.constant 112 : index
    %swap3A_386 = tpu.vector_load %arg12[%swap3A_384, %swap3A_385] {strides = array<i32>} : memref<8x128xf32, #tpu.memory_space<vmem>>, vector<1x16xf32>,
    %swap3A_387 = vector.shape_cast %swap3A_386 : vector<1x16xf32> to vector<16xf32>
    %swap3A_388 = vector.shape_cast %broadcast_in_dim3A_5 : vector<16xf32> to vector<1x16xf32>
    tpu.vector_store %arg12[%swap3A_384, %swap3A_385], %swap3A_388 {strides = array<i32>} : memref<8x128xf32, #tpu.memory_space<vmem>>, vector<1x16xf32>,
    "tpu.region"() ({
      %run_scoped3A = tpu.sem_alloc : memref<!tpu.dma_semaphore, #tpu.memory_space<semaphore_mem>>
      %dma_start3A_1724 = arith.constant 0 : i32
      %dma_start3A_1725 = tpu.memref_slice %arg14[%mul3A_4, %dma_start3A_1724] : memref<128x128xf32, #tpu.memory_space<vmem_shared>> -> memref<8x128xf32, #tpu.memory_space<vmem_shared>>
      %dma_start3A_1726 = arith.constant 0 : i32
      %dma_start3A_1727 = tpu.memref_slice %arg14[%mul3A_4, %dma_start3A_1726] : memref<128x128xf32, #tpu.memory_space<vmem_shared>> -> memref<8x128xf32, #tpu.memory_space<vmem_shared>>
      tpu.enqueue_dma source(%arg12 : memref<8x128xf32, #tpu.memory_space<vmem>>) target(%dma_start3A_1727 : memref<8x128xf32, #tpu.memory_space<vmem_shared>>) target_semaphore(%run_scoped3A : memref<!tpu.dma_semaphore, #tpu.memory_space<semaphore_mem>>)
      %dma_wait3A_1728 = arith.constant 0 : i32
      %dma_wait3A_1729 = tpu.memref_slice %arg14[%mul3A_4, %dma_wait3A_1728] : memref<128x128xf32, #tpu.memory_space<vmem_shared>> -> memref<8x128xf32, #tpu.memory_space<vmem_shared>>
      %dma_wait3A_1730 = arith.constant 0 : i32
      %dma_wait3A_1731 = tpu.memref_slice %arg14[%mul3A_4, %dma_wait3A_1730] : memref<128x128xf32, #tpu.memory_space<vmem_shared>> -> memref<8x128xf32, #tpu.memory_space<vmem_shared>>
      tpu.wait_dma2 semaphore(%run_scoped3A : memref<!tpu.dma_semaphore, #tpu.memory_space<semaphore_mem>>) src(%arg12 : memref<8x128xf32, #tpu.memory_space<vmem>>) dst(%dma_wait3A_1731 : memref<8x128xf32, #tpu.memory_space<vmem_shared>>)
      tpu.yield
    }) : () -> ()
    %broadcast_in_dim3A_389 = arith.constant 8 : i32
    %broadcast_in_dim3A_390 = vector.broadcast %broadcast_in_dim3A_389 : i32 to vector<16xi32>
    %mul3A_391 = vector.broadcast %arg1 : i32 to vector<16xi32>
    %mul3A_392 = arith.muli %broadcast_in_dim3A_390, %mul3A_391 : vector<16xi32>
    %broadcast_in_dim3A_393 = arith.constant 7 : i32
    %broadcast_in_dim3A_394 = vector.broadcast %broadcast_in_dim3A_393 : i32 to vector<16xi32>
    %broadcast_in_dim3A_395 = arith.constant 1.000000e+00 : f32
    %broadcast_in_dim3A_396 = vector.broadcast %broadcast_in_dim3A_395 : f32 to vector<16xf32>
    %broadcast_in_dim3A_397 = arith.constant 0.000000e+00 : f32
    %broadcast_in_dim3A_398 = vector.broadcast %broadcast_in_dim3A_397 : f32 to vector<16xf32>
    %add3A_399 = arith.constant 0 : i32
    %add3A_400 = arith.addi %mul3A_2, %add3A_399 : i32
    %dma_start3A = arith.constant 0 : i32
    %dma_start3A_401 = tpu.memref_slice %arg2[%add3A_400, %dma_start3A] : memref<320000x128xf32, #tpu.memory_space<hbm>> -> memref<400x128xf32, #tpu.memory_space<hbm>>
    %dma_start3A_402 = arith.constant 0 : i32
    %dma_start3A_403 = tpu.memref_slice %arg2[%add3A_400, %dma_start3A_402] : memref<320000x128xf32, #tpu.memory_space<hbm>> -> memref<400x128xf32, #tpu.memory_space<hbm>>
    tpu.enqueue_dma source(%dma_start3A_403 : memref<400x128xf32, #tpu.memory_space<hbm>>) target(%arg6 : memref<400x128xf32, #tpu.memory_space<vmem>>) target_semaphore(%arg15 : memref<!tpu.dma_semaphore, #tpu.memory_space<semaphore_mem>>)
    %dma_start3A_404 = tpu.memref_slice %arg3[%add3A_400] : memref<320000xi32, #tpu.memory_space<hbm>> -> memref<400xi32, #tpu.memory_space<hbm>>
    %dma_start3A_405 = tpu.memref_slice %arg3[%add3A_400] : memref<320000xi32, #tpu.memory_space<hbm>> -> memref<400xi32, #tpu.memory_space<hbm>>
    tpu.enqueue_dma source(%dma_start3A_405 : memref<400xi32, #tpu.memory_space<hbm>>) target(%arg8 : memref<400xi32, #tpu.memory_space<vmem>>) target_semaphore(%arg17 : memref<!tpu.dma_semaphore, #tpu.memory_space<semaphore_mem>>)
    %add3A_406 = arith.constant 400 : i32
    %add3A_407 = arith.addi %mul3A_2, %add3A_406 : i32
    %dma_start3A_408 = arith.constant 0 : i32
    %dma_start3A_409 = tpu.memref_slice %arg2[%add3A_407, %dma_start3A_408] : memref<320000x128xf32, #tpu.memory_space<hbm>> -> memref<400x128xf32, #tpu.memory_space<hbm>>
    %dma_start3A_410 = arith.constant 0 : i32
    %dma_start3A_411 = tpu.memref_slice %arg2[%add3A_407, %dma_start3A_410] : memref<320000x128xf32, #tpu.memory_space<hbm>> -> memref<400x128xf32, #tpu.memory_space<hbm>>
    tpu.enqueue_dma source(%dma_start3A_411 : memref<400x128xf32, #tpu.memory_space<hbm>>) target(%arg7 : memref<400x128xf32, #tpu.memory_space<vmem>>) target_semaphore(%arg16 : memref<!tpu.dma_semaphore, #tpu.memory_space<semaphore_mem>>)
    %dma_start3A_412 = tpu.memref_slice %arg3[%add3A_407] : memref<320000xi32, #tpu.memory_space<hbm>> -> memref<400xi32, #tpu.memory_space<hbm>>
    %dma_start3A_413 = tpu.memref_slice %arg3[%add3A_407] : memref<320000xi32, #tpu.memory_space<hbm>> -> memref<400xi32, #tpu.memory_space<hbm>>
    tpu.enqueue_dma source(%dma_start3A_413 : memref<400xi32, #tpu.memory_space<hbm>>) target(%arg9 : memref<400xi32, #tpu.memory_space<vmem>>) target_semaphore(%arg18 : memref<!tpu.dma_semaphore, #tpu.memory_space<semaphore_mem>>)
    %broadcast_in_dim3A_414 = arith.constant 0.000000e+00 : f32
    %broadcast_in_dim3A_415 = vector.broadcast %broadcast_in_dim3A_414 : f32 to vector<16xf32>
    %scan3A = arith.constant 0 : i32
    %scan3A_416 = arith.constant 7 : i32
    %scan3A_417 = arith.addi %scan3A, %scan3A_416 : i32
    %scan3A_418 = arith.constant 1 : i32
    %scan3A_419:7 = scf.for %scan3A_1724 = %scan3A to %scan3A_417 step %scan3A_418 iter_args(%scan3A_1725 = %broadcast_in_dim3A_415, %scan3A_1726 = %broadcast_in_dim3A_415, %scan3A_1727 = %broadcast_in_dim3A_415, %scan3A_1728 = %broadcast_in_dim3A_415, %scan3A_1729 = %broadcast_in_dim3A_415, %scan3A_1730 = %broadcast_in_dim3A_415, %scan3A_1731 = %broadcast_in_dim3A_415) -> (vector<16xf32>, vector<16xf32>, vector<16xf32>, vector<16xf32>, vector<16xf32>, vector<16xf32>, vector<16xf32>)  : i32 {
      %mul3A_1732 = arith.constant 2 : i32
      %mul3A_1733 = arith.muli %mul3A_1732, %scan3A_1724 : i32
      %dma_wait3A_1734 = arith.constant 0 : i32
      %dma_wait3A_1735 = arith.constant 0 : i32
      %dma_wait3A_1736 = tpu.memref_slice %arg2[%dma_wait3A_1734, %dma_wait3A_1735] : memref<320000x128xf32, #tpu.memory_space<hbm>> -> memref<400x128xf32, #tpu.memory_space<hbm>>
      %dma_wait3A_1737 = arith.constant 0 : i32
      %dma_wait3A_1738 = arith.constant 0 : i32
      %dma_wait3A_1739 = tpu.memref_slice %arg2[%dma_wait3A_1737, %dma_wait3A_1738] : memref<320000x128xf32, #tpu.memory_space<hbm>> -> memref<400x128xf32, #tpu.memory_space<hbm>>
      tpu.wait_dma2 semaphore(%arg15 : memref<!tpu.dma_semaphore, #tpu.memory_space<semaphore_mem>>) src(%dma_wait3A_1739 : memref<400x128xf32, #tpu.memory_space<hbm>>) dst(%arg6 : memref<400x128xf32, #tpu.memory_space<vmem>>)
      %dma_wait3A_1740 = arith.constant 0 : i32
      %dma_wait3A_1741 = tpu.memref_slice %arg3[%dma_wait3A_1740] : memref<320000xi32, #tpu.memory_space<hbm>> -> memref<400xi32, #tpu.memory_space<hbm>>
      %dma_wait3A_1742 = arith.constant 0 : i32
      %dma_wait3A_1743 = tpu.memref_slice %arg3[%dma_wait3A_1742] : memref<320000xi32, #tpu.memory_space<hbm>> -> memref<400xi32, #tpu.memory_space<hbm>>
      tpu.wait_dma2 semaphore(%arg17 : memref<!tpu.dma_semaphore, #tpu.memory_space<semaphore_mem>>) src(%dma_wait3A_1743 : memref<400xi32, #tpu.memory_space<hbm>>) dst(%arg8 : memref<400xi32, #tpu.memory_space<vmem>>)
      %get3A_1744 = arith.constant 0 : index
      %get3A_1745 = tpu.vector_load %arg8[%get3A_1744] {strides = array<i32>} : memref<400xi32, #tpu.memory_space<vmem>>, vector<16xi32>,
      %get3A_1746 = vector.shape_cast %get3A_1745 : vector<16xi32> to vector<16xi32>
      %eq3A_1747 = arith.constant 0 : i32
      %eq3A_1748 = vector.broadcast %eq3A_1747 : i32 to vector<16xi32>
      %eq3A_1749 = arith.cmpi eq, %get3A_1746, %eq3A_1748 : vector<16xi32>
      %select_n3A_1750 = arith.select %eq3A_1749, %broadcast_in_dim3A_396, %broadcast_in_dim3A_398 : vector<16xi1>, vector<16xf32>
      %add3A_1751 = arith.addf %scan3A_1725, %select_n3A_1750 : vector<16xf32>
      %eq3A_1752 = arith.constant 1 : i32
      %eq3A_1753 = vector.broadcast %eq3A_1752 : i32 to vector<16xi32>
      %eq3A_1754 = arith.cmpi eq, %get3A_1746, %eq3A_1753 : vector<16xi32>
      %select_n3A_1755 = arith.select %eq3A_1754, %broadcast_in_dim3A_396, %broadcast_in_dim3A_398 : vector<16xi1>, vector<16xf32>
      %add3A_1756 = arith.addf %scan3A_1726, %select_n3A_1755 : vector<16xf32>
      %eq3A_1757 = arith.constant 2 : i32
      %eq3A_1758 = vector.broadcast %eq3A_1757 : i32 to vector<16xi32>
      %eq3A_1759 = arith.cmpi eq, %get3A_1746, %eq3A_1758 : vector<16xi32>
      %select_n3A_1760 = arith.select %eq3A_1759, %broadcast_in_dim3A_396, %broadcast_in_dim3A_398 : vector<16xi1>, vector<16xf32>
      %add3A_1761 = arith.addf %scan3A_1727, %select_n3A_1760 : vector<16xf32>
      %eq3A_1762 = arith.constant 3 : i32
      %eq3A_1763 = vector.broadcast %eq3A_1762 : i32 to vector<16xi32>
      %eq3A_1764 = arith.cmpi eq, %get3A_1746, %eq3A_1763 : vector<16xi32>
      %select_n3A_1765 = arith.select %eq3A_1764, %broadcast_in_dim3A_396, %broadcast_in_dim3A_398 : vector<16xi1>, vector<16xf32>
      %add3A_1766 = arith.addf %scan3A_1728, %select_n3A_1765 : vector<16xf32>
      %eq3A_1767 = arith.constant 4 : i32
      %eq3A_1768 = vector.broadcast %eq3A_1767 : i32 to vector<16xi32>
      %eq3A_1769 = arith.cmpi eq, %get3A_1746, %eq3A_1768 : vector<16xi32>
      %select_n3A_1770 = arith.select %eq3A_1769, %broadcast_in_dim3A_396, %broadcast_in_dim3A_398 : vector<16xi1>, vector<16xf32>
      %add3A_1771 = arith.addf %scan3A_1729, %select_n3A_1770 : vector<16xf32>
      %eq3A_1772 = arith.constant 5 : i32
      %eq3A_1773 = vector.broadcast %eq3A_1772 : i32 to vector<16xi32>
      %eq3A_1774 = arith.cmpi eq, %get3A_1746, %eq3A_1773 : vector<16xi32>
      %select_n3A_1775 = arith.select %eq3A_1774, %broadcast_in_dim3A_396, %broadcast_in_dim3A_398 : vector<16xi1>, vector<16xf32>
      %add3A_1776 = arith.addf %scan3A_1730, %select_n3A_1775 : vector<16xf32>
      %eq3A_1777 = arith.constant 6 : i32
      %eq3A_1778 = vector.broadcast %eq3A_1777 : i32 to vector<16xi32>
      %eq3A_1779 = arith.cmpi eq, %get3A_1746, %eq3A_1778 : vector<16xi32>
      %select_n3A_1780 = arith.select %eq3A_1779, %broadcast_in_dim3A_396, %broadcast_in_dim3A_398 : vector<16xi1>, vector<16xf32>
      %add3A_1781 = arith.addf %scan3A_1731, %select_n3A_1780 : vector<16xf32>
      %min3A_1782 = arith.minui %get3A_1746, %broadcast_in_dim3A_394 : vector<16xi32>
      %add3A_1783 = arith.addi %min3A_1782, %mul3A_392 : vector<16xi32>
      %swap3A_1784 = arith.constant 0 : i32
      %swap3A_1785 = arith.index_cast %swap3A_1784 : i32 to index
      %swap3A_1786 = arith.constant 0 : index
      %swap3A_1787 = tpu.vector_load %arg10[%swap3A_1785, %swap3A_1786] {strides = array<i32>} : memref<5x80xi32, #tpu.memory_space<vmem>>, vector<1x16xi32>,
      %swap3A_1788 = vector.shape_cast %swap3A_1787 : vector<1x16xi32> to vector<16xi32>
      %swap3A_1789 = vector.shape_cast %add3A_1783 : vector<16xi32> to vector<1x16xi32>
      tpu.vector_store %arg10[%swap3A_1785, %swap3A_1786], %swap3A_1789 {strides = array<i32>} : memref<5x80xi32, #tpu.memory_space<vmem>>, vector<1x16xi32>,
      %get3A_1790 = arith.constant 16 : index
      %get3A_1791 = tpu.vector_load %arg8[%get3A_1790] {strides = array<i32>} : memref<400xi32, #tpu.memory_space<vmem>>, vector<16xi32>,
      %get3A_1792 = vector.shape_cast %get3A_1791 : vector<16xi32> to vector<16xi32>
      %eq3A_1793 = arith.constant 0 : i32
      %eq3A_1794 = vector.broadcast %eq3A_1793 : i32 to vector<16xi32>
      %eq3A_1795 = arith.cmpi eq, %get3A_1792, %eq3A_1794 : vector<16xi32>
      %select_n3A_1796 = arith.select %eq3A_1795, %broadcast_in_dim3A_396, %broadcast_in_dim3A_398 : vector<16xi1>, vector<16xf32>
      %add3A_1797 = arith.addf %add3A_1751, %select_n3A_1796 : vector<16xf32>
      %eq3A_1798 = arith.constant 1 : i32
      %eq3A_1799 = vector.broadcast %eq3A_1798 : i32 to vector<16xi32>
      %eq3A_1800 = arith.cmpi eq, %get3A_1792, %eq3A_1799 : vector<16xi32>
      %select_n3A_1801 = arith.select %eq3A_1800, %broadcast_in_dim3A_396, %broadcast_in_dim3A_398 : vector<16xi1>, vector<16xf32>
      %add3A_1802 = arith.addf %add3A_1756, %select_n3A_1801 : vector<16xf32>
      %eq3A_1803 = arith.constant 2 : i32
      %eq3A_1804 = vector.broadcast %eq3A_1803 : i32 to vector<16xi32>
      %eq3A_1805 = arith.cmpi eq, %get3A_1792, %eq3A_1804 : vector<16xi32>
      %select_n3A_1806 = arith.select %eq3A_1805, %broadcast_in_dim3A_396, %broadcast_in_dim3A_398 : vector<16xi1>, vector<16xf32>
      %add3A_1807 = arith.addf %add3A_1761, %select_n3A_1806 : vector<16xf32>
      %eq3A_1808 = arith.constant 3 : i32
      %eq3A_1809 = vector.broadcast %eq3A_1808 : i32 to vector<16xi32>
      %eq3A_1810 = arith.cmpi eq, %get3A_1792, %eq3A_1809 : vector<16xi32>
      %select_n3A_1811 = arith.select %eq3A_1810, %broadcast_in_dim3A_396, %broadcast_in_dim3A_398 : vector<16xi1>, vector<16xf32>
      %add3A_1812 = arith.addf %add3A_1766, %select_n3A_1811 : vector<16xf32>
      %eq3A_1813 = arith.constant 4 : i32
      %eq3A_1814 = vector.broadcast %eq3A_1813 : i32 to vector<16xi32>
      %eq3A_1815 = arith.cmpi eq, %get3A_1792, %eq3A_1814 : vector<16xi32>
      %select_n3A_1816 = arith.select %eq3A_1815, %broadcast_in_dim3A_396, %broadcast_in_dim3A_398 : vector<16xi1>, vector<16xf32>
      %add3A_1817 = arith.addf %add3A_1771, %select_n3A_1816 : vector<16xf32>
      %eq3A_1818 = arith.constant 5 : i32
      %eq3A_1819 = vector.broadcast %eq3A_1818 : i32 to vector<16xi32>
      %eq3A_1820 = arith.cmpi eq, %get3A_1792, %eq3A_1819 : vector<16xi32>
      %select_n3A_1821 = arith.select %eq3A_1820, %broadcast_in_dim3A_396, %broadcast_in_dim3A_398 : vector<16xi1>, vector<16xf32>
      %add3A_1822 = arith.addf %add3A_1776, %select_n3A_1821 : vector<16xf32>
      %eq3A_1823 = arith.constant 6 : i32
      %eq3A_1824 = vector.broadcast %eq3A_1823 : i32 to vector<16xi32>
      %eq3A_1825 = arith.cmpi eq, %get3A_1792, %eq3A_1824 : vector<16xi32>
      %select_n3A_1826 = arith.select %eq3A_1825, %broadcast_in_dim3A_396, %broadcast_in_dim3A_398 : vector<16xi1>, vector<16xf32>
      %add3A_1827 = arith.addf %add3A_1781, %select_n3A_1826 : vector<16xf32>
      %min3A_1828 = arith.minui %get3A_1792, %broadcast_in_dim3A_394 : vector<16xi32>
      %add3A_1829 = arith.addi %min3A_1828, %mul3A_392 : vector<16xi32>
      %swap3A_1830 = arith.constant 0 : i32
      %swap3A_1831 = arith.index_cast %swap3A_1830 : i32 to index
      %swap3A_1832 = arith.constant 16 : index
      %swap3A_1833 = tpu.vector_load %arg10[%swap3A_1831, %swap3A_1832] {strides = array<i32>} : memref<5x80xi32, #tpu.memory_space<vmem>>, vector<1x16xi32>,
      %swap3A_1834 = vector.shape_cast %swap3A_1833 : vector<1x16xi32> to vector<16xi32>
      %swap3A_1835 = vector.shape_cast %add3A_1829 : vector<16xi32> to vector<1x16xi32>
      tpu.vector_store %arg10[%swap3A_1831, %swap3A_1832], %swap3A_1835 {strides = array<i32>} : memref<5x80xi32, #tpu.memory_space<vmem>>, vector<1x16xi32>,
      %get3A_1836 = arith.constant 32 : index
      %get3A_1837 = tpu.vector_load %arg8[%get3A_1836] {strides = array<i32>} : memref<400xi32, #tpu.memory_space<vmem>>, vector<16xi32>,
      %get3A_1838 = vector.shape_cast %get3A_1837 : vector<16xi32> to vector<16xi32>
      %eq3A_1839 = arith.constant 0 : i32
      %eq3A_1840 = vector.broadcast %eq3A_1839 : i32 to vector<16xi32>
      %eq3A_1841 = arith.cmpi eq, %get3A_1838, %eq3A_1840 : vector<16xi32>
      %select_n3A_1842 = arith.select %eq3A_1841, %broadcast_in_dim3A_396, %broadcast_in_dim3A_398 : vector<16xi1>, vector<16xf32>
      %add3A_1843 = arith.addf %add3A_1797, %select_n3A_1842 : vector<16xf32>
      %eq3A_1844 = arith.constant 1 : i32
      %eq3A_1845 = vector.broadcast %eq3A_1844 : i32 to vector<16xi32>
      %eq3A_1846 = arith.cmpi eq, %get3A_1838, %eq3A_1845 : vector<16xi32>
      %select_n3A_1847 = arith.select %eq3A_1846, %broadcast_in_dim3A_396, %broadcast_in_dim3A_398 : vector<16xi1>, vector<16xf32>
      %add3A_1848 = arith.addf %add3A_1802, %select_n3A_1847 : vector<16xf32>
      %eq3A_1849 = arith.constant 2 : i32
      %eq3A_1850 = vector.broadcast %eq3A_1849 : i32 to vector<16xi32>
      %eq3A_1851 = arith.cmpi eq, %get3A_1838, %eq3A_1850 : vector<16xi32>
      %select_n3A_1852 = arith.select %eq3A_1851, %broadcast_in_dim3A_396, %broadcast_in_dim3A_398 : vector<16xi1>, vector<16xf32>
      %add3A_1853 = arith.addf %add3A_1807, %select_n3A_1852 : vector<16xf32>
      %eq3A_1854 = arith.constant 3 : i32
      %eq3A_1855 = vector.broadcast %eq3A_1854 : i32 to vector<16xi32>
      %eq3A_1856 = arith.cmpi eq, %get3A_1838, %eq3A_1855 : vector<16xi32>
      %select_n3A_1857 = arith.select %eq3A_1856, %broadcast_in_dim3A_396, %broadcast_in_dim3A_398 : vector<16xi1>, vector<16xf32>
      %add3A_1858 = arith.addf %add3A_1812, %select_n3A_1857 : vector<16xf32>
      %eq3A_1859 = arith.constant 4 : i32
      %eq3A_1860 = vector.broadcast %eq3A_1859 : i32 to vector<16xi32>
      %eq3A_1861 = arith.cmpi eq, %get3A_1838, %eq3A_1860 : vector<16xi32>
      %select_n3A_1862 = arith.select %eq3A_1861, %broadcast_in_dim3A_396, %broadcast_in_dim3A_398 : vector<16xi1>, vector<16xf32>
      %add3A_1863 = arith.addf %add3A_1817, %select_n3A_1862 : vector<16xf32>
      %eq3A_1864 = arith.constant 5 : i32
      %eq3A_1865 = vector.broadcast %eq3A_1864 : i32 to vector<16xi32>
      %eq3A_1866 = arith.cmpi eq, %get3A_1838, %eq3A_1865 : vector<16xi32>
      %select_n3A_1867 = arith.select %eq3A_1866, %broadcast_in_dim3A_396, %broadcast_in_dim3A_398 : vector<16xi1>, vector<16xf32>
      %add3A_1868 = arith.addf %add3A_1822, %select_n3A_1867 : vector<16xf32>
      %eq3A_1869 = arith.constant 6 : i32
      %eq3A_1870 = vector.broadcast %eq3A_1869 : i32 to vector<16xi32>
      %eq3A_1871 = arith.cmpi eq, %get3A_1838, %eq3A_1870 : vector<16xi32>
      %select_n3A_1872 = arith.select %eq3A_1871, %broadcast_in_dim3A_396, %broadcast_in_dim3A_398 : vector<16xi1>, vector<16xf32>
      %add3A_1873 = arith.addf %add3A_1827, %select_n3A_1872 : vector<16xf32>
      %min3A_1874 = arith.minui %get3A_1838, %broadcast_in_dim3A_394 : vector<16xi32>
      %add3A_1875 = arith.addi %min3A_1874, %mul3A_392 : vector<16xi32>
      %swap3A_1876 = arith.constant 0 : i32
      %swap3A_1877 = arith.index_cast %swap3A_1876 : i32 to index
      %swap3A_1878 = arith.constant 32 : index
      %swap3A_1879 = tpu.vector_load %arg10[%swap3A_1877, %swap3A_1878] {strides = array<i32>} : memref<5x80xi32, #tpu.memory_space<vmem>>, vector<1x16xi32>,
      %swap3A_1880 = vector.shape_cast %swap3A_1879 : vector<1x16xi32> to vector<16xi32>
      %swap3A_1881 = vector.shape_cast %add3A_1875 : vector<16xi32> to vector<1x16xi32>
      tpu.vector_store %arg10[%swap3A_1877, %swap3A_1878], %swap3A_1881 {strides = array<i32>} : memref<5x80xi32, #tpu.memory_space<vmem>>, vector<1x16xi32>,
      %get3A_1882 = arith.constant 48 : index
      %get3A_1883 = tpu.vector_load %arg8[%get3A_1882] {strides = array<i32>} : memref<400xi32, #tpu.memory_space<vmem>>, vector<16xi32>,
      %get3A_1884 = vector.shape_cast %get3A_1883 : vector<16xi32> to vector<16xi32>
      %eq3A_1885 = arith.constant 0 : i32
      %eq3A_1886 = vector.broadcast %eq3A_1885 : i32 to vector<16xi32>
      %eq3A_1887 = arith.cmpi eq, %get3A_1884, %eq3A_1886 : vector<16xi32>
      %select_n3A_1888 = arith.select %eq3A_1887, %broadcast_in_dim3A_396, %broadcast_in_dim3A_398 : vector<16xi1>, vector<16xf32>
      %add3A_1889 = arith.addf %add3A_1843, %select_n3A_1888 : vector<16xf32>
      %eq3A_1890 = arith.constant 1 : i32
      %eq3A_1891 = vector.broadcast %eq3A_1890 : i32 to vector<16xi32>
      %eq3A_1892 = arith.cmpi eq, %get3A_1884, %eq3A_1891 : vector<16xi32>
      %select_n3A_1893 = arith.select %eq3A_1892, %broadcast_in_dim3A_396, %broadcast_in_dim3A_398 : vector<16xi1>, vector<16xf32>
      %add3A_1894 = arith.addf %add3A_1848, %select_n3A_1893 : vector<16xf32>
      %eq3A_1895 = arith.constant 2 : i32
      %eq3A_1896 = vector.broadcast %eq3A_1895 : i32 to vector<16xi32>
      %eq3A_1897 = arith.cmpi eq, %get3A_1884, %eq3A_1896 : vector<16xi32>
      %select_n3A_1898 = arith.select %eq3A_1897, %broadcast_in_dim3A_396, %broadcast_in_dim3A_398 : vector<16xi1>, vector<16xf32>
      %add3A_1899 = arith.addf %add3A_1853, %select_n3A_1898 : vector<16xf32>
      %eq3A_1900 = arith.constant 3 : i32
      %eq3A_1901 = vector.broadcast %eq3A_1900 : i32 to vector<16xi32>
      %eq3A_1902 = arith.cmpi eq, %get3A_1884, %eq3A_1901 : vector<16xi32>
      %select_n3A_1903 = arith.select %eq3A_1902, %broadcast_in_dim3A_396, %broadcast_in_dim3A_398 : vector<16xi1>, vector<16xf32>
      %add3A_1904 = arith.addf %add3A_1858, %select_n3A_1903 : vector<16xf32>
      %eq3A_1905 = arith.constant 4 : i32
      %eq3A_1906 = vector.broadcast %eq3A_1905 : i32 to vector<16xi32>
      %eq3A_1907 = arith.cmpi eq, %get3A_1884, %eq3A_1906 : vector<16xi32>
      %select_n3A_1908 = arith.select %eq3A_1907, %broadcast_in_dim3A_396, %broadcast_in_dim3A_398 : vector<16xi1>, vector<16xf32>
      %add3A_1909 = arith.addf %add3A_1863, %select_n3A_1908 : vector<16xf32>
      %eq3A_1910 = arith.constant 5 : i32
      %eq3A_1911 = vector.broadcast %eq3A_1910 : i32 to vector<16xi32>
      %eq3A_1912 = arith.cmpi eq, %get3A_1884, %eq3A_1911 : vector<16xi32>
      %select_n3A_1913 = arith.select %eq3A_1912, %broadcast_in_dim3A_396, %broadcast_in_dim3A_398 : vector<16xi1>, vector<16xf32>
      %add3A_1914 = arith.addf %add3A_1868, %select_n3A_1913 : vector<16xf32>
      %eq3A_1915 = arith.constant 6 : i32
      %eq3A_1916 = vector.broadcast %eq3A_1915 : i32 to vector<16xi32>
      %eq3A_1917 = arith.cmpi eq, %get3A_1884, %eq3A_1916 : vector<16xi32>
      %select_n3A_1918 = arith.select %eq3A_1917, %broadcast_in_dim3A_396, %broadcast_in_dim3A_398 : vector<16xi1>, vector<16xf32>
      %add3A_1919 = arith.addf %add3A_1873, %select_n3A_1918 : vector<16xf32>
      %min3A_1920 = arith.minui %get3A_1884, %broadcast_in_dim3A_394 : vector<16xi32>
      %add3A_1921 = arith.addi %min3A_1920, %mul3A_392 : vector<16xi32>
      %swap3A_1922 = arith.constant 0 : i32
      %swap3A_1923 = arith.index_cast %swap3A_1922 : i32 to index
      %swap3A_1924 = arith.constant 48 : index
      %swap3A_1925 = tpu.vector_load %arg10[%swap3A_1923, %swap3A_1924] {strides = array<i32>} : memref<5x80xi32, #tpu.memory_space<vmem>>, vector<1x16xi32>,
      %swap3A_1926 = vector.shape_cast %swap3A_1925 : vector<1x16xi32> to vector<16xi32>
      %swap3A_1927 = vector.shape_cast %add3A_1921 : vector<16xi32> to vector<1x16xi32>
      tpu.vector_store %arg10[%swap3A_1923, %swap3A_1924], %swap3A_1927 {strides = array<i32>} : memref<5x80xi32, #tpu.memory_space<vmem>>, vector<1x16xi32>,
      %get3A_1928 = arith.constant 64 : index
      %get3A_1929 = tpu.vector_load %arg8[%get3A_1928] {strides = array<i32>} : memref<400xi32, #tpu.memory_space<vmem>>, vector<16xi32>,
      %get3A_1930 = vector.shape_cast %get3A_1929 : vector<16xi32> to vector<16xi32>
      %eq3A_1931 = arith.constant 0 : i32
      %eq3A_1932 = vector.broadcast %eq3A_1931 : i32 to vector<16xi32>
      %eq3A_1933 = arith.cmpi eq, %get3A_1930, %eq3A_1932 : vector<16xi32>
      %select_n3A_1934 = arith.select %eq3A_1933, %broadcast_in_dim3A_396, %broadcast_in_dim3A_398 : vector<16xi1>, vector<16xf32>
      %add3A_1935 = arith.addf %add3A_1889, %select_n3A_1934 : vector<16xf32>
      %eq3A_1936 = arith.constant 1 : i32
      %eq3A_1937 = vector.broadcast %eq3A_1936 : i32 to vector<16xi32>
      %eq3A_1938 = arith.cmpi eq, %get3A_1930, %eq3A_1937 : vector<16xi32>
      %select_n3A_1939 = arith.select %eq3A_1938, %broadcast_in_dim3A_396, %broadcast_in_dim3A_398 : vector<16xi1>, vector<16xf32>
      %add3A_1940 = arith.addf %add3A_1894, %select_n3A_1939 : vector<16xf32>
      %eq3A_1941 = arith.constant 2 : i32
      %eq3A_1942 = vector.broadcast %eq3A_1941 : i32 to vector<16xi32>
      %eq3A_1943 = arith.cmpi eq, %get3A_1930, %eq3A_1942 : vector<16xi32>
      %select_n3A_1944 = arith.select %eq3A_1943, %broadcast_in_dim3A_396, %broadcast_in_dim3A_398 : vector<16xi1>, vector<16xf32>
      %add3A_1945 = arith.addf %add3A_1899, %select_n3A_1944 : vector<16xf32>
      %eq3A_1946 = arith.constant 3 : i32
      %eq3A_1947 = vector.broadcast %eq3A_1946 : i32 to vector<16xi32>
      %eq3A_1948 = arith.cmpi eq, %get3A_1930, %eq3A_1947 : vector<16xi32>
      %select_n3A_1949 = arith.select %eq3A_1948, %broadcast_in_dim3A_396, %broadcast_in_dim3A_398 : vector<16xi1>, vector<16xf32>
      %add3A_1950 = arith.addf %add3A_1904, %select_n3A_1949 : vector<16xf32>
      %eq3A_1951 = arith.constant 4 : i32
      %eq3A_1952 = vector.broadcast %eq3A_1951 : i32 to vector<16xi32>
      %eq3A_1953 = arith.cmpi eq, %get3A_1930, %eq3A_1952 : vector<16xi32>
      %select_n3A_1954 = arith.select %eq3A_1953, %broadcast_in_dim3A_396, %broadcast_in_dim3A_398 : vector<16xi1>, vector<16xf32>
      %add3A_1955 = arith.addf %add3A_1909, %select_n3A_1954 : vector<16xf32>
      %eq3A_1956 = arith.constant 5 : i32
      %eq3A_1957 = vector.broadcast %eq3A_1956 : i32 to vector<16xi32>
      %eq3A_1958 = arith.cmpi eq, %get3A_1930, %eq3A_1957 : vector<16xi32>
      %select_n3A_1959 = arith.select %eq3A_1958, %broadcast_in_dim3A_396, %broadcast_in_dim3A_398 : vector<16xi1>, vector<16xf32>
      %add3A_1960 = arith.addf %add3A_1914, %select_n3A_1959 : vector<16xf32>
      %eq3A_1961 = arith.constant 6 : i32
      %eq3A_1962 = vector.broadcast %eq3A_1961 : i32 to vector<16xi32>
      %eq3A_1963 = arith.cmpi eq, %get3A_1930, %eq3A_1962 : vector<16xi32>
      %select_n3A_1964 = arith.select %eq3A_1963, %broadcast_in_dim3A_396, %broadcast_in_dim3A_398 : vector<16xi1>, vector<16xf32>
      %add3A_1965 = arith.addf %add3A_1919, %select_n3A_1964 : vector<16xf32>
      %min3A_1966 = arith.minui %get3A_1930, %broadcast_in_dim3A_394 : vector<16xi32>
      %add3A_1967 = arith.addi %min3A_1966, %mul3A_392 : vector<16xi32>
      %swap3A_1968 = arith.constant 0 : i32
      %swap3A_1969 = arith.index_cast %swap3A_1968 : i32 to index
      %swap3A_1970 = arith.constant 64 : index
      %swap3A_1971 = tpu.vector_load %arg10[%swap3A_1969, %swap3A_1970] {strides = array<i32>} : memref<5x80xi32, #tpu.memory_space<vmem>>, vector<1x16xi32>,
      %swap3A_1972 = vector.shape_cast %swap3A_1971 : vector<1x16xi32> to vector<16xi32>
      %swap3A_1973 = vector.shape_cast %add3A_1967 : vector<16xi32> to vector<1x16xi32>
      tpu.vector_store %arg10[%swap3A_1969, %swap3A_1970], %swap3A_1973 {strides = array<i32>} : memref<5x80xi32, #tpu.memory_space<vmem>>, vector<1x16xi32>,
      %get3A_1974 = arith.constant 80 : index
      %get3A_1975 = tpu.vector_load %arg8[%get3A_1974] {strides = array<i32>} : memref<400xi32, #tpu.memory_space<vmem>>, vector<16xi32>,
      %get3A_1976 = vector.shape_cast %get3A_1975 : vector<16xi32> to vector<16xi32>
      %eq3A_1977 = arith.constant 0 : i32
      %eq3A_1978 = vector.broadcast %eq3A_1977 : i32 to vector<16xi32>
      %eq3A_1979 = arith.cmpi eq, %get3A_1976, %eq3A_1978 : vector<16xi32>
      %select_n3A_1980 = arith.select %eq3A_1979, %broadcast_in_dim3A_396, %broadcast_in_dim3A_398 : vector<16xi1>, vector<16xf32>
      %add3A_1981 = arith.addf %add3A_1935, %select_n3A_1980 : vector<16xf32>
      %eq3A_1982 = arith.constant 1 : i32
      %eq3A_1983 = vector.broadcast %eq3A_1982 : i32 to vector<16xi32>
      %eq3A_1984 = arith.cmpi eq, %get3A_1976, %eq3A_1983 : vector<16xi32>
      %select_n3A_1985 = arith.select %eq3A_1984, %broadcast_in_dim3A_396, %broadcast_in_dim3A_398 : vector<16xi1>, vector<16xf32>
      %add3A_1986 = arith.addf %add3A_1940, %select_n3A_1985 : vector<16xf32>
      %eq3A_1987 = arith.constant 2 : i32
      %eq3A_1988 = vector.broadcast %eq3A_1987 : i32 to vector<16xi32>
      %eq3A_1989 = arith.cmpi eq, %get3A_1976, %eq3A_1988 : vector<16xi32>
      %select_n3A_1990 = arith.select %eq3A_1989, %broadcast_in_dim3A_396, %broadcast_in_dim3A_398 : vector<16xi1>, vector<16xf32>
      %add3A_1991 = arith.addf %add3A_1945, %select_n3A_1990 : vector<16xf32>
      %eq3A_1992 = arith.constant 3 : i32
      %eq3A_1993 = vector.broadcast %eq3A_1992 : i32 to vector<16xi32>
      %eq3A_1994 = arith.cmpi eq, %get3A_1976, %eq3A_1993 : vector<16xi32>
      %select_n3A_1995 = arith.select %eq3A_1994, %broadcast_in_dim3A_396, %broadcast_in_dim3A_398 : vector<16xi1>, vector<16xf32>
      %add3A_1996 = arith.addf %add3A_1950, %select_n3A_1995 : vector<16xf32>
      %eq3A_1997 = arith.constant 4 : i32
      %eq3A_1998 = vector.broadcast %eq3A_1997 : i32 to vector<16xi32>
      %eq3A_1999 = arith.cmpi eq, %get3A_1976, %eq3A_1998 : vector<16xi32>
      %select_n3A_2000 = arith.select %eq3A_1999, %broadcast_in_dim3A_396, %broadcast_in_dim3A_398 : vector<16xi1>, vector<16xf32>
      %add3A_2001 = arith.addf %add3A_1955, %select_n3A_2000 : vector<16xf32>
      %eq3A_2002 = arith.constant 5 : i32
      %eq3A_2003 = vector.broadcast %eq3A_2002 : i32 to vector<16xi32>
      %eq3A_2004 = arith.cmpi eq, %get3A_1976, %eq3A_2003 : vector<16xi32>
      %select_n3A_2005 = arith.select %eq3A_2004, %broadcast_in_dim3A_396, %broadcast_in_dim3A_398 : vector<16xi1>, vector<16xf32>
      %add3A_2006 = arith.addf %add3A_1960, %select_n3A_2005 : vector<16xf32>
      %eq3A_2007 = arith.constant 6 : i32
      %eq3A_2008 = vector.broadcast %eq3A_2007 : i32 to vector<16xi32>
      %eq3A_2009 = arith.cmpi eq, %get3A_1976, %eq3A_2008 : vector<16xi32>
      %select_n3A_2010 = arith.select %eq3A_2009, %broadcast_in_dim3A_396, %broadcast_in_dim3A_398 : vector<16xi1>, vector<16xf32>
      %add3A_2011 = arith.addf %add3A_1965, %select_n3A_2010 : vector<16xf32>
      %min3A_2012 = arith.minui %get3A_1976, %broadcast_in_dim3A_394 : vector<16xi32>
      %add3A_2013 = arith.addi %min3A_2012, %mul3A_392 : vector<16xi32>
      %swap3A_2014 = arith.constant 1 : i32
      %swap3A_2015 = arith.index_cast %swap3A_2014 : i32 to index
      %swap3A_2016 = arith.constant 0 : index
      %swap3A_2017 = tpu.vector_load %arg10[%swap3A_2015, %swap3A_2016] {strides = array<i32>} : memref<5x80xi32, #tpu.memory_space<vmem>>, vector<1x16xi32>,
      %swap3A_2018 = vector.shape_cast %swap3A_2017 : vector<1x16xi32> to vector<16xi32>
      %swap3A_2019 = vector.shape_cast %add3A_2013 : vector<16xi32> to vector<1x16xi32>
      tpu.vector_store %arg10[%swap3A_2015, %swap3A_2016], %swap3A_2019 {strides = array<i32>} : memref<5x80xi32, #tpu.memory_space<vmem>>, vector<1x16xi32>,
      %get3A_2020 = arith.constant 96 : index
      %get3A_2021 = tpu.vector_load %arg8[%get3A_2020] {strides = array<i32>} : memref<400xi32, #tpu.memory_space<vmem>>, vector<16xi32>,
      %get3A_2022 = vector.shape_cast %get3A_2021 : vector<16xi32> to vector<16xi32>
      %eq3A_2023 = arith.constant 0 : i32
      %eq3A_2024 = vector.broadcast %eq3A_2023 : i32 to vector<16xi32>
      %eq3A_2025 = arith.cmpi eq, %get3A_2022, %eq3A_2024 : vector<16xi32>
      %select_n3A_2026 = arith.select %eq3A_2025, %broadcast_in_dim3A_396, %broadcast_in_dim3A_398 : vector<16xi1>, vector<16xf32>
      %add3A_2027 = arith.addf %add3A_1981, %select_n3A_2026 : vector<16xf32>
      %eq3A_2028 = arith.constant 1 : i32
      %eq3A_2029 = vector.broadcast %eq3A_2028 : i32 to vector<16xi32>
      %eq3A_2030 = arith.cmpi eq, %get3A_2022, %eq3A_2029 : vector<16xi32>
      %select_n3A_2031 = arith.select %eq3A_2030, %broadcast_in_dim3A_396, %broadcast_in_dim3A_398 : vector<16xi1>, vector<16xf32>
      %add3A_2032 = arith.addf %add3A_1986, %select_n3A_2031 : vector<16xf32>
      %eq3A_2033 = arith.constant 2 : i32
      %eq3A_2034 = vector.broadcast %eq3A_2033 : i32 to vector<16xi32>
      %eq3A_2035 = arith.cmpi eq, %get3A_2022, %eq3A_2034 : vector<16xi32>
      %select_n3A_2036 = arith.select %eq3A_2035, %broadcast_in_dim3A_396, %broadcast_in_dim3A_398 : vector<16xi1>, vector<16xf32>
      %add3A_2037 = arith.addf %add3A_1991, %select_n3A_2036 : vector<16xf32>
      %eq3A_2038 = arith.constant 3 : i32
      %eq3A_2039 = vector.broadcast %eq3A_2038 : i32 to vector<16xi32>
      %eq3A_2040 = arith.cmpi eq, %get3A_2022, %eq3A_2039 : vector<16xi32>
      %select_n3A_2041 = arith.select %eq3A_2040, %broadcast_in_dim3A_396, %broadcast_in_dim3A_398 : vector<16xi1>, vector<16xf32>
      %add3A_2042 = arith.addf %add3A_1996, %select_n3A_2041 : vector<16xf32>
      %eq3A_2043 = arith.constant 4 : i32
      %eq3A_2044 = vector.broadcast %eq3A_2043 : i32 to vector<16xi32>
      %eq3A_2045 = arith.cmpi eq, %get3A_2022, %eq3A_2044 : vector<16xi32>
      %select_n3A_2046 = arith.select %eq3A_2045, %broadcast_in_dim3A_396, %broadcast_in_dim3A_398 : vector<16xi1>, vector<16xf32>
      %add3A_2047 = arith.addf %add3A_2001, %select_n3A_2046 : vector<16xf32>
      %eq3A_2048 = arith.constant 5 : i32
      %eq3A_2049 = vector.broadcast %eq3A_2048 : i32 to vector<16xi32>
      %eq3A_2050 = arith.cmpi eq, %get3A_2022, %eq3A_2049 : vector<16xi32>
      %select_n3A_2051 = arith.select %eq3A_2050, %broadcast_in_dim3A_396, %broadcast_in_dim3A_398 : vector<16xi1>, vector<16xf32>
      %add3A_2052 = arith.addf %add3A_2006, %select_n3A_2051 : vector<16xf32>
      %eq3A_2053 = arith.constant 6 : i32
      %eq3A_2054 = vector.broadcast %eq3A_2053 : i32 to vector<16xi32>
      %eq3A_2055 = arith.cmpi eq, %get3A_2022, %eq3A_2054 : vector<16xi32>
      %select_n3A_2056 = arith.select %eq3A_2055, %broadcast_in_dim3A_396, %broadcast_in_dim3A_398 : vector<16xi1>, vector<16xf32>
      %add3A_2057 = arith.addf %add3A_2011, %select_n3A_2056 : vector<16xf32>
      %min3A_2058 = arith.minui %get3A_2022, %broadcast_in_dim3A_394 : vector<16xi32>
      %add3A_2059 = arith.addi %min3A_2058, %mul3A_392 : vector<16xi32>
      %swap3A_2060 = arith.constant 1 : i32
      %swap3A_2061 = arith.index_cast %swap3A_2060 : i32 to index
      %swap3A_2062 = arith.constant 16 : index
      %swap3A_2063 = tpu.vector_load %arg10[%swap3A_2061, %swap3A_2062] {strides = array<i32>} : memref<5x80xi32, #tpu.memory_space<vmem>>, vector<1x16xi32>,
      %swap3A_2064 = vector.shape_cast %swap3A_2063 : vector<1x16xi32> to vector<16xi32>
      %swap3A_2065 = vector.shape_cast %add3A_2059 : vector<16xi32> to vector<1x16xi32>
      tpu.vector_store %arg10[%swap3A_2061, %swap3A_2062], %swap3A_2065 {strides = array<i32>} : memref<5x80xi32, #tpu.memory_space<vmem>>, vector<1x16xi32>,
      %get3A_2066 = arith.constant 112 : index
      %get3A_2067 = tpu.vector_load %arg8[%get3A_2066] {strides = array<i32>} : memref<400xi32, #tpu.memory_space<vmem>>, vector<16xi32>,
      %get3A_2068 = vector.shape_cast %get3A_2067 : vector<16xi32> to vector<16xi32>
      %eq3A_2069 = arith.constant 0 : i32
      %eq3A_2070 = vector.broadcast %eq3A_2069 : i32 to vector<16xi32>
      %eq3A_2071 = arith.cmpi eq, %get3A_2068, %eq3A_2070 : vector<16xi32>
      %select_n3A_2072 = arith.select %eq3A_2071, %broadcast_in_dim3A_396, %broadcast_in_dim3A_398 : vector<16xi1>, vector<16xf32>
      %add3A_2073 = arith.addf %add3A_2027, %select_n3A_2072 : vector<16xf32>
      %eq3A_2074 = arith.constant 1 : i32
      %eq3A_2075 = vector.broadcast %eq3A_2074 : i32 to vector<16xi32>
      %eq3A_2076 = arith.cmpi eq, %get3A_2068, %eq3A_2075 : vector<16xi32>
      %select_n3A_2077 = arith.select %eq3A_2076, %broadcast_in_dim3A_396, %broadcast_in_dim3A_398 : vector<16xi1>, vector<16xf32>
      %add3A_2078 = arith.addf %add3A_2032, %select_n3A_2077 : vector<16xf32>
      %eq3A_2079 = arith.constant 2 : i32
      %eq3A_2080 = vector.broadcast %eq3A_2079 : i32 to vector<16xi32>
      %eq3A_2081 = arith.cmpi eq, %get3A_2068, %eq3A_2080 : vector<16xi32>
      %select_n3A_2082 = arith.select %eq3A_2081, %broadcast_in_dim3A_396, %broadcast_in_dim3A_398 : vector<16xi1>, vector<16xf32>
      %add3A_2083 = arith.addf %add3A_2037, %select_n3A_2082 : vector<16xf32>
      %eq3A_2084 = arith.constant 3 : i32
      %eq3A_2085 = vector.broadcast %eq3A_2084 : i32 to vector<16xi32>
      %eq3A_2086 = arith.cmpi eq, %get3A_2068, %eq3A_2085 : vector<16xi32>
      %select_n3A_2087 = arith.select %eq3A_2086, %broadcast_in_dim3A_396, %broadcast_in_dim3A_398 : vector<16xi1>, vector<16xf32>
      %add3A_2088 = arith.addf %add3A_2042, %select_n3A_2087 : vector<16xf32>
      %eq3A_2089 = arith.constant 4 : i32
      %eq3A_2090 = vector.broadcast %eq3A_2089 : i32 to vector<16xi32>
      %eq3A_2091 = arith.cmpi eq, %get3A_2068, %eq3A_2090 : vector<16xi32>
      %select_n3A_2092 = arith.select %eq3A_2091, %broadcast_in_dim3A_396, %broadcast_in_dim3A_398 : vector<16xi1>, vector<16xf32>
      %add3A_2093 = arith.addf %add3A_2047, %select_n3A_2092 : vector<16xf32>
      %eq3A_2094 = arith.constant 5 : i32
      %eq3A_2095 = vector.broadcast %eq3A_2094 : i32 to vector<16xi32>
      %eq3A_2096 = arith.cmpi eq, %get3A_2068, %eq3A_2095 : vector<16xi32>
      %select_n3A_2097 = arith.select %eq3A_2096, %broadcast_in_dim3A_396, %broadcast_in_dim3A_398 : vector<16xi1>, vector<16xf32>
      %add3A_2098 = arith.addf %add3A_2052, %select_n3A_2097 : vector<16xf32>
      %eq3A_2099 = arith.constant 6 : i32
      %eq3A_2100 = vector.broadcast %eq3A_2099 : i32 to vector<16xi32>
      %eq3A_2101 = arith.cmpi eq, %get3A_2068, %eq3A_2100 : vector<16xi32>
      %select_n3A_2102 = arith.select %eq3A_2101, %broadcast_in_dim3A_396, %broadcast_in_dim3A_398 : vector<16xi1>, vector<16xf32>
      %add3A_2103 = arith.addf %add3A_2057, %select_n3A_2102 : vector<16xf32>
      %min3A_2104 = arith.minui %get3A_2068, %broadcast_in_dim3A_394 : vector<16xi32>
      %add3A_2105 = arith.addi %min3A_2104, %mul3A_392 : vector<16xi32>
      %swap3A_2106 = arith.constant 1 : i32
      %swap3A_2107 = arith.index_cast %swap3A_2106 : i32 to index
      %swap3A_2108 = arith.constant 32 : index
      %swap3A_2109 = tpu.vector_load %arg10[%swap3A_2107, %swap3A_2108] {strides = array<i32>} : memref<5x80xi32, #tpu.memory_space<vmem>>, vector<1x16xi32>,
      %swap3A_2110 = vector.shape_cast %swap3A_2109 : vector<1x16xi32> to vector<16xi32>
      %swap3A_2111 = vector.shape_cast %add3A_2105 : vector<16xi32> to vector<1x16xi32>
      tpu.vector_store %arg10[%swap3A_2107, %swap3A_2108], %swap3A_2111 {strides = array<i32>} : memref<5x80xi32, #tpu.memory_space<vmem>>, vector<1x16xi32>,
      %get3A_2112 = arith.constant 128 : index
      %get3A_2113 = tpu.vector_load %arg8[%get3A_2112] {strides = array<i32>} : memref<400xi32, #tpu.memory_space<vmem>>, vector<16xi32>,
      %get3A_2114 = vector.shape_cast %get3A_2113 : vector<16xi32> to vector<16xi32>
      %eq3A_2115 = arith.constant 0 : i32
      %eq3A_2116 = vector.broadcast %eq3A_2115 : i32 to vector<16xi32>
      %eq3A_2117 = arith.cmpi eq, %get3A_2114, %eq3A_2116 : vector<16xi32>
      %select_n3A_2118 = arith.select %eq3A_2117, %broadcast_in_dim3A_396, %broadcast_in_dim3A_398 : vector<16xi1>, vector<16xf32>
      %add3A_2119 = arith.addf %add3A_2073, %select_n3A_2118 : vector<16xf32>
      %eq3A_2120 = arith.constant 1 : i32
      %eq3A_2121 = vector.broadcast %eq3A_2120 : i32 to vector<16xi32>
      %eq3A_2122 = arith.cmpi eq, %get3A_2114, %eq3A_2121 : vector<16xi32>
      %select_n3A_2123 = arith.select %eq3A_2122, %broadcast_in_dim3A_396, %broadcast_in_dim3A_398 : vector<16xi1>, vector<16xf32>
      %add3A_2124 = arith.addf %add3A_2078, %select_n3A_2123 : vector<16xf32>
      %eq3A_2125 = arith.constant 2 : i32
      %eq3A_2126 = vector.broadcast %eq3A_2125 : i32 to vector<16xi32>
      %eq3A_2127 = arith.cmpi eq, %get3A_2114, %eq3A_2126 : vector<16xi32>
      %select_n3A_2128 = arith.select %eq3A_2127, %broadcast_in_dim3A_396, %broadcast_in_dim3A_398 : vector<16xi1>, vector<16xf32>
      %add3A_2129 = arith.addf %add3A_2083, %select_n3A_2128 : vector<16xf32>
      %eq3A_2130 = arith.constant 3 : i32
      %eq3A_2131 = vector.broadcast %eq3A_2130 : i32 to vector<16xi32>
      %eq3A_2132 = arith.cmpi eq, %get3A_2114, %eq3A_2131 : vector<16xi32>
      %select_n3A_2133 = arith.select %eq3A_2132, %broadcast_in_dim3A_396, %broadcast_in_dim3A_398 : vector<16xi1>, vector<16xf32>
      %add3A_2134 = arith.addf %add3A_2088, %select_n3A_2133 : vector<16xf32>
      %eq3A_2135 = arith.constant 4 : i32
      %eq3A_2136 = vector.broadcast %eq3A_2135 : i32 to vector<16xi32>
      %eq3A_2137 = arith.cmpi eq, %get3A_2114, %eq3A_2136 : vector<16xi32>
      %select_n3A_2138 = arith.select %eq3A_2137, %broadcast_in_dim3A_396, %broadcast_in_dim3A_398 : vector<16xi1>, vector<16xf32>
      %add3A_2139 = arith.addf %add3A_2093, %select_n3A_2138 : vector<16xf32>
      %eq3A_2140 = arith.constant 5 : i32
      %eq3A_2141 = vector.broadcast %eq3A_2140 : i32 to vector<16xi32>
      %eq3A_2142 = arith.cmpi eq, %get3A_2114, %eq3A_2141 : vector<16xi32>
      %select_n3A_2143 = arith.select %eq3A_2142, %broadcast_in_dim3A_396, %broadcast_in_dim3A_398 : vector<16xi1>, vector<16xf32>
      %add3A_2144 = arith.addf %add3A_2098, %select_n3A_2143 : vector<16xf32>
      %eq3A_2145 = arith.constant 6 : i32
      %eq3A_2146 = vector.broadcast %eq3A_2145 : i32 to vector<16xi32>
      %eq3A_2147 = arith.cmpi eq, %get3A_2114, %eq3A_2146 : vector<16xi32>
      %select_n3A_2148 = arith.select %eq3A_2147, %broadcast_in_dim3A_396, %broadcast_in_dim3A_398 : vector<16xi1>, vector<16xf32>
      %add3A_2149 = arith.addf %add3A_2103, %select_n3A_2148 : vector<16xf32>
      %min3A_2150 = arith.minui %get3A_2114, %broadcast_in_dim3A_394 : vector<16xi32>
      %add3A_2151 = arith.addi %min3A_2150, %mul3A_392 : vector<16xi32>
      %swap3A_2152 = arith.constant 1 : i32
      %swap3A_2153 = arith.index_cast %swap3A_2152 : i32 to index
      %swap3A_2154 = arith.constant 48 : index
      %swap3A_2155 = tpu.vector_load %arg10[%swap3A_2153, %swap3A_2154] {strides = array<i32>} : memref<5x80xi32, #tpu.memory_space<vmem>>, vector<1x16xi32>,
      %swap3A_2156 = vector.shape_cast %swap3A_2155 : vector<1x16xi32> to vector<16xi32>
      %swap3A_2157 = vector.shape_cast %add3A_2151 : vector<16xi32> to vector<1x16xi32>
      tpu.vector_store %arg10[%swap3A_2153, %swap3A_2154], %swap3A_2157 {strides = array<i32>} : memref<5x80xi32, #tpu.memory_space<vmem>>, vector<1x16xi32>,
      %get3A_2158 = arith.constant 144 : index
      %get3A_2159 = tpu.vector_load %arg8[%get3A_2158] {strides = array<i32>} : memref<400xi32, #tpu.memory_space<vmem>>, vector<16xi32>,
      %get3A_2160 = vector.shape_cast %get3A_2159 : vector<16xi32> to vector<16xi32>
      %eq3A_2161 = arith.constant 0 : i32
      %eq3A_2162 = vector.broadcast %eq3A_2161 : i32 to vector<16xi32>
      %eq3A_2163 = arith.cmpi eq, %get3A_2160, %eq3A_2162 : vector<16xi32>
      %select_n3A_2164 = arith.select %eq3A_2163, %broadcast_in_dim3A_396, %broadcast_in_dim3A_398 : vector<16xi1>, vector<16xf32>
      %add3A_2165 = arith.addf %add3A_2119, %select_n3A_2164 : vector<16xf32>
      %eq3A_2166 = arith.constant 1 : i32
      %eq3A_2167 = vector.broadcast %eq3A_2166 : i32 to vector<16xi32>
      %eq3A_2168 = arith.cmpi eq, %get3A_2160, %eq3A_2167 : vector<16xi32>
      %select_n3A_2169 = arith.select %eq3A_2168, %broadcast_in_dim3A_396, %broadcast_in_dim3A_398 : vector<16xi1>, vector<16xf32>
      %add3A_2170 = arith.addf %add3A_2124, %select_n3A_2169 : vector<16xf32>
      %eq3A_2171 = arith.constant 2 : i32
      %eq3A_2172 = vector.broadcast %eq3A_2171 : i32 to vector<16xi32>
      %eq3A_2173 = arith.cmpi eq, %get3A_2160, %eq3A_2172 : vector<16xi32>
      %select_n3A_2174 = arith.select %eq3A_2173, %broadcast_in_dim3A_396, %broadcast_in_dim3A_398 : vector<16xi1>, vector<16xf32>
      %add3A_2175 = arith.addf %add3A_2129, %select_n3A_2174 : vector<16xf32>
      %eq3A_2176 = arith.constant 3 : i32
      %eq3A_2177 = vector.broadcast %eq3A_2176 : i32 to vector<16xi32>
      %eq3A_2178 = arith.cmpi eq, %get3A_2160, %eq3A_2177 : vector<16xi32>
      %select_n3A_2179 = arith.select %eq3A_2178, %broadcast_in_dim3A_396, %broadcast_in_dim3A_398 : vector<16xi1>, vector<16xf32>
      %add3A_2180 = arith.addf %add3A_2134, %select_n3A_2179 : vector<16xf32>
      %eq3A_2181 = arith.constant 4 : i32
      %eq3A_2182 = vector.broadcast %eq3A_2181 : i32 to vector<16xi32>
      %eq3A_2183 = arith.cmpi eq, %get3A_2160, %eq3A_2182 : vector<16xi32>
      %select_n3A_2184 = arith.select %eq3A_2183, %broadcast_in_dim3A_396, %broadcast_in_dim3A_398 : vector<16xi1>, vector<16xf32>
      %add3A_2185 = arith.addf %add3A_2139, %select_n3A_2184 : vector<16xf32>
      %eq3A_2186 = arith.constant 5 : i32
      %eq3A_2187 = vector.broadcast %eq3A_2186 : i32 to vector<16xi32>
      %eq3A_2188 = arith.cmpi eq, %get3A_2160, %eq3A_2187 : vector<16xi32>
      %select_n3A_2189 = arith.select %eq3A_2188, %broadcast_in_dim3A_396, %broadcast_in_dim3A_398 : vector<16xi1>, vector<16xf32>
      %add3A_2190 = arith.addf %add3A_2144, %select_n3A_2189 : vector<16xf32>
      %eq3A_2191 = arith.constant 6 : i32
      %eq3A_2192 = vector.broadcast %eq3A_2191 : i32 to vector<16xi32>
      %eq3A_2193 = arith.cmpi eq, %get3A_2160, %eq3A_2192 : vector<16xi32>
      %select_n3A_2194 = arith.select %eq3A_2193, %broadcast_in_dim3A_396, %broadcast_in_dim3A_398 : vector<16xi1>, vector<16xf32>
      %add3A_2195 = arith.addf %add3A_2149, %select_n3A_2194 : vector<16xf32>
      %min3A_2196 = arith.minui %get3A_2160, %broadcast_in_dim3A_394 : vector<16xi32>
      %add3A_2197 = arith.addi %min3A_2196, %mul3A_392 : vector<16xi32>
      %swap3A_2198 = arith.constant 1 : i32
      %swap3A_2199 = arith.index_cast %swap3A_2198 : i32 to index
      %swap3A_2200 = arith.constant 64 : index
      %swap3A_2201 = tpu.vector_load %arg10[%swap3A_2199, %swap3A_2200] {strides = array<i32>} : memref<5x80xi32, #tpu.memory_space<vmem>>, vector<1x16xi32>,
      %swap3A_2202 = vector.shape_cast %swap3A_2201 : vector<1x16xi32> to vector<16xi32>
      %swap3A_2203 = vector.shape_cast %add3A_2197 : vector<16xi32> to vector<1x16xi32>
      tpu.vector_store %arg10[%swap3A_2199, %swap3A_2200], %swap3A_2203 {strides = array<i32>} : memref<5x80xi32, #tpu.memory_space<vmem>>, vector<1x16xi32>,
      %get3A_2204 = arith.constant 160 : index
      %get3A_2205 = tpu.vector_load %arg8[%get3A_2204] {strides = array<i32>} : memref<400xi32, #tpu.memory_space<vmem>>, vector<16xi32>,
      %get3A_2206 = vector.shape_cast %get3A_2205 : vector<16xi32> to vector<16xi32>
      %eq3A_2207 = arith.constant 0 : i32
      %eq3A_2208 = vector.broadcast %eq3A_2207 : i32 to vector<16xi32>
      %eq3A_2209 = arith.cmpi eq, %get3A_2206, %eq3A_2208 : vector<16xi32>
      %select_n3A_2210 = arith.select %eq3A_2209, %broadcast_in_dim3A_396, %broadcast_in_dim3A_398 : vector<16xi1>, vector<16xf32>
      %add3A_2211 = arith.addf %add3A_2165, %select_n3A_2210 : vector<16xf32>
      %eq3A_2212 = arith.constant 1 : i32
      %eq3A_2213 = vector.broadcast %eq3A_2212 : i32 to vector<16xi32>
      %eq3A_2214 = arith.cmpi eq, %get3A_2206, %eq3A_2213 : vector<16xi32>
      %select_n3A_2215 = arith.select %eq3A_2214, %broadcast_in_dim3A_396, %broadcast_in_dim3A_398 : vector<16xi1>, vector<16xf32>
      %add3A_2216 = arith.addf %add3A_2170, %select_n3A_2215 : vector<16xf32>
      %eq3A_2217 = arith.constant 2 : i32
      %eq3A_2218 = vector.broadcast %eq3A_2217 : i32 to vector<16xi32>
      %eq3A_2219 = arith.cmpi eq, %get3A_2206, %eq3A_2218 : vector<16xi32>
      %select_n3A_2220 = arith.select %eq3A_2219, %broadcast_in_dim3A_396, %broadcast_in_dim3A_398 : vector<16xi1>, vector<16xf32>
      %add3A_2221 = arith.addf %add3A_2175, %select_n3A_2220 : vector<16xf32>
      %eq3A_2222 = arith.constant 3 : i32
      %eq3A_2223 = vector.broadcast %eq3A_2222 : i32 to vector<16xi32>
      %eq3A_2224 = arith.cmpi eq, %get3A_2206, %eq3A_2223 : vector<16xi32>
      %select_n3A_2225 = arith.select %eq3A_2224, %broadcast_in_dim3A_396, %broadcast_in_dim3A_398 : vector<16xi1>, vector<16xf32>
      %add3A_2226 = arith.addf %add3A_2180, %select_n3A_2225 : vector<16xf32>
      %eq3A_2227 = arith.constant 4 : i32
      %eq3A_2228 = vector.broadcast %eq3A_2227 : i32 to vector<16xi32>
      %eq3A_2229 = arith.cmpi eq, %get3A_2206, %eq3A_2228 : vector<16xi32>
      %select_n3A_2230 = arith.select %eq3A_2229, %broadcast_in_dim3A_396, %broadcast_in_dim3A_398 : vector<16xi1>, vector<16xf32>
      %add3A_2231 = arith.addf %add3A_2185, %select_n3A_2230 : vector<16xf32>
      %eq3A_2232 = arith.constant 5 : i32
      %eq3A_2233 = vector.broadcast %eq3A_2232 : i32 to vector<16xi32>
      %eq3A_2234 = arith.cmpi eq, %get3A_2206, %eq3A_2233 : vector<16xi32>
      %select_n3A_2235 = arith.select %eq3A_2234, %broadcast_in_dim3A_396, %broadcast_in_dim3A_398 : vector<16xi1>, vector<16xf32>
      %add3A_2236 = arith.addf %add3A_2190, %select_n3A_2235 : vector<16xf32>
      %eq3A_2237 = arith.constant 6 : i32
      %eq3A_2238 = vector.broadcast %eq3A_2237 : i32 to vector<16xi32>
      %eq3A_2239 = arith.cmpi eq, %get3A_2206, %eq3A_2238 : vector<16xi32>
      %select_n3A_2240 = arith.select %eq3A_2239, %broadcast_in_dim3A_396, %broadcast_in_dim3A_398 : vector<16xi1>, vector<16xf32>
      %add3A_2241 = arith.addf %add3A_2195, %select_n3A_2240 : vector<16xf32>
      %min3A_2242 = arith.minui %get3A_2206, %broadcast_in_dim3A_394 : vector<16xi32>
      %add3A_2243 = arith.addi %min3A_2242, %mul3A_392 : vector<16xi32>
      %swap3A_2244 = arith.constant 2 : i32
      %swap3A_2245 = arith.index_cast %swap3A_2244 : i32 to index
      %swap3A_2246 = arith.constant 0 : index
      %swap3A_2247 = tpu.vector_load %arg10[%swap3A_2245, %swap3A_2246] {strides = array<i32>} : memref<5x80xi32, #tpu.memory_space<vmem>>, vector<1x16xi32>,
      %swap3A_2248 = vector.shape_cast %swap3A_2247 : vector<1x16xi32> to vector<16xi32>
      %swap3A_2249 = vector.shape_cast %add3A_2243 : vector<16xi32> to vector<1x16xi32>
      tpu.vector_store %arg10[%swap3A_2245, %swap3A_2246], %swap3A_2249 {strides = array<i32>} : memref<5x80xi32, #tpu.memory_space<vmem>>, vector<1x16xi32>,
      %get3A_2250 = arith.constant 176 : index
      %get3A_2251 = tpu.vector_load %arg8[%get3A_2250] {strides = array<i32>} : memref<400xi32, #tpu.memory_space<vmem>>, vector<16xi32>,
      %get3A_2252 = vector.shape_cast %get3A_2251 : vector<16xi32> to vector<16xi32>
      %eq3A_2253 = arith.constant 0 : i32
      %eq3A_2254 = vector.broadcast %eq3A_2253 : i32 to vector<16xi32>
      %eq3A_2255 = arith.cmpi eq, %get3A_2252, %eq3A_2254 : vector<16xi32>
      %select_n3A_2256 = arith.select %eq3A_2255, %broadcast_in_dim3A_396, %broadcast_in_dim3A_398 : vector<16xi1>, vector<16xf32>
      %add3A_2257 = arith.addf %add3A_2211, %select_n3A_2256 : vector<16xf32>
      %eq3A_2258 = arith.constant 1 : i32
      %eq3A_2259 = vector.broadcast %eq3A_2258 : i32 to vector<16xi32>
      %eq3A_2260 = arith.cmpi eq, %get3A_2252, %eq3A_2259 : vector<16xi32>
      %select_n3A_2261 = arith.select %eq3A_2260, %broadcast_in_dim3A_396, %broadcast_in_dim3A_398 : vector<16xi1>, vector<16xf32>
      %add3A_2262 = arith.addf %add3A_2216, %select_n3A_2261 : vector<16xf32>
      %eq3A_2263 = arith.constant 2 : i32
      %eq3A_2264 = vector.broadcast %eq3A_2263 : i32 to vector<16xi32>
      %eq3A_2265 = arith.cmpi eq, %get3A_2252, %eq3A_2264 : vector<16xi32>
      %select_n3A_2266 = arith.select %eq3A_2265, %broadcast_in_dim3A_396, %broadcast_in_dim3A_398 : vector<16xi1>, vector<16xf32>
      %add3A_2267 = arith.addf %add3A_2221, %select_n3A_2266 : vector<16xf32>
      %eq3A_2268 = arith.constant 3 : i32
      %eq3A_2269 = vector.broadcast %eq3A_2268 : i32 to vector<16xi32>
      %eq3A_2270 = arith.cmpi eq, %get3A_2252, %eq3A_2269 : vector<16xi32>
      %select_n3A_2271 = arith.select %eq3A_2270, %broadcast_in_dim3A_396, %broadcast_in_dim3A_398 : vector<16xi1>, vector<16xf32>
      %add3A_2272 = arith.addf %add3A_2226, %select_n3A_2271 : vector<16xf32>
      %eq3A_2273 = arith.constant 4 : i32
      %eq3A_2274 = vector.broadcast %eq3A_2273 : i32 to vector<16xi32>
      %eq3A_2275 = arith.cmpi eq, %get3A_2252, %eq3A_2274 : vector<16xi32>
      %select_n3A_2276 = arith.select %eq3A_2275, %broadcast_in_dim3A_396, %broadcast_in_dim3A_398 : vector<16xi1>, vector<16xf32>
      %add3A_2277 = arith.addf %add3A_2231, %select_n3A_2276 : vector<16xf32>
      %eq3A_2278 = arith.constant 5 : i32
      %eq3A_2279 = vector.broadcast %eq3A_2278 : i32 to vector<16xi32>
      %eq3A_2280 = arith.cmpi eq, %get3A_2252, %eq3A_2279 : vector<16xi32>
      %select_n3A_2281 = arith.select %eq3A_2280, %broadcast_in_dim3A_396, %broadcast_in_dim3A_398 : vector<16xi1>, vector<16xf32>
      %add3A_2282 = arith.addf %add3A_2236, %select_n3A_2281 : vector<16xf32>
      %eq3A_2283 = arith.constant 6 : i32
      %eq3A_2284 = vector.broadcast %eq3A_2283 : i32 to vector<16xi32>
      %eq3A_2285 = arith.cmpi eq, %get3A_2252, %eq3A_2284 : vector<16xi32>
      %select_n3A_2286 = arith.select %eq3A_2285, %broadcast_in_dim3A_396, %broadcast_in_dim3A_398 : vector<16xi1>, vector<16xf32>
      %add3A_2287 = arith.addf %add3A_2241, %select_n3A_2286 : vector<16xf32>
      %min3A_2288 = arith.minui %get3A_2252, %broadcast_in_dim3A_394 : vector<16xi32>
      %add3A_2289 = arith.addi %min3A_2288, %mul3A_392 : vector<16xi32>
      %swap3A_2290 = arith.constant 2 : i32
      %swap3A_2291 = arith.index_cast %swap3A_2290 : i32 to index
      %swap3A_2292 = arith.constant 16 : index
      %swap3A_2293 = tpu.vector_load %arg10[%swap3A_2291, %swap3A_2292] {strides = array<i32>} : memref<5x80xi32, #tpu.memory_space<vmem>>, vector<1x16xi32>,
      %swap3A_2294 = vector.shape_cast %swap3A_2293 : vector<1x16xi32> to vector<16xi32>
      %swap3A_2295 = vector.shape_cast %add3A_2289 : vector<16xi32> to vector<1x16xi32>
      tpu.vector_store %arg10[%swap3A_2291, %swap3A_2292], %swap3A_2295 {strides = array<i32>} : memref<5x80xi32, #tpu.memory_space<vmem>>, vector<1x16xi32>,
      %get3A_2296 = arith.constant 192 : index
      %get3A_2297 = tpu.vector_load %arg8[%get3A_2296] {strides = array<i32>} : memref<400xi32, #tpu.memory_space<vmem>>, vector<16xi32>,
      %get3A_2298 = vector.shape_cast %get3A_2297 : vector<16xi32> to vector<16xi32>
      %eq3A_2299 = arith.constant 0 : i32
      %eq3A_2300 = vector.broadcast %eq3A_2299 : i32 to vector<16xi32>
      %eq3A_2301 = arith.cmpi eq, %get3A_2298, %eq3A_2300 : vector<16xi32>
      %select_n3A_2302 = arith.select %eq3A_2301, %broadcast_in_dim3A_396, %broadcast_in_dim3A_398 : vector<16xi1>, vector<16xf32>
      %add3A_2303 = arith.addf %add3A_2257, %select_n3A_2302 : vector<16xf32>
      %eq3A_2304 = arith.constant 1 : i32
      %eq3A_2305 = vector.broadcast %eq3A_2304 : i32 to vector<16xi32>
      %eq3A_2306 = arith.cmpi eq, %get3A_2298, %eq3A_2305 : vector<16xi32>
      %select_n3A_2307 = arith.select %eq3A_2306, %broadcast_in_dim3A_396, %broadcast_in_dim3A_398 : vector<16xi1>, vector<16xf32>
      %add3A_2308 = arith.addf %add3A_2262, %select_n3A_2307 : vector<16xf32>
      %eq3A_2309 = arith.constant 2 : i32
      %eq3A_2310 = vector.broadcast %eq3A_2309 : i32 to vector<16xi32>
      %eq3A_2311 = arith.cmpi eq, %get3A_2298, %eq3A_2310 : vector<16xi32>
      %select_n3A_2312 = arith.select %eq3A_2311, %broadcast_in_dim3A_396, %broadcast_in_dim3A_398 : vector<16xi1>, vector<16xf32>
      %add3A_2313 = arith.addf %add3A_2267, %select_n3A_2312 : vector<16xf32>
      %eq3A_2314 = arith.constant 3 : i32
      %eq3A_2315 = vector.broadcast %eq3A_2314 : i32 to vector<16xi32>
      %eq3A_2316 = arith.cmpi eq, %get3A_2298, %eq3A_2315 : vector<16xi32>
      %select_n3A_2317 = arith.select %eq3A_2316, %broadcast_in_dim3A_396, %broadcast_in_dim3A_398 : vector<16xi1>, vector<16xf32>
      %add3A_2318 = arith.addf %add3A_2272, %select_n3A_2317 : vector<16xf32>
      %eq3A_2319 = arith.constant 4 : i32
      %eq3A_2320 = vector.broadcast %eq3A_2319 : i32 to vector<16xi32>
      %eq3A_2321 = arith.cmpi eq, %get3A_2298, %eq3A_2320 : vector<16xi32>
      %select_n3A_2322 = arith.select %eq3A_2321, %broadcast_in_dim3A_396, %broadcast_in_dim3A_398 : vector<16xi1>, vector<16xf32>
      %add3A_2323 = arith.addf %add3A_2277, %select_n3A_2322 : vector<16xf32>
      %eq3A_2324 = arith.constant 5 : i32
      %eq3A_2325 = vector.broadcast %eq3A_2324 : i32 to vector<16xi32>
      %eq3A_2326 = arith.cmpi eq, %get3A_2298, %eq3A_2325 : vector<16xi32>
      %select_n3A_2327 = arith.select %eq3A_2326, %broadcast_in_dim3A_396, %broadcast_in_dim3A_398 : vector<16xi1>, vector<16xf32>
      %add3A_2328 = arith.addf %add3A_2282, %select_n3A_2327 : vector<16xf32>
      %eq3A_2329 = arith.constant 6 : i32
      %eq3A_2330 = vector.broadcast %eq3A_2329 : i32 to vector<16xi32>
      %eq3A_2331 = arith.cmpi eq, %get3A_2298, %eq3A_2330 : vector<16xi32>
      %select_n3A_2332 = arith.select %eq3A_2331, %broadcast_in_dim3A_396, %broadcast_in_dim3A_398 : vector<16xi1>, vector<16xf32>
      %add3A_2333 = arith.addf %add3A_2287, %select_n3A_2332 : vector<16xf32>
      %min3A_2334 = arith.minui %get3A_2298, %broadcast_in_dim3A_394 : vector<16xi32>
      %add3A_2335 = arith.addi %min3A_2334, %mul3A_392 : vector<16xi32>
      %swap3A_2336 = arith.constant 2 : i32
      %swap3A_2337 = arith.index_cast %swap3A_2336 : i32 to index
      %swap3A_2338 = arith.constant 32 : index
      %swap3A_2339 = tpu.vector_load %arg10[%swap3A_2337, %swap3A_2338] {strides = array<i32>} : memref<5x80xi32, #tpu.memory_space<vmem>>, vector<1x16xi32>,
      %swap3A_2340 = vector.shape_cast %swap3A_2339 : vector<1x16xi32> to vector<16xi32>
      %swap3A_2341 = vector.shape_cast %add3A_2335 : vector<16xi32> to vector<1x16xi32>
      tpu.vector_store %arg10[%swap3A_2337, %swap3A_2338], %swap3A_2341 {strides = array<i32>} : memref<5x80xi32, #tpu.memory_space<vmem>>, vector<1x16xi32>,
      %get3A_2342 = arith.constant 208 : index
      %get3A_2343 = tpu.vector_load %arg8[%get3A_2342] {strides = array<i32>} : memref<400xi32, #tpu.memory_space<vmem>>, vector<16xi32>,
      %get3A_2344 = vector.shape_cast %get3A_2343 : vector<16xi32> to vector<16xi32>
      %eq3A_2345 = arith.constant 0 : i32
      %eq3A_2346 = vector.broadcast %eq3A_2345 : i32 to vector<16xi32>
      %eq3A_2347 = arith.cmpi eq, %get3A_2344, %eq3A_2346 : vector<16xi32>
      %select_n3A_2348 = arith.select %eq3A_2347, %broadcast_in_dim3A_396, %broadcast_in_dim3A_398 : vector<16xi1>, vector<16xf32>
      %add3A_2349 = arith.addf %add3A_2303, %select_n3A_2348 : vector<16xf32>
      %eq3A_2350 = arith.constant 1 : i32
      %eq3A_2351 = vector.broadcast %eq3A_2350 : i32 to vector<16xi32>
      %eq3A_2352 = arith.cmpi eq, %get3A_2344, %eq3A_2351 : vector<16xi32>
      %select_n3A_2353 = arith.select %eq3A_2352, %broadcast_in_dim3A_396, %broadcast_in_dim3A_398 : vector<16xi1>, vector<16xf32>
      %add3A_2354 = arith.addf %add3A_2308, %select_n3A_2353 : vector<16xf32>
      %eq3A_2355 = arith.constant 2 : i32
      %eq3A_2356 = vector.broadcast %eq3A_2355 : i32 to vector<16xi32>
      %eq3A_2357 = arith.cmpi eq, %get3A_2344, %eq3A_2356 : vector<16xi32>
      %select_n3A_2358 = arith.select %eq3A_2357, %broadcast_in_dim3A_396, %broadcast_in_dim3A_398 : vector<16xi1>, vector<16xf32>
      %add3A_2359 = arith.addf %add3A_2313, %select_n3A_2358 : vector<16xf32>
      %eq3A_2360 = arith.constant 3 : i32
      %eq3A_2361 = vector.broadcast %eq3A_2360 : i32 to vector<16xi32>
      %eq3A_2362 = arith.cmpi eq, %get3A_2344, %eq3A_2361 : vector<16xi32>
      %select_n3A_2363 = arith.select %eq3A_2362, %broadcast_in_dim3A_396, %broadcast_in_dim3A_398 : vector<16xi1>, vector<16xf32>
      %add3A_2364 = arith.addf %add3A_2318, %select_n3A_2363 : vector<16xf32>
      %eq3A_2365 = arith.constant 4 : i32
      %eq3A_2366 = vector.broadcast %eq3A_2365 : i32 to vector<16xi32>
      %eq3A_2367 = arith.cmpi eq, %get3A_2344, %eq3A_2366 : vector<16xi32>
      %select_n3A_2368 = arith.select %eq3A_2367, %broadcast_in_dim3A_396, %broadcast_in_dim3A_398 : vector<16xi1>, vector<16xf32>
      %add3A_2369 = arith.addf %add3A_2323, %select_n3A_2368 : vector<16xf32>
      %eq3A_2370 = arith.constant 5 : i32
      %eq3A_2371 = vector.broadcast %eq3A_2370 : i32 to vector<16xi32>
      %eq3A_2372 = arith.cmpi eq, %get3A_2344, %eq3A_2371 : vector<16xi32>
      %select_n3A_2373 = arith.select %eq3A_2372, %broadcast_in_dim3A_396, %broadcast_in_dim3A_398 : vector<16xi1>, vector<16xf32>
      %add3A_2374 = arith.addf %add3A_2328, %select_n3A_2373 : vector<16xf32>
      %eq3A_2375 = arith.constant 6 : i32
      %eq3A_2376 = vector.broadcast %eq3A_2375 : i32 to vector<16xi32>
      %eq3A_2377 = arith.cmpi eq, %get3A_2344, %eq3A_2376 : vector<16xi32>
      %select_n3A_2378 = arith.select %eq3A_2377, %broadcast_in_dim3A_396, %broadcast_in_dim3A_398 : vector<16xi1>, vector<16xf32>
      %add3A_2379 = arith.addf %add3A_2333, %select_n3A_2378 : vector<16xf32>
      %min3A_2380 = arith.minui %get3A_2344, %broadcast_in_dim3A_394 : vector<16xi32>
      %add3A_2381 = arith.addi %min3A_2380, %mul3A_392 : vector<16xi32>
      %swap3A_2382 = arith.constant 2 : i32
      %swap3A_2383 = arith.index_cast %swap3A_2382 : i32 to index
      %swap3A_2384 = arith.constant 48 : index
      %swap3A_2385 = tpu.vector_load %arg10[%swap3A_2383, %swap3A_2384] {strides = array<i32>} : memref<5x80xi32, #tpu.memory_space<vmem>>, vector<1x16xi32>,
      %swap3A_2386 = vector.shape_cast %swap3A_2385 : vector<1x16xi32> to vector<16xi32>
      %swap3A_2387 = vector.shape_cast %add3A_2381 : vector<16xi32> to vector<1x16xi32>
      tpu.vector_store %arg10[%swap3A_2383, %swap3A_2384], %swap3A_2387 {strides = array<i32>} : memref<5x80xi32, #tpu.memory_space<vmem>>, vector<1x16xi32>,
      %get3A_2388 = arith.constant 224 : index
      %get3A_2389 = tpu.vector_load %arg8[%get3A_2388] {strides = array<i32>} : memref<400xi32, #tpu.memory_space<vmem>>, vector<16xi32>,
      %get3A_2390 = vector.shape_cast %get3A_2389 : vector<16xi32> to vector<16xi32>
      %eq3A_2391 = arith.constant 0 : i32
      %eq3A_2392 = vector.broadcast %eq3A_2391 : i32 to vector<16xi32>
      %eq3A_2393 = arith.cmpi eq, %get3A_2390, %eq3A_2392 : vector<16xi32>
      %select_n3A_2394 = arith.select %eq3A_2393, %broadcast_in_dim3A_396, %broadcast_in_dim3A_398 : vector<16xi1>, vector<16xf32>
      %add3A_2395 = arith.addf %add3A_2349, %select_n3A_2394 : vector<16xf32>
      %eq3A_2396 = arith.constant 1 : i32
      %eq3A_2397 = vector.broadcast %eq3A_2396 : i32 to vector<16xi32>
      %eq3A_2398 = arith.cmpi eq, %get3A_2390, %eq3A_2397 : vector<16xi32>
      %select_n3A_2399 = arith.select %eq3A_2398, %broadcast_in_dim3A_396, %broadcast_in_dim3A_398 : vector<16xi1>, vector<16xf32>
      %add3A_2400 = arith.addf %add3A_2354, %select_n3A_2399 : vector<16xf32>
      %eq3A_2401 = arith.constant 2 : i32
      %eq3A_2402 = vector.broadcast %eq3A_2401 : i32 to vector<16xi32>
      %eq3A_2403 = arith.cmpi eq, %get3A_2390, %eq3A_2402 : vector<16xi32>
      %select_n3A_2404 = arith.select %eq3A_2403, %broadcast_in_dim3A_396, %broadcast_in_dim3A_398 : vector<16xi1>, vector<16xf32>
      %add3A_2405 = arith.addf %add3A_2359, %select_n3A_2404 : vector<16xf32>
      %eq3A_2406 = arith.constant 3 : i32
      %eq3A_2407 = vector.broadcast %eq3A_2406 : i32 to vector<16xi32>
      %eq3A_2408 = arith.cmpi eq, %get3A_2390, %eq3A_2407 : vector<16xi32>
      %select_n3A_2409 = arith.select %eq3A_2408, %broadcast_in_dim3A_396, %broadcast_in_dim3A_398 : vector<16xi1>, vector<16xf32>
      %add3A_2410 = arith.addf %add3A_2364, %select_n3A_2409 : vector<16xf32>
      %eq3A_2411 = arith.constant 4 : i32
      %eq3A_2412 = vector.broadcast %eq3A_2411 : i32 to vector<16xi32>
      %eq3A_2413 = arith.cmpi eq, %get3A_2390, %eq3A_2412 : vector<16xi32>
      %select_n3A_2414 = arith.select %eq3A_2413, %broadcast_in_dim3A_396, %broadcast_in_dim3A_398 : vector<16xi1>, vector<16xf32>
      %add3A_2415 = arith.addf %add3A_2369, %select_n3A_2414 : vector<16xf32>
      %eq3A_2416 = arith.constant 5 : i32
      %eq3A_2417 = vector.broadcast %eq3A_2416 : i32 to vector<16xi32>
      %eq3A_2418 = arith.cmpi eq, %get3A_2390, %eq3A_2417 : vector<16xi32>
      %select_n3A_2419 = arith.select %eq3A_2418, %broadcast_in_dim3A_396, %broadcast_in_dim3A_398 : vector<16xi1>, vector<16xf32>
      %add3A_2420 = arith.addf %add3A_2374, %select_n3A_2419 : vector<16xf32>
      %eq3A_2421 = arith.constant 6 : i32
      %eq3A_2422 = vector.broadcast %eq3A_2421 : i32 to vector<16xi32>
      %eq3A_2423 = arith.cmpi eq, %get3A_2390, %eq3A_2422 : vector<16xi32>
      %select_n3A_2424 = arith.select %eq3A_2423, %broadcast_in_dim3A_396, %broadcast_in_dim3A_398 : vector<16xi1>, vector<16xf32>
      %add3A_2425 = arith.addf %add3A_2379, %select_n3A_2424 : vector<16xf32>
      %min3A_2426 = arith.minui %get3A_2390, %broadcast_in_dim3A_394 : vector<16xi32>
      %add3A_2427 = arith.addi %min3A_2426, %mul3A_392 : vector<16xi32>
      %swap3A_2428 = arith.constant 2 : i32
      %swap3A_2429 = arith.index_cast %swap3A_2428 : i32 to index
      %swap3A_2430 = arith.constant 64 : index
      %swap3A_2431 = tpu.vector_load %arg10[%swap3A_2429, %swap3A_2430] {strides = array<i32>} : memref<5x80xi32, #tpu.memory_space<vmem>>, vector<1x16xi32>,
      %swap3A_2432 = vector.shape_cast %swap3A_2431 : vector<1x16xi32> to vector<16xi32>
      %swap3A_2433 = vector.shape_cast %add3A_2427 : vector<16xi32> to vector<1x16xi32>
      tpu.vector_store %arg10[%swap3A_2429, %swap3A_2430], %swap3A_2433 {strides = array<i32>} : memref<5x80xi32, #tpu.memory_space<vmem>>, vector<1x16xi32>,
      %get3A_2434 = arith.constant 240 : index
      %get3A_2435 = tpu.vector_load %arg8[%get3A_2434] {strides = array<i32>} : memref<400xi32, #tpu.memory_space<vmem>>, vector<16xi32>,
      %get3A_2436 = vector.shape_cast %get3A_2435 : vector<16xi32> to vector<16xi32>
      %eq3A_2437 = arith.constant 0 : i32
      %eq3A_2438 = vector.broadcast %eq3A_2437 : i32 to vector<16xi32>
      %eq3A_2439 = arith.cmpi eq, %get3A_2436, %eq3A_2438 : vector<16xi32>
      %select_n3A_2440 = arith.select %eq3A_2439, %broadcast_in_dim3A_396, %broadcast_in_dim3A_398 : vector<16xi1>, vector<16xf32>
      %add3A_2441 = arith.addf %add3A_2395, %select_n3A_2440 : vector<16xf32>
      %eq3A_2442 = arith.constant 1 : i32
      %eq3A_2443 = vector.broadcast %eq3A_2442 : i32 to vector<16xi32>
      %eq3A_2444 = arith.cmpi eq, %get3A_2436, %eq3A_2443 : vector<16xi32>
      %select_n3A_2445 = arith.select %eq3A_2444, %broadcast_in_dim3A_396, %broadcast_in_dim3A_398 : vector<16xi1>, vector<16xf32>
      %add3A_2446 = arith.addf %add3A_2400, %select_n3A_2445 : vector<16xf32>
      %eq3A_2447 = arith.constant 2 : i32
      %eq3A_2448 = vector.broadcast %eq3A_2447 : i32 to vector<16xi32>
      %eq3A_2449 = arith.cmpi eq, %get3A_2436, %eq3A_2448 : vector<16xi32>
      %select_n3A_2450 = arith.select %eq3A_2449, %broadcast_in_dim3A_396, %broadcast_in_dim3A_398 : vector<16xi1>, vector<16xf32>
      %add3A_2451 = arith.addf %add3A_2405, %select_n3A_2450 : vector<16xf32>
      %eq3A_2452 = arith.constant 3 : i32
      %eq3A_2453 = vector.broadcast %eq3A_2452 : i32 to vector<16xi32>
      %eq3A_2454 = arith.cmpi eq, %get3A_2436, %eq3A_2453 : vector<16xi32>
      %select_n3A_2455 = arith.select %eq3A_2454, %broadcast_in_dim3A_396, %broadcast_in_dim3A_398 : vector<16xi1>, vector<16xf32>
      %add3A_2456 = arith.addf %add3A_2410, %select_n3A_2455 : vector<16xf32>
      %eq3A_2457 = arith.constant 4 : i32
      %eq3A_2458 = vector.broadcast %eq3A_2457 : i32 to vector<16xi32>
      %eq3A_2459 = arith.cmpi eq, %get3A_2436, %eq3A_2458 : vector<16xi32>
      %select_n3A_2460 = arith.select %eq3A_2459, %broadcast_in_dim3A_396, %broadcast_in_dim3A_398 : vector<16xi1>, vector<16xf32>
      %add3A_2461 = arith.addf %add3A_2415, %select_n3A_2460 : vector<16xf32>
      %eq3A_2462 = arith.constant 5 : i32
      %eq3A_2463 = vector.broadcast %eq3A_2462 : i32 to vector<16xi32>
      %eq3A_2464 = arith.cmpi eq, %get3A_2436, %eq3A_2463 : vector<16xi32>
      %select_n3A_2465 = arith.select %eq3A_2464, %broadcast_in_dim3A_396, %broadcast_in_dim3A_398 : vector<16xi1>, vector<16xf32>
      %add3A_2466 = arith.addf %add3A_2420, %select_n3A_2465 : vector<16xf32>
      %eq3A_2467 = arith.constant 6 : i32
      %eq3A_2468 = vector.broadcast %eq3A_2467 : i32 to vector<16xi32>
      %eq3A_2469 = arith.cmpi eq, %get3A_2436, %eq3A_2468 : vector<16xi32>
      %select_n3A_2470 = arith.select %eq3A_2469, %broadcast_in_dim3A_396, %broadcast_in_dim3A_398 : vector<16xi1>, vector<16xf32>
      %add3A_2471 = arith.addf %add3A_2425, %select_n3A_2470 : vector<16xf32>
      %min3A_2472 = arith.minui %get3A_2436, %broadcast_in_dim3A_394 : vector<16xi32>
      %add3A_2473 = arith.addi %min3A_2472, %mul3A_392 : vector<16xi32>
      %swap3A_2474 = arith.constant 3 : i32
      %swap3A_2475 = arith.index_cast %swap3A_2474 : i32 to index
      %swap3A_2476 = arith.constant 0 : index
      %swap3A_2477 = tpu.vector_load %arg10[%swap3A_2475, %swap3A_2476] {strides = array<i32>} : memref<5x80xi32, #tpu.memory_space<vmem>>, vector<1x16xi32>,
      %swap3A_2478 = vector.shape_cast %swap3A_2477 : vector<1x16xi32> to vector<16xi32>
      %swap3A_2479 = vector.shape_cast %add3A_2473 : vector<16xi32> to vector<1x16xi32>
      tpu.vector_store %arg10[%swap3A_2475, %swap3A_2476], %swap3A_2479 {strides = array<i32>} : memref<5x80xi32, #tpu.memory_space<vmem>>, vector<1x16xi32>,
      %get3A_2480 = arith.constant 256 : index
      %get3A_2481 = tpu.vector_load %arg8[%get3A_2480] {strides = array<i32>} : memref<400xi32, #tpu.memory_space<vmem>>, vector<16xi32>,
      %get3A_2482 = vector.shape_cast %get3A_2481 : vector<16xi32> to vector<16xi32>
      %eq3A_2483 = arith.constant 0 : i32
      %eq3A_2484 = vector.broadcast %eq3A_2483 : i32 to vector<16xi32>
      %eq3A_2485 = arith.cmpi eq, %get3A_2482, %eq3A_2484 : vector<16xi32>
      %select_n3A_2486 = arith.select %eq3A_2485, %broadcast_in_dim3A_396, %broadcast_in_dim3A_398 : vector<16xi1>, vector<16xf32>
      %add3A_2487 = arith.addf %add3A_2441, %select_n3A_2486 : vector<16xf32>
      %eq3A_2488 = arith.constant 1 : i32
      %eq3A_2489 = vector.broadcast %eq3A_2488 : i32 to vector<16xi32>
      %eq3A_2490 = arith.cmpi eq, %get3A_2482, %eq3A_2489 : vector<16xi32>
      %select_n3A_2491 = arith.select %eq3A_2490, %broadcast_in_dim3A_396, %broadcast_in_dim3A_398 : vector<16xi1>, vector<16xf32>
      %add3A_2492 = arith.addf %add3A_2446, %select_n3A_2491 : vector<16xf32>
      %eq3A_2493 = arith.constant 2 : i32
      %eq3A_2494 = vector.broadcast %eq3A_2493 : i32 to vector<16xi32>
      %eq3A_2495 = arith.cmpi eq, %get3A_2482, %eq3A_2494 : vector<16xi32>
      %select_n3A_2496 = arith.select %eq3A_2495, %broadcast_in_dim3A_396, %broadcast_in_dim3A_398 : vector<16xi1>, vector<16xf32>
      %add3A_2497 = arith.addf %add3A_2451, %select_n3A_2496 : vector<16xf32>
      %eq3A_2498 = arith.constant 3 : i32
      %eq3A_2499 = vector.broadcast %eq3A_2498 : i32 to vector<16xi32>
      %eq3A_2500 = arith.cmpi eq, %get3A_2482, %eq3A_2499 : vector<16xi32>
      %select_n3A_2501 = arith.select %eq3A_2500, %broadcast_in_dim3A_396, %broadcast_in_dim3A_398 : vector<16xi1>, vector<16xf32>
      %add3A_2502 = arith.addf %add3A_2456, %select_n3A_2501 : vector<16xf32>
      %eq3A_2503 = arith.constant 4 : i32
      %eq3A_2504 = vector.broadcast %eq3A_2503 : i32 to vector<16xi32>
      %eq3A_2505 = arith.cmpi eq, %get3A_2482, %eq3A_2504 : vector<16xi32>
      %select_n3A_2506 = arith.select %eq3A_2505, %broadcast_in_dim3A_396, %broadcast_in_dim3A_398 : vector<16xi1>, vector<16xf32>
      %add3A_2507 = arith.addf %add3A_2461, %select_n3A_2506 : vector<16xf32>
      %eq3A_2508 = arith.constant 5 : i32
      %eq3A_2509 = vector.broadcast %eq3A_2508 : i32 to vector<16xi32>
      %eq3A_2510 = arith.cmpi eq, %get3A_2482, %eq3A_2509 : vector<16xi32>
      %select_n3A_2511 = arith.select %eq3A_2510, %broadcast_in_dim3A_396, %broadcast_in_dim3A_398 : vector<16xi1>, vector<16xf32>
      %add3A_2512 = arith.addf %add3A_2466, %select_n3A_2511 : vector<16xf32>
      %eq3A_2513 = arith.constant 6 : i32
      %eq3A_2514 = vector.broadcast %eq3A_2513 : i32 to vector<16xi32>
      %eq3A_2515 = arith.cmpi eq, %get3A_2482, %eq3A_2514 : vector<16xi32>
      %select_n3A_2516 = arith.select %eq3A_2515, %broadcast_in_dim3A_396, %broadcast_in_dim3A_398 : vector<16xi1>, vector<16xf32>
      %add3A_2517 = arith.addf %add3A_2471, %select_n3A_2516 : vector<16xf32>
      %min3A_2518 = arith.minui %get3A_2482, %broadcast_in_dim3A_394 : vector<16xi32>
      %add3A_2519 = arith.addi %min3A_2518, %mul3A_392 : vector<16xi32>
      %swap3A_2520 = arith.constant 3 : i32
      %swap3A_2521 = arith.index_cast %swap3A_2520 : i32 to index
      %swap3A_2522 = arith.constant 16 : index
      %swap3A_2523 = tpu.vector_load %arg10[%swap3A_2521, %swap3A_2522] {strides = array<i32>} : memref<5x80xi32, #tpu.memory_space<vmem>>, vector<1x16xi32>,
      %swap3A_2524 = vector.shape_cast %swap3A_2523 : vector<1x16xi32> to vector<16xi32>
      %swap3A_2525 = vector.shape_cast %add3A_2519 : vector<16xi32> to vector<1x16xi32>
      tpu.vector_store %arg10[%swap3A_2521, %swap3A_2522], %swap3A_2525 {strides = array<i32>} : memref<5x80xi32, #tpu.memory_space<vmem>>, vector<1x16xi32>,
      %get3A_2526 = arith.constant 272 : index
      %get3A_2527 = tpu.vector_load %arg8[%get3A_2526] {strides = array<i32>} : memref<400xi32, #tpu.memory_space<vmem>>, vector<16xi32>,
      %get3A_2528 = vector.shape_cast %get3A_2527 : vector<16xi32> to vector<16xi32>
      %eq3A_2529 = arith.constant 0 : i32
      %eq3A_2530 = vector.broadcast %eq3A_2529 : i32 to vector<16xi32>
      %eq3A_2531 = arith.cmpi eq, %get3A_2528, %eq3A_2530 : vector<16xi32>
      %select_n3A_2532 = arith.select %eq3A_2531, %broadcast_in_dim3A_396, %broadcast_in_dim3A_398 : vector<16xi1>, vector<16xf32>
      %add3A_2533 = arith.addf %add3A_2487, %select_n3A_2532 : vector<16xf32>
      %eq3A_2534 = arith.constant 1 : i32
      %eq3A_2535 = vector.broadcast %eq3A_2534 : i32 to vector<16xi32>
      %eq3A_2536 = arith.cmpi eq, %get3A_2528, %eq3A_2535 : vector<16xi32>
      %select_n3A_2537 = arith.select %eq3A_2536, %broadcast_in_dim3A_396, %broadcast_in_dim3A_398 : vector<16xi1>, vector<16xf32>
      %add3A_2538 = arith.addf %add3A_2492, %select_n3A_2537 : vector<16xf32>
      %eq3A_2539 = arith.constant 2 : i32
      %eq3A_2540 = vector.broadcast %eq3A_2539 : i32 to vector<16xi32>
      %eq3A_2541 = arith.cmpi eq, %get3A_2528, %eq3A_2540 : vector<16xi32>
      %select_n3A_2542 = arith.select %eq3A_2541, %broadcast_in_dim3A_396, %broadcast_in_dim3A_398 : vector<16xi1>, vector<16xf32>
      %add3A_2543 = arith.addf %add3A_2497, %select_n3A_2542 : vector<16xf32>
      %eq3A_2544 = arith.constant 3 : i32
      %eq3A_2545 = vector.broadcast %eq3A_2544 : i32 to vector<16xi32>
      %eq3A_2546 = arith.cmpi eq, %get3A_2528, %eq3A_2545 : vector<16xi32>
      %select_n3A_2547 = arith.select %eq3A_2546, %broadcast_in_dim3A_396, %broadcast_in_dim3A_398 : vector<16xi1>, vector<16xf32>
      %add3A_2548 = arith.addf %add3A_2502, %select_n3A_2547 : vector<16xf32>
      %eq3A_2549 = arith.constant 4 : i32
      %eq3A_2550 = vector.broadcast %eq3A_2549 : i32 to vector<16xi32>
      %eq3A_2551 = arith.cmpi eq, %get3A_2528, %eq3A_2550 : vector<16xi32>
      %select_n3A_2552 = arith.select %eq3A_2551, %broadcast_in_dim3A_396, %broadcast_in_dim3A_398 : vector<16xi1>, vector<16xf32>
      %add3A_2553 = arith.addf %add3A_2507, %select_n3A_2552 : vector<16xf32>
      %eq3A_2554 = arith.constant 5 : i32
      %eq3A_2555 = vector.broadcast %eq3A_2554 : i32 to vector<16xi32>
      %eq3A_2556 = arith.cmpi eq, %get3A_2528, %eq3A_2555 : vector<16xi32>
      %select_n3A_2557 = arith.select %eq3A_2556, %broadcast_in_dim3A_396, %broadcast_in_dim3A_398 : vector<16xi1>, vector<16xf32>
      %add3A_2558 = arith.addf %add3A_2512, %select_n3A_2557 : vector<16xf32>
      %eq3A_2559 = arith.constant 6 : i32
      %eq3A_2560 = vector.broadcast %eq3A_2559 : i32 to vector<16xi32>
      %eq3A_2561 = arith.cmpi eq, %get3A_2528, %eq3A_2560 : vector<16xi32>
      %select_n3A_2562 = arith.select %eq3A_2561, %broadcast_in_dim3A_396, %broadcast_in_dim3A_398 : vector<16xi1>, vector<16xf32>
      %add3A_2563 = arith.addf %add3A_2517, %select_n3A_2562 : vector<16xf32>
      %min3A_2564 = arith.minui %get3A_2528, %broadcast_in_dim3A_394 : vector<16xi32>
      %add3A_2565 = arith.addi %min3A_2564, %mul3A_392 : vector<16xi32>
      %swap3A_2566 = arith.constant 3 : i32
      %swap3A_2567 = arith.index_cast %swap3A_2566 : i32 to index
      %swap3A_2568 = arith.constant 32 : index
      %swap3A_2569 = tpu.vector_load %arg10[%swap3A_2567, %swap3A_2568] {strides = array<i32>} : memref<5x80xi32, #tpu.memory_space<vmem>>, vector<1x16xi32>,
      %swap3A_2570 = vector.shape_cast %swap3A_2569 : vector<1x16xi32> to vector<16xi32>
      %swap3A_2571 = vector.shape_cast %add3A_2565 : vector<16xi32> to vector<1x16xi32>
      tpu.vector_store %arg10[%swap3A_2567, %swap3A_2568], %swap3A_2571 {strides = array<i32>} : memref<5x80xi32, #tpu.memory_space<vmem>>, vector<1x16xi32>,
      %get3A_2572 = arith.constant 288 : index
      %get3A_2573 = tpu.vector_load %arg8[%get3A_2572] {strides = array<i32>} : memref<400xi32, #tpu.memory_space<vmem>>, vector<16xi32>,
      %get3A_2574 = vector.shape_cast %get3A_2573 : vector<16xi32> to vector<16xi32>
      %eq3A_2575 = arith.constant 0 : i32
      %eq3A_2576 = vector.broadcast %eq3A_2575 : i32 to vector<16xi32>
      %eq3A_2577 = arith.cmpi eq, %get3A_2574, %eq3A_2576 : vector<16xi32>
      %select_n3A_2578 = arith.select %eq3A_2577, %broadcast_in_dim3A_396, %broadcast_in_dim3A_398 : vector<16xi1>, vector<16xf32>
      %add3A_2579 = arith.addf %add3A_2533, %select_n3A_2578 : vector<16xf32>
      %eq3A_2580 = arith.constant 1 : i32
      %eq3A_2581 = vector.broadcast %eq3A_2580 : i32 to vector<16xi32>
      %eq3A_2582 = arith.cmpi eq, %get3A_2574, %eq3A_2581 : vector<16xi32>
      %select_n3A_2583 = arith.select %eq3A_2582, %broadcast_in_dim3A_396, %broadcast_in_dim3A_398 : vector<16xi1>, vector<16xf32>
      %add3A_2584 = arith.addf %add3A_2538, %select_n3A_2583 : vector<16xf32>
      %eq3A_2585 = arith.constant 2 : i32
      %eq3A_2586 = vector.broadcast %eq3A_2585 : i32 to vector<16xi32>
      %eq3A_2587 = arith.cmpi eq, %get3A_2574, %eq3A_2586 : vector<16xi32>
      %select_n3A_2588 = arith.select %eq3A_2587, %broadcast_in_dim3A_396, %broadcast_in_dim3A_398 : vector<16xi1>, vector<16xf32>
      %add3A_2589 = arith.addf %add3A_2543, %select_n3A_2588 : vector<16xf32>
      %eq3A_2590 = arith.constant 3 : i32
      %eq3A_2591 = vector.broadcast %eq3A_2590 : i32 to vector<16xi32>
      %eq3A_2592 = arith.cmpi eq, %get3A_2574, %eq3A_2591 : vector<16xi32>
      %select_n3A_2593 = arith.select %eq3A_2592, %broadcast_in_dim3A_396, %broadcast_in_dim3A_398 : vector<16xi1>, vector<16xf32>
      %add3A_2594 = arith.addf %add3A_2548, %select_n3A_2593 : vector<16xf32>
      %eq3A_2595 = arith.constant 4 : i32
      %eq3A_2596 = vector.broadcast %eq3A_2595 : i32 to vector<16xi32>
      %eq3A_2597 = arith.cmpi eq, %get3A_2574, %eq3A_2596 : vector<16xi32>
      %select_n3A_2598 = arith.select %eq3A_2597, %broadcast_in_dim3A_396, %broadcast_in_dim3A_398 : vector<16xi1>, vector<16xf32>
      %add3A_2599 = arith.addf %add3A_2553, %select_n3A_2598 : vector<16xf32>
      %eq3A_2600 = arith.constant 5 : i32
      %eq3A_2601 = vector.broadcast %eq3A_2600 : i32 to vector<16xi32>
      %eq3A_2602 = arith.cmpi eq, %get3A_2574, %eq3A_2601 : vector<16xi32>
      %select_n3A_2603 = arith.select %eq3A_2602, %broadcast_in_dim3A_396, %broadcast_in_dim3A_398 : vector<16xi1>, vector<16xf32>
      %add3A_2604 = arith.addf %add3A_2558, %select_n3A_2603 : vector<16xf32>
      %eq3A_2605 = arith.constant 6 : i32
      %eq3A_2606 = vector.broadcast %eq3A_2605 : i32 to vector<16xi32>
      %eq3A_2607 = arith.cmpi eq, %get3A_2574, %eq3A_2606 : vector<16xi32>
      %select_n3A_2608 = arith.select %eq3A_2607, %broadcast_in_dim3A_396, %broadcast_in_dim3A_398 : vector<16xi1>, vector<16xf32>
      %add3A_2609 = arith.addf %add3A_2563, %select_n3A_2608 : vector<16xf32>
      %min3A_2610 = arith.minui %get3A_2574, %broadcast_in_dim3A_394 : vector<16xi32>
      %add3A_2611 = arith.addi %min3A_2610, %mul3A_392 : vector<16xi32>
      %swap3A_2612 = arith.constant 3 : i32
      %swap3A_2613 = arith.index_cast %swap3A_2612 : i32 to index
      %swap3A_2614 = arith.constant 48 : index
      %swap3A_2615 = tpu.vector_load %arg10[%swap3A_2613, %swap3A_2614] {strides = array<i32>} : memref<5x80xi32, #tpu.memory_space<vmem>>, vector<1x16xi32>,
      %swap3A_2616 = vector.shape_cast %swap3A_2615 : vector<1x16xi32> to vector<16xi32>
      %swap3A_2617 = vector.shape_cast %add3A_2611 : vector<16xi32> to vector<1x16xi32>
      tpu.vector_store %arg10[%swap3A_2613, %swap3A_2614], %swap3A_2617 {strides = array<i32>} : memref<5x80xi32, #tpu.memory_space<vmem>>, vector<1x16xi32>,
      %get3A_2618 = arith.constant 304 : index
      %get3A_2619 = tpu.vector_load %arg8[%get3A_2618] {strides = array<i32>} : memref<400xi32, #tpu.memory_space<vmem>>, vector<16xi32>,
      %get3A_2620 = vector.shape_cast %get3A_2619 : vector<16xi32> to vector<16xi32>
      %eq3A_2621 = arith.constant 0 : i32
      %eq3A_2622 = vector.broadcast %eq3A_2621 : i32 to vector<16xi32>
      %eq3A_2623 = arith.cmpi eq, %get3A_2620, %eq3A_2622 : vector<16xi32>
      %select_n3A_2624 = arith.select %eq3A_2623, %broadcast_in_dim3A_396, %broadcast_in_dim3A_398 : vector<16xi1>, vector<16xf32>
      %add3A_2625 = arith.addf %add3A_2579, %select_n3A_2624 : vector<16xf32>
      %eq3A_2626 = arith.constant 1 : i32
      %eq3A_2627 = vector.broadcast %eq3A_2626 : i32 to vector<16xi32>
      %eq3A_2628 = arith.cmpi eq, %get3A_2620, %eq3A_2627 : vector<16xi32>
      %select_n3A_2629 = arith.select %eq3A_2628, %broadcast_in_dim3A_396, %broadcast_in_dim3A_398 : vector<16xi1>, vector<16xf32>
      %add3A_2630 = arith.addf %add3A_2584, %select_n3A_2629 : vector<16xf32>
      %eq3A_2631 = arith.constant 2 : i32
      %eq3A_2632 = vector.broadcast %eq3A_2631 : i32 to vector<16xi32>
      %eq3A_2633 = arith.cmpi eq, %get3A_2620, %eq3A_2632 : vector<16xi32>
      %select_n3A_2634 = arith.select %eq3A_2633, %broadcast_in_dim3A_396, %broadcast_in_dim3A_398 : vector<16xi1>, vector<16xf32>
      %add3A_2635 = arith.addf %add3A_2589, %select_n3A_2634 : vector<16xf32>
      %eq3A_2636 = arith.constant 3 : i32
      %eq3A_2637 = vector.broadcast %eq3A_2636 : i32 to vector<16xi32>
      %eq3A_2638 = arith.cmpi eq, %get3A_2620, %eq3A_2637 : vector<16xi32>
      %select_n3A_2639 = arith.select %eq3A_2638, %broadcast_in_dim3A_396, %broadcast_in_dim3A_398 : vector<16xi1>, vector<16xf32>
      %add3A_2640 = arith.addf %add3A_2594, %select_n3A_2639 : vector<16xf32>
      %eq3A_2641 = arith.constant 4 : i32
      %eq3A_2642 = vector.broadcast %eq3A_2641 : i32 to vector<16xi32>
      %eq3A_2643 = arith.cmpi eq, %get3A_2620, %eq3A_2642 : vector<16xi32>
      %select_n3A_2644 = arith.select %eq3A_2643, %broadcast_in_dim3A_396, %broadcast_in_dim3A_398 : vector<16xi1>, vector<16xf32>
      %add3A_2645 = arith.addf %add3A_2599, %select_n3A_2644 : vector<16xf32>
      %eq3A_2646 = arith.constant 5 : i32
      %eq3A_2647 = vector.broadcast %eq3A_2646 : i32 to vector<16xi32>
      %eq3A_2648 = arith.cmpi eq, %get3A_2620, %eq3A_2647 : vector<16xi32>
      %select_n3A_2649 = arith.select %eq3A_2648, %broadcast_in_dim3A_396, %broadcast_in_dim3A_398 : vector<16xi1>, vector<16xf32>
      %add3A_2650 = arith.addf %add3A_2604, %select_n3A_2649 : vector<16xf32>
      %eq3A_2651 = arith.constant 6 : i32
      %eq3A_2652 = vector.broadcast %eq3A_2651 : i32 to vector<16xi32>
      %eq3A_2653 = arith.cmpi eq, %get3A_2620, %eq3A_2652 : vector<16xi32>
      %select_n3A_2654 = arith.select %eq3A_2653, %broadcast_in_dim3A_396, %broadcast_in_dim3A_398 : vector<16xi1>, vector<16xf32>
      %add3A_2655 = arith.addf %add3A_2609, %select_n3A_2654 : vector<16xf32>
      %min3A_2656 = arith.minui %get3A_2620, %broadcast_in_dim3A_394 : vector<16xi32>
      %add3A_2657 = arith.addi %min3A_2656, %mul3A_392 : vector<16xi32>
      %swap3A_2658 = arith.constant 3 : i32
      %swap3A_2659 = arith.index_cast %swap3A_2658 : i32 to index
      %swap3A_2660 = arith.constant 64 : index
      %swap3A_2661 = tpu.vector_load %arg10[%swap3A_2659, %swap3A_2660] {strides = array<i32>} : memref<5x80xi32, #tpu.memory_space<vmem>>, vector<1x16xi32>,
      %swap3A_2662 = vector.shape_cast %swap3A_2661 : vector<1x16xi32> to vector<16xi32>
      %swap3A_2663 = vector.shape_cast %add3A_2657 : vector<16xi32> to vector<1x16xi32>
      tpu.vector_store %arg10[%swap3A_2659, %swap3A_2660], %swap3A_2663 {strides = array<i32>} : memref<5x80xi32, #tpu.memory_space<vmem>>, vector<1x16xi32>,
      %get3A_2664 = arith.constant 320 : index
      %get3A_2665 = tpu.vector_load %arg8[%get3A_2664] {strides = array<i32>} : memref<400xi32, #tpu.memory_space<vmem>>, vector<16xi32>,
      %get3A_2666 = vector.shape_cast %get3A_2665 : vector<16xi32> to vector<16xi32>
      %eq3A_2667 = arith.constant 0 : i32
      %eq3A_2668 = vector.broadcast %eq3A_2667 : i32 to vector<16xi32>
      %eq3A_2669 = arith.cmpi eq, %get3A_2666, %eq3A_2668 : vector<16xi32>
      %select_n3A_2670 = arith.select %eq3A_2669, %broadcast_in_dim3A_396, %broadcast_in_dim3A_398 : vector<16xi1>, vector<16xf32>
      %add3A_2671 = arith.addf %add3A_2625, %select_n3A_2670 : vector<16xf32>
      %eq3A_2672 = arith.constant 1 : i32
      %eq3A_2673 = vector.broadcast %eq3A_2672 : i32 to vector<16xi32>
      %eq3A_2674 = arith.cmpi eq, %get3A_2666, %eq3A_2673 : vector<16xi32>
      %select_n3A_2675 = arith.select %eq3A_2674, %broadcast_in_dim3A_396, %broadcast_in_dim3A_398 : vector<16xi1>, vector<16xf32>
      %add3A_2676 = arith.addf %add3A_2630, %select_n3A_2675 : vector<16xf32>
      %eq3A_2677 = arith.constant 2 : i32
      %eq3A_2678 = vector.broadcast %eq3A_2677 : i32 to vector<16xi32>
      %eq3A_2679 = arith.cmpi eq, %get3A_2666, %eq3A_2678 : vector<16xi32>
      %select_n3A_2680 = arith.select %eq3A_2679, %broadcast_in_dim3A_396, %broadcast_in_dim3A_398 : vector<16xi1>, vector<16xf32>
      %add3A_2681 = arith.addf %add3A_2635, %select_n3A_2680 : vector<16xf32>
      %eq3A_2682 = arith.constant 3 : i32
      %eq3A_2683 = vector.broadcast %eq3A_2682 : i32 to vector<16xi32>
      %eq3A_2684 = arith.cmpi eq, %get3A_2666, %eq3A_2683 : vector<16xi32>
      %select_n3A_2685 = arith.select %eq3A_2684, %broadcast_in_dim3A_396, %broadcast_in_dim3A_398 : vector<16xi1>, vector<16xf32>
      %add3A_2686 = arith.addf %add3A_2640, %select_n3A_2685 : vector<16xf32>
      %eq3A_2687 = arith.constant 4 : i32
      %eq3A_2688 = vector.broadcast %eq3A_2687 : i32 to vector<16xi32>
      %eq3A_2689 = arith.cmpi eq, %get3A_2666, %eq3A_2688 : vector<16xi32>
      %select_n3A_2690 = arith.select %eq3A_2689, %broadcast_in_dim3A_396, %broadcast_in_dim3A_398 : vector<16xi1>, vector<16xf32>
      %add3A_2691 = arith.addf %add3A_2645, %select_n3A_2690 : vector<16xf32>
      %eq3A_2692 = arith.constant 5 : i32
      %eq3A_2693 = vector.broadcast %eq3A_2692 : i32 to vector<16xi32>
      %eq3A_2694 = arith.cmpi eq, %get3A_2666, %eq3A_2693 : vector<16xi32>
      %select_n3A_2695 = arith.select %eq3A_2694, %broadcast_in_dim3A_396, %broadcast_in_dim3A_398 : vector<16xi1>, vector<16xf32>
      %add3A_2696 = arith.addf %add3A_2650, %select_n3A_2695 : vector<16xf32>
      %eq3A_2697 = arith.constant 6 : i32
      %eq3A_2698 = vector.broadcast %eq3A_2697 : i32 to vector<16xi32>
      %eq3A_2699 = arith.cmpi eq, %get3A_2666, %eq3A_2698 : vector<16xi32>
      %select_n3A_2700 = arith.select %eq3A_2699, %broadcast_in_dim3A_396, %broadcast_in_dim3A_398 : vector<16xi1>, vector<16xf32>
      %add3A_2701 = arith.addf %add3A_2655, %select_n3A_2700 : vector<16xf32>
      %min3A_2702 = arith.minui %get3A_2666, %broadcast_in_dim3A_394 : vector<16xi32>
      %add3A_2703 = arith.addi %min3A_2702, %mul3A_392 : vector<16xi32>
      %swap3A_2704 = arith.constant 4 : i32
      %swap3A_2705 = arith.index_cast %swap3A_2704 : i32 to index
      %swap3A_2706 = arith.constant 0 : index
      %swap3A_2707 = tpu.vector_load %arg10[%swap3A_2705, %swap3A_2706] {strides = array<i32>} : memref<5x80xi32, #tpu.memory_space<vmem>>, vector<1x16xi32>,
      %swap3A_2708 = vector.shape_cast %swap3A_2707 : vector<1x16xi32> to vector<16xi32>
      %swap3A_2709 = vector.shape_cast %add3A_2703 : vector<16xi32> to vector<1x16xi32>
      tpu.vector_store %arg10[%swap3A_2705, %swap3A_2706], %swap3A_2709 {strides = array<i32>} : memref<5x80xi32, #tpu.memory_space<vmem>>, vector<1x16xi32>,
      %get3A_2710 = arith.constant 336 : index
      %get3A_2711 = tpu.vector_load %arg8[%get3A_2710] {strides = array<i32>} : memref<400xi32, #tpu.memory_space<vmem>>, vector<16xi32>,
      %get3A_2712 = vector.shape_cast %get3A_2711 : vector<16xi32> to vector<16xi32>
      %eq3A_2713 = arith.constant 0 : i32
      %eq3A_2714 = vector.broadcast %eq3A_2713 : i32 to vector<16xi32>
      %eq3A_2715 = arith.cmpi eq, %get3A_2712, %eq3A_2714 : vector<16xi32>
      %select_n3A_2716 = arith.select %eq3A_2715, %broadcast_in_dim3A_396, %broadcast_in_dim3A_398 : vector<16xi1>, vector<16xf32>
      %add3A_2717 = arith.addf %add3A_2671, %select_n3A_2716 : vector<16xf32>
      %eq3A_2718 = arith.constant 1 : i32
      %eq3A_2719 = vector.broadcast %eq3A_2718 : i32 to vector<16xi32>
      %eq3A_2720 = arith.cmpi eq, %get3A_2712, %eq3A_2719 : vector<16xi32>
      %select_n3A_2721 = arith.select %eq3A_2720, %broadcast_in_dim3A_396, %broadcast_in_dim3A_398 : vector<16xi1>, vector<16xf32>
      %add3A_2722 = arith.addf %add3A_2676, %select_n3A_2721 : vector<16xf32>
      %eq3A_2723 = arith.constant 2 : i32
      %eq3A_2724 = vector.broadcast %eq3A_2723 : i32 to vector<16xi32>
      %eq3A_2725 = arith.cmpi eq, %get3A_2712, %eq3A_2724 : vector<16xi32>
      %select_n3A_2726 = arith.select %eq3A_2725, %broadcast_in_dim3A_396, %broadcast_in_dim3A_398 : vector<16xi1>, vector<16xf32>
      %add3A_2727 = arith.addf %add3A_2681, %select_n3A_2726 : vector<16xf32>
      %eq3A_2728 = arith.constant 3 : i32
      %eq3A_2729 = vector.broadcast %eq3A_2728 : i32 to vector<16xi32>
      %eq3A_2730 = arith.cmpi eq, %get3A_2712, %eq3A_2729 : vector<16xi32>
      %select_n3A_2731 = arith.select %eq3A_2730, %broadcast_in_dim3A_396, %broadcast_in_dim3A_398 : vector<16xi1>, vector<16xf32>
      %add3A_2732 = arith.addf %add3A_2686, %select_n3A_2731 : vector<16xf32>
      %eq3A_2733 = arith.constant 4 : i32
      %eq3A_2734 = vector.broadcast %eq3A_2733 : i32 to vector<16xi32>
      %eq3A_2735 = arith.cmpi eq, %get3A_2712, %eq3A_2734 : vector<16xi32>
      %select_n3A_2736 = arith.select %eq3A_2735, %broadcast_in_dim3A_396, %broadcast_in_dim3A_398 : vector<16xi1>, vector<16xf32>
      %add3A_2737 = arith.addf %add3A_2691, %select_n3A_2736 : vector<16xf32>
      %eq3A_2738 = arith.constant 5 : i32
      %eq3A_2739 = vector.broadcast %eq3A_2738 : i32 to vector<16xi32>
      %eq3A_2740 = arith.cmpi eq, %get3A_2712, %eq3A_2739 : vector<16xi32>
      %select_n3A_2741 = arith.select %eq3A_2740, %broadcast_in_dim3A_396, %broadcast_in_dim3A_398 : vector<16xi1>, vector<16xf32>
      %add3A_2742 = arith.addf %add3A_2696, %select_n3A_2741 : vector<16xf32>
      %eq3A_2743 = arith.constant 6 : i32
      %eq3A_2744 = vector.broadcast %eq3A_2743 : i32 to vector<16xi32>
      %eq3A_2745 = arith.cmpi eq, %get3A_2712, %eq3A_2744 : vector<16xi32>
      %select_n3A_2746 = arith.select %eq3A_2745, %broadcast_in_dim3A_396, %broadcast_in_dim3A_398 : vector<16xi1>, vector<16xf32>
      %add3A_2747 = arith.addf %add3A_2701, %select_n3A_2746 : vector<16xf32>
      %min3A_2748 = arith.minui %get3A_2712, %broadcast_in_dim3A_394 : vector<16xi32>
      %add3A_2749 = arith.addi %min3A_2748, %mul3A_392 : vector<16xi32>
      %swap3A_2750 = arith.constant 4 : i32
      %swap3A_2751 = arith.index_cast %swap3A_2750 : i32 to index
      %swap3A_2752 = arith.constant 16 : index
      %swap3A_2753 = tpu.vector_load %arg10[%swap3A_2751, %swap3A_2752] {strides = array<i32>} : memref<5x80xi32, #tpu.memory_space<vmem>>, vector<1x16xi32>,
      %swap3A_2754 = vector.shape_cast %swap3A_2753 : vector<1x16xi32> to vector<16xi32>
      %swap3A_2755 = vector.shape_cast %add3A_2749 : vector<16xi32> to vector<1x16xi32>
      tpu.vector_store %arg10[%swap3A_2751, %swap3A_2752], %swap3A_2755 {strides = array<i32>} : memref<5x80xi32, #tpu.memory_space<vmem>>, vector<1x16xi32>,
      %get3A_2756 = arith.constant 352 : index
      %get3A_2757 = tpu.vector_load %arg8[%get3A_2756] {strides = array<i32>} : memref<400xi32, #tpu.memory_space<vmem>>, vector<16xi32>,
      %get3A_2758 = vector.shape_cast %get3A_2757 : vector<16xi32> to vector<16xi32>
      %eq3A_2759 = arith.constant 0 : i32
      %eq3A_2760 = vector.broadcast %eq3A_2759 : i32 to vector<16xi32>
      %eq3A_2761 = arith.cmpi eq, %get3A_2758, %eq3A_2760 : vector<16xi32>
      %select_n3A_2762 = arith.select %eq3A_2761, %broadcast_in_dim3A_396, %broadcast_in_dim3A_398 : vector<16xi1>, vector<16xf32>
      %add3A_2763 = arith.addf %add3A_2717, %select_n3A_2762 : vector<16xf32>
      %eq3A_2764 = arith.constant 1 : i32
      %eq3A_2765 = vector.broadcast %eq3A_2764 : i32 to vector<16xi32>
      %eq3A_2766 = arith.cmpi eq, %get3A_2758, %eq3A_2765 : vector<16xi32>
      %select_n3A_2767 = arith.select %eq3A_2766, %broadcast_in_dim3A_396, %broadcast_in_dim3A_398 : vector<16xi1>, vector<16xf32>
      %add3A_2768 = arith.addf %add3A_2722, %select_n3A_2767 : vector<16xf32>
      %eq3A_2769 = arith.constant 2 : i32
      %eq3A_2770 = vector.broadcast %eq3A_2769 : i32 to vector<16xi32>
      %eq3A_2771 = arith.cmpi eq, %get3A_2758, %eq3A_2770 : vector<16xi32>
      %select_n3A_2772 = arith.select %eq3A_2771, %broadcast_in_dim3A_396, %broadcast_in_dim3A_398 : vector<16xi1>, vector<16xf32>
      %add3A_2773 = arith.addf %add3A_2727, %select_n3A_2772 : vector<16xf32>
      %eq3A_2774 = arith.constant 3 : i32
      %eq3A_2775 = vector.broadcast %eq3A_2774 : i32 to vector<16xi32>
      %eq3A_2776 = arith.cmpi eq, %get3A_2758, %eq3A_2775 : vector<16xi32>
      %select_n3A_2777 = arith.select %eq3A_2776, %broadcast_in_dim3A_396, %broadcast_in_dim3A_398 : vector<16xi1>, vector<16xf32>
      %add3A_2778 = arith.addf %add3A_2732, %select_n3A_2777 : vector<16xf32>
      %eq3A_2779 = arith.constant 4 : i32
      %eq3A_2780 = vector.broadcast %eq3A_2779 : i32 to vector<16xi32>
      %eq3A_2781 = arith.cmpi eq, %get3A_2758, %eq3A_2780 : vector<16xi32>
      %select_n3A_2782 = arith.select %eq3A_2781, %broadcast_in_dim3A_396, %broadcast_in_dim3A_398 : vector<16xi1>, vector<16xf32>
      %add3A_2783 = arith.addf %add3A_2737, %select_n3A_2782 : vector<16xf32>
      %eq3A_2784 = arith.constant 5 : i32
      %eq3A_2785 = vector.broadcast %eq3A_2784 : i32 to vector<16xi32>
      %eq3A_2786 = arith.cmpi eq, %get3A_2758, %eq3A_2785 : vector<16xi32>
      %select_n3A_2787 = arith.select %eq3A_2786, %broadcast_in_dim3A_396, %broadcast_in_dim3A_398 : vector<16xi1>, vector<16xf32>
      %add3A_2788 = arith.addf %add3A_2742, %select_n3A_2787 : vector<16xf32>
      %eq3A_2789 = arith.constant 6 : i32
      %eq3A_2790 = vector.broadcast %eq3A_2789 : i32 to vector<16xi32>
      %eq3A_2791 = arith.cmpi eq, %get3A_2758, %eq3A_2790 : vector<16xi32>
      %select_n3A_2792 = arith.select %eq3A_2791, %broadcast_in_dim3A_396, %broadcast_in_dim3A_398 : vector<16xi1>, vector<16xf32>
      %add3A_2793 = arith.addf %add3A_2747, %select_n3A_2792 : vector<16xf32>
      %min3A_2794 = arith.minui %get3A_2758, %broadcast_in_dim3A_394 : vector<16xi32>
      %add3A_2795 = arith.addi %min3A_2794, %mul3A_392 : vector<16xi32>
      %swap3A_2796 = arith.constant 4 : i32
      %swap3A_2797 = arith.index_cast %swap3A_2796 : i32 to index
      %swap3A_2798 = arith.constant 32 : index
      %swap3A_2799 = tpu.vector_load %arg10[%swap3A_2797, %swap3A_2798] {strides = array<i32>} : memref<5x80xi32, #tpu.memory_space<vmem>>, vector<1x16xi32>,
      %swap3A_2800 = vector.shape_cast %swap3A_2799 : vector<1x16xi32> to vector<16xi32>
      %swap3A_2801 = vector.shape_cast %add3A_2795 : vector<16xi32> to vector<1x16xi32>
      tpu.vector_store %arg10[%swap3A_2797, %swap3A_2798], %swap3A_2801 {strides = array<i32>} : memref<5x80xi32, #tpu.memory_space<vmem>>, vector<1x16xi32>,
      %get3A_2802 = arith.constant 368 : index
      %get3A_2803 = tpu.vector_load %arg8[%get3A_2802] {strides = array<i32>} : memref<400xi32, #tpu.memory_space<vmem>>, vector<16xi32>,
      %get3A_2804 = vector.shape_cast %get3A_2803 : vector<16xi32> to vector<16xi32>
      %eq3A_2805 = arith.constant 0 : i32
      %eq3A_2806 = vector.broadcast %eq3A_2805 : i32 to vector<16xi32>
      %eq3A_2807 = arith.cmpi eq, %get3A_2804, %eq3A_2806 : vector<16xi32>
      %select_n3A_2808 = arith.select %eq3A_2807, %broadcast_in_dim3A_396, %broadcast_in_dim3A_398 : vector<16xi1>, vector<16xf32>
      %add3A_2809 = arith.addf %add3A_2763, %select_n3A_2808 : vector<16xf32>
      %eq3A_2810 = arith.constant 1 : i32
      %eq3A_2811 = vector.broadcast %eq3A_2810 : i32 to vector<16xi32>
      %eq3A_2812 = arith.cmpi eq, %get3A_2804, %eq3A_2811 : vector<16xi32>
      %select_n3A_2813 = arith.select %eq3A_2812, %broadcast_in_dim3A_396, %broadcast_in_dim3A_398 : vector<16xi1>, vector<16xf32>
      %add3A_2814 = arith.addf %add3A_2768, %select_n3A_2813 : vector<16xf32>
      %eq3A_2815 = arith.constant 2 : i32
      %eq3A_2816 = vector.broadcast %eq3A_2815 : i32 to vector<16xi32>
      %eq3A_2817 = arith.cmpi eq, %get3A_2804, %eq3A_2816 : vector<16xi32>
      %select_n3A_2818 = arith.select %eq3A_2817, %broadcast_in_dim3A_396, %broadcast_in_dim3A_398 : vector<16xi1>, vector<16xf32>
      %add3A_2819 = arith.addf %add3A_2773, %select_n3A_2818 : vector<16xf32>
      %eq3A_2820 = arith.constant 3 : i32
      %eq3A_2821 = vector.broadcast %eq3A_2820 : i32 to vector<16xi32>
      %eq3A_2822 = arith.cmpi eq, %get3A_2804, %eq3A_2821 : vector<16xi32>
      %select_n3A_2823 = arith.select %eq3A_2822, %broadcast_in_dim3A_396, %broadcast_in_dim3A_398 : vector<16xi1>, vector<16xf32>
      %add3A_2824 = arith.addf %add3A_2778, %select_n3A_2823 : vector<16xf32>
      %eq3A_2825 = arith.constant 4 : i32
      %eq3A_2826 = vector.broadcast %eq3A_2825 : i32 to vector<16xi32>
      %eq3A_2827 = arith.cmpi eq, %get3A_2804, %eq3A_2826 : vector<16xi32>
      %select_n3A_2828 = arith.select %eq3A_2827, %broadcast_in_dim3A_396, %broadcast_in_dim3A_398 : vector<16xi1>, vector<16xf32>
      %add3A_2829 = arith.addf %add3A_2783, %select_n3A_2828 : vector<16xf32>
      %eq3A_2830 = arith.constant 5 : i32
      %eq3A_2831 = vector.broadcast %eq3A_2830 : i32 to vector<16xi32>
      %eq3A_2832 = arith.cmpi eq, %get3A_2804, %eq3A_2831 : vector<16xi32>
      %select_n3A_2833 = arith.select %eq3A_2832, %broadcast_in_dim3A_396, %broadcast_in_dim3A_398 : vector<16xi1>, vector<16xf32>
      %add3A_2834 = arith.addf %add3A_2788, %select_n3A_2833 : vector<16xf32>
      %eq3A_2835 = arith.constant 6 : i32
      %eq3A_2836 = vector.broadcast %eq3A_2835 : i32 to vector<16xi32>
      %eq3A_2837 = arith.cmpi eq, %get3A_2804, %eq3A_2836 : vector<16xi32>
      %select_n3A_2838 = arith.select %eq3A_2837, %broadcast_in_dim3A_396, %broadcast_in_dim3A_398 : vector<16xi1>, vector<16xf32>
      %add3A_2839 = arith.addf %add3A_2793, %select_n3A_2838 : vector<16xf32>
      %min3A_2840 = arith.minui %get3A_2804, %broadcast_in_dim3A_394 : vector<16xi32>
      %add3A_2841 = arith.addi %min3A_2840, %mul3A_392 : vector<16xi32>
      %swap3A_2842 = arith.constant 4 : i32
      %swap3A_2843 = arith.index_cast %swap3A_2842 : i32 to index
      %swap3A_2844 = arith.constant 48 : index
      %swap3A_2845 = tpu.vector_load %arg10[%swap3A_2843, %swap3A_2844] {strides = array<i32>} : memref<5x80xi32, #tpu.memory_space<vmem>>, vector<1x16xi32>,
      %swap3A_2846 = vector.shape_cast %swap3A_2845 : vector<1x16xi32> to vector<16xi32>
      %swap3A_2847 = vector.shape_cast %add3A_2841 : vector<16xi32> to vector<1x16xi32>
      tpu.vector_store %arg10[%swap3A_2843, %swap3A_2844], %swap3A_2847 {strides = array<i32>} : memref<5x80xi32, #tpu.memory_space<vmem>>, vector<1x16xi32>,
      %get3A_2848 = arith.constant 384 : index
      %get3A_2849 = tpu.vector_load %arg8[%get3A_2848] {strides = array<i32>} : memref<400xi32, #tpu.memory_space<vmem>>, vector<16xi32>,
      %get3A_2850 = vector.shape_cast %get3A_2849 : vector<16xi32> to vector<16xi32>
      %eq3A_2851 = arith.constant 0 : i32
      %eq3A_2852 = vector.broadcast %eq3A_2851 : i32 to vector<16xi32>
      %eq3A_2853 = arith.cmpi eq, %get3A_2850, %eq3A_2852 : vector<16xi32>
      %select_n3A_2854 = arith.select %eq3A_2853, %broadcast_in_dim3A_396, %broadcast_in_dim3A_398 : vector<16xi1>, vector<16xf32>
      %add3A_2855 = arith.addf %add3A_2809, %select_n3A_2854 : vector<16xf32>
      %eq3A_2856 = arith.constant 1 : i32
      %eq3A_2857 = vector.broadcast %eq3A_2856 : i32 to vector<16xi32>
      %eq3A_2858 = arith.cmpi eq, %get3A_2850, %eq3A_2857 : vector<16xi32>
      %select_n3A_2859 = arith.select %eq3A_2858, %broadcast_in_dim3A_396, %broadcast_in_dim3A_398 : vector<16xi1>, vector<16xf32>
      %add3A_2860 = arith.addf %add3A_2814, %select_n3A_2859 : vector<16xf32>
      %eq3A_2861 = arith.constant 2 : i32
      %eq3A_2862 = vector.broadcast %eq3A_2861 : i32 to vector<16xi32>
      %eq3A_2863 = arith.cmpi eq, %get3A_2850, %eq3A_2862 : vector<16xi32>
      %select_n3A_2864 = arith.select %eq3A_2863, %broadcast_in_dim3A_396, %broadcast_in_dim3A_398 : vector<16xi1>, vector<16xf32>
      %add3A_2865 = arith.addf %add3A_2819, %select_n3A_2864 : vector<16xf32>
      %eq3A_2866 = arith.constant 3 : i32
      %eq3A_2867 = vector.broadcast %eq3A_2866 : i32 to vector<16xi32>
      %eq3A_2868 = arith.cmpi eq, %get3A_2850, %eq3A_2867 : vector<16xi32>
      %select_n3A_2869 = arith.select %eq3A_2868, %broadcast_in_dim3A_396, %broadcast_in_dim3A_398 : vector<16xi1>, vector<16xf32>
      %add3A_2870 = arith.addf %add3A_2824, %select_n3A_2869 : vector<16xf32>
      %eq3A_2871 = arith.constant 4 : i32
      %eq3A_2872 = vector.broadcast %eq3A_2871 : i32 to vector<16xi32>
      %eq3A_2873 = arith.cmpi eq, %get3A_2850, %eq3A_2872 : vector<16xi32>
      %select_n3A_2874 = arith.select %eq3A_2873, %broadcast_in_dim3A_396, %broadcast_in_dim3A_398 : vector<16xi1>, vector<16xf32>
      %add3A_2875 = arith.addf %add3A_2829, %select_n3A_2874 : vector<16xf32>
      %eq3A_2876 = arith.constant 5 : i32
      %eq3A_2877 = vector.broadcast %eq3A_2876 : i32 to vector<16xi32>
      %eq3A_2878 = arith.cmpi eq, %get3A_2850, %eq3A_2877 : vector<16xi32>
      %select_n3A_2879 = arith.select %eq3A_2878, %broadcast_in_dim3A_396, %broadcast_in_dim3A_398 : vector<16xi1>, vector<16xf32>
      %add3A_2880 = arith.addf %add3A_2834, %select_n3A_2879 : vector<16xf32>
      %eq3A_2881 = arith.constant 6 : i32
      %eq3A_2882 = vector.broadcast %eq3A_2881 : i32 to vector<16xi32>
      %eq3A_2883 = arith.cmpi eq, %get3A_2850, %eq3A_2882 : vector<16xi32>
      %select_n3A_2884 = arith.select %eq3A_2883, %broadcast_in_dim3A_396, %broadcast_in_dim3A_398 : vector<16xi1>, vector<16xf32>
      %add3A_2885 = arith.addf %add3A_2839, %select_n3A_2884 : vector<16xf32>
      %min3A_2886 = arith.minui %get3A_2850, %broadcast_in_dim3A_394 : vector<16xi32>
      %add3A_2887 = arith.addi %min3A_2886, %mul3A_392 : vector<16xi32>
      %swap3A_2888 = arith.constant 4 : i32
      %swap3A_2889 = arith.index_cast %swap3A_2888 : i32 to index
      %swap3A_2890 = arith.constant 64 : index
      %swap3A_2891 = tpu.vector_load %arg10[%swap3A_2889, %swap3A_2890] {strides = array<i32>} : memref<5x80xi32, #tpu.memory_space<vmem>>, vector<1x16xi32>,
      %swap3A_2892 = vector.shape_cast %swap3A_2891 : vector<1x16xi32> to vector<16xi32>
      %swap3A_2893 = vector.shape_cast %add3A_2887 : vector<16xi32> to vector<1x16xi32>
      tpu.vector_store %arg10[%swap3A_2889, %swap3A_2890], %swap3A_2893 {strides = array<i32>} : memref<5x80xi32, #tpu.memory_space<vmem>>, vector<1x16xi32>,
      %dma_start3A_2894 = arith.constant 0 : i32
      %dma_start3A_2895 = arith.constant 0 : i32
      %dma_start3A_2896 = arith.constant 0 : i32
      %dma_start3A_2897 = tpu.memref_slice %arg6[%dma_start3A_2895, %dma_start3A_2896] : memref<400x128xf32, #tpu.memory_space<vmem>> -> memref<80x128xf32, #tpu.memory_space<vmem>>
      %dma_start3A_2898 = arith.constant 0 : i32
      %dma_start3A_2899 = tpu.memref_slice %arg10[%dma_start3A_2894, %dma_start3A_2898] : memref<5x80xi32, #tpu.memory_space<vmem>> -> memref<1x80xi32, #tpu.memory_space<vmem>>
      %dma_start3A_2900 = tpu.memref_squeeze %dma_start3A_2899 : memref<1x80xi32, #tpu.memory_space<vmem>> -> memref<80xi32, #tpu.memory_space<vmem>>
      %dma_start3A_2901 = arith.constant 0 : i32
      %dma_start3A_2902 = arith.constant 0 : i32
      %dma_start3A_2903 = tpu.memref_slice %arg14[%dma_start3A_2901, %dma_start3A_2902] : memref<128x128xf32, #tpu.memory_space<vmem_shared>> -> memref<128x128xf32, #tpu.memory_space<vmem_shared>>
      tpu.enqueue_indirect_dma source(%dma_start3A_2897 : memref<80x128xf32, #tpu.memory_space<vmem>>) target(%dma_start3A_2903 : memref<128x128xf32, #tpu.memory_space<vmem_shared>>) offsets(%dma_start3A_2900 : memref<80xi32, #tpu.memory_space<vmem>>) semaphore(%arg19 : memref<!tpu.dma_semaphore, #tpu.memory_space<semaphore_mem>>) {add = true}
      %dma_start3A_2904 = arith.constant 1 : i32
      %dma_start3A_2905 = arith.constant 80 : i32
      %dma_start3A_2906 = arith.constant 0 : i32
      %dma_start3A_2907 = tpu.memref_slice %arg6[%dma_start3A_2905, %dma_start3A_2906] : memref<400x128xf32, #tpu.memory_space<vmem>> -> memref<80x128xf32, #tpu.memory_space<vmem>>
      %dma_start3A_2908 = arith.constant 0 : i32
      %dma_start3A_2909 = tpu.memref_slice %arg10[%dma_start3A_2904, %dma_start3A_2908] : memref<5x80xi32, #tpu.memory_space<vmem>> -> memref<1x80xi32, #tpu.memory_space<vmem>>
      %dma_start3A_2910 = tpu.memref_squeeze %dma_start3A_2909 : memref<1x80xi32, #tpu.memory_space<vmem>> -> memref<80xi32, #tpu.memory_space<vmem>>
      %dma_start3A_2911 = arith.constant 0 : i32
      %dma_start3A_2912 = arith.constant 0 : i32
      %dma_start3A_2913 = tpu.memref_slice %arg14[%dma_start3A_2911, %dma_start3A_2912] : memref<128x128xf32, #tpu.memory_space<vmem_shared>> -> memref<128x128xf32, #tpu.memory_space<vmem_shared>>
      tpu.enqueue_indirect_dma source(%dma_start3A_2907 : memref<80x128xf32, #tpu.memory_space<vmem>>) target(%dma_start3A_2913 : memref<128x128xf32, #tpu.memory_space<vmem_shared>>) offsets(%dma_start3A_2910 : memref<80xi32, #tpu.memory_space<vmem>>) semaphore(%arg19 : memref<!tpu.dma_semaphore, #tpu.memory_space<semaphore_mem>>) {add = true}
      %dma_start3A_2914 = arith.constant 2 : i32
      %dma_start3A_2915 = arith.constant 160 : i32
      %dma_start3A_2916 = arith.constant 0 : i32
      %dma_start3A_2917 = tpu.memref_slice %arg6[%dma_start3A_2915, %dma_start3A_2916] : memref<400x128xf32, #tpu.memory_space<vmem>> -> memref<80x128xf32, #tpu.memory_space<vmem>>
      %dma_start3A_2918 = arith.constant 0 : i32
      %dma_start3A_2919 = tpu.memref_slice %arg10[%dma_start3A_2914, %dma_start3A_2918] : memref<5x80xi32, #tpu.memory_space<vmem>> -> memref<1x80xi32, #tpu.memory_space<vmem>>
      %dma_start3A_2920 = tpu.memref_squeeze %dma_start3A_2919 : memref<1x80xi32, #tpu.memory_space<vmem>> -> memref<80xi32, #tpu.memory_space<vmem>>
      %dma_start3A_2921 = arith.constant 0 : i32
      %dma_start3A_2922 = arith.constant 0 : i32
      %dma_start3A_2923 = tpu.memref_slice %arg14[%dma_start3A_2921, %dma_start3A_2922] : memref<128x128xf32, #tpu.memory_space<vmem_shared>> -> memref<128x128xf32, #tpu.memory_space<vmem_shared>>
      tpu.enqueue_indirect_dma source(%dma_start3A_2917 : memref<80x128xf32, #tpu.memory_space<vmem>>) target(%dma_start3A_2923 : memref<128x128xf32, #tpu.memory_space<vmem_shared>>) offsets(%dma_start3A_2920 : memref<80xi32, #tpu.memory_space<vmem>>) semaphore(%arg19 : memref<!tpu.dma_semaphore, #tpu.memory_space<semaphore_mem>>) {add = true}
      %dma_start3A_2924 = arith.constant 3 : i32
      %dma_start3A_2925 = arith.constant 240 : i32
      %dma_start3A_2926 = arith.constant 0 : i32
      %dma_start3A_2927 = tpu.memref_slice %arg6[%dma_start3A_2925, %dma_start3A_2926] : memref<400x128xf32, #tpu.memory_space<vmem>> -> memref<80x128xf32, #tpu.memory_space<vmem>>
      %dma_start3A_2928 = arith.constant 0 : i32
      %dma_start3A_2929 = tpu.memref_slice %arg10[%dma_start3A_2924, %dma_start3A_2928] : memref<5x80xi32, #tpu.memory_space<vmem>> -> memref<1x80xi32, #tpu.memory_space<vmem>>
      %dma_start3A_2930 = tpu.memref_squeeze %dma_start3A_2929 : memref<1x80xi32, #tpu.memory_space<vmem>> -> memref<80xi32, #tpu.memory_space<vmem>>
      %dma_start3A_2931 = arith.constant 0 : i32
      %dma_start3A_2932 = arith.constant 0 : i32
      %dma_start3A_2933 = tpu.memref_slice %arg14[%dma_start3A_2931, %dma_start3A_2932] : memref<128x128xf32, #tpu.memory_space<vmem_shared>> -> memref<128x128xf32, #tpu.memory_space<vmem_shared>>
      tpu.enqueue_indirect_dma source(%dma_start3A_2927 : memref<80x128xf32, #tpu.memory_space<vmem>>) target(%dma_start3A_2933 : memref<128x128xf32, #tpu.memory_space<vmem_shared>>) offsets(%dma_start3A_2930 : memref<80xi32, #tpu.memory_space<vmem>>) semaphore(%arg19 : memref<!tpu.dma_semaphore, #tpu.memory_space<semaphore_mem>>) {add = true}
      %dma_start3A_2934 = arith.constant 4 : i32
      %dma_start3A_2935 = arith.constant 320 : i32
      %dma_start3A_2936 = arith.constant 0 : i32
      %dma_start3A_2937 = tpu.memref_slice %arg6[%dma_start3A_2935, %dma_start3A_2936] : memref<400x128xf32, #tpu.memory_space<vmem>> -> memref<80x128xf32, #tpu.memory_space<vmem>>
      %dma_start3A_2938 = arith.constant 0 : i32
      %dma_start3A_2939 = tpu.memref_slice %arg10[%dma_start3A_2934, %dma_start3A_2938] : memref<5x80xi32, #tpu.memory_space<vmem>> -> memref<1x80xi32, #tpu.memory_space<vmem>>
      %dma_start3A_2940 = tpu.memref_squeeze %dma_start3A_2939 : memref<1x80xi32, #tpu.memory_space<vmem>> -> memref<80xi32, #tpu.memory_space<vmem>>
      %dma_start3A_2941 = arith.constant 0 : i32
      %dma_start3A_2942 = arith.constant 0 : i32
      %dma_start3A_2943 = tpu.memref_slice %arg14[%dma_start3A_2941, %dma_start3A_2942] : memref<128x128xf32, #tpu.memory_space<vmem_shared>> -> memref<128x128xf32, #tpu.memory_space<vmem_shared>>
      tpu.enqueue_indirect_dma source(%dma_start3A_2937 : memref<80x128xf32, #tpu.memory_space<vmem>>) target(%dma_start3A_2943 : memref<128x128xf32, #tpu.memory_space<vmem_shared>>) offsets(%dma_start3A_2940 : memref<80xi32, #tpu.memory_space<vmem>>) semaphore(%arg19 : memref<!tpu.dma_semaphore, #tpu.memory_space<semaphore_mem>>) {add = true}
      %dma_wait3A_2944 = arith.constant 0 : i32
      %dma_wait3A_2945 = arith.constant 0 : i32
      %dma_wait3A_2946 = arith.constant 0 : i32
      %dma_wait3A_2947 = tpu.memref_slice %arg6[%dma_wait3A_2945, %dma_wait3A_2946] : memref<400x128xf32, #tpu.memory_space<vmem>> -> memref<80x128xf32, #tpu.memory_space<vmem>>
      %dma_wait3A_2948 = arith.constant 0 : i32
      %dma_wait3A_2949 = tpu.memref_slice %arg10[%dma_wait3A_2944, %dma_wait3A_2948] : memref<5x80xi32, #tpu.memory_space<vmem>> -> memref<1x80xi32, #tpu.memory_space<vmem>>
      %dma_wait3A_2950 = tpu.memref_squeeze %dma_wait3A_2949 : memref<1x80xi32, #tpu.memory_space<vmem>> -> memref<80xi32, #tpu.memory_space<vmem>>
      %dma_wait3A_2951 = arith.constant 0 : i32
      %dma_wait3A_2952 = arith.constant 0 : i32
      %dma_wait3A_2953 = tpu.memref_slice %arg14[%dma_wait3A_2951, %dma_wait3A_2952] : memref<128x128xf32, #tpu.memory_space<vmem_shared>> -> memref<128x128xf32, #tpu.memory_space<vmem_shared>>
      tpu.wait_indirect_dma semaphore(%arg19 : memref<!tpu.dma_semaphore, #tpu.memory_space<semaphore_mem>>) src(%dma_wait3A_2947 : memref<80x128xf32, #tpu.memory_space<vmem>>) dst(%dma_wait3A_2953 : memref<128x128xf32, #tpu.memory_space<vmem_shared>>)
      %dma_wait3A_2954 = arith.constant 1 : i32
      %dma_wait3A_2955 = arith.constant 80 : i32
      %dma_wait3A_2956 = arith.constant 0 : i32
      %dma_wait3A_2957 = tpu.memref_slice %arg6[%dma_wait3A_2955, %dma_wait3A_2956] : memref<400x128xf32, #tpu.memory_space<vmem>> -> memref<80x128xf32, #tpu.memory_space<vmem>>
      %dma_wait3A_2958 = arith.constant 0 : i32
      %dma_wait3A_2959 = tpu.memref_slice %arg10[%dma_wait3A_2954, %dma_wait3A_2958] : memref<5x80xi32, #tpu.memory_space<vmem>> -> memref<1x80xi32, #tpu.memory_space<vmem>>
      %dma_wait3A_2960 = tpu.memref_squeeze %dma_wait3A_2959 : memref<1x80xi32, #tpu.memory_space<vmem>> -> memref<80xi32, #tpu.memory_space<vmem>>
      %dma_wait3A_2961 = arith.constant 0 : i32
      %dma_wait3A_2962 = arith.constant 0 : i32
      %dma_wait3A_2963 = tpu.memref_slice %arg14[%dma_wait3A_2961, %dma_wait3A_2962] : memref<128x128xf32, #tpu.memory_space<vmem_shared>> -> memref<128x128xf32, #tpu.memory_space<vmem_shared>>
      tpu.wait_indirect_dma semaphore(%arg19 : memref<!tpu.dma_semaphore, #tpu.memory_space<semaphore_mem>>) src(%dma_wait3A_2957 : memref<80x128xf32, #tpu.memory_space<vmem>>) dst(%dma_wait3A_2963 : memref<128x128xf32, #tpu.memory_space<vmem_shared>>)
      %dma_wait3A_2964 = arith.constant 2 : i32
      %dma_wait3A_2965 = arith.constant 160 : i32
      %dma_wait3A_2966 = arith.constant 0 : i32
      %dma_wait3A_2967 = tpu.memref_slice %arg6[%dma_wait3A_2965, %dma_wait3A_2966] : memref<400x128xf32, #tpu.memory_space<vmem>> -> memref<80x128xf32, #tpu.memory_space<vmem>>
      %dma_wait3A_2968 = arith.constant 0 : i32
      %dma_wait3A_2969 = tpu.memref_slice %arg10[%dma_wait3A_2964, %dma_wait3A_2968] : memref<5x80xi32, #tpu.memory_space<vmem>> -> memref<1x80xi32, #tpu.memory_space<vmem>>
      %dma_wait3A_2970 = tpu.memref_squeeze %dma_wait3A_2969 : memref<1x80xi32, #tpu.memory_space<vmem>> -> memref<80xi32, #tpu.memory_space<vmem>>
      %dma_wait3A_2971 = arith.constant 0 : i32
      %dma_wait3A_2972 = arith.constant 0 : i32
      %dma_wait3A_2973 = tpu.memref_slice %arg14[%dma_wait3A_2971, %dma_wait3A_2972] : memref<128x128xf32, #tpu.memory_space<vmem_shared>> -> memref<128x128xf32, #tpu.memory_space<vmem_shared>>
      tpu.wait_indirect_dma semaphore(%arg19 : memref<!tpu.dma_semaphore, #tpu.memory_space<semaphore_mem>>) src(%dma_wait3A_2967 : memref<80x128xf32, #tpu.memory_space<vmem>>) dst(%dma_wait3A_2973 : memref<128x128xf32, #tpu.memory_space<vmem_shared>>)
      %dma_wait3A_2974 = arith.constant 3 : i32
      %dma_wait3A_2975 = arith.constant 240 : i32
      %dma_wait3A_2976 = arith.constant 0 : i32
      %dma_wait3A_2977 = tpu.memref_slice %arg6[%dma_wait3A_2975, %dma_wait3A_2976] : memref<400x128xf32, #tpu.memory_space<vmem>> -> memref<80x128xf32, #tpu.memory_space<vmem>>
      %dma_wait3A_2978 = arith.constant 0 : i32
      %dma_wait3A_2979 = tpu.memref_slice %arg10[%dma_wait3A_2974, %dma_wait3A_2978] : memref<5x80xi32, #tpu.memory_space<vmem>> -> memref<1x80xi32, #tpu.memory_space<vmem>>
      %dma_wait3A_2980 = tpu.memref_squeeze %dma_wait3A_2979 : memref<1x80xi32, #tpu.memory_space<vmem>> -> memref<80xi32, #tpu.memory_space<vmem>>
      %dma_wait3A_2981 = arith.constant 0 : i32
      %dma_wait3A_2982 = arith.constant 0 : i32
      %dma_wait3A_2983 = tpu.memref_slice %arg14[%dma_wait3A_2981, %dma_wait3A_2982] : memref<128x128xf32, #tpu.memory_space<vmem_shared>> -> memref<128x128xf32, #tpu.memory_space<vmem_shared>>
      tpu.wait_indirect_dma semaphore(%arg19 : memref<!tpu.dma_semaphore, #tpu.memory_space<semaphore_mem>>) src(%dma_wait3A_2977 : memref<80x128xf32, #tpu.memory_space<vmem>>) dst(%dma_wait3A_2983 : memref<128x128xf32, #tpu.memory_space<vmem_shared>>)
      %dma_wait3A_2984 = arith.constant 4 : i32
      %dma_wait3A_2985 = arith.constant 320 : i32
      %dma_wait3A_2986 = arith.constant 0 : i32
      %dma_wait3A_2987 = tpu.memref_slice %arg6[%dma_wait3A_2985, %dma_wait3A_2986] : memref<400x128xf32, #tpu.memory_space<vmem>> -> memref<80x128xf32, #tpu.memory_space<vmem>>
      %dma_wait3A_2988 = arith.constant 0 : i32
      %dma_wait3A_2989 = tpu.memref_slice %arg10[%dma_wait3A_2984, %dma_wait3A_2988] : memref<5x80xi32, #tpu.memory_space<vmem>> -> memref<1x80xi32, #tpu.memory_space<vmem>>
      %dma_wait3A_2990 = tpu.memref_squeeze %dma_wait3A_2989 : memref<1x80xi32, #tpu.memory_space<vmem>> -> memref<80xi32, #tpu.memory_space<vmem>>
      %dma_wait3A_2991 = arith.constant 0 : i32
      %dma_wait3A_2992 = arith.constant 0 : i32
      %dma_wait3A_2993 = tpu.memref_slice %arg14[%dma_wait3A_2991, %dma_wait3A_2992] : memref<128x128xf32, #tpu.memory_space<vmem_shared>> -> memref<128x128xf32, #tpu.memory_space<vmem_shared>>
      tpu.wait_indirect_dma semaphore(%arg19 : memref<!tpu.dma_semaphore, #tpu.memory_space<semaphore_mem>>) src(%dma_wait3A_2987 : memref<80x128xf32, #tpu.memory_space<vmem>>) dst(%dma_wait3A_2993 : memref<128x128xf32, #tpu.memory_space<vmem_shared>>)
      %add3A_2994 = arith.constant 2 : i32
      %add3A_2995 = arith.addi %mul3A_1733, %add3A_2994 : i32
      %lt3A = arith.constant 15 : i32
      %lt3A_2996 = arith.cmpi slt, %add3A_2995, %lt3A : i32
      %convert_element_type3A = arith.extui %lt3A_2996 : i1 to i32
      %cond3A = arith.constant 0 : i32
      %cond3A_2997 = arith.cmpi ne, %convert_element_type3A, %cond3A : i32
      scf.if %cond3A_2997 {
        %add3A_4265 = arith.constant 2 : i32
        %add3A_4266 = arith.addi %mul3A_1733, %add3A_4265 : i32
        %mul3A_4267 = arith.constant 400 : i32
        %mul3A_4268 = arith.muli %add3A_4266, %mul3A_4267 : i32
        %add3A_4269 = arith.addi %mul3A_2, %mul3A_4268 : i32
        %dma_start3A_4270 = arith.constant 0 : i32
        %dma_start3A_4271 = tpu.memref_slice %arg2[%add3A_4269, %dma_start3A_4270] : memref<320000x128xf32, #tpu.memory_space<hbm>> -> memref<400x128xf32, #tpu.memory_space<hbm>>
        %dma_start3A_4272 = arith.constant 0 : i32
        %dma_start3A_4273 = tpu.memref_slice %arg2[%add3A_4269, %dma_start3A_4272] : memref<320000x128xf32, #tpu.memory_space<hbm>> -> memref<400x128xf32, #tpu.memory_space<hbm>>
        tpu.enqueue_dma source(%dma_start3A_4273 : memref<400x128xf32, #tpu.memory_space<hbm>>) target(%arg6 : memref<400x128xf32, #tpu.memory_space<vmem>>) target_semaphore(%arg15 : memref<!tpu.dma_semaphore, #tpu.memory_space<semaphore_mem>>)
        %dma_start3A_4274 = tpu.memref_slice %arg3[%add3A_4269] : memref<320000xi32, #tpu.memory_space<hbm>> -> memref<400xi32, #tpu.memory_space<hbm>>
        %dma_start3A_4275 = tpu.memref_slice %arg3[%add3A_4269] : memref<320000xi32, #tpu.memory_space<hbm>> -> memref<400xi32, #tpu.memory_space<hbm>>
        tpu.enqueue_dma source(%dma_start3A_4275 : memref<400xi32, #tpu.memory_space<hbm>>) target(%arg8 : memref<400xi32, #tpu.memory_space<vmem>>) target_semaphore(%arg17 : memref<!tpu.dma_semaphore, #tpu.memory_space<semaphore_mem>>)
      } else {
      }
      %dma_wait3A_2998 = arith.constant 0 : i32
      %dma_wait3A_2999 = arith.constant 0 : i32
      %dma_wait3A_3000 = tpu.memref_slice %arg2[%dma_wait3A_2998, %dma_wait3A_2999] : memref<320000x128xf32, #tpu.memory_space<hbm>> -> memref<400x128xf32, #tpu.memory_space<hbm>>
      %dma_wait3A_3001 = arith.constant 0 : i32
      %dma_wait3A_3002 = arith.constant 0 : i32
      %dma_wait3A_3003 = tpu.memref_slice %arg2[%dma_wait3A_3001, %dma_wait3A_3002] : memref<320000x128xf32, #tpu.memory_space<hbm>> -> memref<400x128xf32, #tpu.memory_space<hbm>>
      tpu.wait_dma2 semaphore(%arg16 : memref<!tpu.dma_semaphore, #tpu.memory_space<semaphore_mem>>) src(%dma_wait3A_3003 : memref<400x128xf32, #tpu.memory_space<hbm>>) dst(%arg7 : memref<400x128xf32, #tpu.memory_space<vmem>>)
      %dma_wait3A_3004 = arith.constant 0 : i32
      %dma_wait3A_3005 = tpu.memref_slice %arg3[%dma_wait3A_3004] : memref<320000xi32, #tpu.memory_space<hbm>> -> memref<400xi32, #tpu.memory_space<hbm>>
      %dma_wait3A_3006 = arith.constant 0 : i32
      %dma_wait3A_3007 = tpu.memref_slice %arg3[%dma_wait3A_3006] : memref<320000xi32, #tpu.memory_space<hbm>> -> memref<400xi32, #tpu.memory_space<hbm>>
      tpu.wait_dma2 semaphore(%arg18 : memref<!tpu.dma_semaphore, #tpu.memory_space<semaphore_mem>>) src(%dma_wait3A_3007 : memref<400xi32, #tpu.memory_space<hbm>>) dst(%arg9 : memref<400xi32, #tpu.memory_space<vmem>>)
      %get3A_3008 = arith.constant 0 : index
      %get3A_3009 = tpu.vector_load %arg9[%get3A_3008] {strides = array<i32>} : memref<400xi32, #tpu.memory_space<vmem>>, vector<16xi32>,
      %get3A_3010 = vector.shape_cast %get3A_3009 : vector<16xi32> to vector<16xi32>
      %eq3A_3011 = arith.constant 0 : i32
      %eq3A_3012 = vector.broadcast %eq3A_3011 : i32 to vector<16xi32>
      %eq3A_3013 = arith.cmpi eq, %get3A_3010, %eq3A_3012 : vector<16xi32>
      %select_n3A_3014 = arith.select %eq3A_3013, %broadcast_in_dim3A_396, %broadcast_in_dim3A_398 : vector<16xi1>, vector<16xf32>
      %add3A_3015 = arith.addf %add3A_2855, %select_n3A_3014 : vector<16xf32>
      %eq3A_3016 = arith.constant 1 : i32
      %eq3A_3017 = vector.broadcast %eq3A_3016 : i32 to vector<16xi32>
      %eq3A_3018 = arith.cmpi eq, %get3A_3010, %eq3A_3017 : vector<16xi32>
      %select_n3A_3019 = arith.select %eq3A_3018, %broadcast_in_dim3A_396, %broadcast_in_dim3A_398 : vector<16xi1>, vector<16xf32>
      %add3A_3020 = arith.addf %add3A_2860, %select_n3A_3019 : vector<16xf32>
      %eq3A_3021 = arith.constant 2 : i32
      %eq3A_3022 = vector.broadcast %eq3A_3021 : i32 to vector<16xi32>
      %eq3A_3023 = arith.cmpi eq, %get3A_3010, %eq3A_3022 : vector<16xi32>
      %select_n3A_3024 = arith.select %eq3A_3023, %broadcast_in_dim3A_396, %broadcast_in_dim3A_398 : vector<16xi1>, vector<16xf32>
      %add3A_3025 = arith.addf %add3A_2865, %select_n3A_3024 : vector<16xf32>
      %eq3A_3026 = arith.constant 3 : i32
      %eq3A_3027 = vector.broadcast %eq3A_3026 : i32 to vector<16xi32>
      %eq3A_3028 = arith.cmpi eq, %get3A_3010, %eq3A_3027 : vector<16xi32>
      %select_n3A_3029 = arith.select %eq3A_3028, %broadcast_in_dim3A_396, %broadcast_in_dim3A_398 : vector<16xi1>, vector<16xf32>
      %add3A_3030 = arith.addf %add3A_2870, %select_n3A_3029 : vector<16xf32>
      %eq3A_3031 = arith.constant 4 : i32
      %eq3A_3032 = vector.broadcast %eq3A_3031 : i32 to vector<16xi32>
      %eq3A_3033 = arith.cmpi eq, %get3A_3010, %eq3A_3032 : vector<16xi32>
      %select_n3A_3034 = arith.select %eq3A_3033, %broadcast_in_dim3A_396, %broadcast_in_dim3A_398 : vector<16xi1>, vector<16xf32>
      %add3A_3035 = arith.addf %add3A_2875, %select_n3A_3034 : vector<16xf32>
      %eq3A_3036 = arith.constant 5 : i32
      %eq3A_3037 = vector.broadcast %eq3A_3036 : i32 to vector<16xi32>
      %eq3A_3038 = arith.cmpi eq, %get3A_3010, %eq3A_3037 : vector<16xi32>
      %select_n3A_3039 = arith.select %eq3A_3038, %broadcast_in_dim3A_396, %broadcast_in_dim3A_398 : vector<16xi1>, vector<16xf32>
      %add3A_3040 = arith.addf %add3A_2880, %select_n3A_3039 : vector<16xf32>
      %eq3A_3041 = arith.constant 6 : i32
      %eq3A_3042 = vector.broadcast %eq3A_3041 : i32 to vector<16xi32>
      %eq3A_3043 = arith.cmpi eq, %get3A_3010, %eq3A_3042 : vector<16xi32>
      %select_n3A_3044 = arith.select %eq3A_3043, %broadcast_in_dim3A_396, %broadcast_in_dim3A_398 : vector<16xi1>, vector<16xf32>
      %add3A_3045 = arith.addf %add3A_2885, %select_n3A_3044 : vector<16xf32>
      %min3A_3046 = arith.minui %get3A_3010, %broadcast_in_dim3A_394 : vector<16xi32>
      %add3A_3047 = arith.addi %min3A_3046, %mul3A_392 : vector<16xi32>
      %swap3A_3048 = arith.constant 0 : i32
      %swap3A_3049 = arith.index_cast %swap3A_3048 : i32 to index
      %swap3A_3050 = arith.constant 0 : index
      %swap3A_3051 = tpu.vector_load %arg11[%swap3A_3049, %swap3A_3050] {strides = array<i32>} : memref<5x80xi32, #tpu.memory_space<vmem>>, vector<1x16xi32>,
      %swap3A_3052 = vector.shape_cast %swap3A_3051 : vector<1x16xi32> to vector<16xi32>
      %swap3A_3053 = vector.shape_cast %add3A_3047 : vector<16xi32> to vector<1x16xi32>
      tpu.vector_store %arg11[%swap3A_3049, %swap3A_3050], %swap3A_3053 {strides = array<i32>} : memref<5x80xi32, #tpu.memory_space<vmem>>, vector<1x16xi32>,
      %get3A_3054 = arith.constant 16 : index
      %get3A_3055 = tpu.vector_load %arg9[%get3A_3054] {strides = array<i32>} : memref<400xi32, #tpu.memory_space<vmem>>, vector<16xi32>,
      %get3A_3056 = vector.shape_cast %get3A_3055 : vector<16xi32> to vector<16xi32>
      %eq3A_3057 = arith.constant 0 : i32
      %eq3A_3058 = vector.broadcast %eq3A_3057 : i32 to vector<16xi32>
      %eq3A_3059 = arith.cmpi eq, %get3A_3056, %eq3A_3058 : vector<16xi32>
      %select_n3A_3060 = arith.select %eq3A_3059, %broadcast_in_dim3A_396, %broadcast_in_dim3A_398 : vector<16xi1>, vector<16xf32>
      %add3A_3061 = arith.addf %add3A_3015, %select_n3A_3060 : vector<16xf32>
      %eq3A_3062 = arith.constant 1 : i32
      %eq3A_3063 = vector.broadcast %eq3A_3062 : i32 to vector<16xi32>
      %eq3A_3064 = arith.cmpi eq, %get3A_3056, %eq3A_3063 : vector<16xi32>
      %select_n3A_3065 = arith.select %eq3A_3064, %broadcast_in_dim3A_396, %broadcast_in_dim3A_398 : vector<16xi1>, vector<16xf32>
      %add3A_3066 = arith.addf %add3A_3020, %select_n3A_3065 : vector<16xf32>
      %eq3A_3067 = arith.constant 2 : i32
      %eq3A_3068 = vector.broadcast %eq3A_3067 : i32 to vector<16xi32>
      %eq3A_3069 = arith.cmpi eq, %get3A_3056, %eq3A_3068 : vector<16xi32>
      %select_n3A_3070 = arith.select %eq3A_3069, %broadcast_in_dim3A_396, %broadcast_in_dim3A_398 : vector<16xi1>, vector<16xf32>
      %add3A_3071 = arith.addf %add3A_3025, %select_n3A_3070 : vector<16xf32>
      %eq3A_3072 = arith.constant 3 : i32
      %eq3A_3073 = vector.broadcast %eq3A_3072 : i32 to vector<16xi32>
      %eq3A_3074 = arith.cmpi eq, %get3A_3056, %eq3A_3073 : vector<16xi32>
      %select_n3A_3075 = arith.select %eq3A_3074, %broadcast_in_dim3A_396, %broadcast_in_dim3A_398 : vector<16xi1>, vector<16xf32>
      %add3A_3076 = arith.addf %add3A_3030, %select_n3A_3075 : vector<16xf32>
      %eq3A_3077 = arith.constant 4 : i32
      %eq3A_3078 = vector.broadcast %eq3A_3077 : i32 to vector<16xi32>
      %eq3A_3079 = arith.cmpi eq, %get3A_3056, %eq3A_3078 : vector<16xi32>
      %select_n3A_3080 = arith.select %eq3A_3079, %broadcast_in_dim3A_396, %broadcast_in_dim3A_398 : vector<16xi1>, vector<16xf32>
      %add3A_3081 = arith.addf %add3A_3035, %select_n3A_3080 : vector<16xf32>
      %eq3A_3082 = arith.constant 5 : i32
      %eq3A_3083 = vector.broadcast %eq3A_3082 : i32 to vector<16xi32>
      %eq3A_3084 = arith.cmpi eq, %get3A_3056, %eq3A_3083 : vector<16xi32>
      %select_n3A_3085 = arith.select %eq3A_3084, %broadcast_in_dim3A_396, %broadcast_in_dim3A_398 : vector<16xi1>, vector<16xf32>
      %add3A_3086 = arith.addf %add3A_3040, %select_n3A_3085 : vector<16xf32>
      %eq3A_3087 = arith.constant 6 : i32
      %eq3A_3088 = vector.broadcast %eq3A_3087 : i32 to vector<16xi32>
      %eq3A_3089 = arith.cmpi eq, %get3A_3056, %eq3A_3088 : vector<16xi32>
      %select_n3A_3090 = arith.select %eq3A_3089, %broadcast_in_dim3A_396, %broadcast_in_dim3A_398 : vector<16xi1>, vector<16xf32>
      %add3A_3091 = arith.addf %add3A_3045, %select_n3A_3090 : vector<16xf32>
      %min3A_3092 = arith.minui %get3A_3056, %broadcast_in_dim3A_394 : vector<16xi32>
      %add3A_3093 = arith.addi %min3A_3092, %mul3A_392 : vector<16xi32>
      %swap3A_3094 = arith.constant 0 : i32
      %swap3A_3095 = arith.index_cast %swap3A_3094 : i32 to index
      %swap3A_3096 = arith.constant 16 : index
      %swap3A_3097 = tpu.vector_load %arg11[%swap3A_3095, %swap3A_3096] {strides = array<i32>} : memref<5x80xi32, #tpu.memory_space<vmem>>, vector<1x16xi32>,
      %swap3A_3098 = vector.shape_cast %swap3A_3097 : vector<1x16xi32> to vector<16xi32>
      %swap3A_3099 = vector.shape_cast %add3A_3093 : vector<16xi32> to vector<1x16xi32>
      tpu.vector_store %arg11[%swap3A_3095, %swap3A_3096], %swap3A_3099 {strides = array<i32>} : memref<5x80xi32, #tpu.memory_space<vmem>>, vector<1x16xi32>,
      %get3A_3100 = arith.constant 32 : index
      %get3A_3101 = tpu.vector_load %arg9[%get3A_3100] {strides = array<i32>} : memref<400xi32, #tpu.memory_space<vmem>>, vector<16xi32>,
      %get3A_3102 = vector.shape_cast %get3A_3101 : vector<16xi32> to vector<16xi32>
      %eq3A_3103 = arith.constant 0 : i32
      %eq3A_3104 = vector.broadcast %eq3A_3103 : i32 to vector<16xi32>
      %eq3A_3105 = arith.cmpi eq, %get3A_3102, %eq3A_3104 : vector<16xi32>
      %select_n3A_3106 = arith.select %eq3A_3105, %broadcast_in_dim3A_396, %broadcast_in_dim3A_398 : vector<16xi1>, vector<16xf32>
      %add3A_3107 = arith.addf %add3A_3061, %select_n3A_3106 : vector<16xf32>
      %eq3A_3108 = arith.constant 1 : i32
      %eq3A_3109 = vector.broadcast %eq3A_3108 : i32 to vector<16xi32>
      %eq3A_3110 = arith.cmpi eq, %get3A_3102, %eq3A_3109 : vector<16xi32>
      %select_n3A_3111 = arith.select %eq3A_3110, %broadcast_in_dim3A_396, %broadcast_in_dim3A_398 : vector<16xi1>, vector<16xf32>
      %add3A_3112 = arith.addf %add3A_3066, %select_n3A_3111 : vector<16xf32>
      %eq3A_3113 = arith.constant 2 : i32
      %eq3A_3114 = vector.broadcast %eq3A_3113 : i32 to vector<16xi32>
      %eq3A_3115 = arith.cmpi eq, %get3A_3102, %eq3A_3114 : vector<16xi32>
      %select_n3A_3116 = arith.select %eq3A_3115, %broadcast_in_dim3A_396, %broadcast_in_dim3A_398 : vector<16xi1>, vector<16xf32>
      %add3A_3117 = arith.addf %add3A_3071, %select_n3A_3116 : vector<16xf32>
      %eq3A_3118 = arith.constant 3 : i32
      %eq3A_3119 = vector.broadcast %eq3A_3118 : i32 to vector<16xi32>
      %eq3A_3120 = arith.cmpi eq, %get3A_3102, %eq3A_3119 : vector<16xi32>
      %select_n3A_3121 = arith.select %eq3A_3120, %broadcast_in_dim3A_396, %broadcast_in_dim3A_398 : vector<16xi1>, vector<16xf32>
      %add3A_3122 = arith.addf %add3A_3076, %select_n3A_3121 : vector<16xf32>
      %eq3A_3123 = arith.constant 4 : i32
      %eq3A_3124 = vector.broadcast %eq3A_3123 : i32 to vector<16xi32>
      %eq3A_3125 = arith.cmpi eq, %get3A_3102, %eq3A_3124 : vector<16xi32>
      %select_n3A_3126 = arith.select %eq3A_3125, %broadcast_in_dim3A_396, %broadcast_in_dim3A_398 : vector<16xi1>, vector<16xf32>
      %add3A_3127 = arith.addf %add3A_3081, %select_n3A_3126 : vector<16xf32>
      %eq3A_3128 = arith.constant 5 : i32
      %eq3A_3129 = vector.broadcast %eq3A_3128 : i32 to vector<16xi32>
      %eq3A_3130 = arith.cmpi eq, %get3A_3102, %eq3A_3129 : vector<16xi32>
      %select_n3A_3131 = arith.select %eq3A_3130, %broadcast_in_dim3A_396, %broadcast_in_dim3A_398 : vector<16xi1>, vector<16xf32>
      %add3A_3132 = arith.addf %add3A_3086, %select_n3A_3131 : vector<16xf32>
      %eq3A_3133 = arith.constant 6 : i32
      %eq3A_3134 = vector.broadcast %eq3A_3133 : i32 to vector<16xi32>
      %eq3A_3135 = arith.cmpi eq, %get3A_3102, %eq3A_3134 : vector<16xi32>
      %select_n3A_3136 = arith.select %eq3A_3135, %broadcast_in_dim3A_396, %broadcast_in_dim3A_398 : vector<16xi1>, vector<16xf32>
      %add3A_3137 = arith.addf %add3A_3091, %select_n3A_3136 : vector<16xf32>
      %min3A_3138 = arith.minui %get3A_3102, %broadcast_in_dim3A_394 : vector<16xi32>
      %add3A_3139 = arith.addi %min3A_3138, %mul3A_392 : vector<16xi32>
      %swap3A_3140 = arith.constant 0 : i32
      %swap3A_3141 = arith.index_cast %swap3A_3140 : i32 to index
      %swap3A_3142 = arith.constant 32 : index
      %swap3A_3143 = tpu.vector_load %arg11[%swap3A_3141, %swap3A_3142] {strides = array<i32>} : memref<5x80xi32, #tpu.memory_space<vmem>>, vector<1x16xi32>,
      %swap3A_3144 = vector.shape_cast %swap3A_3143 : vector<1x16xi32> to vector<16xi32>
      %swap3A_3145 = vector.shape_cast %add3A_3139 : vector<16xi32> to vector<1x16xi32>
      tpu.vector_store %arg11[%swap3A_3141, %swap3A_3142], %swap3A_3145 {strides = array<i32>} : memref<5x80xi32, #tpu.memory_space<vmem>>, vector<1x16xi32>,
      %get3A_3146 = arith.constant 48 : index
      %get3A_3147 = tpu.vector_load %arg9[%get3A_3146] {strides = array<i32>} : memref<400xi32, #tpu.memory_space<vmem>>, vector<16xi32>,
      %get3A_3148 = vector.shape_cast %get3A_3147 : vector<16xi32> to vector<16xi32>
      %eq3A_3149 = arith.constant 0 : i32
      %eq3A_3150 = vector.broadcast %eq3A_3149 : i32 to vector<16xi32>
      %eq3A_3151 = arith.cmpi eq, %get3A_3148, %eq3A_3150 : vector<16xi32>
      %select_n3A_3152 = arith.select %eq3A_3151, %broadcast_in_dim3A_396, %broadcast_in_dim3A_398 : vector<16xi1>, vector<16xf32>
      %add3A_3153 = arith.addf %add3A_3107, %select_n3A_3152 : vector<16xf32>
      %eq3A_3154 = arith.constant 1 : i32
      %eq3A_3155 = vector.broadcast %eq3A_3154 : i32 to vector<16xi32>
      %eq3A_3156 = arith.cmpi eq, %get3A_3148, %eq3A_3155 : vector<16xi32>
      %select_n3A_3157 = arith.select %eq3A_3156, %broadcast_in_dim3A_396, %broadcast_in_dim3A_398 : vector<16xi1>, vector<16xf32>
      %add3A_3158 = arith.addf %add3A_3112, %select_n3A_3157 : vector<16xf32>
      %eq3A_3159 = arith.constant 2 : i32
      %eq3A_3160 = vector.broadcast %eq3A_3159 : i32 to vector<16xi32>
      %eq3A_3161 = arith.cmpi eq, %get3A_3148, %eq3A_3160 : vector<16xi32>
      %select_n3A_3162 = arith.select %eq3A_3161, %broadcast_in_dim3A_396, %broadcast_in_dim3A_398 : vector<16xi1>, vector<16xf32>
      %add3A_3163 = arith.addf %add3A_3117, %select_n3A_3162 : vector<16xf32>
      %eq3A_3164 = arith.constant 3 : i32
      %eq3A_3165 = vector.broadcast %eq3A_3164 : i32 to vector<16xi32>
      %eq3A_3166 = arith.cmpi eq, %get3A_3148, %eq3A_3165 : vector<16xi32>
      %select_n3A_3167 = arith.select %eq3A_3166, %broadcast_in_dim3A_396, %broadcast_in_dim3A_398 : vector<16xi1>, vector<16xf32>
      %add3A_3168 = arith.addf %add3A_3122, %select_n3A_3167 : vector<16xf32>
      %eq3A_3169 = arith.constant 4 : i32
      %eq3A_3170 = vector.broadcast %eq3A_3169 : i32 to vector<16xi32>
      %eq3A_3171 = arith.cmpi eq, %get3A_3148, %eq3A_3170 : vector<16xi32>
      %select_n3A_3172 = arith.select %eq3A_3171, %broadcast_in_dim3A_396, %broadcast_in_dim3A_398 : vector<16xi1>, vector<16xf32>
      %add3A_3173 = arith.addf %add3A_3127, %select_n3A_3172 : vector<16xf32>
      %eq3A_3174 = arith.constant 5 : i32
      %eq3A_3175 = vector.broadcast %eq3A_3174 : i32 to vector<16xi32>
      %eq3A_3176 = arith.cmpi eq, %get3A_3148, %eq3A_3175 : vector<16xi32>
      %select_n3A_3177 = arith.select %eq3A_3176, %broadcast_in_dim3A_396, %broadcast_in_dim3A_398 : vector<16xi1>, vector<16xf32>
      %add3A_3178 = arith.addf %add3A_3132, %select_n3A_3177 : vector<16xf32>
      %eq3A_3179 = arith.constant 6 : i32
      %eq3A_3180 = vector.broadcast %eq3A_3179 : i32 to vector<16xi32>
      %eq3A_3181 = arith.cmpi eq, %get3A_3148, %eq3A_3180 : vector<16xi32>
      %select_n3A_3182 = arith.select %eq3A_3181, %broadcast_in_dim3A_396, %broadcast_in_dim3A_398 : vector<16xi1>, vector<16xf32>
      %add3A_3183 = arith.addf %add3A_3137, %select_n3A_3182 : vector<16xf32>
      %min3A_3184 = arith.minui %get3A_3148, %broadcast_in_dim3A_394 : vector<16xi32>
      %add3A_3185 = arith.addi %min3A_3184, %mul3A_392 : vector<16xi32>
      %swap3A_3186 = arith.constant 0 : i32
      %swap3A_3187 = arith.index_cast %swap3A_3186 : i32 to index
      %swap3A_3188 = arith.constant 48 : index
      %swap3A_3189 = tpu.vector_load %arg11[%swap3A_3187, %swap3A_3188] {strides = array<i32>} : memref<5x80xi32, #tpu.memory_space<vmem>>, vector<1x16xi32>,
      %swap3A_3190 = vector.shape_cast %swap3A_3189 : vector<1x16xi32> to vector<16xi32>
      %swap3A_3191 = vector.shape_cast %add3A_3185 : vector<16xi32> to vector<1x16xi32>
      tpu.vector_store %arg11[%swap3A_3187, %swap3A_3188], %swap3A_3191 {strides = array<i32>} : memref<5x80xi32, #tpu.memory_space<vmem>>, vector<1x16xi32>,
      %get3A_3192 = arith.constant 64 : index
      %get3A_3193 = tpu.vector_load %arg9[%get3A_3192] {strides = array<i32>} : memref<400xi32, #tpu.memory_space<vmem>>, vector<16xi32>,
      %get3A_3194 = vector.shape_cast %get3A_3193 : vector<16xi32> to vector<16xi32>
      %eq3A_3195 = arith.constant 0 : i32
      %eq3A_3196 = vector.broadcast %eq3A_3195 : i32 to vector<16xi32>
      %eq3A_3197 = arith.cmpi eq, %get3A_3194, %eq3A_3196 : vector<16xi32>
      %select_n3A_3198 = arith.select %eq3A_3197, %broadcast_in_dim3A_396, %broadcast_in_dim3A_398 : vector<16xi1>, vector<16xf32>
      %add3A_3199 = arith.addf %add3A_3153, %select_n3A_3198 : vector<16xf32>
      %eq3A_3200 = arith.constant 1 : i32
      %eq3A_3201 = vector.broadcast %eq3A_3200 : i32 to vector<16xi32>
      %eq3A_3202 = arith.cmpi eq, %get3A_3194, %eq3A_3201 : vector<16xi32>
      %select_n3A_3203 = arith.select %eq3A_3202, %broadcast_in_dim3A_396, %broadcast_in_dim3A_398 : vector<16xi1>, vector<16xf32>
      %add3A_3204 = arith.addf %add3A_3158, %select_n3A_3203 : vector<16xf32>
      %eq3A_3205 = arith.constant 2 : i32
      %eq3A_3206 = vector.broadcast %eq3A_3205 : i32 to vector<16xi32>
      %eq3A_3207 = arith.cmpi eq, %get3A_3194, %eq3A_3206 : vector<16xi32>
      %select_n3A_3208 = arith.select %eq3A_3207, %broadcast_in_dim3A_396, %broadcast_in_dim3A_398 : vector<16xi1>, vector<16xf32>
      %add3A_3209 = arith.addf %add3A_3163, %select_n3A_3208 : vector<16xf32>
      %eq3A_3210 = arith.constant 3 : i32
      %eq3A_3211 = vector.broadcast %eq3A_3210 : i32 to vector<16xi32>
      %eq3A_3212 = arith.cmpi eq, %get3A_3194, %eq3A_3211 : vector<16xi32>
      %select_n3A_3213 = arith.select %eq3A_3212, %broadcast_in_dim3A_396, %broadcast_in_dim3A_398 : vector<16xi1>, vector<16xf32>
      %add3A_3214 = arith.addf %add3A_3168, %select_n3A_3213 : vector<16xf32>
      %eq3A_3215 = arith.constant 4 : i32
      %eq3A_3216 = vector.broadcast %eq3A_3215 : i32 to vector<16xi32>
      %eq3A_3217 = arith.cmpi eq, %get3A_3194, %eq3A_3216 : vector<16xi32>
      %select_n3A_3218 = arith.select %eq3A_3217, %broadcast_in_dim3A_396, %broadcast_in_dim3A_398 : vector<16xi1>, vector<16xf32>
      %add3A_3219 = arith.addf %add3A_3173, %select_n3A_3218 : vector<16xf32>
      %eq3A_3220 = arith.constant 5 : i32
      %eq3A_3221 = vector.broadcast %eq3A_3220 : i32 to vector<16xi32>
      %eq3A_3222 = arith.cmpi eq, %get3A_3194, %eq3A_3221 : vector<16xi32>
      %select_n3A_3223 = arith.select %eq3A_3222, %broadcast_in_dim3A_396, %broadcast_in_dim3A_398 : vector<16xi1>, vector<16xf32>
      %add3A_3224 = arith.addf %add3A_3178, %select_n3A_3223 : vector<16xf32>
      %eq3A_3225 = arith.constant 6 : i32
      %eq3A_3226 = vector.broadcast %eq3A_3225 : i32 to vector<16xi32>
      %eq3A_3227 = arith.cmpi eq, %get3A_3194, %eq3A_3226 : vector<16xi32>
      %select_n3A_3228 = arith.select %eq3A_3227, %broadcast_in_dim3A_396, %broadcast_in_dim3A_398 : vector<16xi1>, vector<16xf32>
      %add3A_3229 = arith.addf %add3A_3183, %select_n3A_3228 : vector<16xf32>
      %min3A_3230 = arith.minui %get3A_3194, %broadcast_in_dim3A_394 : vector<16xi32>
      %add3A_3231 = arith.addi %min3A_3230, %mul3A_392 : vector<16xi32>
      %swap3A_3232 = arith.constant 0 : i32
      %swap3A_3233 = arith.index_cast %swap3A_3232 : i32 to index
      %swap3A_3234 = arith.constant 64 : index
      %swap3A_3235 = tpu.vector_load %arg11[%swap3A_3233, %swap3A_3234] {strides = array<i32>} : memref<5x80xi32, #tpu.memory_space<vmem>>, vector<1x16xi32>,
      %swap3A_3236 = vector.shape_cast %swap3A_3235 : vector<1x16xi32> to vector<16xi32>
      %swap3A_3237 = vector.shape_cast %add3A_3231 : vector<16xi32> to vector<1x16xi32>
      tpu.vector_store %arg11[%swap3A_3233, %swap3A_3234], %swap3A_3237 {strides = array<i32>} : memref<5x80xi32, #tpu.memory_space<vmem>>, vector<1x16xi32>,
      %get3A_3238 = arith.constant 80 : index
      %get3A_3239 = tpu.vector_load %arg9[%get3A_3238] {strides = array<i32>} : memref<400xi32, #tpu.memory_space<vmem>>, vector<16xi32>,
      %get3A_3240 = vector.shape_cast %get3A_3239 : vector<16xi32> to vector<16xi32>
      %eq3A_3241 = arith.constant 0 : i32
      %eq3A_3242 = vector.broadcast %eq3A_3241 : i32 to vector<16xi32>
      %eq3A_3243 = arith.cmpi eq, %get3A_3240, %eq3A_3242 : vector<16xi32>
      %select_n3A_3244 = arith.select %eq3A_3243, %broadcast_in_dim3A_396, %broadcast_in_dim3A_398 : vector<16xi1>, vector<16xf32>
      %add3A_3245 = arith.addf %add3A_3199, %select_n3A_3244 : vector<16xf32>
      %eq3A_3246 = arith.constant 1 : i32
      %eq3A_3247 = vector.broadcast %eq3A_3246 : i32 to vector<16xi32>
      %eq3A_3248 = arith.cmpi eq, %get3A_3240, %eq3A_3247 : vector<16xi32>
      %select_n3A_3249 = arith.select %eq3A_3248, %broadcast_in_dim3A_396, %broadcast_in_dim3A_398 : vector<16xi1>, vector<16xf32>
      %add3A_3250 = arith.addf %add3A_3204, %select_n3A_3249 : vector<16xf32>
      %eq3A_3251 = arith.constant 2 : i32
      %eq3A_3252 = vector.broadcast %eq3A_3251 : i32 to vector<16xi32>
      %eq3A_3253 = arith.cmpi eq, %get3A_3240, %eq3A_3252 : vector<16xi32>
      %select_n3A_3254 = arith.select %eq3A_3253, %broadcast_in_dim3A_396, %broadcast_in_dim3A_398 : vector<16xi1>, vector<16xf32>
      %add3A_3255 = arith.addf %add3A_3209, %select_n3A_3254 : vector<16xf32>
      %eq3A_3256 = arith.constant 3 : i32
      %eq3A_3257 = vector.broadcast %eq3A_3256 : i32 to vector<16xi32>
      %eq3A_3258 = arith.cmpi eq, %get3A_3240, %eq3A_3257 : vector<16xi32>
      %select_n3A_3259 = arith.select %eq3A_3258, %broadcast_in_dim3A_396, %broadcast_in_dim3A_398 : vector<16xi1>, vector<16xf32>
      %add3A_3260 = arith.addf %add3A_3214, %select_n3A_3259 : vector<16xf32>
      %eq3A_3261 = arith.constant 4 : i32
      %eq3A_3262 = vector.broadcast %eq3A_3261 : i32 to vector<16xi32>
      %eq3A_3263 = arith.cmpi eq, %get3A_3240, %eq3A_3262 : vector<16xi32>
      %select_n3A_3264 = arith.select %eq3A_3263, %broadcast_in_dim3A_396, %broadcast_in_dim3A_398 : vector<16xi1>, vector<16xf32>
      %add3A_3265 = arith.addf %add3A_3219, %select_n3A_3264 : vector<16xf32>
      %eq3A_3266 = arith.constant 5 : i32
      %eq3A_3267 = vector.broadcast %eq3A_3266 : i32 to vector<16xi32>
      %eq3A_3268 = arith.cmpi eq, %get3A_3240, %eq3A_3267 : vector<16xi32>
      %select_n3A_3269 = arith.select %eq3A_3268, %broadcast_in_dim3A_396, %broadcast_in_dim3A_398 : vector<16xi1>, vector<16xf32>
      %add3A_3270 = arith.addf %add3A_3224, %select_n3A_3269 : vector<16xf32>
      %eq3A_3271 = arith.constant 6 : i32
      %eq3A_3272 = vector.broadcast %eq3A_3271 : i32 to vector<16xi32>
      %eq3A_3273 = arith.cmpi eq, %get3A_3240, %eq3A_3272 : vector<16xi32>
      %select_n3A_3274 = arith.select %eq3A_3273, %broadcast_in_dim3A_396, %broadcast_in_dim3A_398 : vector<16xi1>, vector<16xf32>
      %add3A_3275 = arith.addf %add3A_3229, %select_n3A_3274 : vector<16xf32>
      %min3A_3276 = arith.minui %get3A_3240, %broadcast_in_dim3A_394 : vector<16xi32>
      %add3A_3277 = arith.addi %min3A_3276, %mul3A_392 : vector<16xi32>
      %swap3A_3278 = arith.constant 1 : i32
      %swap3A_3279 = arith.index_cast %swap3A_3278 : i32 to index
      %swap3A_3280 = arith.constant 0 : index
      %swap3A_3281 = tpu.vector_load %arg11[%swap3A_3279, %swap3A_3280] {strides = array<i32>} : memref<5x80xi32, #tpu.memory_space<vmem>>, vector<1x16xi32>,
      %swap3A_3282 = vector.shape_cast %swap3A_3281 : vector<1x16xi32> to vector<16xi32>
      %swap3A_3283 = vector.shape_cast %add3A_3277 : vector<16xi32> to vector<1x16xi32>
      tpu.vector_store %arg11[%swap3A_3279, %swap3A_3280], %swap3A_3283 {strides = array<i32>} : memref<5x80xi32, #tpu.memory_space<vmem>>, vector<1x16xi32>,
      %get3A_3284 = arith.constant 96 : index
      %get3A_3285 = tpu.vector_load %arg9[%get3A_3284] {strides = array<i32>} : memref<400xi32, #tpu.memory_space<vmem>>, vector<16xi32>,
      %get3A_3286 = vector.shape_cast %get3A_3285 : vector<16xi32> to vector<16xi32>
      %eq3A_3287 = arith.constant 0 : i32
      %eq3A_3288 = vector.broadcast %eq3A_3287 : i32 to vector<16xi32>
      %eq3A_3289 = arith.cmpi eq, %get3A_3286, %eq3A_3288 : vector<16xi32>
      %select_n3A_3290 = arith.select %eq3A_3289, %broadcast_in_dim3A_396, %broadcast_in_dim3A_398 : vector<16xi1>, vector<16xf32>
      %add3A_3291 = arith.addf %add3A_3245, %select_n3A_3290 : vector<16xf32>
      %eq3A_3292 = arith.constant 1 : i32
      %eq3A_3293 = vector.broadcast %eq3A_3292 : i32 to vector<16xi32>
      %eq3A_3294 = arith.cmpi eq, %get3A_3286, %eq3A_3293 : vector<16xi32>
      %select_n3A_3295 = arith.select %eq3A_3294, %broadcast_in_dim3A_396, %broadcast_in_dim3A_398 : vector<16xi1>, vector<16xf32>
      %add3A_3296 = arith.addf %add3A_3250, %select_n3A_3295 : vector<16xf32>
      %eq3A_3297 = arith.constant 2 : i32
      %eq3A_3298 = vector.broadcast %eq3A_3297 : i32 to vector<16xi32>
      %eq3A_3299 = arith.cmpi eq, %get3A_3286, %eq3A_3298 : vector<16xi32>
      %select_n3A_3300 = arith.select %eq3A_3299, %broadcast_in_dim3A_396, %broadcast_in_dim3A_398 : vector<16xi1>, vector<16xf32>
      %add3A_3301 = arith.addf %add3A_3255, %select_n3A_3300 : vector<16xf32>
      %eq3A_3302 = arith.constant 3 : i32
      %eq3A_3303 = vector.broadcast %eq3A_3302 : i32 to vector<16xi32>
      %eq3A_3304 = arith.cmpi eq, %get3A_3286, %eq3A_3303 : vector<16xi32>
      %select_n3A_3305 = arith.select %eq3A_3304, %broadcast_in_dim3A_396, %broadcast_in_dim3A_398 : vector<16xi1>, vector<16xf32>
      %add3A_3306 = arith.addf %add3A_3260, %select_n3A_3305 : vector<16xf32>
      %eq3A_3307 = arith.constant 4 : i32
      %eq3A_3308 = vector.broadcast %eq3A_3307 : i32 to vector<16xi32>
      %eq3A_3309 = arith.cmpi eq, %get3A_3286, %eq3A_3308 : vector<16xi32>
      %select_n3A_3310 = arith.select %eq3A_3309, %broadcast_in_dim3A_396, %broadcast_in_dim3A_398 : vector<16xi1>, vector<16xf32>
      %add3A_3311 = arith.addf %add3A_3265, %select_n3A_3310 : vector<16xf32>
      %eq3A_3312 = arith.constant 5 : i32
      %eq3A_3313 = vector.broadcast %eq3A_3312 : i32 to vector<16xi32>
      %eq3A_3314 = arith.cmpi eq, %get3A_3286, %eq3A_3313 : vector<16xi32>
      %select_n3A_3315 = arith.select %eq3A_3314, %broadcast_in_dim3A_396, %broadcast_in_dim3A_398 : vector<16xi1>, vector<16xf32>
      %add3A_3316 = arith.addf %add3A_3270, %select_n3A_3315 : vector<16xf32>
      %eq3A_3317 = arith.constant 6 : i32
      %eq3A_3318 = vector.broadcast %eq3A_3317 : i32 to vector<16xi32>
      %eq3A_3319 = arith.cmpi eq, %get3A_3286, %eq3A_3318 : vector<16xi32>
      %select_n3A_3320 = arith.select %eq3A_3319, %broadcast_in_dim3A_396, %broadcast_in_dim3A_398 : vector<16xi1>, vector<16xf32>
      %add3A_3321 = arith.addf %add3A_3275, %select_n3A_3320 : vector<16xf32>
      %min3A_3322 = arith.minui %get3A_3286, %broadcast_in_dim3A_394 : vector<16xi32>
      %add3A_3323 = arith.addi %min3A_3322, %mul3A_392 : vector<16xi32>
      %swap3A_3324 = arith.constant 1 : i32
      %swap3A_3325 = arith.index_cast %swap3A_3324 : i32 to index
      %swap3A_3326 = arith.constant 16 : index
      %swap3A_3327 = tpu.vector_load %arg11[%swap3A_3325, %swap3A_3326] {strides = array<i32>} : memref<5x80xi32, #tpu.memory_space<vmem>>, vector<1x16xi32>,
      %swap3A_3328 = vector.shape_cast %swap3A_3327 : vector<1x16xi32> to vector<16xi32>
      %swap3A_3329 = vector.shape_cast %add3A_3323 : vector<16xi32> to vector<1x16xi32>
      tpu.vector_store %arg11[%swap3A_3325, %swap3A_3326], %swap3A_3329 {strides = array<i32>} : memref<5x80xi32, #tpu.memory_space<vmem>>, vector<1x16xi32>,
      %get3A_3330 = arith.constant 112 : index
      %get3A_3331 = tpu.vector_load %arg9[%get3A_3330] {strides = array<i32>} : memref<400xi32, #tpu.memory_space<vmem>>, vector<16xi32>,
      %get3A_3332 = vector.shape_cast %get3A_3331 : vector<16xi32> to vector<16xi32>
      %eq3A_3333 = arith.constant 0 : i32
      %eq3A_3334 = vector.broadcast %eq3A_3333 : i32 to vector<16xi32>
      %eq3A_3335 = arith.cmpi eq, %get3A_3332, %eq3A_3334 : vector<16xi32>
      %select_n3A_3336 = arith.select %eq3A_3335, %broadcast_in_dim3A_396, %broadcast_in_dim3A_398 : vector<16xi1>, vector<16xf32>
      %add3A_3337 = arith.addf %add3A_3291, %select_n3A_3336 : vector<16xf32>
      %eq3A_3338 = arith.constant 1 : i32
      %eq3A_3339 = vector.broadcast %eq3A_3338 : i32 to vector<16xi32>
      %eq3A_3340 = arith.cmpi eq, %get3A_3332, %eq3A_3339 : vector<16xi32>
      %select_n3A_3341 = arith.select %eq3A_3340, %broadcast_in_dim3A_396, %broadcast_in_dim3A_398 : vector<16xi1>, vector<16xf32>
      %add3A_3342 = arith.addf %add3A_3296, %select_n3A_3341 : vector<16xf32>
      %eq3A_3343 = arith.constant 2 : i32
      %eq3A_3344 = vector.broadcast %eq3A_3343 : i32 to vector<16xi32>
      %eq3A_3345 = arith.cmpi eq, %get3A_3332, %eq3A_3344 : vector<16xi32>
      %select_n3A_3346 = arith.select %eq3A_3345, %broadcast_in_dim3A_396, %broadcast_in_dim3A_398 : vector<16xi1>, vector<16xf32>
      %add3A_3347 = arith.addf %add3A_3301, %select_n3A_3346 : vector<16xf32>
      %eq3A_3348 = arith.constant 3 : i32
      %eq3A_3349 = vector.broadcast %eq3A_3348 : i32 to vector<16xi32>
      %eq3A_3350 = arith.cmpi eq, %get3A_3332, %eq3A_3349 : vector<16xi32>
      %select_n3A_3351 = arith.select %eq3A_3350, %broadcast_in_dim3A_396, %broadcast_in_dim3A_398 : vector<16xi1>, vector<16xf32>
      %add3A_3352 = arith.addf %add3A_3306, %select_n3A_3351 : vector<16xf32>
      %eq3A_3353 = arith.constant 4 : i32
      %eq3A_3354 = vector.broadcast %eq3A_3353 : i32 to vector<16xi32>
      %eq3A_3355 = arith.cmpi eq, %get3A_3332, %eq3A_3354 : vector<16xi32>
      %select_n3A_3356 = arith.select %eq3A_3355, %broadcast_in_dim3A_396, %broadcast_in_dim3A_398 : vector<16xi1>, vector<16xf32>
      %add3A_3357 = arith.addf %add3A_3311, %select_n3A_3356 : vector<16xf32>
      %eq3A_3358 = arith.constant 5 : i32
      %eq3A_3359 = vector.broadcast %eq3A_3358 : i32 to vector<16xi32>
      %eq3A_3360 = arith.cmpi eq, %get3A_3332, %eq3A_3359 : vector<16xi32>
      %select_n3A_3361 = arith.select %eq3A_3360, %broadcast_in_dim3A_396, %broadcast_in_dim3A_398 : vector<16xi1>, vector<16xf32>
      %add3A_3362 = arith.addf %add3A_3316, %select_n3A_3361 : vector<16xf32>
      %eq3A_3363 = arith.constant 6 : i32
      %eq3A_3364 = vector.broadcast %eq3A_3363 : i32 to vector<16xi32>
      %eq3A_3365 = arith.cmpi eq, %get3A_3332, %eq3A_3364 : vector<16xi32>
      %select_n3A_3366 = arith.select %eq3A_3365, %broadcast_in_dim3A_396, %broadcast_in_dim3A_398 : vector<16xi1>, vector<16xf32>
      %add3A_3367 = arith.addf %add3A_3321, %select_n3A_3366 : vector<16xf32>
      %min3A_3368 = arith.minui %get3A_3332, %broadcast_in_dim3A_394 : vector<16xi32>
      %add3A_3369 = arith.addi %min3A_3368, %mul3A_392 : vector<16xi32>
      %swap3A_3370 = arith.constant 1 : i32
      %swap3A_3371 = arith.index_cast %swap3A_3370 : i32 to index
      %swap3A_3372 = arith.constant 32 : index
      %swap3A_3373 = tpu.vector_load %arg11[%swap3A_3371, %swap3A_3372] {strides = array<i32>} : memref<5x80xi32, #tpu.memory_space<vmem>>, vector<1x16xi32>,
      %swap3A_3374 = vector.shape_cast %swap3A_3373 : vector<1x16xi32> to vector<16xi32>
      %swap3A_3375 = vector.shape_cast %add3A_3369 : vector<16xi32> to vector<1x16xi32>
      tpu.vector_store %arg11[%swap3A_3371, %swap3A_3372], %swap3A_3375 {strides = array<i32>} : memref<5x80xi32, #tpu.memory_space<vmem>>, vector<1x16xi32>,
      %get3A_3376 = arith.constant 128 : index
      %get3A_3377 = tpu.vector_load %arg9[%get3A_3376] {strides = array<i32>} : memref<400xi32, #tpu.memory_space<vmem>>, vector<16xi32>,
      %get3A_3378 = vector.shape_cast %get3A_3377 : vector<16xi32> to vector<16xi32>
      %eq3A_3379 = arith.constant 0 : i32
      %eq3A_3380 = vector.broadcast %eq3A_3379 : i32 to vector<16xi32>
      %eq3A_3381 = arith.cmpi eq, %get3A_3378, %eq3A_3380 : vector<16xi32>
      %select_n3A_3382 = arith.select %eq3A_3381, %broadcast_in_dim3A_396, %broadcast_in_dim3A_398 : vector<16xi1>, vector<16xf32>
      %add3A_3383 = arith.addf %add3A_3337, %select_n3A_3382 : vector<16xf32>
      %eq3A_3384 = arith.constant 1 : i32
      %eq3A_3385 = vector.broadcast %eq3A_3384 : i32 to vector<16xi32>
      %eq3A_3386 = arith.cmpi eq, %get3A_3378, %eq3A_3385 : vector<16xi32>
      %select_n3A_3387 = arith.select %eq3A_3386, %broadcast_in_dim3A_396, %broadcast_in_dim3A_398 : vector<16xi1>, vector<16xf32>
      %add3A_3388 = arith.addf %add3A_3342, %select_n3A_3387 : vector<16xf32>
      %eq3A_3389 = arith.constant 2 : i32
      %eq3A_3390 = vector.broadcast %eq3A_3389 : i32 to vector<16xi32>
      %eq3A_3391 = arith.cmpi eq, %get3A_3378, %eq3A_3390 : vector<16xi32>
      %select_n3A_3392 = arith.select %eq3A_3391, %broadcast_in_dim3A_396, %broadcast_in_dim3A_398 : vector<16xi1>, vector<16xf32>
      %add3A_3393 = arith.addf %add3A_3347, %select_n3A_3392 : vector<16xf32>
      %eq3A_3394 = arith.constant 3 : i32
      %eq3A_3395 = vector.broadcast %eq3A_3394 : i32 to vector<16xi32>
      %eq3A_3396 = arith.cmpi eq, %get3A_3378, %eq3A_3395 : vector<16xi32>
      %select_n3A_3397 = arith.select %eq3A_3396, %broadcast_in_dim3A_396, %broadcast_in_dim3A_398 : vector<16xi1>, vector<16xf32>
      %add3A_3398 = arith.addf %add3A_3352, %select_n3A_3397 : vector<16xf32>
      %eq3A_3399 = arith.constant 4 : i32
      %eq3A_3400 = vector.broadcast %eq3A_3399 : i32 to vector<16xi32>
      %eq3A_3401 = arith.cmpi eq, %get3A_3378, %eq3A_3400 : vector<16xi32>
      %select_n3A_3402 = arith.select %eq3A_3401, %broadcast_in_dim3A_396, %broadcast_in_dim3A_398 : vector<16xi1>, vector<16xf32>
      %add3A_3403 = arith.addf %add3A_3357, %select_n3A_3402 : vector<16xf32>
      %eq3A_3404 = arith.constant 5 : i32
      %eq3A_3405 = vector.broadcast %eq3A_3404 : i32 to vector<16xi32>
      %eq3A_3406 = arith.cmpi eq, %get3A_3378, %eq3A_3405 : vector<16xi32>
      %select_n3A_3407 = arith.select %eq3A_3406, %broadcast_in_dim3A_396, %broadcast_in_dim3A_398 : vector<16xi1>, vector<16xf32>
      %add3A_3408 = arith.addf %add3A_3362, %select_n3A_3407 : vector<16xf32>
      %eq3A_3409 = arith.constant 6 : i32
      %eq3A_3410 = vector.broadcast %eq3A_3409 : i32 to vector<16xi32>
      %eq3A_3411 = arith.cmpi eq, %get3A_3378, %eq3A_3410 : vector<16xi32>
      %select_n3A_3412 = arith.select %eq3A_3411, %broadcast_in_dim3A_396, %broadcast_in_dim3A_398 : vector<16xi1>, vector<16xf32>
      %add3A_3413 = arith.addf %add3A_3367, %select_n3A_3412 : vector<16xf32>
      %min3A_3414 = arith.minui %get3A_3378, %broadcast_in_dim3A_394 : vector<16xi32>
      %add3A_3415 = arith.addi %min3A_3414, %mul3A_392 : vector<16xi32>
      %swap3A_3416 = arith.constant 1 : i32
      %swap3A_3417 = arith.index_cast %swap3A_3416 : i32 to index
      %swap3A_3418 = arith.constant 48 : index
      %swap3A_3419 = tpu.vector_load %arg11[%swap3A_3417, %swap3A_3418] {strides = array<i32>} : memref<5x80xi32, #tpu.memory_space<vmem>>, vector<1x16xi32>,
      %swap3A_3420 = vector.shape_cast %swap3A_3419 : vector<1x16xi32> to vector<16xi32>
      %swap3A_3421 = vector.shape_cast %add3A_3415 : vector<16xi32> to vector<1x16xi32>
      tpu.vector_store %arg11[%swap3A_3417, %swap3A_3418], %swap3A_3421 {strides = array<i32>} : memref<5x80xi32, #tpu.memory_space<vmem>>, vector<1x16xi32>,
      %get3A_3422 = arith.constant 144 : index
      %get3A_3423 = tpu.vector_load %arg9[%get3A_3422] {strides = array<i32>} : memref<400xi32, #tpu.memory_space<vmem>>, vector<16xi32>,
      %get3A_3424 = vector.shape_cast %get3A_3423 : vector<16xi32> to vector<16xi32>
      %eq3A_3425 = arith.constant 0 : i32
      %eq3A_3426 = vector.broadcast %eq3A_3425 : i32 to vector<16xi32>
      %eq3A_3427 = arith.cmpi eq, %get3A_3424, %eq3A_3426 : vector<16xi32>
      %select_n3A_3428 = arith.select %eq3A_3427, %broadcast_in_dim3A_396, %broadcast_in_dim3A_398 : vector<16xi1>, vector<16xf32>
      %add3A_3429 = arith.addf %add3A_3383, %select_n3A_3428 : vector<16xf32>
      %eq3A_3430 = arith.constant 1 : i32
      %eq3A_3431 = vector.broadcast %eq3A_3430 : i32 to vector<16xi32>
      %eq3A_3432 = arith.cmpi eq, %get3A_3424, %eq3A_3431 : vector<16xi32>
      %select_n3A_3433 = arith.select %eq3A_3432, %broadcast_in_dim3A_396, %broadcast_in_dim3A_398 : vector<16xi1>, vector<16xf32>
      %add3A_3434 = arith.addf %add3A_3388, %select_n3A_3433 : vector<16xf32>
      %eq3A_3435 = arith.constant 2 : i32
      %eq3A_3436 = vector.broadcast %eq3A_3435 : i32 to vector<16xi32>
      %eq3A_3437 = arith.cmpi eq, %get3A_3424, %eq3A_3436 : vector<16xi32>
      %select_n3A_3438 = arith.select %eq3A_3437, %broadcast_in_dim3A_396, %broadcast_in_dim3A_398 : vector<16xi1>, vector<16xf32>
      %add3A_3439 = arith.addf %add3A_3393, %select_n3A_3438 : vector<16xf32>
      %eq3A_3440 = arith.constant 3 : i32
      %eq3A_3441 = vector.broadcast %eq3A_3440 : i32 to vector<16xi32>
      %eq3A_3442 = arith.cmpi eq, %get3A_3424, %eq3A_3441 : vector<16xi32>
      %select_n3A_3443 = arith.select %eq3A_3442, %broadcast_in_dim3A_396, %broadcast_in_dim3A_398 : vector<16xi1>, vector<16xf32>
      %add3A_3444 = arith.addf %add3A_3398, %select_n3A_3443 : vector<16xf32>
      %eq3A_3445 = arith.constant 4 : i32
      %eq3A_3446 = vector.broadcast %eq3A_3445 : i32 to vector<16xi32>
      %eq3A_3447 = arith.cmpi eq, %get3A_3424, %eq3A_3446 : vector<16xi32>
      %select_n3A_3448 = arith.select %eq3A_3447, %broadcast_in_dim3A_396, %broadcast_in_dim3A_398 : vector<16xi1>, vector<16xf32>
      %add3A_3449 = arith.addf %add3A_3403, %select_n3A_3448 : vector<16xf32>
      %eq3A_3450 = arith.constant 5 : i32
      %eq3A_3451 = vector.broadcast %eq3A_3450 : i32 to vector<16xi32>
      %eq3A_3452 = arith.cmpi eq, %get3A_3424, %eq3A_3451 : vector<16xi32>
      %select_n3A_3453 = arith.select %eq3A_3452, %broadcast_in_dim3A_396, %broadcast_in_dim3A_398 : vector<16xi1>, vector<16xf32>
      %add3A_3454 = arith.addf %add3A_3408, %select_n3A_3453 : vector<16xf32>
      %eq3A_3455 = arith.constant 6 : i32
      %eq3A_3456 = vector.broadcast %eq3A_3455 : i32 to vector<16xi32>
      %eq3A_3457 = arith.cmpi eq, %get3A_3424, %eq3A_3456 : vector<16xi32>
      %select_n3A_3458 = arith.select %eq3A_3457, %broadcast_in_dim3A_396, %broadcast_in_dim3A_398 : vector<16xi1>, vector<16xf32>
      %add3A_3459 = arith.addf %add3A_3413, %select_n3A_3458 : vector<16xf32>
      %min3A_3460 = arith.minui %get3A_3424, %broadcast_in_dim3A_394 : vector<16xi32>
      %add3A_3461 = arith.addi %min3A_3460, %mul3A_392 : vector<16xi32>
      %swap3A_3462 = arith.constant 1 : i32
      %swap3A_3463 = arith.index_cast %swap3A_3462 : i32 to index
      %swap3A_3464 = arith.constant 64 : index
      %swap3A_3465 = tpu.vector_load %arg11[%swap3A_3463, %swap3A_3464] {strides = array<i32>} : memref<5x80xi32, #tpu.memory_space<vmem>>, vector<1x16xi32>,
      %swap3A_3466 = vector.shape_cast %swap3A_3465 : vector<1x16xi32> to vector<16xi32>
      %swap3A_3467 = vector.shape_cast %add3A_3461 : vector<16xi32> to vector<1x16xi32>
      tpu.vector_store %arg11[%swap3A_3463, %swap3A_3464], %swap3A_3467 {strides = array<i32>} : memref<5x80xi32, #tpu.memory_space<vmem>>, vector<1x16xi32>,
      %get3A_3468 = arith.constant 160 : index
      %get3A_3469 = tpu.vector_load %arg9[%get3A_3468] {strides = array<i32>} : memref<400xi32, #tpu.memory_space<vmem>>, vector<16xi32>,
      %get3A_3470 = vector.shape_cast %get3A_3469 : vector<16xi32> to vector<16xi32>
      %eq3A_3471 = arith.constant 0 : i32
      %eq3A_3472 = vector.broadcast %eq3A_3471 : i32 to vector<16xi32>
      %eq3A_3473 = arith.cmpi eq, %get3A_3470, %eq3A_3472 : vector<16xi32>
      %select_n3A_3474 = arith.select %eq3A_3473, %broadcast_in_dim3A_396, %broadcast_in_dim3A_398 : vector<16xi1>, vector<16xf32>
      %add3A_3475 = arith.addf %add3A_3429, %select_n3A_3474 : vector<16xf32>
      %eq3A_3476 = arith.constant 1 : i32
      %eq3A_3477 = vector.broadcast %eq3A_3476 : i32 to vector<16xi32>
      %eq3A_3478 = arith.cmpi eq, %get3A_3470, %eq3A_3477 : vector<16xi32>
      %select_n3A_3479 = arith.select %eq3A_3478, %broadcast_in_dim3A_396, %broadcast_in_dim3A_398 : vector<16xi1>, vector<16xf32>
      %add3A_3480 = arith.addf %add3A_3434, %select_n3A_3479 : vector<16xf32>
      %eq3A_3481 = arith.constant 2 : i32
      %eq3A_3482 = vector.broadcast %eq3A_3481 : i32 to vector<16xi32>
      %eq3A_3483 = arith.cmpi eq, %get3A_3470, %eq3A_3482 : vector<16xi32>
      %select_n3A_3484 = arith.select %eq3A_3483, %broadcast_in_dim3A_396, %broadcast_in_dim3A_398 : vector<16xi1>, vector<16xf32>
      %add3A_3485 = arith.addf %add3A_3439, %select_n3A_3484 : vector<16xf32>
      %eq3A_3486 = arith.constant 3 : i32
      %eq3A_3487 = vector.broadcast %eq3A_3486 : i32 to vector<16xi32>
      %eq3A_3488 = arith.cmpi eq, %get3A_3470, %eq3A_3487 : vector<16xi32>
      %select_n3A_3489 = arith.select %eq3A_3488, %broadcast_in_dim3A_396, %broadcast_in_dim3A_398 : vector<16xi1>, vector<16xf32>
      %add3A_3490 = arith.addf %add3A_3444, %select_n3A_3489 : vector<16xf32>
      %eq3A_3491 = arith.constant 4 : i32
      %eq3A_3492 = vector.broadcast %eq3A_3491 : i32 to vector<16xi32>
      %eq3A_3493 = arith.cmpi eq, %get3A_3470, %eq3A_3492 : vector<16xi32>
      %select_n3A_3494 = arith.select %eq3A_3493, %broadcast_in_dim3A_396, %broadcast_in_dim3A_398 : vector<16xi1>, vector<16xf32>
      %add3A_3495 = arith.addf %add3A_3449, %select_n3A_3494 : vector<16xf32>
      %eq3A_3496 = arith.constant 5 : i32
      %eq3A_3497 = vector.broadcast %eq3A_3496 : i32 to vector<16xi32>
      %eq3A_3498 = arith.cmpi eq, %get3A_3470, %eq3A_3497 : vector<16xi32>
      %select_n3A_3499 = arith.select %eq3A_3498, %broadcast_in_dim3A_396, %broadcast_in_dim3A_398 : vector<16xi1>, vector<16xf32>
      %add3A_3500 = arith.addf %add3A_3454, %select_n3A_3499 : vector<16xf32>
      %eq3A_3501 = arith.constant 6 : i32
      %eq3A_3502 = vector.broadcast %eq3A_3501 : i32 to vector<16xi32>
      %eq3A_3503 = arith.cmpi eq, %get3A_3470, %eq3A_3502 : vector<16xi32>
      %select_n3A_3504 = arith.select %eq3A_3503, %broadcast_in_dim3A_396, %broadcast_in_dim3A_398 : vector<16xi1>, vector<16xf32>
      %add3A_3505 = arith.addf %add3A_3459, %select_n3A_3504 : vector<16xf32>
      %min3A_3506 = arith.minui %get3A_3470, %broadcast_in_dim3A_394 : vector<16xi32>
      %add3A_3507 = arith.addi %min3A_3506, %mul3A_392 : vector<16xi32>
      %swap3A_3508 = arith.constant 2 : i32
      %swap3A_3509 = arith.index_cast %swap3A_3508 : i32 to index
      %swap3A_3510 = arith.constant 0 : index
      %swap3A_3511 = tpu.vector_load %arg11[%swap3A_3509, %swap3A_3510] {strides = array<i32>} : memref<5x80xi32, #tpu.memory_space<vmem>>, vector<1x16xi32>,
      %swap3A_3512 = vector.shape_cast %swap3A_3511 : vector<1x16xi32> to vector<16xi32>
      %swap3A_3513 = vector.shape_cast %add3A_3507 : vector<16xi32> to vector<1x16xi32>
      tpu.vector_store %arg11[%swap3A_3509, %swap3A_3510], %swap3A_3513 {strides = array<i32>} : memref<5x80xi32, #tpu.memory_space<vmem>>, vector<1x16xi32>,
      %get3A_3514 = arith.constant 176 : index
      %get3A_3515 = tpu.vector_load %arg9[%get3A_3514] {strides = array<i32>} : memref<400xi32, #tpu.memory_space<vmem>>, vector<16xi32>,
      %get3A_3516 = vector.shape_cast %get3A_3515 : vector<16xi32> to vector<16xi32>
      %eq3A_3517 = arith.constant 0 : i32
      %eq3A_3518 = vector.broadcast %eq3A_3517 : i32 to vector<16xi32>
      %eq3A_3519 = arith.cmpi eq, %get3A_3516, %eq3A_3518 : vector<16xi32>
      %select_n3A_3520 = arith.select %eq3A_3519, %broadcast_in_dim3A_396, %broadcast_in_dim3A_398 : vector<16xi1>, vector<16xf32>
      %add3A_3521 = arith.addf %add3A_3475, %select_n3A_3520 : vector<16xf32>
      %eq3A_3522 = arith.constant 1 : i32
      %eq3A_3523 = vector.broadcast %eq3A_3522 : i32 to vector<16xi32>
      %eq3A_3524 = arith.cmpi eq, %get3A_3516, %eq3A_3523 : vector<16xi32>
      %select_n3A_3525 = arith.select %eq3A_3524, %broadcast_in_dim3A_396, %broadcast_in_dim3A_398 : vector<16xi1>, vector<16xf32>
      %add3A_3526 = arith.addf %add3A_3480, %select_n3A_3525 : vector<16xf32>
      %eq3A_3527 = arith.constant 2 : i32
      %eq3A_3528 = vector.broadcast %eq3A_3527 : i32 to vector<16xi32>
      %eq3A_3529 = arith.cmpi eq, %get3A_3516, %eq3A_3528 : vector<16xi32>
      %select_n3A_3530 = arith.select %eq3A_3529, %broadcast_in_dim3A_396, %broadcast_in_dim3A_398 : vector<16xi1>, vector<16xf32>
      %add3A_3531 = arith.addf %add3A_3485, %select_n3A_3530 : vector<16xf32>
      %eq3A_3532 = arith.constant 3 : i32
      %eq3A_3533 = vector.broadcast %eq3A_3532 : i32 to vector<16xi32>
      %eq3A_3534 = arith.cmpi eq, %get3A_3516, %eq3A_3533 : vector<16xi32>
      %select_n3A_3535 = arith.select %eq3A_3534, %broadcast_in_dim3A_396, %broadcast_in_dim3A_398 : vector<16xi1>, vector<16xf32>
      %add3A_3536 = arith.addf %add3A_3490, %select_n3A_3535 : vector<16xf32>
      %eq3A_3537 = arith.constant 4 : i32
      %eq3A_3538 = vector.broadcast %eq3A_3537 : i32 to vector<16xi32>
      %eq3A_3539 = arith.cmpi eq, %get3A_3516, %eq3A_3538 : vector<16xi32>
      %select_n3A_3540 = arith.select %eq3A_3539, %broadcast_in_dim3A_396, %broadcast_in_dim3A_398 : vector<16xi1>, vector<16xf32>
      %add3A_3541 = arith.addf %add3A_3495, %select_n3A_3540 : vector<16xf32>
      %eq3A_3542 = arith.constant 5 : i32
      %eq3A_3543 = vector.broadcast %eq3A_3542 : i32 to vector<16xi32>
      %eq3A_3544 = arith.cmpi eq, %get3A_3516, %eq3A_3543 : vector<16xi32>
      %select_n3A_3545 = arith.select %eq3A_3544, %broadcast_in_dim3A_396, %broadcast_in_dim3A_398 : vector<16xi1>, vector<16xf32>
      %add3A_3546 = arith.addf %add3A_3500, %select_n3A_3545 : vector<16xf32>
      %eq3A_3547 = arith.constant 6 : i32
      %eq3A_3548 = vector.broadcast %eq3A_3547 : i32 to vector<16xi32>
      %eq3A_3549 = arith.cmpi eq, %get3A_3516, %eq3A_3548 : vector<16xi32>
      %select_n3A_3550 = arith.select %eq3A_3549, %broadcast_in_dim3A_396, %broadcast_in_dim3A_398 : vector<16xi1>, vector<16xf32>
      %add3A_3551 = arith.addf %add3A_3505, %select_n3A_3550 : vector<16xf32>
      %min3A_3552 = arith.minui %get3A_3516, %broadcast_in_dim3A_394 : vector<16xi32>
      %add3A_3553 = arith.addi %min3A_3552, %mul3A_392 : vector<16xi32>
      %swap3A_3554 = arith.constant 2 : i32
      %swap3A_3555 = arith.index_cast %swap3A_3554 : i32 to index
      %swap3A_3556 = arith.constant 16 : index
      %swap3A_3557 = tpu.vector_load %arg11[%swap3A_3555, %swap3A_3556] {strides = array<i32>} : memref<5x80xi32, #tpu.memory_space<vmem>>, vector<1x16xi32>,
      %swap3A_3558 = vector.shape_cast %swap3A_3557 : vector<1x16xi32> to vector<16xi32>
      %swap3A_3559 = vector.shape_cast %add3A_3553 : vector<16xi32> to vector<1x16xi32>
      tpu.vector_store %arg11[%swap3A_3555, %swap3A_3556], %swap3A_3559 {strides = array<i32>} : memref<5x80xi32, #tpu.memory_space<vmem>>, vector<1x16xi32>,
      %get3A_3560 = arith.constant 192 : index
      %get3A_3561 = tpu.vector_load %arg9[%get3A_3560] {strides = array<i32>} : memref<400xi32, #tpu.memory_space<vmem>>, vector<16xi32>,
      %get3A_3562 = vector.shape_cast %get3A_3561 : vector<16xi32> to vector<16xi32>
      %eq3A_3563 = arith.constant 0 : i32
      %eq3A_3564 = vector.broadcast %eq3A_3563 : i32 to vector<16xi32>
      %eq3A_3565 = arith.cmpi eq, %get3A_3562, %eq3A_3564 : vector<16xi32>
      %select_n3A_3566 = arith.select %eq3A_3565, %broadcast_in_dim3A_396, %broadcast_in_dim3A_398 : vector<16xi1>, vector<16xf32>
      %add3A_3567 = arith.addf %add3A_3521, %select_n3A_3566 : vector<16xf32>
      %eq3A_3568 = arith.constant 1 : i32
      %eq3A_3569 = vector.broadcast %eq3A_3568 : i32 to vector<16xi32>
      %eq3A_3570 = arith.cmpi eq, %get3A_3562, %eq3A_3569 : vector<16xi32>
      %select_n3A_3571 = arith.select %eq3A_3570, %broadcast_in_dim3A_396, %broadcast_in_dim3A_398 : vector<16xi1>, vector<16xf32>
      %add3A_3572 = arith.addf %add3A_3526, %select_n3A_3571 : vector<16xf32>
      %eq3A_3573 = arith.constant 2 : i32
      %eq3A_3574 = vector.broadcast %eq3A_3573 : i32 to vector<16xi32>
      %eq3A_3575 = arith.cmpi eq, %get3A_3562, %eq3A_3574 : vector<16xi32>
      %select_n3A_3576 = arith.select %eq3A_3575, %broadcast_in_dim3A_396, %broadcast_in_dim3A_398 : vector<16xi1>, vector<16xf32>
      %add3A_3577 = arith.addf %add3A_3531, %select_n3A_3576 : vector<16xf32>
      %eq3A_3578 = arith.constant 3 : i32
      %eq3A_3579 = vector.broadcast %eq3A_3578 : i32 to vector<16xi32>
      %eq3A_3580 = arith.cmpi eq, %get3A_3562, %eq3A_3579 : vector<16xi32>
      %select_n3A_3581 = arith.select %eq3A_3580, %broadcast_in_dim3A_396, %broadcast_in_dim3A_398 : vector<16xi1>, vector<16xf32>
      %add3A_3582 = arith.addf %add3A_3536, %select_n3A_3581 : vector<16xf32>
      %eq3A_3583 = arith.constant 4 : i32
      %eq3A_3584 = vector.broadcast %eq3A_3583 : i32 to vector<16xi32>
      %eq3A_3585 = arith.cmpi eq, %get3A_3562, %eq3A_3584 : vector<16xi32>
      %select_n3A_3586 = arith.select %eq3A_3585, %broadcast_in_dim3A_396, %broadcast_in_dim3A_398 : vector<16xi1>, vector<16xf32>
      %add3A_3587 = arith.addf %add3A_3541, %select_n3A_3586 : vector<16xf32>
      %eq3A_3588 = arith.constant 5 : i32
      %eq3A_3589 = vector.broadcast %eq3A_3588 : i32 to vector<16xi32>
      %eq3A_3590 = arith.cmpi eq, %get3A_3562, %eq3A_3589 : vector<16xi32>
      %select_n3A_3591 = arith.select %eq3A_3590, %broadcast_in_dim3A_396, %broadcast_in_dim3A_398 : vector<16xi1>, vector<16xf32>
      %add3A_3592 = arith.addf %add3A_3546, %select_n3A_3591 : vector<16xf32>
      %eq3A_3593 = arith.constant 6 : i32
      %eq3A_3594 = vector.broadcast %eq3A_3593 : i32 to vector<16xi32>
      %eq3A_3595 = arith.cmpi eq, %get3A_3562, %eq3A_3594 : vector<16xi32>
      %select_n3A_3596 = arith.select %eq3A_3595, %broadcast_in_dim3A_396, %broadcast_in_dim3A_398 : vector<16xi1>, vector<16xf32>
      %add3A_3597 = arith.addf %add3A_3551, %select_n3A_3596 : vector<16xf32>
      %min3A_3598 = arith.minui %get3A_3562, %broadcast_in_dim3A_394 : vector<16xi32>
      %add3A_3599 = arith.addi %min3A_3598, %mul3A_392 : vector<16xi32>
      %swap3A_3600 = arith.constant 2 : i32
      %swap3A_3601 = arith.index_cast %swap3A_3600 : i32 to index
      %swap3A_3602 = arith.constant 32 : index
      %swap3A_3603 = tpu.vector_load %arg11[%swap3A_3601, %swap3A_3602] {strides = array<i32>} : memref<5x80xi32, #tpu.memory_space<vmem>>, vector<1x16xi32>,
      %swap3A_3604 = vector.shape_cast %swap3A_3603 : vector<1x16xi32> to vector<16xi32>
      %swap3A_3605 = vector.shape_cast %add3A_3599 : vector<16xi32> to vector<1x16xi32>
      tpu.vector_store %arg11[%swap3A_3601, %swap3A_3602], %swap3A_3605 {strides = array<i32>} : memref<5x80xi32, #tpu.memory_space<vmem>>, vector<1x16xi32>,
      %get3A_3606 = arith.constant 208 : index
      %get3A_3607 = tpu.vector_load %arg9[%get3A_3606] {strides = array<i32>} : memref<400xi32, #tpu.memory_space<vmem>>, vector<16xi32>,
      %get3A_3608 = vector.shape_cast %get3A_3607 : vector<16xi32> to vector<16xi32>
      %eq3A_3609 = arith.constant 0 : i32
      %eq3A_3610 = vector.broadcast %eq3A_3609 : i32 to vector<16xi32>
      %eq3A_3611 = arith.cmpi eq, %get3A_3608, %eq3A_3610 : vector<16xi32>
      %select_n3A_3612 = arith.select %eq3A_3611, %broadcast_in_dim3A_396, %broadcast_in_dim3A_398 : vector<16xi1>, vector<16xf32>
      %add3A_3613 = arith.addf %add3A_3567, %select_n3A_3612 : vector<16xf32>
      %eq3A_3614 = arith.constant 1 : i32
      %eq3A_3615 = vector.broadcast %eq3A_3614 : i32 to vector<16xi32>
      %eq3A_3616 = arith.cmpi eq, %get3A_3608, %eq3A_3615 : vector<16xi32>
      %select_n3A_3617 = arith.select %eq3A_3616, %broadcast_in_dim3A_396, %broadcast_in_dim3A_398 : vector<16xi1>, vector<16xf32>
      %add3A_3618 = arith.addf %add3A_3572, %select_n3A_3617 : vector<16xf32>
      %eq3A_3619 = arith.constant 2 : i32
      %eq3A_3620 = vector.broadcast %eq3A_3619 : i32 to vector<16xi32>
      %eq3A_3621 = arith.cmpi eq, %get3A_3608, %eq3A_3620 : vector<16xi32>
      %select_n3A_3622 = arith.select %eq3A_3621, %broadcast_in_dim3A_396, %broadcast_in_dim3A_398 : vector<16xi1>, vector<16xf32>
      %add3A_3623 = arith.addf %add3A_3577, %select_n3A_3622 : vector<16xf32>
      %eq3A_3624 = arith.constant 3 : i32
      %eq3A_3625 = vector.broadcast %eq3A_3624 : i32 to vector<16xi32>
      %eq3A_3626 = arith.cmpi eq, %get3A_3608, %eq3A_3625 : vector<16xi32>
      %select_n3A_3627 = arith.select %eq3A_3626, %broadcast_in_dim3A_396, %broadcast_in_dim3A_398 : vector<16xi1>, vector<16xf32>
      %add3A_3628 = arith.addf %add3A_3582, %select_n3A_3627 : vector<16xf32>
      %eq3A_3629 = arith.constant 4 : i32
      %eq3A_3630 = vector.broadcast %eq3A_3629 : i32 to vector<16xi32>
      %eq3A_3631 = arith.cmpi eq, %get3A_3608, %eq3A_3630 : vector<16xi32>
      %select_n3A_3632 = arith.select %eq3A_3631, %broadcast_in_dim3A_396, %broadcast_in_dim3A_398 : vector<16xi1>, vector<16xf32>
      %add3A_3633 = arith.addf %add3A_3587, %select_n3A_3632 : vector<16xf32>
      %eq3A_3634 = arith.constant 5 : i32
      %eq3A_3635 = vector.broadcast %eq3A_3634 : i32 to vector<16xi32>
      %eq3A_3636 = arith.cmpi eq, %get3A_3608, %eq3A_3635 : vector<16xi32>
      %select_n3A_3637 = arith.select %eq3A_3636, %broadcast_in_dim3A_396, %broadcast_in_dim3A_398 : vector<16xi1>, vector<16xf32>
      %add3A_3638 = arith.addf %add3A_3592, %select_n3A_3637 : vector<16xf32>
      %eq3A_3639 = arith.constant 6 : i32
      %eq3A_3640 = vector.broadcast %eq3A_3639 : i32 to vector<16xi32>
      %eq3A_3641 = arith.cmpi eq, %get3A_3608, %eq3A_3640 : vector<16xi32>
      %select_n3A_3642 = arith.select %eq3A_3641, %broadcast_in_dim3A_396, %broadcast_in_dim3A_398 : vector<16xi1>, vector<16xf32>
      %add3A_3643 = arith.addf %add3A_3597, %select_n3A_3642 : vector<16xf32>
      %min3A_3644 = arith.minui %get3A_3608, %broadcast_in_dim3A_394 : vector<16xi32>
      %add3A_3645 = arith.addi %min3A_3644, %mul3A_392 : vector<16xi32>
      %swap3A_3646 = arith.constant 2 : i32
      %swap3A_3647 = arith.index_cast %swap3A_3646 : i32 to index
      %swap3A_3648 = arith.constant 48 : index
      %swap3A_3649 = tpu.vector_load %arg11[%swap3A_3647, %swap3A_3648] {strides = array<i32>} : memref<5x80xi32, #tpu.memory_space<vmem>>, vector<1x16xi32>,
      %swap3A_3650 = vector.shape_cast %swap3A_3649 : vector<1x16xi32> to vector<16xi32>
      %swap3A_3651 = vector.shape_cast %add3A_3645 : vector<16xi32> to vector<1x16xi32>
      tpu.vector_store %arg11[%swap3A_3647, %swap3A_3648], %swap3A_3651 {strides = array<i32>} : memref<5x80xi32, #tpu.memory_space<vmem>>, vector<1x16xi32>,
      %get3A_3652 = arith.constant 224 : index
      %get3A_3653 = tpu.vector_load %arg9[%get3A_3652] {strides = array<i32>} : memref<400xi32, #tpu.memory_space<vmem>>, vector<16xi32>,
      %get3A_3654 = vector.shape_cast %get3A_3653 : vector<16xi32> to vector<16xi32>
      %eq3A_3655 = arith.constant 0 : i32
      %eq3A_3656 = vector.broadcast %eq3A_3655 : i32 to vector<16xi32>
      %eq3A_3657 = arith.cmpi eq, %get3A_3654, %eq3A_3656 : vector<16xi32>
      %select_n3A_3658 = arith.select %eq3A_3657, %broadcast_in_dim3A_396, %broadcast_in_dim3A_398 : vector<16xi1>, vector<16xf32>
      %add3A_3659 = arith.addf %add3A_3613, %select_n3A_3658 : vector<16xf32>
      %eq3A_3660 = arith.constant 1 : i32
      %eq3A_3661 = vector.broadcast %eq3A_3660 : i32 to vector<16xi32>
      %eq3A_3662 = arith.cmpi eq, %get3A_3654, %eq3A_3661 : vector<16xi32>
      %select_n3A_3663 = arith.select %eq3A_3662, %broadcast_in_dim3A_396, %broadcast_in_dim3A_398 : vector<16xi1>, vector<16xf32>
      %add3A_3664 = arith.addf %add3A_3618, %select_n3A_3663 : vector<16xf32>
      %eq3A_3665 = arith.constant 2 : i32
      %eq3A_3666 = vector.broadcast %eq3A_3665 : i32 to vector<16xi32>
      %eq3A_3667 = arith.cmpi eq, %get3A_3654, %eq3A_3666 : vector<16xi32>
      %select_n3A_3668 = arith.select %eq3A_3667, %broadcast_in_dim3A_396, %broadcast_in_dim3A_398 : vector<16xi1>, vector<16xf32>
      %add3A_3669 = arith.addf %add3A_3623, %select_n3A_3668 : vector<16xf32>
      %eq3A_3670 = arith.constant 3 : i32
      %eq3A_3671 = vector.broadcast %eq3A_3670 : i32 to vector<16xi32>
      %eq3A_3672 = arith.cmpi eq, %get3A_3654, %eq3A_3671 : vector<16xi32>
      %select_n3A_3673 = arith.select %eq3A_3672, %broadcast_in_dim3A_396, %broadcast_in_dim3A_398 : vector<16xi1>, vector<16xf32>
      %add3A_3674 = arith.addf %add3A_3628, %select_n3A_3673 : vector<16xf32>
      %eq3A_3675 = arith.constant 4 : i32
      %eq3A_3676 = vector.broadcast %eq3A_3675 : i32 to vector<16xi32>
      %eq3A_3677 = arith.cmpi eq, %get3A_3654, %eq3A_3676 : vector<16xi32>
      %select_n3A_3678 = arith.select %eq3A_3677, %broadcast_in_dim3A_396, %broadcast_in_dim3A_398 : vector<16xi1>, vector<16xf32>
      %add3A_3679 = arith.addf %add3A_3633, %select_n3A_3678 : vector<16xf32>
      %eq3A_3680 = arith.constant 5 : i32
      %eq3A_3681 = vector.broadcast %eq3A_3680 : i32 to vector<16xi32>
      %eq3A_3682 = arith.cmpi eq, %get3A_3654, %eq3A_3681 : vector<16xi32>
      %select_n3A_3683 = arith.select %eq3A_3682, %broadcast_in_dim3A_396, %broadcast_in_dim3A_398 : vector<16xi1>, vector<16xf32>
      %add3A_3684 = arith.addf %add3A_3638, %select_n3A_3683 : vector<16xf32>
      %eq3A_3685 = arith.constant 6 : i32
      %eq3A_3686 = vector.broadcast %eq3A_3685 : i32 to vector<16xi32>
      %eq3A_3687 = arith.cmpi eq, %get3A_3654, %eq3A_3686 : vector<16xi32>
      %select_n3A_3688 = arith.select %eq3A_3687, %broadcast_in_dim3A_396, %broadcast_in_dim3A_398 : vector<16xi1>, vector<16xf32>
      %add3A_3689 = arith.addf %add3A_3643, %select_n3A_3688 : vector<16xf32>
      %min3A_3690 = arith.minui %get3A_3654, %broadcast_in_dim3A_394 : vector<16xi32>
      %add3A_3691 = arith.addi %min3A_3690, %mul3A_392 : vector<16xi32>
      %swap3A_3692 = arith.constant 2 : i32
      %swap3A_3693 = arith.index_cast %swap3A_3692 : i32 to index
      %swap3A_3694 = arith.constant 64 : index
      %swap3A_3695 = tpu.vector_load %arg11[%swap3A_3693, %swap3A_3694] {strides = array<i32>} : memref<5x80xi32, #tpu.memory_space<vmem>>, vector<1x16xi32>,
      %swap3A_3696 = vector.shape_cast %swap3A_3695 : vector<1x16xi32> to vector<16xi32>
      %swap3A_3697 = vector.shape_cast %add3A_3691 : vector<16xi32> to vector<1x16xi32>
      tpu.vector_store %arg11[%swap3A_3693, %swap3A_3694], %swap3A_3697 {strides = array<i32>} : memref<5x80xi32, #tpu.memory_space<vmem>>, vector<1x16xi32>,
      %get3A_3698 = arith.constant 240 : index
      %get3A_3699 = tpu.vector_load %arg9[%get3A_3698] {strides = array<i32>} : memref<400xi32, #tpu.memory_space<vmem>>, vector<16xi32>,
      %get3A_3700 = vector.shape_cast %get3A_3699 : vector<16xi32> to vector<16xi32>
      %eq3A_3701 = arith.constant 0 : i32
      %eq3A_3702 = vector.broadcast %eq3A_3701 : i32 to vector<16xi32>
      %eq3A_3703 = arith.cmpi eq, %get3A_3700, %eq3A_3702 : vector<16xi32>
      %select_n3A_3704 = arith.select %eq3A_3703, %broadcast_in_dim3A_396, %broadcast_in_dim3A_398 : vector<16xi1>, vector<16xf32>
      %add3A_3705 = arith.addf %add3A_3659, %select_n3A_3704 : vector<16xf32>
      %eq3A_3706 = arith.constant 1 : i32
      %eq3A_3707 = vector.broadcast %eq3A_3706 : i32 to vector<16xi32>
      %eq3A_3708 = arith.cmpi eq, %get3A_3700, %eq3A_3707 : vector<16xi32>
      %select_n3A_3709 = arith.select %eq3A_3708, %broadcast_in_dim3A_396, %broadcast_in_dim3A_398 : vector<16xi1>, vector<16xf32>
      %add3A_3710 = arith.addf %add3A_3664, %select_n3A_3709 : vector<16xf32>
      %eq3A_3711 = arith.constant 2 : i32
      %eq3A_3712 = vector.broadcast %eq3A_3711 : i32 to vector<16xi32>
      %eq3A_3713 = arith.cmpi eq, %get3A_3700, %eq3A_3712 : vector<16xi32>
      %select_n3A_3714 = arith.select %eq3A_3713, %broadcast_in_dim3A_396, %broadcast_in_dim3A_398 : vector<16xi1>, vector<16xf32>
      %add3A_3715 = arith.addf %add3A_3669, %select_n3A_3714 : vector<16xf32>
      %eq3A_3716 = arith.constant 3 : i32
      %eq3A_3717 = vector.broadcast %eq3A_3716 : i32 to vector<16xi32>
      %eq3A_3718 = arith.cmpi eq, %get3A_3700, %eq3A_3717 : vector<16xi32>
      %select_n3A_3719 = arith.select %eq3A_3718, %broadcast_in_dim3A_396, %broadcast_in_dim3A_398 : vector<16xi1>, vector<16xf32>
      %add3A_3720 = arith.addf %add3A_3674, %select_n3A_3719 : vector<16xf32>
      %eq3A_3721 = arith.constant 4 : i32
      %eq3A_3722 = vector.broadcast %eq3A_3721 : i32 to vector<16xi32>
      %eq3A_3723 = arith.cmpi eq, %get3A_3700, %eq3A_3722 : vector<16xi32>
      %select_n3A_3724 = arith.select %eq3A_3723, %broadcast_in_dim3A_396, %broadcast_in_dim3A_398 : vector<16xi1>, vector<16xf32>
      %add3A_3725 = arith.addf %add3A_3679, %select_n3A_3724 : vector<16xf32>
      %eq3A_3726 = arith.constant 5 : i32
      %eq3A_3727 = vector.broadcast %eq3A_3726 : i32 to vector<16xi32>
      %eq3A_3728 = arith.cmpi eq, %get3A_3700, %eq3A_3727 : vector<16xi32>
      %select_n3A_3729 = arith.select %eq3A_3728, %broadcast_in_dim3A_396, %broadcast_in_dim3A_398 : vector<16xi1>, vector<16xf32>
      %add3A_3730 = arith.addf %add3A_3684, %select_n3A_3729 : vector<16xf32>
      %eq3A_3731 = arith.constant 6 : i32
      %eq3A_3732 = vector.broadcast %eq3A_3731 : i32 to vector<16xi32>
      %eq3A_3733 = arith.cmpi eq, %get3A_3700, %eq3A_3732 : vector<16xi32>
      %select_n3A_3734 = arith.select %eq3A_3733, %broadcast_in_dim3A_396, %broadcast_in_dim3A_398 : vector<16xi1>, vector<16xf32>
      %add3A_3735 = arith.addf %add3A_3689, %select_n3A_3734 : vector<16xf32>
      %min3A_3736 = arith.minui %get3A_3700, %broadcast_in_dim3A_394 : vector<16xi32>
      %add3A_3737 = arith.addi %min3A_3736, %mul3A_392 : vector<16xi32>
      %swap3A_3738 = arith.constant 3 : i32
      %swap3A_3739 = arith.index_cast %swap3A_3738 : i32 to index
      %swap3A_3740 = arith.constant 0 : index
      %swap3A_3741 = tpu.vector_load %arg11[%swap3A_3739, %swap3A_3740] {strides = array<i32>} : memref<5x80xi32, #tpu.memory_space<vmem>>, vector<1x16xi32>,
      %swap3A_3742 = vector.shape_cast %swap3A_3741 : vector<1x16xi32> to vector<16xi32>
      %swap3A_3743 = vector.shape_cast %add3A_3737 : vector<16xi32> to vector<1x16xi32>
      tpu.vector_store %arg11[%swap3A_3739, %swap3A_3740], %swap3A_3743 {strides = array<i32>} : memref<5x80xi32, #tpu.memory_space<vmem>>, vector<1x16xi32>,
      %get3A_3744 = arith.constant 256 : index
      %get3A_3745 = tpu.vector_load %arg9[%get3A_3744] {strides = array<i32>} : memref<400xi32, #tpu.memory_space<vmem>>, vector<16xi32>,
      %get3A_3746 = vector.shape_cast %get3A_3745 : vector<16xi32> to vector<16xi32>
      %eq3A_3747 = arith.constant 0 : i32
      %eq3A_3748 = vector.broadcast %eq3A_3747 : i32 to vector<16xi32>
      %eq3A_3749 = arith.cmpi eq, %get3A_3746, %eq3A_3748 : vector<16xi32>
      %select_n3A_3750 = arith.select %eq3A_3749, %broadcast_in_dim3A_396, %broadcast_in_dim3A_398 : vector<16xi1>, vector<16xf32>
      %add3A_3751 = arith.addf %add3A_3705, %select_n3A_3750 : vector<16xf32>
      %eq3A_3752 = arith.constant 1 : i32
      %eq3A_3753 = vector.broadcast %eq3A_3752 : i32 to vector<16xi32>
      %eq3A_3754 = arith.cmpi eq, %get3A_3746, %eq3A_3753 : vector<16xi32>
      %select_n3A_3755 = arith.select %eq3A_3754, %broadcast_in_dim3A_396, %broadcast_in_dim3A_398 : vector<16xi1>, vector<16xf32>
      %add3A_3756 = arith.addf %add3A_3710, %select_n3A_3755 : vector<16xf32>
      %eq3A_3757 = arith.constant 2 : i32
      %eq3A_3758 = vector.broadcast %eq3A_3757 : i32 to vector<16xi32>
      %eq3A_3759 = arith.cmpi eq, %get3A_3746, %eq3A_3758 : vector<16xi32>
      %select_n3A_3760 = arith.select %eq3A_3759, %broadcast_in_dim3A_396, %broadcast_in_dim3A_398 : vector<16xi1>, vector<16xf32>
      %add3A_3761 = arith.addf %add3A_3715, %select_n3A_3760 : vector<16xf32>
      %eq3A_3762 = arith.constant 3 : i32
      %eq3A_3763 = vector.broadcast %eq3A_3762 : i32 to vector<16xi32>
      %eq3A_3764 = arith.cmpi eq, %get3A_3746, %eq3A_3763 : vector<16xi32>
      %select_n3A_3765 = arith.select %eq3A_3764, %broadcast_in_dim3A_396, %broadcast_in_dim3A_398 : vector<16xi1>, vector<16xf32>
      %add3A_3766 = arith.addf %add3A_3720, %select_n3A_3765 : vector<16xf32>
      %eq3A_3767 = arith.constant 4 : i32
      %eq3A_3768 = vector.broadcast %eq3A_3767 : i32 to vector<16xi32>
      %eq3A_3769 = arith.cmpi eq, %get3A_3746, %eq3A_3768 : vector<16xi32>
      %select_n3A_3770 = arith.select %eq3A_3769, %broadcast_in_dim3A_396, %broadcast_in_dim3A_398 : vector<16xi1>, vector<16xf32>
      %add3A_3771 = arith.addf %add3A_3725, %select_n3A_3770 : vector<16xf32>
      %eq3A_3772 = arith.constant 5 : i32
      %eq3A_3773 = vector.broadcast %eq3A_3772 : i32 to vector<16xi32>
      %eq3A_3774 = arith.cmpi eq, %get3A_3746, %eq3A_3773 : vector<16xi32>
      %select_n3A_3775 = arith.select %eq3A_3774, %broadcast_in_dim3A_396, %broadcast_in_dim3A_398 : vector<16xi1>, vector<16xf32>
      %add3A_3776 = arith.addf %add3A_3730, %select_n3A_3775 : vector<16xf32>
      %eq3A_3777 = arith.constant 6 : i32
      %eq3A_3778 = vector.broadcast %eq3A_3777 : i32 to vector<16xi32>
      %eq3A_3779 = arith.cmpi eq, %get3A_3746, %eq3A_3778 : vector<16xi32>
      %select_n3A_3780 = arith.select %eq3A_3779, %broadcast_in_dim3A_396, %broadcast_in_dim3A_398 : vector<16xi1>, vector<16xf32>
      %add3A_3781 = arith.addf %add3A_3735, %select_n3A_3780 : vector<16xf32>
      %min3A_3782 = arith.minui %get3A_3746, %broadcast_in_dim3A_394 : vector<16xi32>
      %add3A_3783 = arith.addi %min3A_3782, %mul3A_392 : vector<16xi32>
      %swap3A_3784 = arith.constant 3 : i32
      %swap3A_3785 = arith.index_cast %swap3A_3784 : i32 to index
      %swap3A_3786 = arith.constant 16 : index
      %swap3A_3787 = tpu.vector_load %arg11[%swap3A_3785, %swap3A_3786] {strides = array<i32>} : memref<5x80xi32, #tpu.memory_space<vmem>>, vector<1x16xi32>,
      %swap3A_3788 = vector.shape_cast %swap3A_3787 : vector<1x16xi32> to vector<16xi32>
      %swap3A_3789 = vector.shape_cast %add3A_3783 : vector<16xi32> to vector<1x16xi32>
      tpu.vector_store %arg11[%swap3A_3785, %swap3A_3786], %swap3A_3789 {strides = array<i32>} : memref<5x80xi32, #tpu.memory_space<vmem>>, vector<1x16xi32>,
      %get3A_3790 = arith.constant 272 : index
      %get3A_3791 = tpu.vector_load %arg9[%get3A_3790] {strides = array<i32>} : memref<400xi32, #tpu.memory_space<vmem>>, vector<16xi32>,
      %get3A_3792 = vector.shape_cast %get3A_3791 : vector<16xi32> to vector<16xi32>
      %eq3A_3793 = arith.constant 0 : i32
      %eq3A_3794 = vector.broadcast %eq3A_3793 : i32 to vector<16xi32>
      %eq3A_3795 = arith.cmpi eq, %get3A_3792, %eq3A_3794 : vector<16xi32>
      %select_n3A_3796 = arith.select %eq3A_3795, %broadcast_in_dim3A_396, %broadcast_in_dim3A_398 : vector<16xi1>, vector<16xf32>
      %add3A_3797 = arith.addf %add3A_3751, %select_n3A_3796 : vector<16xf32>
      %eq3A_3798 = arith.constant 1 : i32
      %eq3A_3799 = vector.broadcast %eq3A_3798 : i32 to vector<16xi32>
      %eq3A_3800 = arith.cmpi eq, %get3A_3792, %eq3A_3799 : vector<16xi32>
      %select_n3A_3801 = arith.select %eq3A_3800, %broadcast_in_dim3A_396, %broadcast_in_dim3A_398 : vector<16xi1>, vector<16xf32>
      %add3A_3802 = arith.addf %add3A_3756, %select_n3A_3801 : vector<16xf32>
      %eq3A_3803 = arith.constant 2 : i32
      %eq3A_3804 = vector.broadcast %eq3A_3803 : i32 to vector<16xi32>
      %eq3A_3805 = arith.cmpi eq, %get3A_3792, %eq3A_3804 : vector<16xi32>
      %select_n3A_3806 = arith.select %eq3A_3805, %broadcast_in_dim3A_396, %broadcast_in_dim3A_398 : vector<16xi1>, vector<16xf32>
      %add3A_3807 = arith.addf %add3A_3761, %select_n3A_3806 : vector<16xf32>
      %eq3A_3808 = arith.constant 3 : i32
      %eq3A_3809 = vector.broadcast %eq3A_3808 : i32 to vector<16xi32>
      %eq3A_3810 = arith.cmpi eq, %get3A_3792, %eq3A_3809 : vector<16xi32>
      %select_n3A_3811 = arith.select %eq3A_3810, %broadcast_in_dim3A_396, %broadcast_in_dim3A_398 : vector<16xi1>, vector<16xf32>
      %add3A_3812 = arith.addf %add3A_3766, %select_n3A_3811 : vector<16xf32>
      %eq3A_3813 = arith.constant 4 : i32
      %eq3A_3814 = vector.broadcast %eq3A_3813 : i32 to vector<16xi32>
      %eq3A_3815 = arith.cmpi eq, %get3A_3792, %eq3A_3814 : vector<16xi32>
      %select_n3A_3816 = arith.select %eq3A_3815, %broadcast_in_dim3A_396, %broadcast_in_dim3A_398 : vector<16xi1>, vector<16xf32>
      %add3A_3817 = arith.addf %add3A_3771, %select_n3A_3816 : vector<16xf32>
      %eq3A_3818 = arith.constant 5 : i32
      %eq3A_3819 = vector.broadcast %eq3A_3818 : i32 to vector<16xi32>
      %eq3A_3820 = arith.cmpi eq, %get3A_3792, %eq3A_3819 : vector<16xi32>
      %select_n3A_3821 = arith.select %eq3A_3820, %broadcast_in_dim3A_396, %broadcast_in_dim3A_398 : vector<16xi1>, vector<16xf32>
      %add3A_3822 = arith.addf %add3A_3776, %select_n3A_3821 : vector<16xf32>
      %eq3A_3823 = arith.constant 6 : i32
      %eq3A_3824 = vector.broadcast %eq3A_3823 : i32 to vector<16xi32>
      %eq3A_3825 = arith.cmpi eq, %get3A_3792, %eq3A_3824 : vector<16xi32>
      %select_n3A_3826 = arith.select %eq3A_3825, %broadcast_in_dim3A_396, %broadcast_in_dim3A_398 : vector<16xi1>, vector<16xf32>
      %add3A_3827 = arith.addf %add3A_3781, %select_n3A_3826 : vector<16xf32>
      %min3A_3828 = arith.minui %get3A_3792, %broadcast_in_dim3A_394 : vector<16xi32>
      %add3A_3829 = arith.addi %min3A_3828, %mul3A_392 : vector<16xi32>
      %swap3A_3830 = arith.constant 3 : i32
      %swap3A_3831 = arith.index_cast %swap3A_3830 : i32 to index
      %swap3A_3832 = arith.constant 32 : index
      %swap3A_3833 = tpu.vector_load %arg11[%swap3A_3831, %swap3A_3832] {strides = array<i32>} : memref<5x80xi32, #tpu.memory_space<vmem>>, vector<1x16xi32>,
      %swap3A_3834 = vector.shape_cast %swap3A_3833 : vector<1x16xi32> to vector<16xi32>
      %swap3A_3835 = vector.shape_cast %add3A_3829 : vector<16xi32> to vector<1x16xi32>
      tpu.vector_store %arg11[%swap3A_3831, %swap3A_3832], %swap3A_3835 {strides = array<i32>} : memref<5x80xi32, #tpu.memory_space<vmem>>, vector<1x16xi32>,
      %get3A_3836 = arith.constant 288 : index
      %get3A_3837 = tpu.vector_load %arg9[%get3A_3836] {strides = array<i32>} : memref<400xi32, #tpu.memory_space<vmem>>, vector<16xi32>,
      %get3A_3838 = vector.shape_cast %get3A_3837 : vector<16xi32> to vector<16xi32>
      %eq3A_3839 = arith.constant 0 : i32
      %eq3A_3840 = vector.broadcast %eq3A_3839 : i32 to vector<16xi32>
      %eq3A_3841 = arith.cmpi eq, %get3A_3838, %eq3A_3840 : vector<16xi32>
      %select_n3A_3842 = arith.select %eq3A_3841, %broadcast_in_dim3A_396, %broadcast_in_dim3A_398 : vector<16xi1>, vector<16xf32>
      %add3A_3843 = arith.addf %add3A_3797, %select_n3A_3842 : vector<16xf32>
      %eq3A_3844 = arith.constant 1 : i32
      %eq3A_3845 = vector.broadcast %eq3A_3844 : i32 to vector<16xi32>
      %eq3A_3846 = arith.cmpi eq, %get3A_3838, %eq3A_3845 : vector<16xi32>
      %select_n3A_3847 = arith.select %eq3A_3846, %broadcast_in_dim3A_396, %broadcast_in_dim3A_398 : vector<16xi1>, vector<16xf32>
      %add3A_3848 = arith.addf %add3A_3802, %select_n3A_3847 : vector<16xf32>
      %eq3A_3849 = arith.constant 2 : i32
      %eq3A_3850 = vector.broadcast %eq3A_3849 : i32 to vector<16xi32>
      %eq3A_3851 = arith.cmpi eq, %get3A_3838, %eq3A_3850 : vector<16xi32>
      %select_n3A_3852 = arith.select %eq3A_3851, %broadcast_in_dim3A_396, %broadcast_in_dim3A_398 : vector<16xi1>, vector<16xf32>
      %add3A_3853 = arith.addf %add3A_3807, %select_n3A_3852 : vector<16xf32>
      %eq3A_3854 = arith.constant 3 : i32
      %eq3A_3855 = vector.broadcast %eq3A_3854 : i32 to vector<16xi32>
      %eq3A_3856 = arith.cmpi eq, %get3A_3838, %eq3A_3855 : vector<16xi32>
      %select_n3A_3857 = arith.select %eq3A_3856, %broadcast_in_dim3A_396, %broadcast_in_dim3A_398 : vector<16xi1>, vector<16xf32>
      %add3A_3858 = arith.addf %add3A_3812, %select_n3A_3857 : vector<16xf32>
      %eq3A_3859 = arith.constant 4 : i32
      %eq3A_3860 = vector.broadcast %eq3A_3859 : i32 to vector<16xi32>
      %eq3A_3861 = arith.cmpi eq, %get3A_3838, %eq3A_3860 : vector<16xi32>
      %select_n3A_3862 = arith.select %eq3A_3861, %broadcast_in_dim3A_396, %broadcast_in_dim3A_398 : vector<16xi1>, vector<16xf32>
      %add3A_3863 = arith.addf %add3A_3817, %select_n3A_3862 : vector<16xf32>
      %eq3A_3864 = arith.constant 5 : i32
      %eq3A_3865 = vector.broadcast %eq3A_3864 : i32 to vector<16xi32>
      %eq3A_3866 = arith.cmpi eq, %get3A_3838, %eq3A_3865 : vector<16xi32>
      %select_n3A_3867 = arith.select %eq3A_3866, %broadcast_in_dim3A_396, %broadcast_in_dim3A_398 : vector<16xi1>, vector<16xf32>
      %add3A_3868 = arith.addf %add3A_3822, %select_n3A_3867 : vector<16xf32>
      %eq3A_3869 = arith.constant 6 : i32
      %eq3A_3870 = vector.broadcast %eq3A_3869 : i32 to vector<16xi32>
      %eq3A_3871 = arith.cmpi eq, %get3A_3838, %eq3A_3870 : vector<16xi32>
      %select_n3A_3872 = arith.select %eq3A_3871, %broadcast_in_dim3A_396, %broadcast_in_dim3A_398 : vector<16xi1>, vector<16xf32>
      %add3A_3873 = arith.addf %add3A_3827, %select_n3A_3872 : vector<16xf32>
      %min3A_3874 = arith.minui %get3A_3838, %broadcast_in_dim3A_394 : vector<16xi32>
      %add3A_3875 = arith.addi %min3A_3874, %mul3A_392 : vector<16xi32>
      %swap3A_3876 = arith.constant 3 : i32
      %swap3A_3877 = arith.index_cast %swap3A_3876 : i32 to index
      %swap3A_3878 = arith.constant 48 : index
      %swap3A_3879 = tpu.vector_load %arg11[%swap3A_3877, %swap3A_3878] {strides = array<i32>} : memref<5x80xi32, #tpu.memory_space<vmem>>, vector<1x16xi32>,
      %swap3A_3880 = vector.shape_cast %swap3A_3879 : vector<1x16xi32> to vector<16xi32>
      %swap3A_3881 = vector.shape_cast %add3A_3875 : vector<16xi32> to vector<1x16xi32>
      tpu.vector_store %arg11[%swap3A_3877, %swap3A_3878], %swap3A_3881 {strides = array<i32>} : memref<5x80xi32, #tpu.memory_space<vmem>>, vector<1x16xi32>,
      %get3A_3882 = arith.constant 304 : index
      %get3A_3883 = tpu.vector_load %arg9[%get3A_3882] {strides = array<i32>} : memref<400xi32, #tpu.memory_space<vmem>>, vector<16xi32>,
      %get3A_3884 = vector.shape_cast %get3A_3883 : vector<16xi32> to vector<16xi32>
      %eq3A_3885 = arith.constant 0 : i32
      %eq3A_3886 = vector.broadcast %eq3A_3885 : i32 to vector<16xi32>
      %eq3A_3887 = arith.cmpi eq, %get3A_3884, %eq3A_3886 : vector<16xi32>
      %select_n3A_3888 = arith.select %eq3A_3887, %broadcast_in_dim3A_396, %broadcast_in_dim3A_398 : vector<16xi1>, vector<16xf32>
      %add3A_3889 = arith.addf %add3A_3843, %select_n3A_3888 : vector<16xf32>
      %eq3A_3890 = arith.constant 1 : i32
      %eq3A_3891 = vector.broadcast %eq3A_3890 : i32 to vector<16xi32>
      %eq3A_3892 = arith.cmpi eq, %get3A_3884, %eq3A_3891 : vector<16xi32>
      %select_n3A_3893 = arith.select %eq3A_3892, %broadcast_in_dim3A_396, %broadcast_in_dim3A_398 : vector<16xi1>, vector<16xf32>
      %add3A_3894 = arith.addf %add3A_3848, %select_n3A_3893 : vector<16xf32>
      %eq3A_3895 = arith.constant 2 : i32
      %eq3A_3896 = vector.broadcast %eq3A_3895 : i32 to vector<16xi32>
      %eq3A_3897 = arith.cmpi eq, %get3A_3884, %eq3A_3896 : vector<16xi32>
      %select_n3A_3898 = arith.select %eq3A_3897, %broadcast_in_dim3A_396, %broadcast_in_dim3A_398 : vector<16xi1>, vector<16xf32>
      %add3A_3899 = arith.addf %add3A_3853, %select_n3A_3898 : vector<16xf32>
      %eq3A_3900 = arith.constant 3 : i32
      %eq3A_3901 = vector.broadcast %eq3A_3900 : i32 to vector<16xi32>
      %eq3A_3902 = arith.cmpi eq, %get3A_3884, %eq3A_3901 : vector<16xi32>
      %select_n3A_3903 = arith.select %eq3A_3902, %broadcast_in_dim3A_396, %broadcast_in_dim3A_398 : vector<16xi1>, vector<16xf32>
      %add3A_3904 = arith.addf %add3A_3858, %select_n3A_3903 : vector<16xf32>
      %eq3A_3905 = arith.constant 4 : i32
      %eq3A_3906 = vector.broadcast %eq3A_3905 : i32 to vector<16xi32>
      %eq3A_3907 = arith.cmpi eq, %get3A_3884, %eq3A_3906 : vector<16xi32>
      %select_n3A_3908 = arith.select %eq3A_3907, %broadcast_in_dim3A_396, %broadcast_in_dim3A_398 : vector<16xi1>, vector<16xf32>
      %add3A_3909 = arith.addf %add3A_3863, %select_n3A_3908 : vector<16xf32>
      %eq3A_3910 = arith.constant 5 : i32
      %eq3A_3911 = vector.broadcast %eq3A_3910 : i32 to vector<16xi32>
      %eq3A_3912 = arith.cmpi eq, %get3A_3884, %eq3A_3911 : vector<16xi32>
      %select_n3A_3913 = arith.select %eq3A_3912, %broadcast_in_dim3A_396, %broadcast_in_dim3A_398 : vector<16xi1>, vector<16xf32>
      %add3A_3914 = arith.addf %add3A_3868, %select_n3A_3913 : vector<16xf32>
      %eq3A_3915 = arith.constant 6 : i32
      %eq3A_3916 = vector.broadcast %eq3A_3915 : i32 to vector<16xi32>
      %eq3A_3917 = arith.cmpi eq, %get3A_3884, %eq3A_3916 : vector<16xi32>
      %select_n3A_3918 = arith.select %eq3A_3917, %broadcast_in_dim3A_396, %broadcast_in_dim3A_398 : vector<16xi1>, vector<16xf32>
      %add3A_3919 = arith.addf %add3A_3873, %select_n3A_3918 : vector<16xf32>
      %min3A_3920 = arith.minui %get3A_3884, %broadcast_in_dim3A_394 : vector<16xi32>
      %add3A_3921 = arith.addi %min3A_3920, %mul3A_392 : vector<16xi32>
      %swap3A_3922 = arith.constant 3 : i32
      %swap3A_3923 = arith.index_cast %swap3A_3922 : i32 to index
      %swap3A_3924 = arith.constant 64 : index
      %swap3A_3925 = tpu.vector_load %arg11[%swap3A_3923, %swap3A_3924] {strides = array<i32>} : memref<5x80xi32, #tpu.memory_space<vmem>>, vector<1x16xi32>,
      %swap3A_3926 = vector.shape_cast %swap3A_3925 : vector<1x16xi32> to vector<16xi32>
      %swap3A_3927 = vector.shape_cast %add3A_3921 : vector<16xi32> to vector<1x16xi32>
      tpu.vector_store %arg11[%swap3A_3923, %swap3A_3924], %swap3A_3927 {strides = array<i32>} : memref<5x80xi32, #tpu.memory_space<vmem>>, vector<1x16xi32>,
      %get3A_3928 = arith.constant 320 : index
      %get3A_3929 = tpu.vector_load %arg9[%get3A_3928] {strides = array<i32>} : memref<400xi32, #tpu.memory_space<vmem>>, vector<16xi32>,
      %get3A_3930 = vector.shape_cast %get3A_3929 : vector<16xi32> to vector<16xi32>
      %eq3A_3931 = arith.constant 0 : i32
      %eq3A_3932 = vector.broadcast %eq3A_3931 : i32 to vector<16xi32>
      %eq3A_3933 = arith.cmpi eq, %get3A_3930, %eq3A_3932 : vector<16xi32>
      %select_n3A_3934 = arith.select %eq3A_3933, %broadcast_in_dim3A_396, %broadcast_in_dim3A_398 : vector<16xi1>, vector<16xf32>
      %add3A_3935 = arith.addf %add3A_3889, %select_n3A_3934 : vector<16xf32>
      %eq3A_3936 = arith.constant 1 : i32
      %eq3A_3937 = vector.broadcast %eq3A_3936 : i32 to vector<16xi32>
      %eq3A_3938 = arith.cmpi eq, %get3A_3930, %eq3A_3937 : vector<16xi32>
      %select_n3A_3939 = arith.select %eq3A_3938, %broadcast_in_dim3A_396, %broadcast_in_dim3A_398 : vector<16xi1>, vector<16xf32>
      %add3A_3940 = arith.addf %add3A_3894, %select_n3A_3939 : vector<16xf32>
      %eq3A_3941 = arith.constant 2 : i32
      %eq3A_3942 = vector.broadcast %eq3A_3941 : i32 to vector<16xi32>
      %eq3A_3943 = arith.cmpi eq, %get3A_3930, %eq3A_3942 : vector<16xi32>
      %select_n3A_3944 = arith.select %eq3A_3943, %broadcast_in_dim3A_396, %broadcast_in_dim3A_398 : vector<16xi1>, vector<16xf32>
      %add3A_3945 = arith.addf %add3A_3899, %select_n3A_3944 : vector<16xf32>
      %eq3A_3946 = arith.constant 3 : i32
      %eq3A_3947 = vector.broadcast %eq3A_3946 : i32 to vector<16xi32>
      %eq3A_3948 = arith.cmpi eq, %get3A_3930, %eq3A_3947 : vector<16xi32>
      %select_n3A_3949 = arith.select %eq3A_3948, %broadcast_in_dim3A_396, %broadcast_in_dim3A_398 : vector<16xi1>, vector<16xf32>
      %add3A_3950 = arith.addf %add3A_3904, %select_n3A_3949 : vector<16xf32>
      %eq3A_3951 = arith.constant 4 : i32
      %eq3A_3952 = vector.broadcast %eq3A_3951 : i32 to vector<16xi32>
      %eq3A_3953 = arith.cmpi eq, %get3A_3930, %eq3A_3952 : vector<16xi32>
      %select_n3A_3954 = arith.select %eq3A_3953, %broadcast_in_dim3A_396, %broadcast_in_dim3A_398 : vector<16xi1>, vector<16xf32>
      %add3A_3955 = arith.addf %add3A_3909, %select_n3A_3954 : vector<16xf32>
      %eq3A_3956 = arith.constant 5 : i32
      %eq3A_3957 = vector.broadcast %eq3A_3956 : i32 to vector<16xi32>
      %eq3A_3958 = arith.cmpi eq, %get3A_3930, %eq3A_3957 : vector<16xi32>
      %select_n3A_3959 = arith.select %eq3A_3958, %broadcast_in_dim3A_396, %broadcast_in_dim3A_398 : vector<16xi1>, vector<16xf32>
      %add3A_3960 = arith.addf %add3A_3914, %select_n3A_3959 : vector<16xf32>
      %eq3A_3961 = arith.constant 6 : i32
      %eq3A_3962 = vector.broadcast %eq3A_3961 : i32 to vector<16xi32>
      %eq3A_3963 = arith.cmpi eq, %get3A_3930, %eq3A_3962 : vector<16xi32>
      %select_n3A_3964 = arith.select %eq3A_3963, %broadcast_in_dim3A_396, %broadcast_in_dim3A_398 : vector<16xi1>, vector<16xf32>
      %add3A_3965 = arith.addf %add3A_3919, %select_n3A_3964 : vector<16xf32>
      %min3A_3966 = arith.minui %get3A_3930, %broadcast_in_dim3A_394 : vector<16xi32>
      %add3A_3967 = arith.addi %min3A_3966, %mul3A_392 : vector<16xi32>
      %swap3A_3968 = arith.constant 4 : i32
      %swap3A_3969 = arith.index_cast %swap3A_3968 : i32 to index
      %swap3A_3970 = arith.constant 0 : index
      %swap3A_3971 = tpu.vector_load %arg11[%swap3A_3969, %swap3A_3970] {strides = array<i32>} : memref<5x80xi32, #tpu.memory_space<vmem>>, vector<1x16xi32>,
      %swap3A_3972 = vector.shape_cast %swap3A_3971 : vector<1x16xi32> to vector<16xi32>
      %swap3A_3973 = vector.shape_cast %add3A_3967 : vector<16xi32> to vector<1x16xi32>
      tpu.vector_store %arg11[%swap3A_3969, %swap3A_3970], %swap3A_3973 {strides = array<i32>} : memref<5x80xi32, #tpu.memory_space<vmem>>, vector<1x16xi32>,
      %get3A_3974 = arith.constant 336 : index
      %get3A_3975 = tpu.vector_load %arg9[%get3A_3974] {strides = array<i32>} : memref<400xi32, #tpu.memory_space<vmem>>, vector<16xi32>,
      %get3A_3976 = vector.shape_cast %get3A_3975 : vector<16xi32> to vector<16xi32>
      %eq3A_3977 = arith.constant 0 : i32
      %eq3A_3978 = vector.broadcast %eq3A_3977 : i32 to vector<16xi32>
      %eq3A_3979 = arith.cmpi eq, %get3A_3976, %eq3A_3978 : vector<16xi32>
      %select_n3A_3980 = arith.select %eq3A_3979, %broadcast_in_dim3A_396, %broadcast_in_dim3A_398 : vector<16xi1>, vector<16xf32>
      %add3A_3981 = arith.addf %add3A_3935, %select_n3A_3980 : vector<16xf32>
      %eq3A_3982 = arith.constant 1 : i32
      %eq3A_3983 = vector.broadcast %eq3A_3982 : i32 to vector<16xi32>
      %eq3A_3984 = arith.cmpi eq, %get3A_3976, %eq3A_3983 : vector<16xi32>
      %select_n3A_3985 = arith.select %eq3A_3984, %broadcast_in_dim3A_396, %broadcast_in_dim3A_398 : vector<16xi1>, vector<16xf32>
      %add3A_3986 = arith.addf %add3A_3940, %select_n3A_3985 : vector<16xf32>
      %eq3A_3987 = arith.constant 2 : i32
      %eq3A_3988 = vector.broadcast %eq3A_3987 : i32 to vector<16xi32>
      %eq3A_3989 = arith.cmpi eq, %get3A_3976, %eq3A_3988 : vector<16xi32>
      %select_n3A_3990 = arith.select %eq3A_3989, %broadcast_in_dim3A_396, %broadcast_in_dim3A_398 : vector<16xi1>, vector<16xf32>
      %add3A_3991 = arith.addf %add3A_3945, %select_n3A_3990 : vector<16xf32>
      %eq3A_3992 = arith.constant 3 : i32
      %eq3A_3993 = vector.broadcast %eq3A_3992 : i32 to vector<16xi32>
      %eq3A_3994 = arith.cmpi eq, %get3A_3976, %eq3A_3993 : vector<16xi32>
      %select_n3A_3995 = arith.select %eq3A_3994, %broadcast_in_dim3A_396, %broadcast_in_dim3A_398 : vector<16xi1>, vector<16xf32>
      %add3A_3996 = arith.addf %add3A_3950, %select_n3A_3995 : vector<16xf32>
      %eq3A_3997 = arith.constant 4 : i32
      %eq3A_3998 = vector.broadcast %eq3A_3997 : i32 to vector<16xi32>
      %eq3A_3999 = arith.cmpi eq, %get3A_3976, %eq3A_3998 : vector<16xi32>
      %select_n3A_4000 = arith.select %eq3A_3999, %broadcast_in_dim3A_396, %broadcast_in_dim3A_398 : vector<16xi1>, vector<16xf32>
      %add3A_4001 = arith.addf %add3A_3955, %select_n3A_4000 : vector<16xf32>
      %eq3A_4002 = arith.constant 5 : i32
      %eq3A_4003 = vector.broadcast %eq3A_4002 : i32 to vector<16xi32>
      %eq3A_4004 = arith.cmpi eq, %get3A_3976, %eq3A_4003 : vector<16xi32>
      %select_n3A_4005 = arith.select %eq3A_4004, %broadcast_in_dim3A_396, %broadcast_in_dim3A_398 : vector<16xi1>, vector<16xf32>
      %add3A_4006 = arith.addf %add3A_3960, %select_n3A_4005 : vector<16xf32>
      %eq3A_4007 = arith.constant 6 : i32
      %eq3A_4008 = vector.broadcast %eq3A_4007 : i32 to vector<16xi32>
      %eq3A_4009 = arith.cmpi eq, %get3A_3976, %eq3A_4008 : vector<16xi32>
      %select_n3A_4010 = arith.select %eq3A_4009, %broadcast_in_dim3A_396, %broadcast_in_dim3A_398 : vector<16xi1>, vector<16xf32>
      %add3A_4011 = arith.addf %add3A_3965, %select_n3A_4010 : vector<16xf32>
      %min3A_4012 = arith.minui %get3A_3976, %broadcast_in_dim3A_394 : vector<16xi32>
      %add3A_4013 = arith.addi %min3A_4012, %mul3A_392 : vector<16xi32>
      %swap3A_4014 = arith.constant 4 : i32
      %swap3A_4015 = arith.index_cast %swap3A_4014 : i32 to index
      %swap3A_4016 = arith.constant 16 : index
      %swap3A_4017 = tpu.vector_load %arg11[%swap3A_4015, %swap3A_4016] {strides = array<i32>} : memref<5x80xi32, #tpu.memory_space<vmem>>, vector<1x16xi32>,
      %swap3A_4018 = vector.shape_cast %swap3A_4017 : vector<1x16xi32> to vector<16xi32>
      %swap3A_4019 = vector.shape_cast %add3A_4013 : vector<16xi32> to vector<1x16xi32>
      tpu.vector_store %arg11[%swap3A_4015, %swap3A_4016], %swap3A_4019 {strides = array<i32>} : memref<5x80xi32, #tpu.memory_space<vmem>>, vector<1x16xi32>,
      %get3A_4020 = arith.constant 352 : index
      %get3A_4021 = tpu.vector_load %arg9[%get3A_4020] {strides = array<i32>} : memref<400xi32, #tpu.memory_space<vmem>>, vector<16xi32>,
      %get3A_4022 = vector.shape_cast %get3A_4021 : vector<16xi32> to vector<16xi32>
      %eq3A_4023 = arith.constant 0 : i32
      %eq3A_4024 = vector.broadcast %eq3A_4023 : i32 to vector<16xi32>
      %eq3A_4025 = arith.cmpi eq, %get3A_4022, %eq3A_4024 : vector<16xi32>
      %select_n3A_4026 = arith.select %eq3A_4025, %broadcast_in_dim3A_396, %broadcast_in_dim3A_398 : vector<16xi1>, vector<16xf32>
      %add3A_4027 = arith.addf %add3A_3981, %select_n3A_4026 : vector<16xf32>
      %eq3A_4028 = arith.constant 1 : i32
      %eq3A_4029 = vector.broadcast %eq3A_4028 : i32 to vector<16xi32>
      %eq3A_4030 = arith.cmpi eq, %get3A_4022, %eq3A_4029 : vector<16xi32>
      %select_n3A_4031 = arith.select %eq3A_4030, %broadcast_in_dim3A_396, %broadcast_in_dim3A_398 : vector<16xi1>, vector<16xf32>
      %add3A_4032 = arith.addf %add3A_3986, %select_n3A_4031 : vector<16xf32>
      %eq3A_4033 = arith.constant 2 : i32
      %eq3A_4034 = vector.broadcast %eq3A_4033 : i32 to vector<16xi32>
      %eq3A_4035 = arith.cmpi eq, %get3A_4022, %eq3A_4034 : vector<16xi32>
      %select_n3A_4036 = arith.select %eq3A_4035, %broadcast_in_dim3A_396, %broadcast_in_dim3A_398 : vector<16xi1>, vector<16xf32>
      %add3A_4037 = arith.addf %add3A_3991, %select_n3A_4036 : vector<16xf32>
      %eq3A_4038 = arith.constant 3 : i32
      %eq3A_4039 = vector.broadcast %eq3A_4038 : i32 to vector<16xi32>
      %eq3A_4040 = arith.cmpi eq, %get3A_4022, %eq3A_4039 : vector<16xi32>
      %select_n3A_4041 = arith.select %eq3A_4040, %broadcast_in_dim3A_396, %broadcast_in_dim3A_398 : vector<16xi1>, vector<16xf32>
      %add3A_4042 = arith.addf %add3A_3996, %select_n3A_4041 : vector<16xf32>
      %eq3A_4043 = arith.constant 4 : i32
      %eq3A_4044 = vector.broadcast %eq3A_4043 : i32 to vector<16xi32>
      %eq3A_4045 = arith.cmpi eq, %get3A_4022, %eq3A_4044 : vector<16xi32>
      %select_n3A_4046 = arith.select %eq3A_4045, %broadcast_in_dim3A_396, %broadcast_in_dim3A_398 : vector<16xi1>, vector<16xf32>
      %add3A_4047 = arith.addf %add3A_4001, %select_n3A_4046 : vector<16xf32>
      %eq3A_4048 = arith.constant 5 : i32
      %eq3A_4049 = vector.broadcast %eq3A_4048 : i32 to vector<16xi32>
      %eq3A_4050 = arith.cmpi eq, %get3A_4022, %eq3A_4049 : vector<16xi32>
      %select_n3A_4051 = arith.select %eq3A_4050, %broadcast_in_dim3A_396, %broadcast_in_dim3A_398 : vector<16xi1>, vector<16xf32>
      %add3A_4052 = arith.addf %add3A_4006, %select_n3A_4051 : vector<16xf32>
      %eq3A_4053 = arith.constant 6 : i32
      %eq3A_4054 = vector.broadcast %eq3A_4053 : i32 to vector<16xi32>
      %eq3A_4055 = arith.cmpi eq, %get3A_4022, %eq3A_4054 : vector<16xi32>
      %select_n3A_4056 = arith.select %eq3A_4055, %broadcast_in_dim3A_396, %broadcast_in_dim3A_398 : vector<16xi1>, vector<16xf32>
      %add3A_4057 = arith.addf %add3A_4011, %select_n3A_4056 : vector<16xf32>
      %min3A_4058 = arith.minui %get3A_4022, %broadcast_in_dim3A_394 : vector<16xi32>
      %add3A_4059 = arith.addi %min3A_4058, %mul3A_392 : vector<16xi32>
      %swap3A_4060 = arith.constant 4 : i32
      %swap3A_4061 = arith.index_cast %swap3A_4060 : i32 to index
      %swap3A_4062 = arith.constant 32 : index
      %swap3A_4063 = tpu.vector_load %arg11[%swap3A_4061, %swap3A_4062] {strides = array<i32>} : memref<5x80xi32, #tpu.memory_space<vmem>>, vector<1x16xi32>,
      %swap3A_4064 = vector.shape_cast %swap3A_4063 : vector<1x16xi32> to vector<16xi32>
      %swap3A_4065 = vector.shape_cast %add3A_4059 : vector<16xi32> to vector<1x16xi32>
      tpu.vector_store %arg11[%swap3A_4061, %swap3A_4062], %swap3A_4065 {strides = array<i32>} : memref<5x80xi32, #tpu.memory_space<vmem>>, vector<1x16xi32>,
      %get3A_4066 = arith.constant 368 : index
      %get3A_4067 = tpu.vector_load %arg9[%get3A_4066] {strides = array<i32>} : memref<400xi32, #tpu.memory_space<vmem>>, vector<16xi32>,
      %get3A_4068 = vector.shape_cast %get3A_4067 : vector<16xi32> to vector<16xi32>
      %eq3A_4069 = arith.constant 0 : i32
      %eq3A_4070 = vector.broadcast %eq3A_4069 : i32 to vector<16xi32>
      %eq3A_4071 = arith.cmpi eq, %get3A_4068, %eq3A_4070 : vector<16xi32>
      %select_n3A_4072 = arith.select %eq3A_4071, %broadcast_in_dim3A_396, %broadcast_in_dim3A_398 : vector<16xi1>, vector<16xf32>
      %add3A_4073 = arith.addf %add3A_4027, %select_n3A_4072 : vector<16xf32>
      %eq3A_4074 = arith.constant 1 : i32
      %eq3A_4075 = vector.broadcast %eq3A_4074 : i32 to vector<16xi32>
      %eq3A_4076 = arith.cmpi eq, %get3A_4068, %eq3A_4075 : vector<16xi32>
      %select_n3A_4077 = arith.select %eq3A_4076, %broadcast_in_dim3A_396, %broadcast_in_dim3A_398 : vector<16xi1>, vector<16xf32>
      %add3A_4078 = arith.addf %add3A_4032, %select_n3A_4077 : vector<16xf32>
      %eq3A_4079 = arith.constant 2 : i32
      %eq3A_4080 = vector.broadcast %eq3A_4079 : i32 to vector<16xi32>
      %eq3A_4081 = arith.cmpi eq, %get3A_4068, %eq3A_4080 : vector<16xi32>
      %select_n3A_4082 = arith.select %eq3A_4081, %broadcast_in_dim3A_396, %broadcast_in_dim3A_398 : vector<16xi1>, vector<16xf32>
      %add3A_4083 = arith.addf %add3A_4037, %select_n3A_4082 : vector<16xf32>
      %eq3A_4084 = arith.constant 3 : i32
      %eq3A_4085 = vector.broadcast %eq3A_4084 : i32 to vector<16xi32>
      %eq3A_4086 = arith.cmpi eq, %get3A_4068, %eq3A_4085 : vector<16xi32>
      %select_n3A_4087 = arith.select %eq3A_4086, %broadcast_in_dim3A_396, %broadcast_in_dim3A_398 : vector<16xi1>, vector<16xf32>
      %add3A_4088 = arith.addf %add3A_4042, %select_n3A_4087 : vector<16xf32>
      %eq3A_4089 = arith.constant 4 : i32
      %eq3A_4090 = vector.broadcast %eq3A_4089 : i32 to vector<16xi32>
      %eq3A_4091 = arith.cmpi eq, %get3A_4068, %eq3A_4090 : vector<16xi32>
      %select_n3A_4092 = arith.select %eq3A_4091, %broadcast_in_dim3A_396, %broadcast_in_dim3A_398 : vector<16xi1>, vector<16xf32>
      %add3A_4093 = arith.addf %add3A_4047, %select_n3A_4092 : vector<16xf32>
      %eq3A_4094 = arith.constant 5 : i32
      %eq3A_4095 = vector.broadcast %eq3A_4094 : i32 to vector<16xi32>
      %eq3A_4096 = arith.cmpi eq, %get3A_4068, %eq3A_4095 : vector<16xi32>
      %select_n3A_4097 = arith.select %eq3A_4096, %broadcast_in_dim3A_396, %broadcast_in_dim3A_398 : vector<16xi1>, vector<16xf32>
      %add3A_4098 = arith.addf %add3A_4052, %select_n3A_4097 : vector<16xf32>
      %eq3A_4099 = arith.constant 6 : i32
      %eq3A_4100 = vector.broadcast %eq3A_4099 : i32 to vector<16xi32>
      %eq3A_4101 = arith.cmpi eq, %get3A_4068, %eq3A_4100 : vector<16xi32>
      %select_n3A_4102 = arith.select %eq3A_4101, %broadcast_in_dim3A_396, %broadcast_in_dim3A_398 : vector<16xi1>, vector<16xf32>
      %add3A_4103 = arith.addf %add3A_4057, %select_n3A_4102 : vector<16xf32>
      %min3A_4104 = arith.minui %get3A_4068, %broadcast_in_dim3A_394 : vector<16xi32>
      %add3A_4105 = arith.addi %min3A_4104, %mul3A_392 : vector<16xi32>
      %swap3A_4106 = arith.constant 4 : i32
      %swap3A_4107 = arith.index_cast %swap3A_4106 : i32 to index
      %swap3A_4108 = arith.constant 48 : index
      %swap3A_4109 = tpu.vector_load %arg11[%swap3A_4107, %swap3A_4108] {strides = array<i32>} : memref<5x80xi32, #tpu.memory_space<vmem>>, vector<1x16xi32>,
      %swap3A_4110 = vector.shape_cast %swap3A_4109 : vector<1x16xi32> to vector<16xi32>
      %swap3A_4111 = vector.shape_cast %add3A_4105 : vector<16xi32> to vector<1x16xi32>
      tpu.vector_store %arg11[%swap3A_4107, %swap3A_4108], %swap3A_4111 {strides = array<i32>} : memref<5x80xi32, #tpu.memory_space<vmem>>, vector<1x16xi32>,
      %get3A_4112 = arith.constant 384 : index
      %get3A_4113 = tpu.vector_load %arg9[%get3A_4112] {strides = array<i32>} : memref<400xi32, #tpu.memory_space<vmem>>, vector<16xi32>,
      %get3A_4114 = vector.shape_cast %get3A_4113 : vector<16xi32> to vector<16xi32>
      %eq3A_4115 = arith.constant 0 : i32
      %eq3A_4116 = vector.broadcast %eq3A_4115 : i32 to vector<16xi32>
      %eq3A_4117 = arith.cmpi eq, %get3A_4114, %eq3A_4116 : vector<16xi32>
      %select_n3A_4118 = arith.select %eq3A_4117, %broadcast_in_dim3A_396, %broadcast_in_dim3A_398 : vector<16xi1>, vector<16xf32>
      %add3A_4119 = arith.addf %add3A_4073, %select_n3A_4118 : vector<16xf32>
      %eq3A_4120 = arith.constant 1 : i32
      %eq3A_4121 = vector.broadcast %eq3A_4120 : i32 to vector<16xi32>
      %eq3A_4122 = arith.cmpi eq, %get3A_4114, %eq3A_4121 : vector<16xi32>
      %select_n3A_4123 = arith.select %eq3A_4122, %broadcast_in_dim3A_396, %broadcast_in_dim3A_398 : vector<16xi1>, vector<16xf32>
      %add3A_4124 = arith.addf %add3A_4078, %select_n3A_4123 : vector<16xf32>
      %eq3A_4125 = arith.constant 2 : i32
      %eq3A_4126 = vector.broadcast %eq3A_4125 : i32 to vector<16xi32>
      %eq3A_4127 = arith.cmpi eq, %get3A_4114, %eq3A_4126 : vector<16xi32>
      %select_n3A_4128 = arith.select %eq3A_4127, %broadcast_in_dim3A_396, %broadcast_in_dim3A_398 : vector<16xi1>, vector<16xf32>
      %add3A_4129 = arith.addf %add3A_4083, %select_n3A_4128 : vector<16xf32>
      %eq3A_4130 = arith.constant 3 : i32
      %eq3A_4131 = vector.broadcast %eq3A_4130 : i32 to vector<16xi32>
      %eq3A_4132 = arith.cmpi eq, %get3A_4114, %eq3A_4131 : vector<16xi32>
      %select_n3A_4133 = arith.select %eq3A_4132, %broadcast_in_dim3A_396, %broadcast_in_dim3A_398 : vector<16xi1>, vector<16xf32>
      %add3A_4134 = arith.addf %add3A_4088, %select_n3A_4133 : vector<16xf32>
      %eq3A_4135 = arith.constant 4 : i32
      %eq3A_4136 = vector.broadcast %eq3A_4135 : i32 to vector<16xi32>
      %eq3A_4137 = arith.cmpi eq, %get3A_4114, %eq3A_4136 : vector<16xi32>
      %select_n3A_4138 = arith.select %eq3A_4137, %broadcast_in_dim3A_396, %broadcast_in_dim3A_398 : vector<16xi1>, vector<16xf32>
      %add3A_4139 = arith.addf %add3A_4093, %select_n3A_4138 : vector<16xf32>
      %eq3A_4140 = arith.constant 5 : i32
      %eq3A_4141 = vector.broadcast %eq3A_4140 : i32 to vector<16xi32>
      %eq3A_4142 = arith.cmpi eq, %get3A_4114, %eq3A_4141 : vector<16xi32>
      %select_n3A_4143 = arith.select %eq3A_4142, %broadcast_in_dim3A_396, %broadcast_in_dim3A_398 : vector<16xi1>, vector<16xf32>
      %add3A_4144 = arith.addf %add3A_4098, %select_n3A_4143 : vector<16xf32>
      %eq3A_4145 = arith.constant 6 : i32
      %eq3A_4146 = vector.broadcast %eq3A_4145 : i32 to vector<16xi32>
      %eq3A_4147 = arith.cmpi eq, %get3A_4114, %eq3A_4146 : vector<16xi32>
      %select_n3A_4148 = arith.select %eq3A_4147, %broadcast_in_dim3A_396, %broadcast_in_dim3A_398 : vector<16xi1>, vector<16xf32>
      %add3A_4149 = arith.addf %add3A_4103, %select_n3A_4148 : vector<16xf32>
      %min3A_4150 = arith.minui %get3A_4114, %broadcast_in_dim3A_394 : vector<16xi32>
      %add3A_4151 = arith.addi %min3A_4150, %mul3A_392 : vector<16xi32>
      %swap3A_4152 = arith.constant 4 : i32
      %swap3A_4153 = arith.index_cast %swap3A_4152 : i32 to index
      %swap3A_4154 = arith.constant 64 : index
      %swap3A_4155 = tpu.vector_load %arg11[%swap3A_4153, %swap3A_4154] {strides = array<i32>} : memref<5x80xi32, #tpu.memory_space<vmem>>, vector<1x16xi32>,
      %swap3A_4156 = vector.shape_cast %swap3A_4155 : vector<1x16xi32> to vector<16xi32>
      %swap3A_4157 = vector.shape_cast %add3A_4151 : vector<16xi32> to vector<1x16xi32>
      tpu.vector_store %arg11[%swap3A_4153, %swap3A_4154], %swap3A_4157 {strides = array<i32>} : memref<5x80xi32, #tpu.memory_space<vmem>>, vector<1x16xi32>,
      %dma_start3A_4158 = arith.constant 0 : i32
      %dma_start3A_4159 = arith.constant 0 : i32
      %dma_start3A_4160 = arith.constant 0 : i32
      %dma_start3A_4161 = tpu.memref_slice %arg7[%dma_start3A_4159, %dma_start3A_4160] : memref<400x128xf32, #tpu.memory_space<vmem>> -> memref<80x128xf32, #tpu.memory_space<vmem>>
      %dma_start3A_4162 = arith.constant 0 : i32
      %dma_start3A_4163 = tpu.memref_slice %arg11[%dma_start3A_4158, %dma_start3A_4162] : memref<5x80xi32, #tpu.memory_space<vmem>> -> memref<1x80xi32, #tpu.memory_space<vmem>>
      %dma_start3A_4164 = tpu.memref_squeeze %dma_start3A_4163 : memref<1x80xi32, #tpu.memory_space<vmem>> -> memref<80xi32, #tpu.memory_space<vmem>>
      %dma_start3A_4165 = arith.constant 0 : i32
      %dma_start3A_4166 = arith.constant 0 : i32
      %dma_start3A_4167 = tpu.memref_slice %arg14[%dma_start3A_4165, %dma_start3A_4166] : memref<128x128xf32, #tpu.memory_space<vmem_shared>> -> memref<128x128xf32, #tpu.memory_space<vmem_shared>>
      tpu.enqueue_indirect_dma source(%dma_start3A_4161 : memref<80x128xf32, #tpu.memory_space<vmem>>) target(%dma_start3A_4167 : memref<128x128xf32, #tpu.memory_space<vmem_shared>>) offsets(%dma_start3A_4164 : memref<80xi32, #tpu.memory_space<vmem>>) semaphore(%arg20 : memref<!tpu.dma_semaphore, #tpu.memory_space<semaphore_mem>>) {add = true}
      %dma_start3A_4168 = arith.constant 1 : i32
      %dma_start3A_4169 = arith.constant 80 : i32
      %dma_start3A_4170 = arith.constant 0 : i32
      %dma_start3A_4171 = tpu.memref_slice %arg7[%dma_start3A_4169, %dma_start3A_4170] : memref<400x128xf32, #tpu.memory_space<vmem>> -> memref<80x128xf32, #tpu.memory_space<vmem>>
      %dma_start3A_4172 = arith.constant 0 : i32
      %dma_start3A_4173 = tpu.memref_slice %arg11[%dma_start3A_4168, %dma_start3A_4172] : memref<5x80xi32, #tpu.memory_space<vmem>> -> memref<1x80xi32, #tpu.memory_space<vmem>>
      %dma_start3A_4174 = tpu.memref_squeeze %dma_start3A_4173 : memref<1x80xi32, #tpu.memory_space<vmem>> -> memref<80xi32, #tpu.memory_space<vmem>>
      %dma_start3A_4175 = arith.constant 0 : i32
      %dma_start3A_4176 = arith.constant 0 : i32
      %dma_start3A_4177 = tpu.memref_slice %arg14[%dma_start3A_4175, %dma_start3A_4176] : memref<128x128xf32, #tpu.memory_space<vmem_shared>> -> memref<128x128xf32, #tpu.memory_space<vmem_shared>>
      tpu.enqueue_indirect_dma source(%dma_start3A_4171 : memref<80x128xf32, #tpu.memory_space<vmem>>) target(%dma_start3A_4177 : memref<128x128xf32, #tpu.memory_space<vmem_shared>>) offsets(%dma_start3A_4174 : memref<80xi32, #tpu.memory_space<vmem>>) semaphore(%arg20 : memref<!tpu.dma_semaphore, #tpu.memory_space<semaphore_mem>>) {add = true}
      %dma_start3A_4178 = arith.constant 2 : i32
      %dma_start3A_4179 = arith.constant 160 : i32
      %dma_start3A_4180 = arith.constant 0 : i32
      %dma_start3A_4181 = tpu.memref_slice %arg7[%dma_start3A_4179, %dma_start3A_4180] : memref<400x128xf32, #tpu.memory_space<vmem>> -> memref<80x128xf32, #tpu.memory_space<vmem>>
      %dma_start3A_4182 = arith.constant 0 : i32
      %dma_start3A_4183 = tpu.memref_slice %arg11[%dma_start3A_4178, %dma_start3A_4182] : memref<5x80xi32, #tpu.memory_space<vmem>> -> memref<1x80xi32, #tpu.memory_space<vmem>>
      %dma_start3A_4184 = tpu.memref_squeeze %dma_start3A_4183 : memref<1x80xi32, #tpu.memory_space<vmem>> -> memref<80xi32, #tpu.memory_space<vmem>>
      %dma_start3A_4185 = arith.constant 0 : i32
      %dma_start3A_4186 = arith.constant 0 : i32
      %dma_start3A_4187 = tpu.memref_slice %arg14[%dma_start3A_4185, %dma_start3A_4186] : memref<128x128xf32, #tpu.memory_space<vmem_shared>> -> memref<128x128xf32, #tpu.memory_space<vmem_shared>>
      tpu.enqueue_indirect_dma source(%dma_start3A_4181 : memref<80x128xf32, #tpu.memory_space<vmem>>) target(%dma_start3A_4187 : memref<128x128xf32, #tpu.memory_space<vmem_shared>>) offsets(%dma_start3A_4184 : memref<80xi32, #tpu.memory_space<vmem>>) semaphore(%arg20 : memref<!tpu.dma_semaphore, #tpu.memory_space<semaphore_mem>>) {add = true}
      %dma_start3A_4188 = arith.constant 3 : i32
      %dma_start3A_4189 = arith.constant 240 : i32
      %dma_start3A_4190 = arith.constant 0 : i32
      %dma_start3A_4191 = tpu.memref_slice %arg7[%dma_start3A_4189, %dma_start3A_4190] : memref<400x128xf32, #tpu.memory_space<vmem>> -> memref<80x128xf32, #tpu.memory_space<vmem>>
      %dma_start3A_4192 = arith.constant 0 : i32
      %dma_start3A_4193 = tpu.memref_slice %arg11[%dma_start3A_4188, %dma_start3A_4192] : memref<5x80xi32, #tpu.memory_space<vmem>> -> memref<1x80xi32, #tpu.memory_space<vmem>>
      %dma_start3A_4194 = tpu.memref_squeeze %dma_start3A_4193 : memref<1x80xi32, #tpu.memory_space<vmem>> -> memref<80xi32, #tpu.memory_space<vmem>>
      %dma_start3A_4195 = arith.constant 0 : i32
      %dma_start3A_4196 = arith.constant 0 : i32
      %dma_start3A_4197 = tpu.memref_slice %arg14[%dma_start3A_4195, %dma_start3A_4196] : memref<128x128xf32, #tpu.memory_space<vmem_shared>> -> memref<128x128xf32, #tpu.memory_space<vmem_shared>>
      tpu.enqueue_indirect_dma source(%dma_start3A_4191 : memref<80x128xf32, #tpu.memory_space<vmem>>) target(%dma_start3A_4197 : memref<128x128xf32, #tpu.memory_space<vmem_shared>>) offsets(%dma_start3A_4194 : memref<80xi32, #tpu.memory_space<vmem>>) semaphore(%arg20 : memref<!tpu.dma_semaphore, #tpu.memory_space<semaphore_mem>>) {add = true}
      %dma_start3A_4198 = arith.constant 4 : i32
      %dma_start3A_4199 = arith.constant 320 : i32
      %dma_start3A_4200 = arith.constant 0 : i32
      %dma_start3A_4201 = tpu.memref_slice %arg7[%dma_start3A_4199, %dma_start3A_4200] : memref<400x128xf32, #tpu.memory_space<vmem>> -> memref<80x128xf32, #tpu.memory_space<vmem>>
      %dma_start3A_4202 = arith.constant 0 : i32
      %dma_start3A_4203 = tpu.memref_slice %arg11[%dma_start3A_4198, %dma_start3A_4202] : memref<5x80xi32, #tpu.memory_space<vmem>> -> memref<1x80xi32, #tpu.memory_space<vmem>>
      %dma_start3A_4204 = tpu.memref_squeeze %dma_start3A_4203 : memref<1x80xi32, #tpu.memory_space<vmem>> -> memref<80xi32, #tpu.memory_space<vmem>>
      %dma_start3A_4205 = arith.constant 0 : i32
      %dma_start3A_4206 = arith.constant 0 : i32
      %dma_start3A_4207 = tpu.memref_slice %arg14[%dma_start3A_4205, %dma_start3A_4206] : memref<128x128xf32, #tpu.memory_space<vmem_shared>> -> memref<128x128xf32, #tpu.memory_space<vmem_shared>>
      tpu.enqueue_indirect_dma source(%dma_start3A_4201 : memref<80x128xf32, #tpu.memory_space<vmem>>) target(%dma_start3A_4207 : memref<128x128xf32, #tpu.memory_space<vmem_shared>>) offsets(%dma_start3A_4204 : memref<80xi32, #tpu.memory_space<vmem>>) semaphore(%arg20 : memref<!tpu.dma_semaphore, #tpu.memory_space<semaphore_mem>>) {add = true}
      %dma_wait3A_4208 = arith.constant 0 : i32
      %dma_wait3A_4209 = arith.constant 0 : i32
      %dma_wait3A_4210 = arith.constant 0 : i32
      %dma_wait3A_4211 = tpu.memref_slice %arg7[%dma_wait3A_4209, %dma_wait3A_4210] : memref<400x128xf32, #tpu.memory_space<vmem>> -> memref<80x128xf32, #tpu.memory_space<vmem>>
      %dma_wait3A_4212 = arith.constant 0 : i32
      %dma_wait3A_4213 = tpu.memref_slice %arg11[%dma_wait3A_4208, %dma_wait3A_4212] : memref<5x80xi32, #tpu.memory_space<vmem>> -> memref<1x80xi32, #tpu.memory_space<vmem>>
      %dma_wait3A_4214 = tpu.memref_squeeze %dma_wait3A_4213 : memref<1x80xi32, #tpu.memory_space<vmem>> -> memref<80xi32, #tpu.memory_space<vmem>>
      %dma_wait3A_4215 = arith.constant 0 : i32
      %dma_wait3A_4216 = arith.constant 0 : i32
      %dma_wait3A_4217 = tpu.memref_slice %arg14[%dma_wait3A_4215, %dma_wait3A_4216] : memref<128x128xf32, #tpu.memory_space<vmem_shared>> -> memref<128x128xf32, #tpu.memory_space<vmem_shared>>
      tpu.wait_indirect_dma semaphore(%arg20 : memref<!tpu.dma_semaphore, #tpu.memory_space<semaphore_mem>>) src(%dma_wait3A_4211 : memref<80x128xf32, #tpu.memory_space<vmem>>) dst(%dma_wait3A_4217 : memref<128x128xf32, #tpu.memory_space<vmem_shared>>)
      %dma_wait3A_4218 = arith.constant 1 : i32
      %dma_wait3A_4219 = arith.constant 80 : i32
      %dma_wait3A_4220 = arith.constant 0 : i32
      %dma_wait3A_4221 = tpu.memref_slice %arg7[%dma_wait3A_4219, %dma_wait3A_4220] : memref<400x128xf32, #tpu.memory_space<vmem>> -> memref<80x128xf32, #tpu.memory_space<vmem>>
      %dma_wait3A_4222 = arith.constant 0 : i32
      %dma_wait3A_4223 = tpu.memref_slice %arg11[%dma_wait3A_4218, %dma_wait3A_4222] : memref<5x80xi32, #tpu.memory_space<vmem>> -> memref<1x80xi32, #tpu.memory_space<vmem>>
      %dma_wait3A_4224 = tpu.memref_squeeze %dma_wait3A_4223 : memref<1x80xi32, #tpu.memory_space<vmem>> -> memref<80xi32, #tpu.memory_space<vmem>>
      %dma_wait3A_4225 = arith.constant 0 : i32
      %dma_wait3A_4226 = arith.constant 0 : i32
      %dma_wait3A_4227 = tpu.memref_slice %arg14[%dma_wait3A_4225, %dma_wait3A_4226] : memref<128x128xf32, #tpu.memory_space<vmem_shared>> -> memref<128x128xf32, #tpu.memory_space<vmem_shared>>
      tpu.wait_indirect_dma semaphore(%arg20 : memref<!tpu.dma_semaphore, #tpu.memory_space<semaphore_mem>>) src(%dma_wait3A_4221 : memref<80x128xf32, #tpu.memory_space<vmem>>) dst(%dma_wait3A_4227 : memref<128x128xf32, #tpu.memory_space<vmem_shared>>)
      %dma_wait3A_4228 = arith.constant 2 : i32
      %dma_wait3A_4229 = arith.constant 160 : i32
      %dma_wait3A_4230 = arith.constant 0 : i32
      %dma_wait3A_4231 = tpu.memref_slice %arg7[%dma_wait3A_4229, %dma_wait3A_4230] : memref<400x128xf32, #tpu.memory_space<vmem>> -> memref<80x128xf32, #tpu.memory_space<vmem>>
      %dma_wait3A_4232 = arith.constant 0 : i32
      %dma_wait3A_4233 = tpu.memref_slice %arg11[%dma_wait3A_4228, %dma_wait3A_4232] : memref<5x80xi32, #tpu.memory_space<vmem>> -> memref<1x80xi32, #tpu.memory_space<vmem>>
      %dma_wait3A_4234 = tpu.memref_squeeze %dma_wait3A_4233 : memref<1x80xi32, #tpu.memory_space<vmem>> -> memref<80xi32, #tpu.memory_space<vmem>>
      %dma_wait3A_4235 = arith.constant 0 : i32
      %dma_wait3A_4236 = arith.constant 0 : i32
      %dma_wait3A_4237 = tpu.memref_slice %arg14[%dma_wait3A_4235, %dma_wait3A_4236] : memref<128x128xf32, #tpu.memory_space<vmem_shared>> -> memref<128x128xf32, #tpu.memory_space<vmem_shared>>
      tpu.wait_indirect_dma semaphore(%arg20 : memref<!tpu.dma_semaphore, #tpu.memory_space<semaphore_mem>>) src(%dma_wait3A_4231 : memref<80x128xf32, #tpu.memory_space<vmem>>) dst(%dma_wait3A_4237 : memref<128x128xf32, #tpu.memory_space<vmem_shared>>)
      %dma_wait3A_4238 = arith.constant 3 : i32
      %dma_wait3A_4239 = arith.constant 240 : i32
      %dma_wait3A_4240 = arith.constant 0 : i32
      %dma_wait3A_4241 = tpu.memref_slice %arg7[%dma_wait3A_4239, %dma_wait3A_4240] : memref<400x128xf32, #tpu.memory_space<vmem>> -> memref<80x128xf32, #tpu.memory_space<vmem>>
      %dma_wait3A_4242 = arith.constant 0 : i32
      %dma_wait3A_4243 = tpu.memref_slice %arg11[%dma_wait3A_4238, %dma_wait3A_4242] : memref<5x80xi32, #tpu.memory_space<vmem>> -> memref<1x80xi32, #tpu.memory_space<vmem>>
      %dma_wait3A_4244 = tpu.memref_squeeze %dma_wait3A_4243 : memref<1x80xi32, #tpu.memory_space<vmem>> -> memref<80xi32, #tpu.memory_space<vmem>>
      %dma_wait3A_4245 = arith.constant 0 : i32
      %dma_wait3A_4246 = arith.constant 0 : i32
      %dma_wait3A_4247 = tpu.memref_slice %arg14[%dma_wait3A_4245, %dma_wait3A_4246] : memref<128x128xf32, #tpu.memory_space<vmem_shared>> -> memref<128x128xf32, #tpu.memory_space<vmem_shared>>
      tpu.wait_indirect_dma semaphore(%arg20 : memref<!tpu.dma_semaphore, #tpu.memory_space<semaphore_mem>>) src(%dma_wait3A_4241 : memref<80x128xf32, #tpu.memory_space<vmem>>) dst(%dma_wait3A_4247 : memref<128x128xf32, #tpu.memory_space<vmem_shared>>)
      %dma_wait3A_4248 = arith.constant 4 : i32
      %dma_wait3A_4249 = arith.constant 320 : i32
      %dma_wait3A_4250 = arith.constant 0 : i32
      %dma_wait3A_4251 = tpu.memref_slice %arg7[%dma_wait3A_4249, %dma_wait3A_4250] : memref<400x128xf32, #tpu.memory_space<vmem>> -> memref<80x128xf32, #tpu.memory_space<vmem>>
      %dma_wait3A_4252 = arith.constant 0 : i32
      %dma_wait3A_4253 = tpu.memref_slice %arg11[%dma_wait3A_4248, %dma_wait3A_4252] : memref<5x80xi32, #tpu.memory_space<vmem>> -> memref<1x80xi32, #tpu.memory_space<vmem>>
      %dma_wait3A_4254 = tpu.memref_squeeze %dma_wait3A_4253 : memref<1x80xi32, #tpu.memory_space<vmem>> -> memref<80xi32, #tpu.memory_space<vmem>>
      %dma_wait3A_4255 = arith.constant 0 : i32
      %dma_wait3A_4256 = arith.constant 0 : i32
      %dma_wait3A_4257 = tpu.memref_slice %arg14[%dma_wait3A_4255, %dma_wait3A_4256] : memref<128x128xf32, #tpu.memory_space<vmem_shared>> -> memref<128x128xf32, #tpu.memory_space<vmem_shared>>
      tpu.wait_indirect_dma semaphore(%arg20 : memref<!tpu.dma_semaphore, #tpu.memory_space<semaphore_mem>>) src(%dma_wait3A_4251 : memref<80x128xf32, #tpu.memory_space<vmem>>) dst(%dma_wait3A_4257 : memref<128x128xf32, #tpu.memory_space<vmem_shared>>)
      %add3A_4258 = arith.constant 3 : i32
      %add3A_4259 = arith.addi %mul3A_1733, %add3A_4258 : i32
      %lt3A_4260 = arith.constant 15 : i32
      %lt3A_4261 = arith.cmpi slt, %add3A_4259, %lt3A_4260 : i32
      %convert_element_type3A_4262 = arith.extui %lt3A_4261 : i1 to i32
      %cond3A_4263 = arith.constant 0 : i32
      %cond3A_4264 = arith.cmpi ne, %convert_element_type3A_4262, %cond3A_4263 : i32
      scf.if %cond3A_4264 {
        %add3A_4265 = arith.constant 3 : i32
        %add3A_4266 = arith.addi %mul3A_1733, %add3A_4265 : i32
        %mul3A_4267 = arith.constant 400 : i32
        %mul3A_4268 = arith.muli %add3A_4266, %mul3A_4267 : i32
        %add3A_4269 = arith.addi %mul3A_2, %mul3A_4268 : i32
        %dma_start3A_4270 = arith.constant 0 : i32
        %dma_start3A_4271 = tpu.memref_slice %arg2[%add3A_4269, %dma_start3A_4270] : memref<320000x128xf32, #tpu.memory_space<hbm>> -> memref<400x128xf32, #tpu.memory_space<hbm>>
        %dma_start3A_4272 = arith.constant 0 : i32
        %dma_start3A_4273 = tpu.memref_slice %arg2[%add3A_4269, %dma_start3A_4272] : memref<320000x128xf32, #tpu.memory_space<hbm>> -> memref<400x128xf32, #tpu.memory_space<hbm>>
        tpu.enqueue_dma source(%dma_start3A_4273 : memref<400x128xf32, #tpu.memory_space<hbm>>) target(%arg7 : memref<400x128xf32, #tpu.memory_space<vmem>>) target_semaphore(%arg16 : memref<!tpu.dma_semaphore, #tpu.memory_space<semaphore_mem>>)
        %dma_start3A_4274 = tpu.memref_slice %arg3[%add3A_4269] : memref<320000xi32, #tpu.memory_space<hbm>> -> memref<400xi32, #tpu.memory_space<hbm>>
        %dma_start3A_4275 = tpu.memref_slice %arg3[%add3A_4269] : memref<320000xi32, #tpu.memory_space<hbm>> -> memref<400xi32, #tpu.memory_space<hbm>>
        tpu.enqueue_dma source(%dma_start3A_4275 : memref<400xi32, #tpu.memory_space<hbm>>) target(%arg9 : memref<400xi32, #tpu.memory_space<vmem>>) target_semaphore(%arg18 : memref<!tpu.dma_semaphore, #tpu.memory_space<semaphore_mem>>)
      } else {
      }
      scf.yield %add3A_4119, %add3A_4124, %add3A_4129, %add3A_4134, %add3A_4139, %add3A_4144, %add3A_4149 : vector<16xf32>, vector<16xf32>, vector<16xf32>, vector<16xf32>, vector<16xf32>, vector<16xf32>, vector<16xf32>
    }
    %scan3A_420 = arith.constant 7 : i32
    %dma_wait3A = arith.constant 0 : i32
    %dma_wait3A_421 = arith.constant 0 : i32
    %dma_wait3A_422 = tpu.memref_slice %arg2[%dma_wait3A, %dma_wait3A_421] : memref<320000x128xf32, #tpu.memory_space<hbm>> -> memref<400x128xf32, #tpu.memory_space<hbm>>
    %dma_wait3A_423 = arith.constant 0 : i32
    %dma_wait3A_424 = arith.constant 0 : i32
    %dma_wait3A_425 = tpu.memref_slice %arg2[%dma_wait3A_423, %dma_wait3A_424] : memref<320000x128xf32, #tpu.memory_space<hbm>> -> memref<400x128xf32, #tpu.memory_space<hbm>>
    tpu.wait_dma2 semaphore(%arg15 : memref<!tpu.dma_semaphore, #tpu.memory_space<semaphore_mem>>) src(%dma_wait3A_425 : memref<400x128xf32, #tpu.memory_space<hbm>>) dst(%arg6 : memref<400x128xf32, #tpu.memory_space<vmem>>)
    %dma_wait3A_426 = arith.constant 0 : i32
    %dma_wait3A_427 = tpu.memref_slice %arg3[%dma_wait3A_426] : memref<320000xi32, #tpu.memory_space<hbm>> -> memref<400xi32, #tpu.memory_space<hbm>>
    %dma_wait3A_428 = arith.constant 0 : i32
    %dma_wait3A_429 = tpu.memref_slice %arg3[%dma_wait3A_428] : memref<320000xi32, #tpu.memory_space<hbm>> -> memref<400xi32, #tpu.memory_space<hbm>>
    tpu.wait_dma2 semaphore(%arg17 : memref<!tpu.dma_semaphore, #tpu.memory_space<semaphore_mem>>) src(%dma_wait3A_429 : memref<400xi32, #tpu.memory_space<hbm>>) dst(%arg8 : memref<400xi32, #tpu.memory_space<vmem>>)
    %get3A = arith.constant 0 : index
    %get3A_430 = tpu.vector_load %arg8[%get3A] {strides = array<i32>} : memref<400xi32, #tpu.memory_space<vmem>>, vector<16xi32>,
    %get3A_431 = vector.shape_cast %get3A_430 : vector<16xi32> to vector<16xi32>
    %eq3A = arith.constant 0 : i32
    %eq3A_432 = vector.broadcast %eq3A : i32 to vector<16xi32>
    %eq3A_433 = arith.cmpi eq, %get3A_431, %eq3A_432 : vector<16xi32>
    %select_n3A = arith.select %eq3A_433, %broadcast_in_dim3A_396, %broadcast_in_dim3A_398 : vector<16xi1>, vector<16xf32>
    %add3A_434 = arith.addf %scan3A_419#0, %select_n3A : vector<16xf32>
    %eq3A_435 = arith.constant 1 : i32
    %eq3A_436 = vector.broadcast %eq3A_435 : i32 to vector<16xi32>
    %eq3A_437 = arith.cmpi eq, %get3A_431, %eq3A_436 : vector<16xi32>
    %select_n3A_438 = arith.select %eq3A_437, %broadcast_in_dim3A_396, %broadcast_in_dim3A_398 : vector<16xi1>, vector<16xf32>
    %add3A_439 = arith.addf %scan3A_419#1, %select_n3A_438 : vector<16xf32>
    %eq3A_440 = arith.constant 2 : i32
    %eq3A_441 = vector.broadcast %eq3A_440 : i32 to vector<16xi32>
    %eq3A_442 = arith.cmpi eq, %get3A_431, %eq3A_441 : vector<16xi32>
    %select_n3A_443 = arith.select %eq3A_442, %broadcast_in_dim3A_396, %broadcast_in_dim3A_398 : vector<16xi1>, vector<16xf32>
    %add3A_444 = arith.addf %scan3A_419#2, %select_n3A_443 : vector<16xf32>
    %eq3A_445 = arith.constant 3 : i32
    %eq3A_446 = vector.broadcast %eq3A_445 : i32 to vector<16xi32>
    %eq3A_447 = arith.cmpi eq, %get3A_431, %eq3A_446 : vector<16xi32>
    %select_n3A_448 = arith.select %eq3A_447, %broadcast_in_dim3A_396, %broadcast_in_dim3A_398 : vector<16xi1>, vector<16xf32>
    %add3A_449 = arith.addf %scan3A_419#3, %select_n3A_448 : vector<16xf32>
    %eq3A_450 = arith.constant 4 : i32
    %eq3A_451 = vector.broadcast %eq3A_450 : i32 to vector<16xi32>
    %eq3A_452 = arith.cmpi eq, %get3A_431, %eq3A_451 : vector<16xi32>
    %select_n3A_453 = arith.select %eq3A_452, %broadcast_in_dim3A_396, %broadcast_in_dim3A_398 : vector<16xi1>, vector<16xf32>
    %add3A_454 = arith.addf %scan3A_419#4, %select_n3A_453 : vector<16xf32>
    %eq3A_455 = arith.constant 5 : i32
    %eq3A_456 = vector.broadcast %eq3A_455 : i32 to vector<16xi32>
    %eq3A_457 = arith.cmpi eq, %get3A_431, %eq3A_456 : vector<16xi32>
    %select_n3A_458 = arith.select %eq3A_457, %broadcast_in_dim3A_396, %broadcast_in_dim3A_398 : vector<16xi1>, vector<16xf32>
    %add3A_459 = arith.addf %scan3A_419#5, %select_n3A_458 : vector<16xf32>
    %eq3A_460 = arith.constant 6 : i32
    %eq3A_461 = vector.broadcast %eq3A_460 : i32 to vector<16xi32>
    %eq3A_462 = arith.cmpi eq, %get3A_431, %eq3A_461 : vector<16xi32>
    %select_n3A_463 = arith.select %eq3A_462, %broadcast_in_dim3A_396, %broadcast_in_dim3A_398 : vector<16xi1>, vector<16xf32>
    %add3A_464 = arith.addf %scan3A_419#6, %select_n3A_463 : vector<16xf32>
    %min3A = arith.minui %get3A_431, %broadcast_in_dim3A_394 : vector<16xi32>
    %add3A_465 = arith.addi %min3A, %mul3A_392 : vector<16xi32>
    %swap3A_466 = arith.constant 0 : i32
    %swap3A_467 = arith.index_cast %swap3A_466 : i32 to index
    %swap3A_468 = arith.constant 0 : index
    %swap3A_469 = tpu.vector_load %arg10[%swap3A_467, %swap3A_468] {strides = array<i32>} : memref<5x80xi32, #tpu.memory_space<vmem>>, vector<1x16xi32>,
    %swap3A_470 = vector.shape_cast %swap3A_469 : vector<1x16xi32> to vector<16xi32>
    %swap3A_471 = vector.shape_cast %add3A_465 : vector<16xi32> to vector<1x16xi32>
    tpu.vector_store %arg10[%swap3A_467, %swap3A_468], %swap3A_471 {strides = array<i32>} : memref<5x80xi32, #tpu.memory_space<vmem>>, vector<1x16xi32>,
    %get3A_472 = arith.constant 16 : index
    %get3A_473 = tpu.vector_load %arg8[%get3A_472] {strides = array<i32>} : memref<400xi32, #tpu.memory_space<vmem>>, vector<16xi32>,
    %get3A_474 = vector.shape_cast %get3A_473 : vector<16xi32> to vector<16xi32>
    %eq3A_475 = arith.constant 0 : i32
    %eq3A_476 = vector.broadcast %eq3A_475 : i32 to vector<16xi32>
    %eq3A_477 = arith.cmpi eq, %get3A_474, %eq3A_476 : vector<16xi32>
    %select_n3A_478 = arith.select %eq3A_477, %broadcast_in_dim3A_396, %broadcast_in_dim3A_398 : vector<16xi1>, vector<16xf32>
    %add3A_479 = arith.addf %add3A_434, %select_n3A_478 : vector<16xf32>
    %eq3A_480 = arith.constant 1 : i32
    %eq3A_481 = vector.broadcast %eq3A_480 : i32 to vector<16xi32>
    %eq3A_482 = arith.cmpi eq, %get3A_474, %eq3A_481 : vector<16xi32>
    %select_n3A_483 = arith.select %eq3A_482, %broadcast_in_dim3A_396, %broadcast_in_dim3A_398 : vector<16xi1>, vector<16xf32>
    %add3A_484 = arith.addf %add3A_439, %select_n3A_483 : vector<16xf32>
    %eq3A_485 = arith.constant 2 : i32
    %eq3A_486 = vector.broadcast %eq3A_485 : i32 to vector<16xi32>
    %eq3A_487 = arith.cmpi eq, %get3A_474, %eq3A_486 : vector<16xi32>
    %select_n3A_488 = arith.select %eq3A_487, %broadcast_in_dim3A_396, %broadcast_in_dim3A_398 : vector<16xi1>, vector<16xf32>
    %add3A_489 = arith.addf %add3A_444, %select_n3A_488 : vector<16xf32>
    %eq3A_490 = arith.constant 3 : i32
    %eq3A_491 = vector.broadcast %eq3A_490 : i32 to vector<16xi32>
    %eq3A_492 = arith.cmpi eq, %get3A_474, %eq3A_491 : vector<16xi32>
    %select_n3A_493 = arith.select %eq3A_492, %broadcast_in_dim3A_396, %broadcast_in_dim3A_398 : vector<16xi1>, vector<16xf32>
    %add3A_494 = arith.addf %add3A_449, %select_n3A_493 : vector<16xf32>
    %eq3A_495 = arith.constant 4 : i32
    %eq3A_496 = vector.broadcast %eq3A_495 : i32 to vector<16xi32>
    %eq3A_497 = arith.cmpi eq, %get3A_474, %eq3A_496 : vector<16xi32>
    %select_n3A_498 = arith.select %eq3A_497, %broadcast_in_dim3A_396, %broadcast_in_dim3A_398 : vector<16xi1>, vector<16xf32>
    %add3A_499 = arith.addf %add3A_454, %select_n3A_498 : vector<16xf32>
    %eq3A_500 = arith.constant 5 : i32
    %eq3A_501 = vector.broadcast %eq3A_500 : i32 to vector<16xi32>
    %eq3A_502 = arith.cmpi eq, %get3A_474, %eq3A_501 : vector<16xi32>
    %select_n3A_503 = arith.select %eq3A_502, %broadcast_in_dim3A_396, %broadcast_in_dim3A_398 : vector<16xi1>, vector<16xf32>
    %add3A_504 = arith.addf %add3A_459, %select_n3A_503 : vector<16xf32>
    %eq3A_505 = arith.constant 6 : i32
    %eq3A_506 = vector.broadcast %eq3A_505 : i32 to vector<16xi32>
    %eq3A_507 = arith.cmpi eq, %get3A_474, %eq3A_506 : vector<16xi32>
    %select_n3A_508 = arith.select %eq3A_507, %broadcast_in_dim3A_396, %broadcast_in_dim3A_398 : vector<16xi1>, vector<16xf32>
    %add3A_509 = arith.addf %add3A_464, %select_n3A_508 : vector<16xf32>
    %min3A_510 = arith.minui %get3A_474, %broadcast_in_dim3A_394 : vector<16xi32>
    %add3A_511 = arith.addi %min3A_510, %mul3A_392 : vector<16xi32>
    %swap3A_512 = arith.constant 0 : i32
    %swap3A_513 = arith.index_cast %swap3A_512 : i32 to index
    %swap3A_514 = arith.constant 16 : index
    %swap3A_515 = tpu.vector_load %arg10[%swap3A_513, %swap3A_514] {strides = array<i32>} : memref<5x80xi32, #tpu.memory_space<vmem>>, vector<1x16xi32>,
    %swap3A_516 = vector.shape_cast %swap3A_515 : vector<1x16xi32> to vector<16xi32>
    %swap3A_517 = vector.shape_cast %add3A_511 : vector<16xi32> to vector<1x16xi32>
    tpu.vector_store %arg10[%swap3A_513, %swap3A_514], %swap3A_517 {strides = array<i32>} : memref<5x80xi32, #tpu.memory_space<vmem>>, vector<1x16xi32>,
    %get3A_518 = arith.constant 32 : index
    %get3A_519 = tpu.vector_load %arg8[%get3A_518] {strides = array<i32>} : memref<400xi32, #tpu.memory_space<vmem>>, vector<16xi32>,
    %get3A_520 = vector.shape_cast %get3A_519 : vector<16xi32> to vector<16xi32>
    %eq3A_521 = arith.constant 0 : i32
    %eq3A_522 = vector.broadcast %eq3A_521 : i32 to vector<16xi32>
    %eq3A_523 = arith.cmpi eq, %get3A_520, %eq3A_522 : vector<16xi32>
    %select_n3A_524 = arith.select %eq3A_523, %broadcast_in_dim3A_396, %broadcast_in_dim3A_398 : vector<16xi1>, vector<16xf32>
    %add3A_525 = arith.addf %add3A_479, %select_n3A_524 : vector<16xf32>
    %eq3A_526 = arith.constant 1 : i32
    %eq3A_527 = vector.broadcast %eq3A_526 : i32 to vector<16xi32>
    %eq3A_528 = arith.cmpi eq, %get3A_520, %eq3A_527 : vector<16xi32>
    %select_n3A_529 = arith.select %eq3A_528, %broadcast_in_dim3A_396, %broadcast_in_dim3A_398 : vector<16xi1>, vector<16xf32>
    %add3A_530 = arith.addf %add3A_484, %select_n3A_529 : vector<16xf32>
    %eq3A_531 = arith.constant 2 : i32
    %eq3A_532 = vector.broadcast %eq3A_531 : i32 to vector<16xi32>
    %eq3A_533 = arith.cmpi eq, %get3A_520, %eq3A_532 : vector<16xi32>
    %select_n3A_534 = arith.select %eq3A_533, %broadcast_in_dim3A_396, %broadcast_in_dim3A_398 : vector<16xi1>, vector<16xf32>
    %add3A_535 = arith.addf %add3A_489, %select_n3A_534 : vector<16xf32>
    %eq3A_536 = arith.constant 3 : i32
    %eq3A_537 = vector.broadcast %eq3A_536 : i32 to vector<16xi32>
    %eq3A_538 = arith.cmpi eq, %get3A_520, %eq3A_537 : vector<16xi32>
    %select_n3A_539 = arith.select %eq3A_538, %broadcast_in_dim3A_396, %broadcast_in_dim3A_398 : vector<16xi1>, vector<16xf32>
    %add3A_540 = arith.addf %add3A_494, %select_n3A_539 : vector<16xf32>
    %eq3A_541 = arith.constant 4 : i32
    %eq3A_542 = vector.broadcast %eq3A_541 : i32 to vector<16xi32>
    %eq3A_543 = arith.cmpi eq, %get3A_520, %eq3A_542 : vector<16xi32>
    %select_n3A_544 = arith.select %eq3A_543, %broadcast_in_dim3A_396, %broadcast_in_dim3A_398 : vector<16xi1>, vector<16xf32>
    %add3A_545 = arith.addf %add3A_499, %select_n3A_544 : vector<16xf32>
    %eq3A_546 = arith.constant 5 : i32
    %eq3A_547 = vector.broadcast %eq3A_546 : i32 to vector<16xi32>
    %eq3A_548 = arith.cmpi eq, %get3A_520, %eq3A_547 : vector<16xi32>
    %select_n3A_549 = arith.select %eq3A_548, %broadcast_in_dim3A_396, %broadcast_in_dim3A_398 : vector<16xi1>, vector<16xf32>
    %add3A_550 = arith.addf %add3A_504, %select_n3A_549 : vector<16xf32>
    %eq3A_551 = arith.constant 6 : i32
    %eq3A_552 = vector.broadcast %eq3A_551 : i32 to vector<16xi32>
    %eq3A_553 = arith.cmpi eq, %get3A_520, %eq3A_552 : vector<16xi32>
    %select_n3A_554 = arith.select %eq3A_553, %broadcast_in_dim3A_396, %broadcast_in_dim3A_398 : vector<16xi1>, vector<16xf32>
    %add3A_555 = arith.addf %add3A_509, %select_n3A_554 : vector<16xf32>
    %min3A_556 = arith.minui %get3A_520, %broadcast_in_dim3A_394 : vector<16xi32>
    %add3A_557 = arith.addi %min3A_556, %mul3A_392 : vector<16xi32>
    %swap3A_558 = arith.constant 0 : i32
    %swap3A_559 = arith.index_cast %swap3A_558 : i32 to index
    %swap3A_560 = arith.constant 32 : index
    %swap3A_561 = tpu.vector_load %arg10[%swap3A_559, %swap3A_560] {strides = array<i32>} : memref<5x80xi32, #tpu.memory_space<vmem>>, vector<1x16xi32>,
    %swap3A_562 = vector.shape_cast %swap3A_561 : vector<1x16xi32> to vector<16xi32>
    %swap3A_563 = vector.shape_cast %add3A_557 : vector<16xi32> to vector<1x16xi32>
    tpu.vector_store %arg10[%swap3A_559, %swap3A_560], %swap3A_563 {strides = array<i32>} : memref<5x80xi32, #tpu.memory_space<vmem>>, vector<1x16xi32>,
    %get3A_564 = arith.constant 48 : index
    %get3A_565 = tpu.vector_load %arg8[%get3A_564] {strides = array<i32>} : memref<400xi32, #tpu.memory_space<vmem>>, vector<16xi32>,
    %get3A_566 = vector.shape_cast %get3A_565 : vector<16xi32> to vector<16xi32>
    %eq3A_567 = arith.constant 0 : i32
    %eq3A_568 = vector.broadcast %eq3A_567 : i32 to vector<16xi32>
    %eq3A_569 = arith.cmpi eq, %get3A_566, %eq3A_568 : vector<16xi32>
    %select_n3A_570 = arith.select %eq3A_569, %broadcast_in_dim3A_396, %broadcast_in_dim3A_398 : vector<16xi1>, vector<16xf32>
    %add3A_571 = arith.addf %add3A_525, %select_n3A_570 : vector<16xf32>
    %eq3A_572 = arith.constant 1 : i32
    %eq3A_573 = vector.broadcast %eq3A_572 : i32 to vector<16xi32>
    %eq3A_574 = arith.cmpi eq, %get3A_566, %eq3A_573 : vector<16xi32>
    %select_n3A_575 = arith.select %eq3A_574, %broadcast_in_dim3A_396, %broadcast_in_dim3A_398 : vector<16xi1>, vector<16xf32>
    %add3A_576 = arith.addf %add3A_530, %select_n3A_575 : vector<16xf32>
    %eq3A_577 = arith.constant 2 : i32
    %eq3A_578 = vector.broadcast %eq3A_577 : i32 to vector<16xi32>
    %eq3A_579 = arith.cmpi eq, %get3A_566, %eq3A_578 : vector<16xi32>
    %select_n3A_580 = arith.select %eq3A_579, %broadcast_in_dim3A_396, %broadcast_in_dim3A_398 : vector<16xi1>, vector<16xf32>
    %add3A_581 = arith.addf %add3A_535, %select_n3A_580 : vector<16xf32>
    %eq3A_582 = arith.constant 3 : i32
    %eq3A_583 = vector.broadcast %eq3A_582 : i32 to vector<16xi32>
    %eq3A_584 = arith.cmpi eq, %get3A_566, %eq3A_583 : vector<16xi32>
    %select_n3A_585 = arith.select %eq3A_584, %broadcast_in_dim3A_396, %broadcast_in_dim3A_398 : vector<16xi1>, vector<16xf32>
    %add3A_586 = arith.addf %add3A_540, %select_n3A_585 : vector<16xf32>
    %eq3A_587 = arith.constant 4 : i32
    %eq3A_588 = vector.broadcast %eq3A_587 : i32 to vector<16xi32>
    %eq3A_589 = arith.cmpi eq, %get3A_566, %eq3A_588 : vector<16xi32>
    %select_n3A_590 = arith.select %eq3A_589, %broadcast_in_dim3A_396, %broadcast_in_dim3A_398 : vector<16xi1>, vector<16xf32>
    %add3A_591 = arith.addf %add3A_545, %select_n3A_590 : vector<16xf32>
    %eq3A_592 = arith.constant 5 : i32
    %eq3A_593 = vector.broadcast %eq3A_592 : i32 to vector<16xi32>
    %eq3A_594 = arith.cmpi eq, %get3A_566, %eq3A_593 : vector<16xi32>
    %select_n3A_595 = arith.select %eq3A_594, %broadcast_in_dim3A_396, %broadcast_in_dim3A_398 : vector<16xi1>, vector<16xf32>
    %add3A_596 = arith.addf %add3A_550, %select_n3A_595 : vector<16xf32>
    %eq3A_597 = arith.constant 6 : i32
    %eq3A_598 = vector.broadcast %eq3A_597 : i32 to vector<16xi32>
    %eq3A_599 = arith.cmpi eq, %get3A_566, %eq3A_598 : vector<16xi32>
    %select_n3A_600 = arith.select %eq3A_599, %broadcast_in_dim3A_396, %broadcast_in_dim3A_398 : vector<16xi1>, vector<16xf32>
    %add3A_601 = arith.addf %add3A_555, %select_n3A_600 : vector<16xf32>
    %min3A_602 = arith.minui %get3A_566, %broadcast_in_dim3A_394 : vector<16xi32>
    %add3A_603 = arith.addi %min3A_602, %mul3A_392 : vector<16xi32>
    %swap3A_604 = arith.constant 0 : i32
    %swap3A_605 = arith.index_cast %swap3A_604 : i32 to index
    %swap3A_606 = arith.constant 48 : index
    %swap3A_607 = tpu.vector_load %arg10[%swap3A_605, %swap3A_606] {strides = array<i32>} : memref<5x80xi32, #tpu.memory_space<vmem>>, vector<1x16xi32>,
    %swap3A_608 = vector.shape_cast %swap3A_607 : vector<1x16xi32> to vector<16xi32>
    %swap3A_609 = vector.shape_cast %add3A_603 : vector<16xi32> to vector<1x16xi32>
    tpu.vector_store %arg10[%swap3A_605, %swap3A_606], %swap3A_609 {strides = array<i32>} : memref<5x80xi32, #tpu.memory_space<vmem>>, vector<1x16xi32>,
    %get3A_610 = arith.constant 64 : index
    %get3A_611 = tpu.vector_load %arg8[%get3A_610] {strides = array<i32>} : memref<400xi32, #tpu.memory_space<vmem>>, vector<16xi32>,
    %get3A_612 = vector.shape_cast %get3A_611 : vector<16xi32> to vector<16xi32>
    %eq3A_613 = arith.constant 0 : i32
    %eq3A_614 = vector.broadcast %eq3A_613 : i32 to vector<16xi32>
    %eq3A_615 = arith.cmpi eq, %get3A_612, %eq3A_614 : vector<16xi32>
    %select_n3A_616 = arith.select %eq3A_615, %broadcast_in_dim3A_396, %broadcast_in_dim3A_398 : vector<16xi1>, vector<16xf32>
    %add3A_617 = arith.addf %add3A_571, %select_n3A_616 : vector<16xf32>
    %eq3A_618 = arith.constant 1 : i32
    %eq3A_619 = vector.broadcast %eq3A_618 : i32 to vector<16xi32>
    %eq3A_620 = arith.cmpi eq, %get3A_612, %eq3A_619 : vector<16xi32>
    %select_n3A_621 = arith.select %eq3A_620, %broadcast_in_dim3A_396, %broadcast_in_dim3A_398 : vector<16xi1>, vector<16xf32>
    %add3A_622 = arith.addf %add3A_576, %select_n3A_621 : vector<16xf32>
    %eq3A_623 = arith.constant 2 : i32
    %eq3A_624 = vector.broadcast %eq3A_623 : i32 to vector<16xi32>
    %eq3A_625 = arith.cmpi eq, %get3A_612, %eq3A_624 : vector<16xi32>
    %select_n3A_626 = arith.select %eq3A_625, %broadcast_in_dim3A_396, %broadcast_in_dim3A_398 : vector<16xi1>, vector<16xf32>
    %add3A_627 = arith.addf %add3A_581, %select_n3A_626 : vector<16xf32>
    %eq3A_628 = arith.constant 3 : i32
    %eq3A_629 = vector.broadcast %eq3A_628 : i32 to vector<16xi32>
    %eq3A_630 = arith.cmpi eq, %get3A_612, %eq3A_629 : vector<16xi32>
    %select_n3A_631 = arith.select %eq3A_630, %broadcast_in_dim3A_396, %broadcast_in_dim3A_398 : vector<16xi1>, vector<16xf32>
    %add3A_632 = arith.addf %add3A_586, %select_n3A_631 : vector<16xf32>
    %eq3A_633 = arith.constant 4 : i32
    %eq3A_634 = vector.broadcast %eq3A_633 : i32 to vector<16xi32>
    %eq3A_635 = arith.cmpi eq, %get3A_612, %eq3A_634 : vector<16xi32>
    %select_n3A_636 = arith.select %eq3A_635, %broadcast_in_dim3A_396, %broadcast_in_dim3A_398 : vector<16xi1>, vector<16xf32>
    %add3A_637 = arith.addf %add3A_591, %select_n3A_636 : vector<16xf32>
    %eq3A_638 = arith.constant 5 : i32
    %eq3A_639 = vector.broadcast %eq3A_638 : i32 to vector<16xi32>
    %eq3A_640 = arith.cmpi eq, %get3A_612, %eq3A_639 : vector<16xi32>
    %select_n3A_641 = arith.select %eq3A_640, %broadcast_in_dim3A_396, %broadcast_in_dim3A_398 : vector<16xi1>, vector<16xf32>
    %add3A_642 = arith.addf %add3A_596, %select_n3A_641 : vector<16xf32>
    %eq3A_643 = arith.constant 6 : i32
    %eq3A_644 = vector.broadcast %eq3A_643 : i32 to vector<16xi32>
    %eq3A_645 = arith.cmpi eq, %get3A_612, %eq3A_644 : vector<16xi32>
    %select_n3A_646 = arith.select %eq3A_645, %broadcast_in_dim3A_396, %broadcast_in_dim3A_398 : vector<16xi1>, vector<16xf32>
    %add3A_647 = arith.addf %add3A_601, %select_n3A_646 : vector<16xf32>
    %min3A_648 = arith.minui %get3A_612, %broadcast_in_dim3A_394 : vector<16xi32>
    %add3A_649 = arith.addi %min3A_648, %mul3A_392 : vector<16xi32>
    %swap3A_650 = arith.constant 0 : i32
    %swap3A_651 = arith.index_cast %swap3A_650 : i32 to index
    %swap3A_652 = arith.constant 64 : index
    %swap3A_653 = tpu.vector_load %arg10[%swap3A_651, %swap3A_652] {strides = array<i32>} : memref<5x80xi32, #tpu.memory_space<vmem>>, vector<1x16xi32>,
    %swap3A_654 = vector.shape_cast %swap3A_653 : vector<1x16xi32> to vector<16xi32>
    %swap3A_655 = vector.shape_cast %add3A_649 : vector<16xi32> to vector<1x16xi32>
    tpu.vector_store %arg10[%swap3A_651, %swap3A_652], %swap3A_655 {strides = array<i32>} : memref<5x80xi32, #tpu.memory_space<vmem>>, vector<1x16xi32>,
    %get3A_656 = arith.constant 80 : index
    %get3A_657 = tpu.vector_load %arg8[%get3A_656] {strides = array<i32>} : memref<400xi32, #tpu.memory_space<vmem>>, vector<16xi32>,
    %get3A_658 = vector.shape_cast %get3A_657 : vector<16xi32> to vector<16xi32>
    %eq3A_659 = arith.constant 0 : i32
    %eq3A_660 = vector.broadcast %eq3A_659 : i32 to vector<16xi32>
    %eq3A_661 = arith.cmpi eq, %get3A_658, %eq3A_660 : vector<16xi32>
    %select_n3A_662 = arith.select %eq3A_661, %broadcast_in_dim3A_396, %broadcast_in_dim3A_398 : vector<16xi1>, vector<16xf32>
    %add3A_663 = arith.addf %add3A_617, %select_n3A_662 : vector<16xf32>
    %eq3A_664 = arith.constant 1 : i32
    %eq3A_665 = vector.broadcast %eq3A_664 : i32 to vector<16xi32>
    %eq3A_666 = arith.cmpi eq, %get3A_658, %eq3A_665 : vector<16xi32>
    %select_n3A_667 = arith.select %eq3A_666, %broadcast_in_dim3A_396, %broadcast_in_dim3A_398 : vector<16xi1>, vector<16xf32>
    %add3A_668 = arith.addf %add3A_622, %select_n3A_667 : vector<16xf32>
    %eq3A_669 = arith.constant 2 : i32
    %eq3A_670 = vector.broadcast %eq3A_669 : i32 to vector<16xi32>
    %eq3A_671 = arith.cmpi eq, %get3A_658, %eq3A_670 : vector<16xi32>
    %select_n3A_672 = arith.select %eq3A_671, %broadcast_in_dim3A_396, %broadcast_in_dim3A_398 : vector<16xi1>, vector<16xf32>
    %add3A_673 = arith.addf %add3A_627, %select_n3A_672 : vector<16xf32>
    %eq3A_674 = arith.constant 3 : i32
    %eq3A_675 = vector.broadcast %eq3A_674 : i32 to vector<16xi32>
    %eq3A_676 = arith.cmpi eq, %get3A_658, %eq3A_675 : vector<16xi32>
    %select_n3A_677 = arith.select %eq3A_676, %broadcast_in_dim3A_396, %broadcast_in_dim3A_398 : vector<16xi1>, vector<16xf32>
    %add3A_678 = arith.addf %add3A_632, %select_n3A_677 : vector<16xf32>
    %eq3A_679 = arith.constant 4 : i32
    %eq3A_680 = vector.broadcast %eq3A_679 : i32 to vector<16xi32>
    %eq3A_681 = arith.cmpi eq, %get3A_658, %eq3A_680 : vector<16xi32>
    %select_n3A_682 = arith.select %eq3A_681, %broadcast_in_dim3A_396, %broadcast_in_dim3A_398 : vector<16xi1>, vector<16xf32>
    %add3A_683 = arith.addf %add3A_637, %select_n3A_682 : vector<16xf32>
    %eq3A_684 = arith.constant 5 : i32
    %eq3A_685 = vector.broadcast %eq3A_684 : i32 to vector<16xi32>
    %eq3A_686 = arith.cmpi eq, %get3A_658, %eq3A_685 : vector<16xi32>
    %select_n3A_687 = arith.select %eq3A_686, %broadcast_in_dim3A_396, %broadcast_in_dim3A_398 : vector<16xi1>, vector<16xf32>
    %add3A_688 = arith.addf %add3A_642, %select_n3A_687 : vector<16xf32>
    %eq3A_689 = arith.constant 6 : i32
    %eq3A_690 = vector.broadcast %eq3A_689 : i32 to vector<16xi32>
    %eq3A_691 = arith.cmpi eq, %get3A_658, %eq3A_690 : vector<16xi32>
    %select_n3A_692 = arith.select %eq3A_691, %broadcast_in_dim3A_396, %broadcast_in_dim3A_398 : vector<16xi1>, vector<16xf32>
    %add3A_693 = arith.addf %add3A_647, %select_n3A_692 : vector<16xf32>
    %min3A_694 = arith.minui %get3A_658, %broadcast_in_dim3A_394 : vector<16xi32>
    %add3A_695 = arith.addi %min3A_694, %mul3A_392 : vector<16xi32>
    %swap3A_696 = arith.constant 1 : i32
    %swap3A_697 = arith.index_cast %swap3A_696 : i32 to index
    %swap3A_698 = arith.constant 0 : index
    %swap3A_699 = tpu.vector_load %arg10[%swap3A_697, %swap3A_698] {strides = array<i32>} : memref<5x80xi32, #tpu.memory_space<vmem>>, vector<1x16xi32>,
    %swap3A_700 = vector.shape_cast %swap3A_699 : vector<1x16xi32> to vector<16xi32>
    %swap3A_701 = vector.shape_cast %add3A_695 : vector<16xi32> to vector<1x16xi32>
    tpu.vector_store %arg10[%swap3A_697, %swap3A_698], %swap3A_701 {strides = array<i32>} : memref<5x80xi32, #tpu.memory_space<vmem>>, vector<1x16xi32>,
    %get3A_702 = arith.constant 96 : index
    %get3A_703 = tpu.vector_load %arg8[%get3A_702] {strides = array<i32>} : memref<400xi32, #tpu.memory_space<vmem>>, vector<16xi32>,
    %get3A_704 = vector.shape_cast %get3A_703 : vector<16xi32> to vector<16xi32>
    %eq3A_705 = arith.constant 0 : i32
    %eq3A_706 = vector.broadcast %eq3A_705 : i32 to vector<16xi32>
    %eq3A_707 = arith.cmpi eq, %get3A_704, %eq3A_706 : vector<16xi32>
    %select_n3A_708 = arith.select %eq3A_707, %broadcast_in_dim3A_396, %broadcast_in_dim3A_398 : vector<16xi1>, vector<16xf32>
    %add3A_709 = arith.addf %add3A_663, %select_n3A_708 : vector<16xf32>
    %eq3A_710 = arith.constant 1 : i32
    %eq3A_711 = vector.broadcast %eq3A_710 : i32 to vector<16xi32>
    %eq3A_712 = arith.cmpi eq, %get3A_704, %eq3A_711 : vector<16xi32>
    %select_n3A_713 = arith.select %eq3A_712, %broadcast_in_dim3A_396, %broadcast_in_dim3A_398 : vector<16xi1>, vector<16xf32>
    %add3A_714 = arith.addf %add3A_668, %select_n3A_713 : vector<16xf32>
    %eq3A_715 = arith.constant 2 : i32
    %eq3A_716 = vector.broadcast %eq3A_715 : i32 to vector<16xi32>
    %eq3A_717 = arith.cmpi eq, %get3A_704, %eq3A_716 : vector<16xi32>
    %select_n3A_718 = arith.select %eq3A_717, %broadcast_in_dim3A_396, %broadcast_in_dim3A_398 : vector<16xi1>, vector<16xf32>
    %add3A_719 = arith.addf %add3A_673, %select_n3A_718 : vector<16xf32>
    %eq3A_720 = arith.constant 3 : i32
    %eq3A_721 = vector.broadcast %eq3A_720 : i32 to vector<16xi32>
    %eq3A_722 = arith.cmpi eq, %get3A_704, %eq3A_721 : vector<16xi32>
    %select_n3A_723 = arith.select %eq3A_722, %broadcast_in_dim3A_396, %broadcast_in_dim3A_398 : vector<16xi1>, vector<16xf32>
    %add3A_724 = arith.addf %add3A_678, %select_n3A_723 : vector<16xf32>
    %eq3A_725 = arith.constant 4 : i32
    %eq3A_726 = vector.broadcast %eq3A_725 : i32 to vector<16xi32>
    %eq3A_727 = arith.cmpi eq, %get3A_704, %eq3A_726 : vector<16xi32>
    %select_n3A_728 = arith.select %eq3A_727, %broadcast_in_dim3A_396, %broadcast_in_dim3A_398 : vector<16xi1>, vector<16xf32>
    %add3A_729 = arith.addf %add3A_683, %select_n3A_728 : vector<16xf32>
    %eq3A_730 = arith.constant 5 : i32
    %eq3A_731 = vector.broadcast %eq3A_730 : i32 to vector<16xi32>
    %eq3A_732 = arith.cmpi eq, %get3A_704, %eq3A_731 : vector<16xi32>
    %select_n3A_733 = arith.select %eq3A_732, %broadcast_in_dim3A_396, %broadcast_in_dim3A_398 : vector<16xi1>, vector<16xf32>
    %add3A_734 = arith.addf %add3A_688, %select_n3A_733 : vector<16xf32>
    %eq3A_735 = arith.constant 6 : i32
    %eq3A_736 = vector.broadcast %eq3A_735 : i32 to vector<16xi32>
    %eq3A_737 = arith.cmpi eq, %get3A_704, %eq3A_736 : vector<16xi32>
    %select_n3A_738 = arith.select %eq3A_737, %broadcast_in_dim3A_396, %broadcast_in_dim3A_398 : vector<16xi1>, vector<16xf32>
    %add3A_739 = arith.addf %add3A_693, %select_n3A_738 : vector<16xf32>
    %min3A_740 = arith.minui %get3A_704, %broadcast_in_dim3A_394 : vector<16xi32>
    %add3A_741 = arith.addi %min3A_740, %mul3A_392 : vector<16xi32>
    %swap3A_742 = arith.constant 1 : i32
    %swap3A_743 = arith.index_cast %swap3A_742 : i32 to index
    %swap3A_744 = arith.constant 16 : index
    %swap3A_745 = tpu.vector_load %arg10[%swap3A_743, %swap3A_744] {strides = array<i32>} : memref<5x80xi32, #tpu.memory_space<vmem>>, vector<1x16xi32>,
    %swap3A_746 = vector.shape_cast %swap3A_745 : vector<1x16xi32> to vector<16xi32>
    %swap3A_747 = vector.shape_cast %add3A_741 : vector<16xi32> to vector<1x16xi32>
    tpu.vector_store %arg10[%swap3A_743, %swap3A_744], %swap3A_747 {strides = array<i32>} : memref<5x80xi32, #tpu.memory_space<vmem>>, vector<1x16xi32>,
    %get3A_748 = arith.constant 112 : index
    %get3A_749 = tpu.vector_load %arg8[%get3A_748] {strides = array<i32>} : memref<400xi32, #tpu.memory_space<vmem>>, vector<16xi32>,
    %get3A_750 = vector.shape_cast %get3A_749 : vector<16xi32> to vector<16xi32>
    %eq3A_751 = arith.constant 0 : i32
    %eq3A_752 = vector.broadcast %eq3A_751 : i32 to vector<16xi32>
    %eq3A_753 = arith.cmpi eq, %get3A_750, %eq3A_752 : vector<16xi32>
    %select_n3A_754 = arith.select %eq3A_753, %broadcast_in_dim3A_396, %broadcast_in_dim3A_398 : vector<16xi1>, vector<16xf32>
    %add3A_755 = arith.addf %add3A_709, %select_n3A_754 : vector<16xf32>
    %eq3A_756 = arith.constant 1 : i32
    %eq3A_757 = vector.broadcast %eq3A_756 : i32 to vector<16xi32>
    %eq3A_758 = arith.cmpi eq, %get3A_750, %eq3A_757 : vector<16xi32>
    %select_n3A_759 = arith.select %eq3A_758, %broadcast_in_dim3A_396, %broadcast_in_dim3A_398 : vector<16xi1>, vector<16xf32>
    %add3A_760 = arith.addf %add3A_714, %select_n3A_759 : vector<16xf32>
    %eq3A_761 = arith.constant 2 : i32
    %eq3A_762 = vector.broadcast %eq3A_761 : i32 to vector<16xi32>
    %eq3A_763 = arith.cmpi eq, %get3A_750, %eq3A_762 : vector<16xi32>
    %select_n3A_764 = arith.select %eq3A_763, %broadcast_in_dim3A_396, %broadcast_in_dim3A_398 : vector<16xi1>, vector<16xf32>
    %add3A_765 = arith.addf %add3A_719, %select_n3A_764 : vector<16xf32>
    %eq3A_766 = arith.constant 3 : i32
    %eq3A_767 = vector.broadcast %eq3A_766 : i32 to vector<16xi32>
    %eq3A_768 = arith.cmpi eq, %get3A_750, %eq3A_767 : vector<16xi32>
    %select_n3A_769 = arith.select %eq3A_768, %broadcast_in_dim3A_396, %broadcast_in_dim3A_398 : vector<16xi1>, vector<16xf32>
    %add3A_770 = arith.addf %add3A_724, %select_n3A_769 : vector<16xf32>
    %eq3A_771 = arith.constant 4 : i32
    %eq3A_772 = vector.broadcast %eq3A_771 : i32 to vector<16xi32>
    %eq3A_773 = arith.cmpi eq, %get3A_750, %eq3A_772 : vector<16xi32>
    %select_n3A_774 = arith.select %eq3A_773, %broadcast_in_dim3A_396, %broadcast_in_dim3A_398 : vector<16xi1>, vector<16xf32>
    %add3A_775 = arith.addf %add3A_729, %select_n3A_774 : vector<16xf32>
    %eq3A_776 = arith.constant 5 : i32
    %eq3A_777 = vector.broadcast %eq3A_776 : i32 to vector<16xi32>
    %eq3A_778 = arith.cmpi eq, %get3A_750, %eq3A_777 : vector<16xi32>
    %select_n3A_779 = arith.select %eq3A_778, %broadcast_in_dim3A_396, %broadcast_in_dim3A_398 : vector<16xi1>, vector<16xf32>
    %add3A_780 = arith.addf %add3A_734, %select_n3A_779 : vector<16xf32>
    %eq3A_781 = arith.constant 6 : i32
    %eq3A_782 = vector.broadcast %eq3A_781 : i32 to vector<16xi32>
    %eq3A_783 = arith.cmpi eq, %get3A_750, %eq3A_782 : vector<16xi32>
    %select_n3A_784 = arith.select %eq3A_783, %broadcast_in_dim3A_396, %broadcast_in_dim3A_398 : vector<16xi1>, vector<16xf32>
    %add3A_785 = arith.addf %add3A_739, %select_n3A_784 : vector<16xf32>
    %min3A_786 = arith.minui %get3A_750, %broadcast_in_dim3A_394 : vector<16xi32>
    %add3A_787 = arith.addi %min3A_786, %mul3A_392 : vector<16xi32>
    %swap3A_788 = arith.constant 1 : i32
    %swap3A_789 = arith.index_cast %swap3A_788 : i32 to index
    %swap3A_790 = arith.constant 32 : index
    %swap3A_791 = tpu.vector_load %arg10[%swap3A_789, %swap3A_790] {strides = array<i32>} : memref<5x80xi32, #tpu.memory_space<vmem>>, vector<1x16xi32>,
    %swap3A_792 = vector.shape_cast %swap3A_791 : vector<1x16xi32> to vector<16xi32>
    %swap3A_793 = vector.shape_cast %add3A_787 : vector<16xi32> to vector<1x16xi32>
    tpu.vector_store %arg10[%swap3A_789, %swap3A_790], %swap3A_793 {strides = array<i32>} : memref<5x80xi32, #tpu.memory_space<vmem>>, vector<1x16xi32>,
    %get3A_794 = arith.constant 128 : index
    %get3A_795 = tpu.vector_load %arg8[%get3A_794] {strides = array<i32>} : memref<400xi32, #tpu.memory_space<vmem>>, vector<16xi32>,
    %get3A_796 = vector.shape_cast %get3A_795 : vector<16xi32> to vector<16xi32>
    %eq3A_797 = arith.constant 0 : i32
    %eq3A_798 = vector.broadcast %eq3A_797 : i32 to vector<16xi32>
    %eq3A_799 = arith.cmpi eq, %get3A_796, %eq3A_798 : vector<16xi32>
    %select_n3A_800 = arith.select %eq3A_799, %broadcast_in_dim3A_396, %broadcast_in_dim3A_398 : vector<16xi1>, vector<16xf32>
    %add3A_801 = arith.addf %add3A_755, %select_n3A_800 : vector<16xf32>
    %eq3A_802 = arith.constant 1 : i32
    %eq3A_803 = vector.broadcast %eq3A_802 : i32 to vector<16xi32>
    %eq3A_804 = arith.cmpi eq, %get3A_796, %eq3A_803 : vector<16xi32>
    %select_n3A_805 = arith.select %eq3A_804, %broadcast_in_dim3A_396, %broadcast_in_dim3A_398 : vector<16xi1>, vector<16xf32>
    %add3A_806 = arith.addf %add3A_760, %select_n3A_805 : vector<16xf32>
    %eq3A_807 = arith.constant 2 : i32
    %eq3A_808 = vector.broadcast %eq3A_807 : i32 to vector<16xi32>
    %eq3A_809 = arith.cmpi eq, %get3A_796, %eq3A_808 : vector<16xi32>
    %select_n3A_810 = arith.select %eq3A_809, %broadcast_in_dim3A_396, %broadcast_in_dim3A_398 : vector<16xi1>, vector<16xf32>
    %add3A_811 = arith.addf %add3A_765, %select_n3A_810 : vector<16xf32>
    %eq3A_812 = arith.constant 3 : i32
    %eq3A_813 = vector.broadcast %eq3A_812 : i32 to vector<16xi32>
    %eq3A_814 = arith.cmpi eq, %get3A_796, %eq3A_813 : vector<16xi32>
    %select_n3A_815 = arith.select %eq3A_814, %broadcast_in_dim3A_396, %broadcast_in_dim3A_398 : vector<16xi1>, vector<16xf32>
    %add3A_816 = arith.addf %add3A_770, %select_n3A_815 : vector<16xf32>
    %eq3A_817 = arith.constant 4 : i32
    %eq3A_818 = vector.broadcast %eq3A_817 : i32 to vector<16xi32>
    %eq3A_819 = arith.cmpi eq, %get3A_796, %eq3A_818 : vector<16xi32>
    %select_n3A_820 = arith.select %eq3A_819, %broadcast_in_dim3A_396, %broadcast_in_dim3A_398 : vector<16xi1>, vector<16xf32>
    %add3A_821 = arith.addf %add3A_775, %select_n3A_820 : vector<16xf32>
    %eq3A_822 = arith.constant 5 : i32
    %eq3A_823 = vector.broadcast %eq3A_822 : i32 to vector<16xi32>
    %eq3A_824 = arith.cmpi eq, %get3A_796, %eq3A_823 : vector<16xi32>
    %select_n3A_825 = arith.select %eq3A_824, %broadcast_in_dim3A_396, %broadcast_in_dim3A_398 : vector<16xi1>, vector<16xf32>
    %add3A_826 = arith.addf %add3A_780, %select_n3A_825 : vector<16xf32>
    %eq3A_827 = arith.constant 6 : i32
    %eq3A_828 = vector.broadcast %eq3A_827 : i32 to vector<16xi32>
    %eq3A_829 = arith.cmpi eq, %get3A_796, %eq3A_828 : vector<16xi32>
    %select_n3A_830 = arith.select %eq3A_829, %broadcast_in_dim3A_396, %broadcast_in_dim3A_398 : vector<16xi1>, vector<16xf32>
    %add3A_831 = arith.addf %add3A_785, %select_n3A_830 : vector<16xf32>
    %min3A_832 = arith.minui %get3A_796, %broadcast_in_dim3A_394 : vector<16xi32>
    %add3A_833 = arith.addi %min3A_832, %mul3A_392 : vector<16xi32>
    %swap3A_834 = arith.constant 1 : i32
    %swap3A_835 = arith.index_cast %swap3A_834 : i32 to index
    %swap3A_836 = arith.constant 48 : index
    %swap3A_837 = tpu.vector_load %arg10[%swap3A_835, %swap3A_836] {strides = array<i32>} : memref<5x80xi32, #tpu.memory_space<vmem>>, vector<1x16xi32>,
    %swap3A_838 = vector.shape_cast %swap3A_837 : vector<1x16xi32> to vector<16xi32>
    %swap3A_839 = vector.shape_cast %add3A_833 : vector<16xi32> to vector<1x16xi32>
    tpu.vector_store %arg10[%swap3A_835, %swap3A_836], %swap3A_839 {strides = array<i32>} : memref<5x80xi32, #tpu.memory_space<vmem>>, vector<1x16xi32>,
    %get3A_840 = arith.constant 144 : index
    %get3A_841 = tpu.vector_load %arg8[%get3A_840] {strides = array<i32>} : memref<400xi32, #tpu.memory_space<vmem>>, vector<16xi32>,
    %get3A_842 = vector.shape_cast %get3A_841 : vector<16xi32> to vector<16xi32>
    %eq3A_843 = arith.constant 0 : i32
    %eq3A_844 = vector.broadcast %eq3A_843 : i32 to vector<16xi32>
    %eq3A_845 = arith.cmpi eq, %get3A_842, %eq3A_844 : vector<16xi32>
    %select_n3A_846 = arith.select %eq3A_845, %broadcast_in_dim3A_396, %broadcast_in_dim3A_398 : vector<16xi1>, vector<16xf32>
    %add3A_847 = arith.addf %add3A_801, %select_n3A_846 : vector<16xf32>
    %eq3A_848 = arith.constant 1 : i32
    %eq3A_849 = vector.broadcast %eq3A_848 : i32 to vector<16xi32>
    %eq3A_850 = arith.cmpi eq, %get3A_842, %eq3A_849 : vector<16xi32>
    %select_n3A_851 = arith.select %eq3A_850, %broadcast_in_dim3A_396, %broadcast_in_dim3A_398 : vector<16xi1>, vector<16xf32>
    %add3A_852 = arith.addf %add3A_806, %select_n3A_851 : vector<16xf32>
    %eq3A_853 = arith.constant 2 : i32
    %eq3A_854 = vector.broadcast %eq3A_853 : i32 to vector<16xi32>
    %eq3A_855 = arith.cmpi eq, %get3A_842, %eq3A_854 : vector<16xi32>
    %select_n3A_856 = arith.select %eq3A_855, %broadcast_in_dim3A_396, %broadcast_in_dim3A_398 : vector<16xi1>, vector<16xf32>
    %add3A_857 = arith.addf %add3A_811, %select_n3A_856 : vector<16xf32>
    %eq3A_858 = arith.constant 3 : i32
    %eq3A_859 = vector.broadcast %eq3A_858 : i32 to vector<16xi32>
    %eq3A_860 = arith.cmpi eq, %get3A_842, %eq3A_859 : vector<16xi32>
    %select_n3A_861 = arith.select %eq3A_860, %broadcast_in_dim3A_396, %broadcast_in_dim3A_398 : vector<16xi1>, vector<16xf32>
    %add3A_862 = arith.addf %add3A_816, %select_n3A_861 : vector<16xf32>
    %eq3A_863 = arith.constant 4 : i32
    %eq3A_864 = vector.broadcast %eq3A_863 : i32 to vector<16xi32>
    %eq3A_865 = arith.cmpi eq, %get3A_842, %eq3A_864 : vector<16xi32>
    %select_n3A_866 = arith.select %eq3A_865, %broadcast_in_dim3A_396, %broadcast_in_dim3A_398 : vector<16xi1>, vector<16xf32>
    %add3A_867 = arith.addf %add3A_821, %select_n3A_866 : vector<16xf32>
    %eq3A_868 = arith.constant 5 : i32
    %eq3A_869 = vector.broadcast %eq3A_868 : i32 to vector<16xi32>
    %eq3A_870 = arith.cmpi eq, %get3A_842, %eq3A_869 : vector<16xi32>
    %select_n3A_871 = arith.select %eq3A_870, %broadcast_in_dim3A_396, %broadcast_in_dim3A_398 : vector<16xi1>, vector<16xf32>
    %add3A_872 = arith.addf %add3A_826, %select_n3A_871 : vector<16xf32>
    %eq3A_873 = arith.constant 6 : i32
    %eq3A_874 = vector.broadcast %eq3A_873 : i32 to vector<16xi32>
    %eq3A_875 = arith.cmpi eq, %get3A_842, %eq3A_874 : vector<16xi32>
    %select_n3A_876 = arith.select %eq3A_875, %broadcast_in_dim3A_396, %broadcast_in_dim3A_398 : vector<16xi1>, vector<16xf32>
    %add3A_877 = arith.addf %add3A_831, %select_n3A_876 : vector<16xf32>
    %min3A_878 = arith.minui %get3A_842, %broadcast_in_dim3A_394 : vector<16xi32>
    %add3A_879 = arith.addi %min3A_878, %mul3A_392 : vector<16xi32>
    %swap3A_880 = arith.constant 1 : i32
    %swap3A_881 = arith.index_cast %swap3A_880 : i32 to index
    %swap3A_882 = arith.constant 64 : index
    %swap3A_883 = tpu.vector_load %arg10[%swap3A_881, %swap3A_882] {strides = array<i32>} : memref<5x80xi32, #tpu.memory_space<vmem>>, vector<1x16xi32>,
    %swap3A_884 = vector.shape_cast %swap3A_883 : vector<1x16xi32> to vector<16xi32>
    %swap3A_885 = vector.shape_cast %add3A_879 : vector<16xi32> to vector<1x16xi32>
    tpu.vector_store %arg10[%swap3A_881, %swap3A_882], %swap3A_885 {strides = array<i32>} : memref<5x80xi32, #tpu.memory_space<vmem>>, vector<1x16xi32>,
    %get3A_886 = arith.constant 160 : index
    %get3A_887 = tpu.vector_load %arg8[%get3A_886] {strides = array<i32>} : memref<400xi32, #tpu.memory_space<vmem>>, vector<16xi32>,
    %get3A_888 = vector.shape_cast %get3A_887 : vector<16xi32> to vector<16xi32>
    %eq3A_889 = arith.constant 0 : i32
    %eq3A_890 = vector.broadcast %eq3A_889 : i32 to vector<16xi32>
    %eq3A_891 = arith.cmpi eq, %get3A_888, %eq3A_890 : vector<16xi32>
    %select_n3A_892 = arith.select %eq3A_891, %broadcast_in_dim3A_396, %broadcast_in_dim3A_398 : vector<16xi1>, vector<16xf32>
    %add3A_893 = arith.addf %add3A_847, %select_n3A_892 : vector<16xf32>
    %eq3A_894 = arith.constant 1 : i32
    %eq3A_895 = vector.broadcast %eq3A_894 : i32 to vector<16xi32>
    %eq3A_896 = arith.cmpi eq, %get3A_888, %eq3A_895 : vector<16xi32>
    %select_n3A_897 = arith.select %eq3A_896, %broadcast_in_dim3A_396, %broadcast_in_dim3A_398 : vector<16xi1>, vector<16xf32>
    %add3A_898 = arith.addf %add3A_852, %select_n3A_897 : vector<16xf32>
    %eq3A_899 = arith.constant 2 : i32
    %eq3A_900 = vector.broadcast %eq3A_899 : i32 to vector<16xi32>
    %eq3A_901 = arith.cmpi eq, %get3A_888, %eq3A_900 : vector<16xi32>
    %select_n3A_902 = arith.select %eq3A_901, %broadcast_in_dim3A_396, %broadcast_in_dim3A_398 : vector<16xi1>, vector<16xf32>
    %add3A_903 = arith.addf %add3A_857, %select_n3A_902 : vector<16xf32>
    %eq3A_904 = arith.constant 3 : i32
    %eq3A_905 = vector.broadcast %eq3A_904 : i32 to vector<16xi32>
    %eq3A_906 = arith.cmpi eq, %get3A_888, %eq3A_905 : vector<16xi32>
    %select_n3A_907 = arith.select %eq3A_906, %broadcast_in_dim3A_396, %broadcast_in_dim3A_398 : vector<16xi1>, vector<16xf32>
    %add3A_908 = arith.addf %add3A_862, %select_n3A_907 : vector<16xf32>
    %eq3A_909 = arith.constant 4 : i32
    %eq3A_910 = vector.broadcast %eq3A_909 : i32 to vector<16xi32>
    %eq3A_911 = arith.cmpi eq, %get3A_888, %eq3A_910 : vector<16xi32>
    %select_n3A_912 = arith.select %eq3A_911, %broadcast_in_dim3A_396, %broadcast_in_dim3A_398 : vector<16xi1>, vector<16xf32>
    %add3A_913 = arith.addf %add3A_867, %select_n3A_912 : vector<16xf32>
    %eq3A_914 = arith.constant 5 : i32
    %eq3A_915 = vector.broadcast %eq3A_914 : i32 to vector<16xi32>
    %eq3A_916 = arith.cmpi eq, %get3A_888, %eq3A_915 : vector<16xi32>
    %select_n3A_917 = arith.select %eq3A_916, %broadcast_in_dim3A_396, %broadcast_in_dim3A_398 : vector<16xi1>, vector<16xf32>
    %add3A_918 = arith.addf %add3A_872, %select_n3A_917 : vector<16xf32>
    %eq3A_919 = arith.constant 6 : i32
    %eq3A_920 = vector.broadcast %eq3A_919 : i32 to vector<16xi32>
    %eq3A_921 = arith.cmpi eq, %get3A_888, %eq3A_920 : vector<16xi32>
    %select_n3A_922 = arith.select %eq3A_921, %broadcast_in_dim3A_396, %broadcast_in_dim3A_398 : vector<16xi1>, vector<16xf32>
    %add3A_923 = arith.addf %add3A_877, %select_n3A_922 : vector<16xf32>
    %min3A_924 = arith.minui %get3A_888, %broadcast_in_dim3A_394 : vector<16xi32>
    %add3A_925 = arith.addi %min3A_924, %mul3A_392 : vector<16xi32>
    %swap3A_926 = arith.constant 2 : i32
    %swap3A_927 = arith.index_cast %swap3A_926 : i32 to index
    %swap3A_928 = arith.constant 0 : index
    %swap3A_929 = tpu.vector_load %arg10[%swap3A_927, %swap3A_928] {strides = array<i32>} : memref<5x80xi32, #tpu.memory_space<vmem>>, vector<1x16xi32>,
    %swap3A_930 = vector.shape_cast %swap3A_929 : vector<1x16xi32> to vector<16xi32>
    %swap3A_931 = vector.shape_cast %add3A_925 : vector<16xi32> to vector<1x16xi32>
    tpu.vector_store %arg10[%swap3A_927, %swap3A_928], %swap3A_931 {strides = array<i32>} : memref<5x80xi32, #tpu.memory_space<vmem>>, vector<1x16xi32>,
    %get3A_932 = arith.constant 176 : index
    %get3A_933 = tpu.vector_load %arg8[%get3A_932] {strides = array<i32>} : memref<400xi32, #tpu.memory_space<vmem>>, vector<16xi32>,
    %get3A_934 = vector.shape_cast %get3A_933 : vector<16xi32> to vector<16xi32>
    %eq3A_935 = arith.constant 0 : i32
    %eq3A_936 = vector.broadcast %eq3A_935 : i32 to vector<16xi32>
    %eq3A_937 = arith.cmpi eq, %get3A_934, %eq3A_936 : vector<16xi32>
    %select_n3A_938 = arith.select %eq3A_937, %broadcast_in_dim3A_396, %broadcast_in_dim3A_398 : vector<16xi1>, vector<16xf32>
    %add3A_939 = arith.addf %add3A_893, %select_n3A_938 : vector<16xf32>
    %eq3A_940 = arith.constant 1 : i32
    %eq3A_941 = vector.broadcast %eq3A_940 : i32 to vector<16xi32>
    %eq3A_942 = arith.cmpi eq, %get3A_934, %eq3A_941 : vector<16xi32>
    %select_n3A_943 = arith.select %eq3A_942, %broadcast_in_dim3A_396, %broadcast_in_dim3A_398 : vector<16xi1>, vector<16xf32>
    %add3A_944 = arith.addf %add3A_898, %select_n3A_943 : vector<16xf32>
    %eq3A_945 = arith.constant 2 : i32
    %eq3A_946 = vector.broadcast %eq3A_945 : i32 to vector<16xi32>
    %eq3A_947 = arith.cmpi eq, %get3A_934, %eq3A_946 : vector<16xi32>
    %select_n3A_948 = arith.select %eq3A_947, %broadcast_in_dim3A_396, %broadcast_in_dim3A_398 : vector<16xi1>, vector<16xf32>
    %add3A_949 = arith.addf %add3A_903, %select_n3A_948 : vector<16xf32>
    %eq3A_950 = arith.constant 3 : i32
    %eq3A_951 = vector.broadcast %eq3A_950 : i32 to vector<16xi32>
    %eq3A_952 = arith.cmpi eq, %get3A_934, %eq3A_951 : vector<16xi32>
    %select_n3A_953 = arith.select %eq3A_952, %broadcast_in_dim3A_396, %broadcast_in_dim3A_398 : vector<16xi1>, vector<16xf32>
    %add3A_954 = arith.addf %add3A_908, %select_n3A_953 : vector<16xf32>
    %eq3A_955 = arith.constant 4 : i32
    %eq3A_956 = vector.broadcast %eq3A_955 : i32 to vector<16xi32>
    %eq3A_957 = arith.cmpi eq, %get3A_934, %eq3A_956 : vector<16xi32>
    %select_n3A_958 = arith.select %eq3A_957, %broadcast_in_dim3A_396, %broadcast_in_dim3A_398 : vector<16xi1>, vector<16xf32>
    %add3A_959 = arith.addf %add3A_913, %select_n3A_958 : vector<16xf32>
    %eq3A_960 = arith.constant 5 : i32
    %eq3A_961 = vector.broadcast %eq3A_960 : i32 to vector<16xi32>
    %eq3A_962 = arith.cmpi eq, %get3A_934, %eq3A_961 : vector<16xi32>
    %select_n3A_963 = arith.select %eq3A_962, %broadcast_in_dim3A_396, %broadcast_in_dim3A_398 : vector<16xi1>, vector<16xf32>
    %add3A_964 = arith.addf %add3A_918, %select_n3A_963 : vector<16xf32>
    %eq3A_965 = arith.constant 6 : i32
    %eq3A_966 = vector.broadcast %eq3A_965 : i32 to vector<16xi32>
    %eq3A_967 = arith.cmpi eq, %get3A_934, %eq3A_966 : vector<16xi32>
    %select_n3A_968 = arith.select %eq3A_967, %broadcast_in_dim3A_396, %broadcast_in_dim3A_398 : vector<16xi1>, vector<16xf32>
    %add3A_969 = arith.addf %add3A_923, %select_n3A_968 : vector<16xf32>
    %min3A_970 = arith.minui %get3A_934, %broadcast_in_dim3A_394 : vector<16xi32>
    %add3A_971 = arith.addi %min3A_970, %mul3A_392 : vector<16xi32>
    %swap3A_972 = arith.constant 2 : i32
    %swap3A_973 = arith.index_cast %swap3A_972 : i32 to index
    %swap3A_974 = arith.constant 16 : index
    %swap3A_975 = tpu.vector_load %arg10[%swap3A_973, %swap3A_974] {strides = array<i32>} : memref<5x80xi32, #tpu.memory_space<vmem>>, vector<1x16xi32>,
    %swap3A_976 = vector.shape_cast %swap3A_975 : vector<1x16xi32> to vector<16xi32>
    %swap3A_977 = vector.shape_cast %add3A_971 : vector<16xi32> to vector<1x16xi32>
    tpu.vector_store %arg10[%swap3A_973, %swap3A_974], %swap3A_977 {strides = array<i32>} : memref<5x80xi32, #tpu.memory_space<vmem>>, vector<1x16xi32>,
    %get3A_978 = arith.constant 192 : index
    %get3A_979 = tpu.vector_load %arg8[%get3A_978] {strides = array<i32>} : memref<400xi32, #tpu.memory_space<vmem>>, vector<16xi32>,
    %get3A_980 = vector.shape_cast %get3A_979 : vector<16xi32> to vector<16xi32>
    %eq3A_981 = arith.constant 0 : i32
    %eq3A_982 = vector.broadcast %eq3A_981 : i32 to vector<16xi32>
    %eq3A_983 = arith.cmpi eq, %get3A_980, %eq3A_982 : vector<16xi32>
    %select_n3A_984 = arith.select %eq3A_983, %broadcast_in_dim3A_396, %broadcast_in_dim3A_398 : vector<16xi1>, vector<16xf32>
    %add3A_985 = arith.addf %add3A_939, %select_n3A_984 : vector<16xf32>
    %eq3A_986 = arith.constant 1 : i32
    %eq3A_987 = vector.broadcast %eq3A_986 : i32 to vector<16xi32>
    %eq3A_988 = arith.cmpi eq, %get3A_980, %eq3A_987 : vector<16xi32>
    %select_n3A_989 = arith.select %eq3A_988, %broadcast_in_dim3A_396, %broadcast_in_dim3A_398 : vector<16xi1>, vector<16xf32>
    %add3A_990 = arith.addf %add3A_944, %select_n3A_989 : vector<16xf32>
    %eq3A_991 = arith.constant 2 : i32
    %eq3A_992 = vector.broadcast %eq3A_991 : i32 to vector<16xi32>
    %eq3A_993 = arith.cmpi eq, %get3A_980, %eq3A_992 : vector<16xi32>
    %select_n3A_994 = arith.select %eq3A_993, %broadcast_in_dim3A_396, %broadcast_in_dim3A_398 : vector<16xi1>, vector<16xf32>
    %add3A_995 = arith.addf %add3A_949, %select_n3A_994 : vector<16xf32>
    %eq3A_996 = arith.constant 3 : i32
    %eq3A_997 = vector.broadcast %eq3A_996 : i32 to vector<16xi32>
    %eq3A_998 = arith.cmpi eq, %get3A_980, %eq3A_997 : vector<16xi32>
    %select_n3A_999 = arith.select %eq3A_998, %broadcast_in_dim3A_396, %broadcast_in_dim3A_398 : vector<16xi1>, vector<16xf32>
    %add3A_1000 = arith.addf %add3A_954, %select_n3A_999 : vector<16xf32>
    %eq3A_1001 = arith.constant 4 : i32
    %eq3A_1002 = vector.broadcast %eq3A_1001 : i32 to vector<16xi32>
    %eq3A_1003 = arith.cmpi eq, %get3A_980, %eq3A_1002 : vector<16xi32>
    %select_n3A_1004 = arith.select %eq3A_1003, %broadcast_in_dim3A_396, %broadcast_in_dim3A_398 : vector<16xi1>, vector<16xf32>
    %add3A_1005 = arith.addf %add3A_959, %select_n3A_1004 : vector<16xf32>
    %eq3A_1006 = arith.constant 5 : i32
    %eq3A_1007 = vector.broadcast %eq3A_1006 : i32 to vector<16xi32>
    %eq3A_1008 = arith.cmpi eq, %get3A_980, %eq3A_1007 : vector<16xi32>
    %select_n3A_1009 = arith.select %eq3A_1008, %broadcast_in_dim3A_396, %broadcast_in_dim3A_398 : vector<16xi1>, vector<16xf32>
    %add3A_1010 = arith.addf %add3A_964, %select_n3A_1009 : vector<16xf32>
    %eq3A_1011 = arith.constant 6 : i32
    %eq3A_1012 = vector.broadcast %eq3A_1011 : i32 to vector<16xi32>
    %eq3A_1013 = arith.cmpi eq, %get3A_980, %eq3A_1012 : vector<16xi32>
    %select_n3A_1014 = arith.select %eq3A_1013, %broadcast_in_dim3A_396, %broadcast_in_dim3A_398 : vector<16xi1>, vector<16xf32>
    %add3A_1015 = arith.addf %add3A_969, %select_n3A_1014 : vector<16xf32>
    %min3A_1016 = arith.minui %get3A_980, %broadcast_in_dim3A_394 : vector<16xi32>
    %add3A_1017 = arith.addi %min3A_1016, %mul3A_392 : vector<16xi32>
    %swap3A_1018 = arith.constant 2 : i32
    %swap3A_1019 = arith.index_cast %swap3A_1018 : i32 to index
    %swap3A_1020 = arith.constant 32 : index
    %swap3A_1021 = tpu.vector_load %arg10[%swap3A_1019, %swap3A_1020] {strides = array<i32>} : memref<5x80xi32, #tpu.memory_space<vmem>>, vector<1x16xi32>,
    %swap3A_1022 = vector.shape_cast %swap3A_1021 : vector<1x16xi32> to vector<16xi32>
    %swap3A_1023 = vector.shape_cast %add3A_1017 : vector<16xi32> to vector<1x16xi32>
    tpu.vector_store %arg10[%swap3A_1019, %swap3A_1020], %swap3A_1023 {strides = array<i32>} : memref<5x80xi32, #tpu.memory_space<vmem>>, vector<1x16xi32>,
    %get3A_1024 = arith.constant 208 : index
    %get3A_1025 = tpu.vector_load %arg8[%get3A_1024] {strides = array<i32>} : memref<400xi32, #tpu.memory_space<vmem>>, vector<16xi32>,
    %get3A_1026 = vector.shape_cast %get3A_1025 : vector<16xi32> to vector<16xi32>
    %eq3A_1027 = arith.constant 0 : i32
    %eq3A_1028 = vector.broadcast %eq3A_1027 : i32 to vector<16xi32>
    %eq3A_1029 = arith.cmpi eq, %get3A_1026, %eq3A_1028 : vector<16xi32>
    %select_n3A_1030 = arith.select %eq3A_1029, %broadcast_in_dim3A_396, %broadcast_in_dim3A_398 : vector<16xi1>, vector<16xf32>
    %add3A_1031 = arith.addf %add3A_985, %select_n3A_1030 : vector<16xf32>
    %eq3A_1032 = arith.constant 1 : i32
    %eq3A_1033 = vector.broadcast %eq3A_1032 : i32 to vector<16xi32>
    %eq3A_1034 = arith.cmpi eq, %get3A_1026, %eq3A_1033 : vector<16xi32>
    %select_n3A_1035 = arith.select %eq3A_1034, %broadcast_in_dim3A_396, %broadcast_in_dim3A_398 : vector<16xi1>, vector<16xf32>
    %add3A_1036 = arith.addf %add3A_990, %select_n3A_1035 : vector<16xf32>
    %eq3A_1037 = arith.constant 2 : i32
    %eq3A_1038 = vector.broadcast %eq3A_1037 : i32 to vector<16xi32>
    %eq3A_1039 = arith.cmpi eq, %get3A_1026, %eq3A_1038 : vector<16xi32>
    %select_n3A_1040 = arith.select %eq3A_1039, %broadcast_in_dim3A_396, %broadcast_in_dim3A_398 : vector<16xi1>, vector<16xf32>
    %add3A_1041 = arith.addf %add3A_995, %select_n3A_1040 : vector<16xf32>
    %eq3A_1042 = arith.constant 3 : i32
    %eq3A_1043 = vector.broadcast %eq3A_1042 : i32 to vector<16xi32>
    %eq3A_1044 = arith.cmpi eq, %get3A_1026, %eq3A_1043 : vector<16xi32>
    %select_n3A_1045 = arith.select %eq3A_1044, %broadcast_in_dim3A_396, %broadcast_in_dim3A_398 : vector<16xi1>, vector<16xf32>
    %add3A_1046 = arith.addf %add3A_1000, %select_n3A_1045 : vector<16xf32>
    %eq3A_1047 = arith.constant 4 : i32
    %eq3A_1048 = vector.broadcast %eq3A_1047 : i32 to vector<16xi32>
    %eq3A_1049 = arith.cmpi eq, %get3A_1026, %eq3A_1048 : vector<16xi32>
    %select_n3A_1050 = arith.select %eq3A_1049, %broadcast_in_dim3A_396, %broadcast_in_dim3A_398 : vector<16xi1>, vector<16xf32>
    %add3A_1051 = arith.addf %add3A_1005, %select_n3A_1050 : vector<16xf32>
    %eq3A_1052 = arith.constant 5 : i32
    %eq3A_1053 = vector.broadcast %eq3A_1052 : i32 to vector<16xi32>
    %eq3A_1054 = arith.cmpi eq, %get3A_1026, %eq3A_1053 : vector<16xi32>
    %select_n3A_1055 = arith.select %eq3A_1054, %broadcast_in_dim3A_396, %broadcast_in_dim3A_398 : vector<16xi1>, vector<16xf32>
    %add3A_1056 = arith.addf %add3A_1010, %select_n3A_1055 : vector<16xf32>
    %eq3A_1057 = arith.constant 6 : i32
    %eq3A_1058 = vector.broadcast %eq3A_1057 : i32 to vector<16xi32>
    %eq3A_1059 = arith.cmpi eq, %get3A_1026, %eq3A_1058 : vector<16xi32>
    %select_n3A_1060 = arith.select %eq3A_1059, %broadcast_in_dim3A_396, %broadcast_in_dim3A_398 : vector<16xi1>, vector<16xf32>
    %add3A_1061 = arith.addf %add3A_1015, %select_n3A_1060 : vector<16xf32>
    %min3A_1062 = arith.minui %get3A_1026, %broadcast_in_dim3A_394 : vector<16xi32>
    %add3A_1063 = arith.addi %min3A_1062, %mul3A_392 : vector<16xi32>
    %swap3A_1064 = arith.constant 2 : i32
    %swap3A_1065 = arith.index_cast %swap3A_1064 : i32 to index
    %swap3A_1066 = arith.constant 48 : index
    %swap3A_1067 = tpu.vector_load %arg10[%swap3A_1065, %swap3A_1066] {strides = array<i32>} : memref<5x80xi32, #tpu.memory_space<vmem>>, vector<1x16xi32>,
    %swap3A_1068 = vector.shape_cast %swap3A_1067 : vector<1x16xi32> to vector<16xi32>
    %swap3A_1069 = vector.shape_cast %add3A_1063 : vector<16xi32> to vector<1x16xi32>
    tpu.vector_store %arg10[%swap3A_1065, %swap3A_1066], %swap3A_1069 {strides = array<i32>} : memref<5x80xi32, #tpu.memory_space<vmem>>, vector<1x16xi32>,
    %get3A_1070 = arith.constant 224 : index
    %get3A_1071 = tpu.vector_load %arg8[%get3A_1070] {strides = array<i32>} : memref<400xi32, #tpu.memory_space<vmem>>, vector<16xi32>,
    %get3A_1072 = vector.shape_cast %get3A_1071 : vector<16xi32> to vector<16xi32>
    %eq3A_1073 = arith.constant 0 : i32
    %eq3A_1074 = vector.broadcast %eq3A_1073 : i32 to vector<16xi32>
    %eq3A_1075 = arith.cmpi eq, %get3A_1072, %eq3A_1074 : vector<16xi32>
    %select_n3A_1076 = arith.select %eq3A_1075, %broadcast_in_dim3A_396, %broadcast_in_dim3A_398 : vector<16xi1>, vector<16xf32>
    %add3A_1077 = arith.addf %add3A_1031, %select_n3A_1076 : vector<16xf32>
    %eq3A_1078 = arith.constant 1 : i32
    %eq3A_1079 = vector.broadcast %eq3A_1078 : i32 to vector<16xi32>
    %eq3A_1080 = arith.cmpi eq, %get3A_1072, %eq3A_1079 : vector<16xi32>
    %select_n3A_1081 = arith.select %eq3A_1080, %broadcast_in_dim3A_396, %broadcast_in_dim3A_398 : vector<16xi1>, vector<16xf32>
    %add3A_1082 = arith.addf %add3A_1036, %select_n3A_1081 : vector<16xf32>
    %eq3A_1083 = arith.constant 2 : i32
    %eq3A_1084 = vector.broadcast %eq3A_1083 : i32 to vector<16xi32>
    %eq3A_1085 = arith.cmpi eq, %get3A_1072, %eq3A_1084 : vector<16xi32>
    %select_n3A_1086 = arith.select %eq3A_1085, %broadcast_in_dim3A_396, %broadcast_in_dim3A_398 : vector<16xi1>, vector<16xf32>
    %add3A_1087 = arith.addf %add3A_1041, %select_n3A_1086 : vector<16xf32>
    %eq3A_1088 = arith.constant 3 : i32
    %eq3A_1089 = vector.broadcast %eq3A_1088 : i32 to vector<16xi32>
    %eq3A_1090 = arith.cmpi eq, %get3A_1072, %eq3A_1089 : vector<16xi32>
    %select_n3A_1091 = arith.select %eq3A_1090, %broadcast_in_dim3A_396, %broadcast_in_dim3A_398 : vector<16xi1>, vector<16xf32>
    %add3A_1092 = arith.addf %add3A_1046, %select_n3A_1091 : vector<16xf32>
    %eq3A_1093 = arith.constant 4 : i32
    %eq3A_1094 = vector.broadcast %eq3A_1093 : i32 to vector<16xi32>
    %eq3A_1095 = arith.cmpi eq, %get3A_1072, %eq3A_1094 : vector<16xi32>
    %select_n3A_1096 = arith.select %eq3A_1095, %broadcast_in_dim3A_396, %broadcast_in_dim3A_398 : vector<16xi1>, vector<16xf32>
    %add3A_1097 = arith.addf %add3A_1051, %select_n3A_1096 : vector<16xf32>
    %eq3A_1098 = arith.constant 5 : i32
    %eq3A_1099 = vector.broadcast %eq3A_1098 : i32 to vector<16xi32>
    %eq3A_1100 = arith.cmpi eq, %get3A_1072, %eq3A_1099 : vector<16xi32>
    %select_n3A_1101 = arith.select %eq3A_1100, %broadcast_in_dim3A_396, %broadcast_in_dim3A_398 : vector<16xi1>, vector<16xf32>
    %add3A_1102 = arith.addf %add3A_1056, %select_n3A_1101 : vector<16xf32>
    %eq3A_1103 = arith.constant 6 : i32
    %eq3A_1104 = vector.broadcast %eq3A_1103 : i32 to vector<16xi32>
    %eq3A_1105 = arith.cmpi eq, %get3A_1072, %eq3A_1104 : vector<16xi32>
    %select_n3A_1106 = arith.select %eq3A_1105, %broadcast_in_dim3A_396, %broadcast_in_dim3A_398 : vector<16xi1>, vector<16xf32>
    %add3A_1107 = arith.addf %add3A_1061, %select_n3A_1106 : vector<16xf32>
    %min3A_1108 = arith.minui %get3A_1072, %broadcast_in_dim3A_394 : vector<16xi32>
    %add3A_1109 = arith.addi %min3A_1108, %mul3A_392 : vector<16xi32>
    %swap3A_1110 = arith.constant 2 : i32
    %swap3A_1111 = arith.index_cast %swap3A_1110 : i32 to index
    %swap3A_1112 = arith.constant 64 : index
    %swap3A_1113 = tpu.vector_load %arg10[%swap3A_1111, %swap3A_1112] {strides = array<i32>} : memref<5x80xi32, #tpu.memory_space<vmem>>, vector<1x16xi32>,
    %swap3A_1114 = vector.shape_cast %swap3A_1113 : vector<1x16xi32> to vector<16xi32>
    %swap3A_1115 = vector.shape_cast %add3A_1109 : vector<16xi32> to vector<1x16xi32>
    tpu.vector_store %arg10[%swap3A_1111, %swap3A_1112], %swap3A_1115 {strides = array<i32>} : memref<5x80xi32, #tpu.memory_space<vmem>>, vector<1x16xi32>,
    %get3A_1116 = arith.constant 240 : index
    %get3A_1117 = tpu.vector_load %arg8[%get3A_1116] {strides = array<i32>} : memref<400xi32, #tpu.memory_space<vmem>>, vector<16xi32>,
    %get3A_1118 = vector.shape_cast %get3A_1117 : vector<16xi32> to vector<16xi32>
    %eq3A_1119 = arith.constant 0 : i32
    %eq3A_1120 = vector.broadcast %eq3A_1119 : i32 to vector<16xi32>
    %eq3A_1121 = arith.cmpi eq, %get3A_1118, %eq3A_1120 : vector<16xi32>
    %select_n3A_1122 = arith.select %eq3A_1121, %broadcast_in_dim3A_396, %broadcast_in_dim3A_398 : vector<16xi1>, vector<16xf32>
    %add3A_1123 = arith.addf %add3A_1077, %select_n3A_1122 : vector<16xf32>
    %eq3A_1124 = arith.constant 1 : i32
    %eq3A_1125 = vector.broadcast %eq3A_1124 : i32 to vector<16xi32>
    %eq3A_1126 = arith.cmpi eq, %get3A_1118, %eq3A_1125 : vector<16xi32>
    %select_n3A_1127 = arith.select %eq3A_1126, %broadcast_in_dim3A_396, %broadcast_in_dim3A_398 : vector<16xi1>, vector<16xf32>
    %add3A_1128 = arith.addf %add3A_1082, %select_n3A_1127 : vector<16xf32>
    %eq3A_1129 = arith.constant 2 : i32
    %eq3A_1130 = vector.broadcast %eq3A_1129 : i32 to vector<16xi32>
    %eq3A_1131 = arith.cmpi eq, %get3A_1118, %eq3A_1130 : vector<16xi32>
    %select_n3A_1132 = arith.select %eq3A_1131, %broadcast_in_dim3A_396, %broadcast_in_dim3A_398 : vector<16xi1>, vector<16xf32>
    %add3A_1133 = arith.addf %add3A_1087, %select_n3A_1132 : vector<16xf32>
    %eq3A_1134 = arith.constant 3 : i32
    %eq3A_1135 = vector.broadcast %eq3A_1134 : i32 to vector<16xi32>
    %eq3A_1136 = arith.cmpi eq, %get3A_1118, %eq3A_1135 : vector<16xi32>
    %select_n3A_1137 = arith.select %eq3A_1136, %broadcast_in_dim3A_396, %broadcast_in_dim3A_398 : vector<16xi1>, vector<16xf32>
    %add3A_1138 = arith.addf %add3A_1092, %select_n3A_1137 : vector<16xf32>
    %eq3A_1139 = arith.constant 4 : i32
    %eq3A_1140 = vector.broadcast %eq3A_1139 : i32 to vector<16xi32>
    %eq3A_1141 = arith.cmpi eq, %get3A_1118, %eq3A_1140 : vector<16xi32>
    %select_n3A_1142 = arith.select %eq3A_1141, %broadcast_in_dim3A_396, %broadcast_in_dim3A_398 : vector<16xi1>, vector<16xf32>
    %add3A_1143 = arith.addf %add3A_1097, %select_n3A_1142 : vector<16xf32>
    %eq3A_1144 = arith.constant 5 : i32
    %eq3A_1145 = vector.broadcast %eq3A_1144 : i32 to vector<16xi32>
    %eq3A_1146 = arith.cmpi eq, %get3A_1118, %eq3A_1145 : vector<16xi32>
    %select_n3A_1147 = arith.select %eq3A_1146, %broadcast_in_dim3A_396, %broadcast_in_dim3A_398 : vector<16xi1>, vector<16xf32>
    %add3A_1148 = arith.addf %add3A_1102, %select_n3A_1147 : vector<16xf32>
    %eq3A_1149 = arith.constant 6 : i32
    %eq3A_1150 = vector.broadcast %eq3A_1149 : i32 to vector<16xi32>
    %eq3A_1151 = arith.cmpi eq, %get3A_1118, %eq3A_1150 : vector<16xi32>
    %select_n3A_1152 = arith.select %eq3A_1151, %broadcast_in_dim3A_396, %broadcast_in_dim3A_398 : vector<16xi1>, vector<16xf32>
    %add3A_1153 = arith.addf %add3A_1107, %select_n3A_1152 : vector<16xf32>
    %min3A_1154 = arith.minui %get3A_1118, %broadcast_in_dim3A_394 : vector<16xi32>
    %add3A_1155 = arith.addi %min3A_1154, %mul3A_392 : vector<16xi32>
    %swap3A_1156 = arith.constant 3 : i32
    %swap3A_1157 = arith.index_cast %swap3A_1156 : i32 to index
    %swap3A_1158 = arith.constant 0 : index
    %swap3A_1159 = tpu.vector_load %arg10[%swap3A_1157, %swap3A_1158] {strides = array<i32>} : memref<5x80xi32, #tpu.memory_space<vmem>>, vector<1x16xi32>,
    %swap3A_1160 = vector.shape_cast %swap3A_1159 : vector<1x16xi32> to vector<16xi32>
    %swap3A_1161 = vector.shape_cast %add3A_1155 : vector<16xi32> to vector<1x16xi32>
    tpu.vector_store %arg10[%swap3A_1157, %swap3A_1158], %swap3A_1161 {strides = array<i32>} : memref<5x80xi32, #tpu.memory_space<vmem>>, vector<1x16xi32>,
    %get3A_1162 = arith.constant 256 : index
    %get3A_1163 = tpu.vector_load %arg8[%get3A_1162] {strides = array<i32>} : memref<400xi32, #tpu.memory_space<vmem>>, vector<16xi32>,
    %get3A_1164 = vector.shape_cast %get3A_1163 : vector<16xi32> to vector<16xi32>
    %eq3A_1165 = arith.constant 0 : i32
    %eq3A_1166 = vector.broadcast %eq3A_1165 : i32 to vector<16xi32>
    %eq3A_1167 = arith.cmpi eq, %get3A_1164, %eq3A_1166 : vector<16xi32>
    %select_n3A_1168 = arith.select %eq3A_1167, %broadcast_in_dim3A_396, %broadcast_in_dim3A_398 : vector<16xi1>, vector<16xf32>
    %add3A_1169 = arith.addf %add3A_1123, %select_n3A_1168 : vector<16xf32>
    %eq3A_1170 = arith.constant 1 : i32
    %eq3A_1171 = vector.broadcast %eq3A_1170 : i32 to vector<16xi32>
    %eq3A_1172 = arith.cmpi eq, %get3A_1164, %eq3A_1171 : vector<16xi32>
    %select_n3A_1173 = arith.select %eq3A_1172, %broadcast_in_dim3A_396, %broadcast_in_dim3A_398 : vector<16xi1>, vector<16xf32>
    %add3A_1174 = arith.addf %add3A_1128, %select_n3A_1173 : vector<16xf32>
    %eq3A_1175 = arith.constant 2 : i32
    %eq3A_1176 = vector.broadcast %eq3A_1175 : i32 to vector<16xi32>
    %eq3A_1177 = arith.cmpi eq, %get3A_1164, %eq3A_1176 : vector<16xi32>
    %select_n3A_1178 = arith.select %eq3A_1177, %broadcast_in_dim3A_396, %broadcast_in_dim3A_398 : vector<16xi1>, vector<16xf32>
    %add3A_1179 = arith.addf %add3A_1133, %select_n3A_1178 : vector<16xf32>
    %eq3A_1180 = arith.constant 3 : i32
    %eq3A_1181 = vector.broadcast %eq3A_1180 : i32 to vector<16xi32>
    %eq3A_1182 = arith.cmpi eq, %get3A_1164, %eq3A_1181 : vector<16xi32>
    %select_n3A_1183 = arith.select %eq3A_1182, %broadcast_in_dim3A_396, %broadcast_in_dim3A_398 : vector<16xi1>, vector<16xf32>
    %add3A_1184 = arith.addf %add3A_1138, %select_n3A_1183 : vector<16xf32>
    %eq3A_1185 = arith.constant 4 : i32
    %eq3A_1186 = vector.broadcast %eq3A_1185 : i32 to vector<16xi32>
    %eq3A_1187 = arith.cmpi eq, %get3A_1164, %eq3A_1186 : vector<16xi32>
    %select_n3A_1188 = arith.select %eq3A_1187, %broadcast_in_dim3A_396, %broadcast_in_dim3A_398 : vector<16xi1>, vector<16xf32>
    %add3A_1189 = arith.addf %add3A_1143, %select_n3A_1188 : vector<16xf32>
    %eq3A_1190 = arith.constant 5 : i32
    %eq3A_1191 = vector.broadcast %eq3A_1190 : i32 to vector<16xi32>
    %eq3A_1192 = arith.cmpi eq, %get3A_1164, %eq3A_1191 : vector<16xi32>
    %select_n3A_1193 = arith.select %eq3A_1192, %broadcast_in_dim3A_396, %broadcast_in_dim3A_398 : vector<16xi1>, vector<16xf32>
    %add3A_1194 = arith.addf %add3A_1148, %select_n3A_1193 : vector<16xf32>
    %eq3A_1195 = arith.constant 6 : i32
    %eq3A_1196 = vector.broadcast %eq3A_1195 : i32 to vector<16xi32>
    %eq3A_1197 = arith.cmpi eq, %get3A_1164, %eq3A_1196 : vector<16xi32>
    %select_n3A_1198 = arith.select %eq3A_1197, %broadcast_in_dim3A_396, %broadcast_in_dim3A_398 : vector<16xi1>, vector<16xf32>
    %add3A_1199 = arith.addf %add3A_1153, %select_n3A_1198 : vector<16xf32>
    %min3A_1200 = arith.minui %get3A_1164, %broadcast_in_dim3A_394 : vector<16xi32>
    %add3A_1201 = arith.addi %min3A_1200, %mul3A_392 : vector<16xi32>
    %swap3A_1202 = arith.constant 3 : i32
    %swap3A_1203 = arith.index_cast %swap3A_1202 : i32 to index
    %swap3A_1204 = arith.constant 16 : index
    %swap3A_1205 = tpu.vector_load %arg10[%swap3A_1203, %swap3A_1204] {strides = array<i32>} : memref<5x80xi32, #tpu.memory_space<vmem>>, vector<1x16xi32>,
    %swap3A_1206 = vector.shape_cast %swap3A_1205 : vector<1x16xi32> to vector<16xi32>
    %swap3A_1207 = vector.shape_cast %add3A_1201 : vector<16xi32> to vector<1x16xi32>
    tpu.vector_store %arg10[%swap3A_1203, %swap3A_1204], %swap3A_1207 {strides = array<i32>} : memref<5x80xi32, #tpu.memory_space<vmem>>, vector<1x16xi32>,
    %get3A_1208 = arith.constant 272 : index
    %get3A_1209 = tpu.vector_load %arg8[%get3A_1208] {strides = array<i32>} : memref<400xi32, #tpu.memory_space<vmem>>, vector<16xi32>,
    %get3A_1210 = vector.shape_cast %get3A_1209 : vector<16xi32> to vector<16xi32>
    %eq3A_1211 = arith.constant 0 : i32
    %eq3A_1212 = vector.broadcast %eq3A_1211 : i32 to vector<16xi32>
    %eq3A_1213 = arith.cmpi eq, %get3A_1210, %eq3A_1212 : vector<16xi32>
    %select_n3A_1214 = arith.select %eq3A_1213, %broadcast_in_dim3A_396, %broadcast_in_dim3A_398 : vector<16xi1>, vector<16xf32>
    %add3A_1215 = arith.addf %add3A_1169, %select_n3A_1214 : vector<16xf32>
    %eq3A_1216 = arith.constant 1 : i32
    %eq3A_1217 = vector.broadcast %eq3A_1216 : i32 to vector<16xi32>
    %eq3A_1218 = arith.cmpi eq, %get3A_1210, %eq3A_1217 : vector<16xi32>
    %select_n3A_1219 = arith.select %eq3A_1218, %broadcast_in_dim3A_396, %broadcast_in_dim3A_398 : vector<16xi1>, vector<16xf32>
    %add3A_1220 = arith.addf %add3A_1174, %select_n3A_1219 : vector<16xf32>
    %eq3A_1221 = arith.constant 2 : i32
    %eq3A_1222 = vector.broadcast %eq3A_1221 : i32 to vector<16xi32>
    %eq3A_1223 = arith.cmpi eq, %get3A_1210, %eq3A_1222 : vector<16xi32>
    %select_n3A_1224 = arith.select %eq3A_1223, %broadcast_in_dim3A_396, %broadcast_in_dim3A_398 : vector<16xi1>, vector<16xf32>
    %add3A_1225 = arith.addf %add3A_1179, %select_n3A_1224 : vector<16xf32>
    %eq3A_1226 = arith.constant 3 : i32
    %eq3A_1227 = vector.broadcast %eq3A_1226 : i32 to vector<16xi32>
    %eq3A_1228 = arith.cmpi eq, %get3A_1210, %eq3A_1227 : vector<16xi32>
    %select_n3A_1229 = arith.select %eq3A_1228, %broadcast_in_dim3A_396, %broadcast_in_dim3A_398 : vector<16xi1>, vector<16xf32>
    %add3A_1230 = arith.addf %add3A_1184, %select_n3A_1229 : vector<16xf32>
    %eq3A_1231 = arith.constant 4 : i32
    %eq3A_1232 = vector.broadcast %eq3A_1231 : i32 to vector<16xi32>
    %eq3A_1233 = arith.cmpi eq, %get3A_1210, %eq3A_1232 : vector<16xi32>
    %select_n3A_1234 = arith.select %eq3A_1233, %broadcast_in_dim3A_396, %broadcast_in_dim3A_398 : vector<16xi1>, vector<16xf32>
    %add3A_1235 = arith.addf %add3A_1189, %select_n3A_1234 : vector<16xf32>
    %eq3A_1236 = arith.constant 5 : i32
    %eq3A_1237 = vector.broadcast %eq3A_1236 : i32 to vector<16xi32>
    %eq3A_1238 = arith.cmpi eq, %get3A_1210, %eq3A_1237 : vector<16xi32>
    %select_n3A_1239 = arith.select %eq3A_1238, %broadcast_in_dim3A_396, %broadcast_in_dim3A_398 : vector<16xi1>, vector<16xf32>
    %add3A_1240 = arith.addf %add3A_1194, %select_n3A_1239 : vector<16xf32>
    %eq3A_1241 = arith.constant 6 : i32
    %eq3A_1242 = vector.broadcast %eq3A_1241 : i32 to vector<16xi32>
    %eq3A_1243 = arith.cmpi eq, %get3A_1210, %eq3A_1242 : vector<16xi32>
    %select_n3A_1244 = arith.select %eq3A_1243, %broadcast_in_dim3A_396, %broadcast_in_dim3A_398 : vector<16xi1>, vector<16xf32>
    %add3A_1245 = arith.addf %add3A_1199, %select_n3A_1244 : vector<16xf32>
    %min3A_1246 = arith.minui %get3A_1210, %broadcast_in_dim3A_394 : vector<16xi32>
    %add3A_1247 = arith.addi %min3A_1246, %mul3A_392 : vector<16xi32>
    %swap3A_1248 = arith.constant 3 : i32
    %swap3A_1249 = arith.index_cast %swap3A_1248 : i32 to index
    %swap3A_1250 = arith.constant 32 : index
    %swap3A_1251 = tpu.vector_load %arg10[%swap3A_1249, %swap3A_1250] {strides = array<i32>} : memref<5x80xi32, #tpu.memory_space<vmem>>, vector<1x16xi32>,
    %swap3A_1252 = vector.shape_cast %swap3A_1251 : vector<1x16xi32> to vector<16xi32>
    %swap3A_1253 = vector.shape_cast %add3A_1247 : vector<16xi32> to vector<1x16xi32>
    tpu.vector_store %arg10[%swap3A_1249, %swap3A_1250], %swap3A_1253 {strides = array<i32>} : memref<5x80xi32, #tpu.memory_space<vmem>>, vector<1x16xi32>,
    %get3A_1254 = arith.constant 288 : index
    %get3A_1255 = tpu.vector_load %arg8[%get3A_1254] {strides = array<i32>} : memref<400xi32, #tpu.memory_space<vmem>>, vector<16xi32>,
    %get3A_1256 = vector.shape_cast %get3A_1255 : vector<16xi32> to vector<16xi32>
    %eq3A_1257 = arith.constant 0 : i32
    %eq3A_1258 = vector.broadcast %eq3A_1257 : i32 to vector<16xi32>
    %eq3A_1259 = arith.cmpi eq, %get3A_1256, %eq3A_1258 : vector<16xi32>
    %select_n3A_1260 = arith.select %eq3A_1259, %broadcast_in_dim3A_396, %broadcast_in_dim3A_398 : vector<16xi1>, vector<16xf32>
    %add3A_1261 = arith.addf %add3A_1215, %select_n3A_1260 : vector<16xf32>
    %eq3A_1262 = arith.constant 1 : i32
    %eq3A_1263 = vector.broadcast %eq3A_1262 : i32 to vector<16xi32>
    %eq3A_1264 = arith.cmpi eq, %get3A_1256, %eq3A_1263 : vector<16xi32>
    %select_n3A_1265 = arith.select %eq3A_1264, %broadcast_in_dim3A_396, %broadcast_in_dim3A_398 : vector<16xi1>, vector<16xf32>
    %add3A_1266 = arith.addf %add3A_1220, %select_n3A_1265 : vector<16xf32>
    %eq3A_1267 = arith.constant 2 : i32
    %eq3A_1268 = vector.broadcast %eq3A_1267 : i32 to vector<16xi32>
    %eq3A_1269 = arith.cmpi eq, %get3A_1256, %eq3A_1268 : vector<16xi32>
    %select_n3A_1270 = arith.select %eq3A_1269, %broadcast_in_dim3A_396, %broadcast_in_dim3A_398 : vector<16xi1>, vector<16xf32>
    %add3A_1271 = arith.addf %add3A_1225, %select_n3A_1270 : vector<16xf32>
    %eq3A_1272 = arith.constant 3 : i32
    %eq3A_1273 = vector.broadcast %eq3A_1272 : i32 to vector<16xi32>
    %eq3A_1274 = arith.cmpi eq, %get3A_1256, %eq3A_1273 : vector<16xi32>
    %select_n3A_1275 = arith.select %eq3A_1274, %broadcast_in_dim3A_396, %broadcast_in_dim3A_398 : vector<16xi1>, vector<16xf32>
    %add3A_1276 = arith.addf %add3A_1230, %select_n3A_1275 : vector<16xf32>
    %eq3A_1277 = arith.constant 4 : i32
    %eq3A_1278 = vector.broadcast %eq3A_1277 : i32 to vector<16xi32>
    %eq3A_1279 = arith.cmpi eq, %get3A_1256, %eq3A_1278 : vector<16xi32>
    %select_n3A_1280 = arith.select %eq3A_1279, %broadcast_in_dim3A_396, %broadcast_in_dim3A_398 : vector<16xi1>, vector<16xf32>
    %add3A_1281 = arith.addf %add3A_1235, %select_n3A_1280 : vector<16xf32>
    %eq3A_1282 = arith.constant 5 : i32
    %eq3A_1283 = vector.broadcast %eq3A_1282 : i32 to vector<16xi32>
    %eq3A_1284 = arith.cmpi eq, %get3A_1256, %eq3A_1283 : vector<16xi32>
    %select_n3A_1285 = arith.select %eq3A_1284, %broadcast_in_dim3A_396, %broadcast_in_dim3A_398 : vector<16xi1>, vector<16xf32>
    %add3A_1286 = arith.addf %add3A_1240, %select_n3A_1285 : vector<16xf32>
    %eq3A_1287 = arith.constant 6 : i32
    %eq3A_1288 = vector.broadcast %eq3A_1287 : i32 to vector<16xi32>
    %eq3A_1289 = arith.cmpi eq, %get3A_1256, %eq3A_1288 : vector<16xi32>
    %select_n3A_1290 = arith.select %eq3A_1289, %broadcast_in_dim3A_396, %broadcast_in_dim3A_398 : vector<16xi1>, vector<16xf32>
    %add3A_1291 = arith.addf %add3A_1245, %select_n3A_1290 : vector<16xf32>
    %min3A_1292 = arith.minui %get3A_1256, %broadcast_in_dim3A_394 : vector<16xi32>
    %add3A_1293 = arith.addi %min3A_1292, %mul3A_392 : vector<16xi32>
    %swap3A_1294 = arith.constant 3 : i32
    %swap3A_1295 = arith.index_cast %swap3A_1294 : i32 to index
    %swap3A_1296 = arith.constant 48 : index
    %swap3A_1297 = tpu.vector_load %arg10[%swap3A_1295, %swap3A_1296] {strides = array<i32>} : memref<5x80xi32, #tpu.memory_space<vmem>>, vector<1x16xi32>,
    %swap3A_1298 = vector.shape_cast %swap3A_1297 : vector<1x16xi32> to vector<16xi32>
    %swap3A_1299 = vector.shape_cast %add3A_1293 : vector<16xi32> to vector<1x16xi32>
    tpu.vector_store %arg10[%swap3A_1295, %swap3A_1296], %swap3A_1299 {strides = array<i32>} : memref<5x80xi32, #tpu.memory_space<vmem>>, vector<1x16xi32>,
    %get3A_1300 = arith.constant 304 : index
    %get3A_1301 = tpu.vector_load %arg8[%get3A_1300] {strides = array<i32>} : memref<400xi32, #tpu.memory_space<vmem>>, vector<16xi32>,
    %get3A_1302 = vector.shape_cast %get3A_1301 : vector<16xi32> to vector<16xi32>
    %eq3A_1303 = arith.constant 0 : i32
    %eq3A_1304 = vector.broadcast %eq3A_1303 : i32 to vector<16xi32>
    %eq3A_1305 = arith.cmpi eq, %get3A_1302, %eq3A_1304 : vector<16xi32>
    %select_n3A_1306 = arith.select %eq3A_1305, %broadcast_in_dim3A_396, %broadcast_in_dim3A_398 : vector<16xi1>, vector<16xf32>
    %add3A_1307 = arith.addf %add3A_1261, %select_n3A_1306 : vector<16xf32>
    %eq3A_1308 = arith.constant 1 : i32
    %eq3A_1309 = vector.broadcast %eq3A_1308 : i32 to vector<16xi32>
    %eq3A_1310 = arith.cmpi eq, %get3A_1302, %eq3A_1309 : vector<16xi32>
    %select_n3A_1311 = arith.select %eq3A_1310, %broadcast_in_dim3A_396, %broadcast_in_dim3A_398 : vector<16xi1>, vector<16xf32>
    %add3A_1312 = arith.addf %add3A_1266, %select_n3A_1311 : vector<16xf32>
    %eq3A_1313 = arith.constant 2 : i32
    %eq3A_1314 = vector.broadcast %eq3A_1313 : i32 to vector<16xi32>
    %eq3A_1315 = arith.cmpi eq, %get3A_1302, %eq3A_1314 : vector<16xi32>
    %select_n3A_1316 = arith.select %eq3A_1315, %broadcast_in_dim3A_396, %broadcast_in_dim3A_398 : vector<16xi1>, vector<16xf32>
    %add3A_1317 = arith.addf %add3A_1271, %select_n3A_1316 : vector<16xf32>
    %eq3A_1318 = arith.constant 3 : i32
    %eq3A_1319 = vector.broadcast %eq3A_1318 : i32 to vector<16xi32>
    %eq3A_1320 = arith.cmpi eq, %get3A_1302, %eq3A_1319 : vector<16xi32>
    %select_n3A_1321 = arith.select %eq3A_1320, %broadcast_in_dim3A_396, %broadcast_in_dim3A_398 : vector<16xi1>, vector<16xf32>
    %add3A_1322 = arith.addf %add3A_1276, %select_n3A_1321 : vector<16xf32>
    %eq3A_1323 = arith.constant 4 : i32
    %eq3A_1324 = vector.broadcast %eq3A_1323 : i32 to vector<16xi32>
    %eq3A_1325 = arith.cmpi eq, %get3A_1302, %eq3A_1324 : vector<16xi32>
    %select_n3A_1326 = arith.select %eq3A_1325, %broadcast_in_dim3A_396, %broadcast_in_dim3A_398 : vector<16xi1>, vector<16xf32>
    %add3A_1327 = arith.addf %add3A_1281, %select_n3A_1326 : vector<16xf32>
    %eq3A_1328 = arith.constant 5 : i32
    %eq3A_1329 = vector.broadcast %eq3A_1328 : i32 to vector<16xi32>
    %eq3A_1330 = arith.cmpi eq, %get3A_1302, %eq3A_1329 : vector<16xi32>
    %select_n3A_1331 = arith.select %eq3A_1330, %broadcast_in_dim3A_396, %broadcast_in_dim3A_398 : vector<16xi1>, vector<16xf32>
    %add3A_1332 = arith.addf %add3A_1286, %select_n3A_1331 : vector<16xf32>
    %eq3A_1333 = arith.constant 6 : i32
    %eq3A_1334 = vector.broadcast %eq3A_1333 : i32 to vector<16xi32>
    %eq3A_1335 = arith.cmpi eq, %get3A_1302, %eq3A_1334 : vector<16xi32>
    %select_n3A_1336 = arith.select %eq3A_1335, %broadcast_in_dim3A_396, %broadcast_in_dim3A_398 : vector<16xi1>, vector<16xf32>
    %add3A_1337 = arith.addf %add3A_1291, %select_n3A_1336 : vector<16xf32>
    %min3A_1338 = arith.minui %get3A_1302, %broadcast_in_dim3A_394 : vector<16xi32>
    %add3A_1339 = arith.addi %min3A_1338, %mul3A_392 : vector<16xi32>
    %swap3A_1340 = arith.constant 3 : i32
    %swap3A_1341 = arith.index_cast %swap3A_1340 : i32 to index
    %swap3A_1342 = arith.constant 64 : index
    %swap3A_1343 = tpu.vector_load %arg10[%swap3A_1341, %swap3A_1342] {strides = array<i32>} : memref<5x80xi32, #tpu.memory_space<vmem>>, vector<1x16xi32>,
    %swap3A_1344 = vector.shape_cast %swap3A_1343 : vector<1x16xi32> to vector<16xi32>
    %swap3A_1345 = vector.shape_cast %add3A_1339 : vector<16xi32> to vector<1x16xi32>
    tpu.vector_store %arg10[%swap3A_1341, %swap3A_1342], %swap3A_1345 {strides = array<i32>} : memref<5x80xi32, #tpu.memory_space<vmem>>, vector<1x16xi32>,
    %get3A_1346 = arith.constant 320 : index
    %get3A_1347 = tpu.vector_load %arg8[%get3A_1346] {strides = array<i32>} : memref<400xi32, #tpu.memory_space<vmem>>, vector<16xi32>,
    %get3A_1348 = vector.shape_cast %get3A_1347 : vector<16xi32> to vector<16xi32>
    %eq3A_1349 = arith.constant 0 : i32
    %eq3A_1350 = vector.broadcast %eq3A_1349 : i32 to vector<16xi32>
    %eq3A_1351 = arith.cmpi eq, %get3A_1348, %eq3A_1350 : vector<16xi32>
    %select_n3A_1352 = arith.select %eq3A_1351, %broadcast_in_dim3A_396, %broadcast_in_dim3A_398 : vector<16xi1>, vector<16xf32>
    %add3A_1353 = arith.addf %add3A_1307, %select_n3A_1352 : vector<16xf32>
    %eq3A_1354 = arith.constant 1 : i32
    %eq3A_1355 = vector.broadcast %eq3A_1354 : i32 to vector<16xi32>
    %eq3A_1356 = arith.cmpi eq, %get3A_1348, %eq3A_1355 : vector<16xi32>
    %select_n3A_1357 = arith.select %eq3A_1356, %broadcast_in_dim3A_396, %broadcast_in_dim3A_398 : vector<16xi1>, vector<16xf32>
    %add3A_1358 = arith.addf %add3A_1312, %select_n3A_1357 : vector<16xf32>
    %eq3A_1359 = arith.constant 2 : i32
    %eq3A_1360 = vector.broadcast %eq3A_1359 : i32 to vector<16xi32>
    %eq3A_1361 = arith.cmpi eq, %get3A_1348, %eq3A_1360 : vector<16xi32>
    %select_n3A_1362 = arith.select %eq3A_1361, %broadcast_in_dim3A_396, %broadcast_in_dim3A_398 : vector<16xi1>, vector<16xf32>
    %add3A_1363 = arith.addf %add3A_1317, %select_n3A_1362 : vector<16xf32>
    %eq3A_1364 = arith.constant 3 : i32
    %eq3A_1365 = vector.broadcast %eq3A_1364 : i32 to vector<16xi32>
    %eq3A_1366 = arith.cmpi eq, %get3A_1348, %eq3A_1365 : vector<16xi32>
    %select_n3A_1367 = arith.select %eq3A_1366, %broadcast_in_dim3A_396, %broadcast_in_dim3A_398 : vector<16xi1>, vector<16xf32>
    %add3A_1368 = arith.addf %add3A_1322, %select_n3A_1367 : vector<16xf32>
    %eq3A_1369 = arith.constant 4 : i32
    %eq3A_1370 = vector.broadcast %eq3A_1369 : i32 to vector<16xi32>
    %eq3A_1371 = arith.cmpi eq, %get3A_1348, %eq3A_1370 : vector<16xi32>
    %select_n3A_1372 = arith.select %eq3A_1371, %broadcast_in_dim3A_396, %broadcast_in_dim3A_398 : vector<16xi1>, vector<16xf32>
    %add3A_1373 = arith.addf %add3A_1327, %select_n3A_1372 : vector<16xf32>
    %eq3A_1374 = arith.constant 5 : i32
    %eq3A_1375 = vector.broadcast %eq3A_1374 : i32 to vector<16xi32>
    %eq3A_1376 = arith.cmpi eq, %get3A_1348, %eq3A_1375 : vector<16xi32>
    %select_n3A_1377 = arith.select %eq3A_1376, %broadcast_in_dim3A_396, %broadcast_in_dim3A_398 : vector<16xi1>, vector<16xf32>
    %add3A_1378 = arith.addf %add3A_1332, %select_n3A_1377 : vector<16xf32>
    %eq3A_1379 = arith.constant 6 : i32
    %eq3A_1380 = vector.broadcast %eq3A_1379 : i32 to vector<16xi32>
    %eq3A_1381 = arith.cmpi eq, %get3A_1348, %eq3A_1380 : vector<16xi32>
    %select_n3A_1382 = arith.select %eq3A_1381, %broadcast_in_dim3A_396, %broadcast_in_dim3A_398 : vector<16xi1>, vector<16xf32>
    %add3A_1383 = arith.addf %add3A_1337, %select_n3A_1382 : vector<16xf32>
    %min3A_1384 = arith.minui %get3A_1348, %broadcast_in_dim3A_394 : vector<16xi32>
    %add3A_1385 = arith.addi %min3A_1384, %mul3A_392 : vector<16xi32>
    %swap3A_1386 = arith.constant 4 : i32
    %swap3A_1387 = arith.index_cast %swap3A_1386 : i32 to index
    %swap3A_1388 = arith.constant 0 : index
    %swap3A_1389 = tpu.vector_load %arg10[%swap3A_1387, %swap3A_1388] {strides = array<i32>} : memref<5x80xi32, #tpu.memory_space<vmem>>, vector<1x16xi32>,
    %swap3A_1390 = vector.shape_cast %swap3A_1389 : vector<1x16xi32> to vector<16xi32>
    %swap3A_1391 = vector.shape_cast %add3A_1385 : vector<16xi32> to vector<1x16xi32>
    tpu.vector_store %arg10[%swap3A_1387, %swap3A_1388], %swap3A_1391 {strides = array<i32>} : memref<5x80xi32, #tpu.memory_space<vmem>>, vector<1x16xi32>,
    %get3A_1392 = arith.constant 336 : index
    %get3A_1393 = tpu.vector_load %arg8[%get3A_1392] {strides = array<i32>} : memref<400xi32, #tpu.memory_space<vmem>>, vector<16xi32>,
    %get3A_1394 = vector.shape_cast %get3A_1393 : vector<16xi32> to vector<16xi32>
    %eq3A_1395 = arith.constant 0 : i32
    %eq3A_1396 = vector.broadcast %eq3A_1395 : i32 to vector<16xi32>
    %eq3A_1397 = arith.cmpi eq, %get3A_1394, %eq3A_1396 : vector<16xi32>
    %select_n3A_1398 = arith.select %eq3A_1397, %broadcast_in_dim3A_396, %broadcast_in_dim3A_398 : vector<16xi1>, vector<16xf32>
    %add3A_1399 = arith.addf %add3A_1353, %select_n3A_1398 : vector<16xf32>
    %eq3A_1400 = arith.constant 1 : i32
    %eq3A_1401 = vector.broadcast %eq3A_1400 : i32 to vector<16xi32>
    %eq3A_1402 = arith.cmpi eq, %get3A_1394, %eq3A_1401 : vector<16xi32>
    %select_n3A_1403 = arith.select %eq3A_1402, %broadcast_in_dim3A_396, %broadcast_in_dim3A_398 : vector<16xi1>, vector<16xf32>
    %add3A_1404 = arith.addf %add3A_1358, %select_n3A_1403 : vector<16xf32>
    %eq3A_1405 = arith.constant 2 : i32
    %eq3A_1406 = vector.broadcast %eq3A_1405 : i32 to vector<16xi32>
    %eq3A_1407 = arith.cmpi eq, %get3A_1394, %eq3A_1406 : vector<16xi32>
    %select_n3A_1408 = arith.select %eq3A_1407, %broadcast_in_dim3A_396, %broadcast_in_dim3A_398 : vector<16xi1>, vector<16xf32>
    %add3A_1409 = arith.addf %add3A_1363, %select_n3A_1408 : vector<16xf32>
    %eq3A_1410 = arith.constant 3 : i32
    %eq3A_1411 = vector.broadcast %eq3A_1410 : i32 to vector<16xi32>
    %eq3A_1412 = arith.cmpi eq, %get3A_1394, %eq3A_1411 : vector<16xi32>
    %select_n3A_1413 = arith.select %eq3A_1412, %broadcast_in_dim3A_396, %broadcast_in_dim3A_398 : vector<16xi1>, vector<16xf32>
    %add3A_1414 = arith.addf %add3A_1368, %select_n3A_1413 : vector<16xf32>
    %eq3A_1415 = arith.constant 4 : i32
    %eq3A_1416 = vector.broadcast %eq3A_1415 : i32 to vector<16xi32>
    %eq3A_1417 = arith.cmpi eq, %get3A_1394, %eq3A_1416 : vector<16xi32>
    %select_n3A_1418 = arith.select %eq3A_1417, %broadcast_in_dim3A_396, %broadcast_in_dim3A_398 : vector<16xi1>, vector<16xf32>
    %add3A_1419 = arith.addf %add3A_1373, %select_n3A_1418 : vector<16xf32>
    %eq3A_1420 = arith.constant 5 : i32
    %eq3A_1421 = vector.broadcast %eq3A_1420 : i32 to vector<16xi32>
    %eq3A_1422 = arith.cmpi eq, %get3A_1394, %eq3A_1421 : vector<16xi32>
    %select_n3A_1423 = arith.select %eq3A_1422, %broadcast_in_dim3A_396, %broadcast_in_dim3A_398 : vector<16xi1>, vector<16xf32>
    %add3A_1424 = arith.addf %add3A_1378, %select_n3A_1423 : vector<16xf32>
    %eq3A_1425 = arith.constant 6 : i32
    %eq3A_1426 = vector.broadcast %eq3A_1425 : i32 to vector<16xi32>
    %eq3A_1427 = arith.cmpi eq, %get3A_1394, %eq3A_1426 : vector<16xi32>
    %select_n3A_1428 = arith.select %eq3A_1427, %broadcast_in_dim3A_396, %broadcast_in_dim3A_398 : vector<16xi1>, vector<16xf32>
    %add3A_1429 = arith.addf %add3A_1383, %select_n3A_1428 : vector<16xf32>
    %min3A_1430 = arith.minui %get3A_1394, %broadcast_in_dim3A_394 : vector<16xi32>
    %add3A_1431 = arith.addi %min3A_1430, %mul3A_392 : vector<16xi32>
    %swap3A_1432 = arith.constant 4 : i32
    %swap3A_1433 = arith.index_cast %swap3A_1432 : i32 to index
    %swap3A_1434 = arith.constant 16 : index
    %swap3A_1435 = tpu.vector_load %arg10[%swap3A_1433, %swap3A_1434] {strides = array<i32>} : memref<5x80xi32, #tpu.memory_space<vmem>>, vector<1x16xi32>,
    %swap3A_1436 = vector.shape_cast %swap3A_1435 : vector<1x16xi32> to vector<16xi32>
    %swap3A_1437 = vector.shape_cast %add3A_1431 : vector<16xi32> to vector<1x16xi32>
    tpu.vector_store %arg10[%swap3A_1433, %swap3A_1434], %swap3A_1437 {strides = array<i32>} : memref<5x80xi32, #tpu.memory_space<vmem>>, vector<1x16xi32>,
    %get3A_1438 = arith.constant 352 : index
    %get3A_1439 = tpu.vector_load %arg8[%get3A_1438] {strides = array<i32>} : memref<400xi32, #tpu.memory_space<vmem>>, vector<16xi32>,
    %get3A_1440 = vector.shape_cast %get3A_1439 : vector<16xi32> to vector<16xi32>
    %eq3A_1441 = arith.constant 0 : i32
    %eq3A_1442 = vector.broadcast %eq3A_1441 : i32 to vector<16xi32>
    %eq3A_1443 = arith.cmpi eq, %get3A_1440, %eq3A_1442 : vector<16xi32>
    %select_n3A_1444 = arith.select %eq3A_1443, %broadcast_in_dim3A_396, %broadcast_in_dim3A_398 : vector<16xi1>, vector<16xf32>
    %add3A_1445 = arith.addf %add3A_1399, %select_n3A_1444 : vector<16xf32>
    %eq3A_1446 = arith.constant 1 : i32
    %eq3A_1447 = vector.broadcast %eq3A_1446 : i32 to vector<16xi32>
    %eq3A_1448 = arith.cmpi eq, %get3A_1440, %eq3A_1447 : vector<16xi32>
    %select_n3A_1449 = arith.select %eq3A_1448, %broadcast_in_dim3A_396, %broadcast_in_dim3A_398 : vector<16xi1>, vector<16xf32>
    %add3A_1450 = arith.addf %add3A_1404, %select_n3A_1449 : vector<16xf32>
    %eq3A_1451 = arith.constant 2 : i32
    %eq3A_1452 = vector.broadcast %eq3A_1451 : i32 to vector<16xi32>
    %eq3A_1453 = arith.cmpi eq, %get3A_1440, %eq3A_1452 : vector<16xi32>
    %select_n3A_1454 = arith.select %eq3A_1453, %broadcast_in_dim3A_396, %broadcast_in_dim3A_398 : vector<16xi1>, vector<16xf32>
    %add3A_1455 = arith.addf %add3A_1409, %select_n3A_1454 : vector<16xf32>
    %eq3A_1456 = arith.constant 3 : i32
    %eq3A_1457 = vector.broadcast %eq3A_1456 : i32 to vector<16xi32>
    %eq3A_1458 = arith.cmpi eq, %get3A_1440, %eq3A_1457 : vector<16xi32>
    %select_n3A_1459 = arith.select %eq3A_1458, %broadcast_in_dim3A_396, %broadcast_in_dim3A_398 : vector<16xi1>, vector<16xf32>
    %add3A_1460 = arith.addf %add3A_1414, %select_n3A_1459 : vector<16xf32>
    %eq3A_1461 = arith.constant 4 : i32
    %eq3A_1462 = vector.broadcast %eq3A_1461 : i32 to vector<16xi32>
    %eq3A_1463 = arith.cmpi eq, %get3A_1440, %eq3A_1462 : vector<16xi32>
    %select_n3A_1464 = arith.select %eq3A_1463, %broadcast_in_dim3A_396, %broadcast_in_dim3A_398 : vector<16xi1>, vector<16xf32>
    %add3A_1465 = arith.addf %add3A_1419, %select_n3A_1464 : vector<16xf32>
    %eq3A_1466 = arith.constant 5 : i32
    %eq3A_1467 = vector.broadcast %eq3A_1466 : i32 to vector<16xi32>
    %eq3A_1468 = arith.cmpi eq, %get3A_1440, %eq3A_1467 : vector<16xi32>
    %select_n3A_1469 = arith.select %eq3A_1468, %broadcast_in_dim3A_396, %broadcast_in_dim3A_398 : vector<16xi1>, vector<16xf32>
    %add3A_1470 = arith.addf %add3A_1424, %select_n3A_1469 : vector<16xf32>
    %eq3A_1471 = arith.constant 6 : i32
    %eq3A_1472 = vector.broadcast %eq3A_1471 : i32 to vector<16xi32>
    %eq3A_1473 = arith.cmpi eq, %get3A_1440, %eq3A_1472 : vector<16xi32>
    %select_n3A_1474 = arith.select %eq3A_1473, %broadcast_in_dim3A_396, %broadcast_in_dim3A_398 : vector<16xi1>, vector<16xf32>
    %add3A_1475 = arith.addf %add3A_1429, %select_n3A_1474 : vector<16xf32>
    %min3A_1476 = arith.minui %get3A_1440, %broadcast_in_dim3A_394 : vector<16xi32>
    %add3A_1477 = arith.addi %min3A_1476, %mul3A_392 : vector<16xi32>
    %swap3A_1478 = arith.constant 4 : i32
    %swap3A_1479 = arith.index_cast %swap3A_1478 : i32 to index
    %swap3A_1480 = arith.constant 32 : index
    %swap3A_1481 = tpu.vector_load %arg10[%swap3A_1479, %swap3A_1480] {strides = array<i32>} : memref<5x80xi32, #tpu.memory_space<vmem>>, vector<1x16xi32>,
    %swap3A_1482 = vector.shape_cast %swap3A_1481 : vector<1x16xi32> to vector<16xi32>
    %swap3A_1483 = vector.shape_cast %add3A_1477 : vector<16xi32> to vector<1x16xi32>
    tpu.vector_store %arg10[%swap3A_1479, %swap3A_1480], %swap3A_1483 {strides = array<i32>} : memref<5x80xi32, #tpu.memory_space<vmem>>, vector<1x16xi32>,
    %get3A_1484 = arith.constant 368 : index
    %get3A_1485 = tpu.vector_load %arg8[%get3A_1484] {strides = array<i32>} : memref<400xi32, #tpu.memory_space<vmem>>, vector<16xi32>,
    %get3A_1486 = vector.shape_cast %get3A_1485 : vector<16xi32> to vector<16xi32>
    %eq3A_1487 = arith.constant 0 : i32
    %eq3A_1488 = vector.broadcast %eq3A_1487 : i32 to vector<16xi32>
    %eq3A_1489 = arith.cmpi eq, %get3A_1486, %eq3A_1488 : vector<16xi32>
    %select_n3A_1490 = arith.select %eq3A_1489, %broadcast_in_dim3A_396, %broadcast_in_dim3A_398 : vector<16xi1>, vector<16xf32>
    %add3A_1491 = arith.addf %add3A_1445, %select_n3A_1490 : vector<16xf32>
    %eq3A_1492 = arith.constant 1 : i32
    %eq3A_1493 = vector.broadcast %eq3A_1492 : i32 to vector<16xi32>
    %eq3A_1494 = arith.cmpi eq, %get3A_1486, %eq3A_1493 : vector<16xi32>
    %select_n3A_1495 = arith.select %eq3A_1494, %broadcast_in_dim3A_396, %broadcast_in_dim3A_398 : vector<16xi1>, vector<16xf32>
    %add3A_1496 = arith.addf %add3A_1450, %select_n3A_1495 : vector<16xf32>
    %eq3A_1497 = arith.constant 2 : i32
    %eq3A_1498 = vector.broadcast %eq3A_1497 : i32 to vector<16xi32>
    %eq3A_1499 = arith.cmpi eq, %get3A_1486, %eq3A_1498 : vector<16xi32>
    %select_n3A_1500 = arith.select %eq3A_1499, %broadcast_in_dim3A_396, %broadcast_in_dim3A_398 : vector<16xi1>, vector<16xf32>
    %add3A_1501 = arith.addf %add3A_1455, %select_n3A_1500 : vector<16xf32>
    %eq3A_1502 = arith.constant 3 : i32
    %eq3A_1503 = vector.broadcast %eq3A_1502 : i32 to vector<16xi32>
    %eq3A_1504 = arith.cmpi eq, %get3A_1486, %eq3A_1503 : vector<16xi32>
    %select_n3A_1505 = arith.select %eq3A_1504, %broadcast_in_dim3A_396, %broadcast_in_dim3A_398 : vector<16xi1>, vector<16xf32>
    %add3A_1506 = arith.addf %add3A_1460, %select_n3A_1505 : vector<16xf32>
    %eq3A_1507 = arith.constant 4 : i32
    %eq3A_1508 = vector.broadcast %eq3A_1507 : i32 to vector<16xi32>
    %eq3A_1509 = arith.cmpi eq, %get3A_1486, %eq3A_1508 : vector<16xi32>
    %select_n3A_1510 = arith.select %eq3A_1509, %broadcast_in_dim3A_396, %broadcast_in_dim3A_398 : vector<16xi1>, vector<16xf32>
    %add3A_1511 = arith.addf %add3A_1465, %select_n3A_1510 : vector<16xf32>
    %eq3A_1512 = arith.constant 5 : i32
    %eq3A_1513 = vector.broadcast %eq3A_1512 : i32 to vector<16xi32>
    %eq3A_1514 = arith.cmpi eq, %get3A_1486, %eq3A_1513 : vector<16xi32>
    %select_n3A_1515 = arith.select %eq3A_1514, %broadcast_in_dim3A_396, %broadcast_in_dim3A_398 : vector<16xi1>, vector<16xf32>
    %add3A_1516 = arith.addf %add3A_1470, %select_n3A_1515 : vector<16xf32>
    %eq3A_1517 = arith.constant 6 : i32
    %eq3A_1518 = vector.broadcast %eq3A_1517 : i32 to vector<16xi32>
    %eq3A_1519 = arith.cmpi eq, %get3A_1486, %eq3A_1518 : vector<16xi32>
    %select_n3A_1520 = arith.select %eq3A_1519, %broadcast_in_dim3A_396, %broadcast_in_dim3A_398 : vector<16xi1>, vector<16xf32>
    %add3A_1521 = arith.addf %add3A_1475, %select_n3A_1520 : vector<16xf32>
    %min3A_1522 = arith.minui %get3A_1486, %broadcast_in_dim3A_394 : vector<16xi32>
    %add3A_1523 = arith.addi %min3A_1522, %mul3A_392 : vector<16xi32>
    %swap3A_1524 = arith.constant 4 : i32
    %swap3A_1525 = arith.index_cast %swap3A_1524 : i32 to index
    %swap3A_1526 = arith.constant 48 : index
    %swap3A_1527 = tpu.vector_load %arg10[%swap3A_1525, %swap3A_1526] {strides = array<i32>} : memref<5x80xi32, #tpu.memory_space<vmem>>, vector<1x16xi32>,
    %swap3A_1528 = vector.shape_cast %swap3A_1527 : vector<1x16xi32> to vector<16xi32>
    %swap3A_1529 = vector.shape_cast %add3A_1523 : vector<16xi32> to vector<1x16xi32>
    tpu.vector_store %arg10[%swap3A_1525, %swap3A_1526], %swap3A_1529 {strides = array<i32>} : memref<5x80xi32, #tpu.memory_space<vmem>>, vector<1x16xi32>,
    %get3A_1530 = arith.constant 384 : index
    %get3A_1531 = tpu.vector_load %arg8[%get3A_1530] {strides = array<i32>} : memref<400xi32, #tpu.memory_space<vmem>>, vector<16xi32>,
    %get3A_1532 = vector.shape_cast %get3A_1531 : vector<16xi32> to vector<16xi32>
    %eq3A_1533 = arith.constant 0 : i32
    %eq3A_1534 = vector.broadcast %eq3A_1533 : i32 to vector<16xi32>
    %eq3A_1535 = arith.cmpi eq, %get3A_1532, %eq3A_1534 : vector<16xi32>
    %select_n3A_1536 = arith.select %eq3A_1535, %broadcast_in_dim3A_396, %broadcast_in_dim3A_398 : vector<16xi1>, vector<16xf32>
    %add3A_1537 = arith.addf %add3A_1491, %select_n3A_1536 : vector<16xf32>
    %eq3A_1538 = arith.constant 1 : i32
    %eq3A_1539 = vector.broadcast %eq3A_1538 : i32 to vector<16xi32>
    %eq3A_1540 = arith.cmpi eq, %get3A_1532, %eq3A_1539 : vector<16xi32>
    %select_n3A_1541 = arith.select %eq3A_1540, %broadcast_in_dim3A_396, %broadcast_in_dim3A_398 : vector<16xi1>, vector<16xf32>
    %add3A_1542 = arith.addf %add3A_1496, %select_n3A_1541 : vector<16xf32>
    %eq3A_1543 = arith.constant 2 : i32
    %eq3A_1544 = vector.broadcast %eq3A_1543 : i32 to vector<16xi32>
    %eq3A_1545 = arith.cmpi eq, %get3A_1532, %eq3A_1544 : vector<16xi32>
    %select_n3A_1546 = arith.select %eq3A_1545, %broadcast_in_dim3A_396, %broadcast_in_dim3A_398 : vector<16xi1>, vector<16xf32>
    %add3A_1547 = arith.addf %add3A_1501, %select_n3A_1546 : vector<16xf32>
    %eq3A_1548 = arith.constant 3 : i32
    %eq3A_1549 = vector.broadcast %eq3A_1548 : i32 to vector<16xi32>
    %eq3A_1550 = arith.cmpi eq, %get3A_1532, %eq3A_1549 : vector<16xi32>
    %select_n3A_1551 = arith.select %eq3A_1550, %broadcast_in_dim3A_396, %broadcast_in_dim3A_398 : vector<16xi1>, vector<16xf32>
    %add3A_1552 = arith.addf %add3A_1506, %select_n3A_1551 : vector<16xf32>
    %eq3A_1553 = arith.constant 4 : i32
    %eq3A_1554 = vector.broadcast %eq3A_1553 : i32 to vector<16xi32>
    %eq3A_1555 = arith.cmpi eq, %get3A_1532, %eq3A_1554 : vector<16xi32>
    %select_n3A_1556 = arith.select %eq3A_1555, %broadcast_in_dim3A_396, %broadcast_in_dim3A_398 : vector<16xi1>, vector<16xf32>
    %add3A_1557 = arith.addf %add3A_1511, %select_n3A_1556 : vector<16xf32>
    %eq3A_1558 = arith.constant 5 : i32
    %eq3A_1559 = vector.broadcast %eq3A_1558 : i32 to vector<16xi32>
    %eq3A_1560 = arith.cmpi eq, %get3A_1532, %eq3A_1559 : vector<16xi32>
    %select_n3A_1561 = arith.select %eq3A_1560, %broadcast_in_dim3A_396, %broadcast_in_dim3A_398 : vector<16xi1>, vector<16xf32>
    %add3A_1562 = arith.addf %add3A_1516, %select_n3A_1561 : vector<16xf32>
    %eq3A_1563 = arith.constant 6 : i32
    %eq3A_1564 = vector.broadcast %eq3A_1563 : i32 to vector<16xi32>
    %eq3A_1565 = arith.cmpi eq, %get3A_1532, %eq3A_1564 : vector<16xi32>
    %select_n3A_1566 = arith.select %eq3A_1565, %broadcast_in_dim3A_396, %broadcast_in_dim3A_398 : vector<16xi1>, vector<16xf32>
    %add3A_1567 = arith.addf %add3A_1521, %select_n3A_1566 : vector<16xf32>
    %min3A_1568 = arith.minui %get3A_1532, %broadcast_in_dim3A_394 : vector<16xi32>
    %add3A_1569 = arith.addi %min3A_1568, %mul3A_392 : vector<16xi32>
    %swap3A_1570 = arith.constant 4 : i32
    %swap3A_1571 = arith.index_cast %swap3A_1570 : i32 to index
    %swap3A_1572 = arith.constant 64 : index
    %swap3A_1573 = tpu.vector_load %arg10[%swap3A_1571, %swap3A_1572] {strides = array<i32>} : memref<5x80xi32, #tpu.memory_space<vmem>>, vector<1x16xi32>,
    %swap3A_1574 = vector.shape_cast %swap3A_1573 : vector<1x16xi32> to vector<16xi32>
    %swap3A_1575 = vector.shape_cast %add3A_1569 : vector<16xi32> to vector<1x16xi32>
    tpu.vector_store %arg10[%swap3A_1571, %swap3A_1572], %swap3A_1575 {strides = array<i32>} : memref<5x80xi32, #tpu.memory_space<vmem>>, vector<1x16xi32>,
    %dma_start3A_1576 = arith.constant 0 : i32
    %dma_start3A_1577 = arith.constant 0 : i32
    %dma_start3A_1578 = arith.constant 0 : i32
    %dma_start3A_1579 = tpu.memref_slice %arg6[%dma_start3A_1577, %dma_start3A_1578] : memref<400x128xf32, #tpu.memory_space<vmem>> -> memref<80x128xf32, #tpu.memory_space<vmem>>
    %dma_start3A_1580 = arith.constant 0 : i32
    %dma_start3A_1581 = tpu.memref_slice %arg10[%dma_start3A_1576, %dma_start3A_1580] : memref<5x80xi32, #tpu.memory_space<vmem>> -> memref<1x80xi32, #tpu.memory_space<vmem>>
    %dma_start3A_1582 = tpu.memref_squeeze %dma_start3A_1581 : memref<1x80xi32, #tpu.memory_space<vmem>> -> memref<80xi32, #tpu.memory_space<vmem>>
    %dma_start3A_1583 = arith.constant 0 : i32
    %dma_start3A_1584 = arith.constant 0 : i32
    %dma_start3A_1585 = tpu.memref_slice %arg14[%dma_start3A_1583, %dma_start3A_1584] : memref<128x128xf32, #tpu.memory_space<vmem_shared>> -> memref<128x128xf32, #tpu.memory_space<vmem_shared>>
    tpu.enqueue_indirect_dma source(%dma_start3A_1579 : memref<80x128xf32, #tpu.memory_space<vmem>>) target(%dma_start3A_1585 : memref<128x128xf32, #tpu.memory_space<vmem_shared>>) offsets(%dma_start3A_1582 : memref<80xi32, #tpu.memory_space<vmem>>) semaphore(%arg19 : memref<!tpu.dma_semaphore, #tpu.memory_space<semaphore_mem>>) {add = true}
    %dma_start3A_1586 = arith.constant 1 : i32
    %dma_start3A_1587 = arith.constant 80 : i32
    %dma_start3A_1588 = arith.constant 0 : i32
    %dma_start3A_1589 = tpu.memref_slice %arg6[%dma_start3A_1587, %dma_start3A_1588] : memref<400x128xf32, #tpu.memory_space<vmem>> -> memref<80x128xf32, #tpu.memory_space<vmem>>
    %dma_start3A_1590 = arith.constant 0 : i32
    %dma_start3A_1591 = tpu.memref_slice %arg10[%dma_start3A_1586, %dma_start3A_1590] : memref<5x80xi32, #tpu.memory_space<vmem>> -> memref<1x80xi32, #tpu.memory_space<vmem>>
    %dma_start3A_1592 = tpu.memref_squeeze %dma_start3A_1591 : memref<1x80xi32, #tpu.memory_space<vmem>> -> memref<80xi32, #tpu.memory_space<vmem>>
    %dma_start3A_1593 = arith.constant 0 : i32
    %dma_start3A_1594 = arith.constant 0 : i32
    %dma_start3A_1595 = tpu.memref_slice %arg14[%dma_start3A_1593, %dma_start3A_1594] : memref<128x128xf32, #tpu.memory_space<vmem_shared>> -> memref<128x128xf32, #tpu.memory_space<vmem_shared>>
    tpu.enqueue_indirect_dma source(%dma_start3A_1589 : memref<80x128xf32, #tpu.memory_space<vmem>>) target(%dma_start3A_1595 : memref<128x128xf32, #tpu.memory_space<vmem_shared>>) offsets(%dma_start3A_1592 : memref<80xi32, #tpu.memory_space<vmem>>) semaphore(%arg19 : memref<!tpu.dma_semaphore, #tpu.memory_space<semaphore_mem>>) {add = true}
    %dma_start3A_1596 = arith.constant 2 : i32
    %dma_start3A_1597 = arith.constant 160 : i32
    %dma_start3A_1598 = arith.constant 0 : i32
    %dma_start3A_1599 = tpu.memref_slice %arg6[%dma_start3A_1597, %dma_start3A_1598] : memref<400x128xf32, #tpu.memory_space<vmem>> -> memref<80x128xf32, #tpu.memory_space<vmem>>
    %dma_start3A_1600 = arith.constant 0 : i32
    %dma_start3A_1601 = tpu.memref_slice %arg10[%dma_start3A_1596, %dma_start3A_1600] : memref<5x80xi32, #tpu.memory_space<vmem>> -> memref<1x80xi32, #tpu.memory_space<vmem>>
    %dma_start3A_1602 = tpu.memref_squeeze %dma_start3A_1601 : memref<1x80xi32, #tpu.memory_space<vmem>> -> memref<80xi32, #tpu.memory_space<vmem>>
    %dma_start3A_1603 = arith.constant 0 : i32
    %dma_start3A_1604 = arith.constant 0 : i32
    %dma_start3A_1605 = tpu.memref_slice %arg14[%dma_start3A_1603, %dma_start3A_1604] : memref<128x128xf32, #tpu.memory_space<vmem_shared>> -> memref<128x128xf32, #tpu.memory_space<vmem_shared>>
    tpu.enqueue_indirect_dma source(%dma_start3A_1599 : memref<80x128xf32, #tpu.memory_space<vmem>>) target(%dma_start3A_1605 : memref<128x128xf32, #tpu.memory_space<vmem_shared>>) offsets(%dma_start3A_1602 : memref<80xi32, #tpu.memory_space<vmem>>) semaphore(%arg19 : memref<!tpu.dma_semaphore, #tpu.memory_space<semaphore_mem>>) {add = true}
    %dma_start3A_1606 = arith.constant 3 : i32
    %dma_start3A_1607 = arith.constant 240 : i32
    %dma_start3A_1608 = arith.constant 0 : i32
    %dma_start3A_1609 = tpu.memref_slice %arg6[%dma_start3A_1607, %dma_start3A_1608] : memref<400x128xf32, #tpu.memory_space<vmem>> -> memref<80x128xf32, #tpu.memory_space<vmem>>
    %dma_start3A_1610 = arith.constant 0 : i32
    %dma_start3A_1611 = tpu.memref_slice %arg10[%dma_start3A_1606, %dma_start3A_1610] : memref<5x80xi32, #tpu.memory_space<vmem>> -> memref<1x80xi32, #tpu.memory_space<vmem>>
    %dma_start3A_1612 = tpu.memref_squeeze %dma_start3A_1611 : memref<1x80xi32, #tpu.memory_space<vmem>> -> memref<80xi32, #tpu.memory_space<vmem>>
    %dma_start3A_1613 = arith.constant 0 : i32
    %dma_start3A_1614 = arith.constant 0 : i32
    %dma_start3A_1615 = tpu.memref_slice %arg14[%dma_start3A_1613, %dma_start3A_1614] : memref<128x128xf32, #tpu.memory_space<vmem_shared>> -> memref<128x128xf32, #tpu.memory_space<vmem_shared>>
    tpu.enqueue_indirect_dma source(%dma_start3A_1609 : memref<80x128xf32, #tpu.memory_space<vmem>>) target(%dma_start3A_1615 : memref<128x128xf32, #tpu.memory_space<vmem_shared>>) offsets(%dma_start3A_1612 : memref<80xi32, #tpu.memory_space<vmem>>) semaphore(%arg19 : memref<!tpu.dma_semaphore, #tpu.memory_space<semaphore_mem>>) {add = true}
    %dma_start3A_1616 = arith.constant 4 : i32
    %dma_start3A_1617 = arith.constant 320 : i32
    %dma_start3A_1618 = arith.constant 0 : i32
    %dma_start3A_1619 = tpu.memref_slice %arg6[%dma_start3A_1617, %dma_start3A_1618] : memref<400x128xf32, #tpu.memory_space<vmem>> -> memref<80x128xf32, #tpu.memory_space<vmem>>
    %dma_start3A_1620 = arith.constant 0 : i32
    %dma_start3A_1621 = tpu.memref_slice %arg10[%dma_start3A_1616, %dma_start3A_1620] : memref<5x80xi32, #tpu.memory_space<vmem>> -> memref<1x80xi32, #tpu.memory_space<vmem>>
    %dma_start3A_1622 = tpu.memref_squeeze %dma_start3A_1621 : memref<1x80xi32, #tpu.memory_space<vmem>> -> memref<80xi32, #tpu.memory_space<vmem>>
    %dma_start3A_1623 = arith.constant 0 : i32
    %dma_start3A_1624 = arith.constant 0 : i32
    %dma_start3A_1625 = tpu.memref_slice %arg14[%dma_start3A_1623, %dma_start3A_1624] : memref<128x128xf32, #tpu.memory_space<vmem_shared>> -> memref<128x128xf32, #tpu.memory_space<vmem_shared>>
    tpu.enqueue_indirect_dma source(%dma_start3A_1619 : memref<80x128xf32, #tpu.memory_space<vmem>>) target(%dma_start3A_1625 : memref<128x128xf32, #tpu.memory_space<vmem_shared>>) offsets(%dma_start3A_1622 : memref<80xi32, #tpu.memory_space<vmem>>) semaphore(%arg19 : memref<!tpu.dma_semaphore, #tpu.memory_space<semaphore_mem>>) {add = true}
    %dma_wait3A_1626 = arith.constant 0 : i32
    %dma_wait3A_1627 = arith.constant 0 : i32
    %dma_wait3A_1628 = arith.constant 0 : i32
    %dma_wait3A_1629 = tpu.memref_slice %arg6[%dma_wait3A_1627, %dma_wait3A_1628] : memref<400x128xf32, #tpu.memory_space<vmem>> -> memref<80x128xf32, #tpu.memory_space<vmem>>
    %dma_wait3A_1630 = arith.constant 0 : i32
    %dma_wait3A_1631 = tpu.memref_slice %arg10[%dma_wait3A_1626, %dma_wait3A_1630] : memref<5x80xi32, #tpu.memory_space<vmem>> -> memref<1x80xi32, #tpu.memory_space<vmem>>
    %dma_wait3A_1632 = tpu.memref_squeeze %dma_wait3A_1631 : memref<1x80xi32, #tpu.memory_space<vmem>> -> memref<80xi32, #tpu.memory_space<vmem>>
    %dma_wait3A_1633 = arith.constant 0 : i32
    %dma_wait3A_1634 = arith.constant 0 : i32
    %dma_wait3A_1635 = tpu.memref_slice %arg14[%dma_wait3A_1633, %dma_wait3A_1634] : memref<128x128xf32, #tpu.memory_space<vmem_shared>> -> memref<128x128xf32, #tpu.memory_space<vmem_shared>>
    tpu.wait_indirect_dma semaphore(%arg19 : memref<!tpu.dma_semaphore, #tpu.memory_space<semaphore_mem>>) src(%dma_wait3A_1629 : memref<80x128xf32, #tpu.memory_space<vmem>>) dst(%dma_wait3A_1635 : memref<128x128xf32, #tpu.memory_space<vmem_shared>>)
    %dma_wait3A_1636 = arith.constant 1 : i32
    %dma_wait3A_1637 = arith.constant 80 : i32
    %dma_wait3A_1638 = arith.constant 0 : i32
    %dma_wait3A_1639 = tpu.memref_slice %arg6[%dma_wait3A_1637, %dma_wait3A_1638] : memref<400x128xf32, #tpu.memory_space<vmem>> -> memref<80x128xf32, #tpu.memory_space<vmem>>
    %dma_wait3A_1640 = arith.constant 0 : i32
    %dma_wait3A_1641 = tpu.memref_slice %arg10[%dma_wait3A_1636, %dma_wait3A_1640] : memref<5x80xi32, #tpu.memory_space<vmem>> -> memref<1x80xi32, #tpu.memory_space<vmem>>
    %dma_wait3A_1642 = tpu.memref_squeeze %dma_wait3A_1641 : memref<1x80xi32, #tpu.memory_space<vmem>> -> memref<80xi32, #tpu.memory_space<vmem>>
    %dma_wait3A_1643 = arith.constant 0 : i32
    %dma_wait3A_1644 = arith.constant 0 : i32
    %dma_wait3A_1645 = tpu.memref_slice %arg14[%dma_wait3A_1643, %dma_wait3A_1644] : memref<128x128xf32, #tpu.memory_space<vmem_shared>> -> memref<128x128xf32, #tpu.memory_space<vmem_shared>>
    tpu.wait_indirect_dma semaphore(%arg19 : memref<!tpu.dma_semaphore, #tpu.memory_space<semaphore_mem>>) src(%dma_wait3A_1639 : memref<80x128xf32, #tpu.memory_space<vmem>>) dst(%dma_wait3A_1645 : memref<128x128xf32, #tpu.memory_space<vmem_shared>>)
    %dma_wait3A_1646 = arith.constant 2 : i32
    %dma_wait3A_1647 = arith.constant 160 : i32
    %dma_wait3A_1648 = arith.constant 0 : i32
    %dma_wait3A_1649 = tpu.memref_slice %arg6[%dma_wait3A_1647, %dma_wait3A_1648] : memref<400x128xf32, #tpu.memory_space<vmem>> -> memref<80x128xf32, #tpu.memory_space<vmem>>
    %dma_wait3A_1650 = arith.constant 0 : i32
    %dma_wait3A_1651 = tpu.memref_slice %arg10[%dma_wait3A_1646, %dma_wait3A_1650] : memref<5x80xi32, #tpu.memory_space<vmem>> -> memref<1x80xi32, #tpu.memory_space<vmem>>
    %dma_wait3A_1652 = tpu.memref_squeeze %dma_wait3A_1651 : memref<1x80xi32, #tpu.memory_space<vmem>> -> memref<80xi32, #tpu.memory_space<vmem>>
    %dma_wait3A_1653 = arith.constant 0 : i32
    %dma_wait3A_1654 = arith.constant 0 : i32
    %dma_wait3A_1655 = tpu.memref_slice %arg14[%dma_wait3A_1653, %dma_wait3A_1654] : memref<128x128xf32, #tpu.memory_space<vmem_shared>> -> memref<128x128xf32, #tpu.memory_space<vmem_shared>>
    tpu.wait_indirect_dma semaphore(%arg19 : memref<!tpu.dma_semaphore, #tpu.memory_space<semaphore_mem>>) src(%dma_wait3A_1649 : memref<80x128xf32, #tpu.memory_space<vmem>>) dst(%dma_wait3A_1655 : memref<128x128xf32, #tpu.memory_space<vmem_shared>>)
    %dma_wait3A_1656 = arith.constant 3 : i32
    %dma_wait3A_1657 = arith.constant 240 : i32
    %dma_wait3A_1658 = arith.constant 0 : i32
    %dma_wait3A_1659 = tpu.memref_slice %arg6[%dma_wait3A_1657, %dma_wait3A_1658] : memref<400x128xf32, #tpu.memory_space<vmem>> -> memref<80x128xf32, #tpu.memory_space<vmem>>
    %dma_wait3A_1660 = arith.constant 0 : i32
    %dma_wait3A_1661 = tpu.memref_slice %arg10[%dma_wait3A_1656, %dma_wait3A_1660] : memref<5x80xi32, #tpu.memory_space<vmem>> -> memref<1x80xi32, #tpu.memory_space<vmem>>
    %dma_wait3A_1662 = tpu.memref_squeeze %dma_wait3A_1661 : memref<1x80xi32, #tpu.memory_space<vmem>> -> memref<80xi32, #tpu.memory_space<vmem>>
    %dma_wait3A_1663 = arith.constant 0 : i32
    %dma_wait3A_1664 = arith.constant 0 : i32
    %dma_wait3A_1665 = tpu.memref_slice %arg14[%dma_wait3A_1663, %dma_wait3A_1664] : memref<128x128xf32, #tpu.memory_space<vmem_shared>> -> memref<128x128xf32, #tpu.memory_space<vmem_shared>>
    tpu.wait_indirect_dma semaphore(%arg19 : memref<!tpu.dma_semaphore, #tpu.memory_space<semaphore_mem>>) src(%dma_wait3A_1659 : memref<80x128xf32, #tpu.memory_space<vmem>>) dst(%dma_wait3A_1665 : memref<128x128xf32, #tpu.memory_space<vmem_shared>>)
    %dma_wait3A_1666 = arith.constant 4 : i32
    %dma_wait3A_1667 = arith.constant 320 : i32
    %dma_wait3A_1668 = arith.constant 0 : i32
    %dma_wait3A_1669 = tpu.memref_slice %arg6[%dma_wait3A_1667, %dma_wait3A_1668] : memref<400x128xf32, #tpu.memory_space<vmem>> -> memref<80x128xf32, #tpu.memory_space<vmem>>
    %dma_wait3A_1670 = arith.constant 0 : i32
    %dma_wait3A_1671 = tpu.memref_slice %arg10[%dma_wait3A_1666, %dma_wait3A_1670] : memref<5x80xi32, #tpu.memory_space<vmem>> -> memref<1x80xi32, #tpu.memory_space<vmem>>
    %dma_wait3A_1672 = tpu.memref_squeeze %dma_wait3A_1671 : memref<1x80xi32, #tpu.memory_space<vmem>> -> memref<80xi32, #tpu.memory_space<vmem>>
    %dma_wait3A_1673 = arith.constant 0 : i32
    %dma_wait3A_1674 = arith.constant 0 : i32
    %dma_wait3A_1675 = tpu.memref_slice %arg14[%dma_wait3A_1673, %dma_wait3A_1674] : memref<128x128xf32, #tpu.memory_space<vmem_shared>> -> memref<128x128xf32, #tpu.memory_space<vmem_shared>>
    tpu.wait_indirect_dma semaphore(%arg19 : memref<!tpu.dma_semaphore, #tpu.memory_space<semaphore_mem>>) src(%dma_wait3A_1669 : memref<80x128xf32, #tpu.memory_space<vmem>>) dst(%dma_wait3A_1675 : memref<128x128xf32, #tpu.memory_space<vmem_shared>>)
    %swap3A_1676 = arith.constant 0 : i32
    %swap3A_1677 = arith.index_cast %swap3A_1676 : i32 to index
    %swap3A_1678 = arith.constant 0 : index
    %swap3A_1679 = tpu.vector_load %arg13[%swap3A_1677, %swap3A_1678] {strides = array<i32>} : memref<8x16xf32, #tpu.memory_space<vmem>>, vector<1x16xf32>,
    %swap3A_1680 = vector.shape_cast %swap3A_1679 : vector<1x16xf32> to vector<16xf32>
    %swap3A_1681 = vector.shape_cast %add3A_1537 : vector<16xf32> to vector<1x16xf32>
    tpu.vector_store %arg13[%swap3A_1677, %swap3A_1678], %swap3A_1681 {strides = array<i32>} : memref<8x16xf32, #tpu.memory_space<vmem>>, vector<1x16xf32>,
    %swap3A_1682 = arith.constant 1 : i32
    %swap3A_1683 = arith.index_cast %swap3A_1682 : i32 to index
    %swap3A_1684 = arith.constant 0 : index
    %swap3A_1685 = tpu.vector_load %arg13[%swap3A_1683, %swap3A_1684] {strides = array<i32>} : memref<8x16xf32, #tpu.memory_space<vmem>>, vector<1x16xf32>,
    %swap3A_1686 = vector.shape_cast %swap3A_1685 : vector<1x16xf32> to vector<16xf32>
    %swap3A_1687 = vector.shape_cast %add3A_1542 : vector<16xf32> to vector<1x16xf32>
    tpu.vector_store %arg13[%swap3A_1683, %swap3A_1684], %swap3A_1687 {strides = array<i32>} : memref<8x16xf32, #tpu.memory_space<vmem>>, vector<1x16xf32>,
    %swap3A_1688 = arith.constant 2 : i32
    %swap3A_1689 = arith.index_cast %swap3A_1688 : i32 to index
    %swap3A_1690 = arith.constant 0 : index
    %swap3A_1691 = tpu.vector_load %arg13[%swap3A_1689, %swap3A_1690] {strides = array<i32>} : memref<8x16xf32, #tpu.memory_space<vmem>>, vector<1x16xf32>,
    %swap3A_1692 = vector.shape_cast %swap3A_1691 : vector<1x16xf32> to vector<16xf32>
    %swap3A_1693 = vector.shape_cast %add3A_1547 : vector<16xf32> to vector<1x16xf32>
    tpu.vector_store %arg13[%swap3A_1689, %swap3A_1690], %swap3A_1693 {strides = array<i32>} : memref<8x16xf32, #tpu.memory_space<vmem>>, vector<1x16xf32>,
    %swap3A_1694 = arith.constant 3 : i32
    %swap3A_1695 = arith.index_cast %swap3A_1694 : i32 to index
    %swap3A_1696 = arith.constant 0 : index
    %swap3A_1697 = tpu.vector_load %arg13[%swap3A_1695, %swap3A_1696] {strides = array<i32>} : memref<8x16xf32, #tpu.memory_space<vmem>>, vector<1x16xf32>,
    %swap3A_1698 = vector.shape_cast %swap3A_1697 : vector<1x16xf32> to vector<16xf32>
    %swap3A_1699 = vector.shape_cast %add3A_1552 : vector<16xf32> to vector<1x16xf32>
    tpu.vector_store %arg13[%swap3A_1695, %swap3A_1696], %swap3A_1699 {strides = array<i32>} : memref<8x16xf32, #tpu.memory_space<vmem>>, vector<1x16xf32>,
    %swap3A_1700 = arith.constant 4 : i32
    %swap3A_1701 = arith.index_cast %swap3A_1700 : i32 to index
    %swap3A_1702 = arith.constant 0 : index
    %swap3A_1703 = tpu.vector_load %arg13[%swap3A_1701, %swap3A_1702] {strides = array<i32>} : memref<8x16xf32, #tpu.memory_space<vmem>>, vector<1x16xf32>,
    %swap3A_1704 = vector.shape_cast %swap3A_1703 : vector<1x16xf32> to vector<16xf32>
    %swap3A_1705 = vector.shape_cast %add3A_1557 : vector<16xf32> to vector<1x16xf32>
    tpu.vector_store %arg13[%swap3A_1701, %swap3A_1702], %swap3A_1705 {strides = array<i32>} : memref<8x16xf32, #tpu.memory_space<vmem>>, vector<1x16xf32>,
    %swap3A_1706 = arith.constant 5 : i32
    %swap3A_1707 = arith.index_cast %swap3A_1706 : i32 to index
    %swap3A_1708 = arith.constant 0 : index
    %swap3A_1709 = tpu.vector_load %arg13[%swap3A_1707, %swap3A_1708] {strides = array<i32>} : memref<8x16xf32, #tpu.memory_space<vmem>>, vector<1x16xf32>,
    %swap3A_1710 = vector.shape_cast %swap3A_1709 : vector<1x16xf32> to vector<16xf32>
    %swap3A_1711 = vector.shape_cast %add3A_1562 : vector<16xf32> to vector<1x16xf32>
    tpu.vector_store %arg13[%swap3A_1707, %swap3A_1708], %swap3A_1711 {strides = array<i32>} : memref<8x16xf32, #tpu.memory_space<vmem>>, vector<1x16xf32>,
    %swap3A_1712 = arith.constant 6 : i32
    %swap3A_1713 = arith.index_cast %swap3A_1712 : i32 to index
    %swap3A_1714 = arith.constant 0 : index
    %swap3A_1715 = tpu.vector_load %arg13[%swap3A_1713, %swap3A_1714] {strides = array<i32>} : memref<8x16xf32, #tpu.memory_space<vmem>>, vector<1x16xf32>,
    %swap3A_1716 = vector.shape_cast %swap3A_1715 : vector<1x16xf32> to vector<16xf32>
    %swap3A_1717 = vector.shape_cast %add3A_1567 : vector<16xf32> to vector<1x16xf32>
    tpu.vector_store %arg13[%swap3A_1713, %swap3A_1714], %swap3A_1717 {strides = array<i32>} : memref<8x16xf32, #tpu.memory_space<vmem>>, vector<1x16xf32>,
    %swap3A_1718 = arith.constant 7 : i32
    %swap3A_1719 = arith.index_cast %swap3A_1718 : i32 to index
    %swap3A_1720 = arith.constant 0 : index
    %swap3A_1721 = tpu.vector_load %arg13[%swap3A_1719, %swap3A_1720] {strides = array<i32>} : memref<8x16xf32, #tpu.memory_space<vmem>>, vector<1x16xf32>,
    %swap3A_1722 = vector.shape_cast %swap3A_1721 : vector<1x16xf32> to vector<16xf32>
    %swap3A_1723 = vector.shape_cast %broadcast_in_dim3A_398 : vector<16xf32> to vector<1x16xf32>
    tpu.vector_store %arg13[%swap3A_1719, %swap3A_1720], %swap3A_1723 {strides = array<i32>} : memref<8x16xf32, #tpu.memory_space<vmem>>, vector<1x16xf32>,
    "tpu.region"() ({
      %run_scoped3A = tpu.sem_alloc : memref<!tpu.dma_semaphore, #tpu.memory_space<semaphore_mem>>
      %dma_start3A_1724 = arith.constant 0 : i32
      %dma_start3A_1725 = arith.constant 0 : i32
      %dma_start3A_1726 = tpu.memref_slice %arg4[%add3A, %dma_start3A_1724, %dma_start3A_1725] : memref<32x8x128xf32, #tpu.memory_space<hbm>> -> memref<1x8x128xf32, #tpu.memory_space<hbm>>
      %dma_start3A_1727 = tpu.memref_squeeze %dma_start3A_1726 : memref<1x8x128xf32, #tpu.memory_space<hbm>> -> memref<8x128xf32, #tpu.memory_space<hbm>>
      %dma_start3A_1728 = arith.constant 0 : i32
      %dma_start3A_1729 = tpu.memref_slice %arg14[%mul3A_4, %dma_start3A_1728] : memref<128x128xf32, #tpu.memory_space<vmem_shared>> -> memref<8x128xf32, #tpu.memory_space<vmem_shared>>
      tpu.enqueue_dma source(%dma_start3A_1729 : memref<8x128xf32, #tpu.memory_space<vmem_shared>>) target(%dma_start3A_1727 : memref<8x128xf32, #tpu.memory_space<hbm>>) target_semaphore(%run_scoped3A : memref<!tpu.dma_semaphore, #tpu.memory_space<semaphore_mem>>)
      %dma_wait3A_1730 = arith.constant 0 : i32
      %dma_wait3A_1731 = arith.constant 0 : i32
      %dma_wait3A_1732 = tpu.memref_slice %arg4[%add3A, %dma_wait3A_1730, %dma_wait3A_1731] : memref<32x8x128xf32, #tpu.memory_space<hbm>> -> memref<1x8x128xf32, #tpu.memory_space<hbm>>
      %dma_wait3A_1733 = tpu.memref_squeeze %dma_wait3A_1732 : memref<1x8x128xf32, #tpu.memory_space<hbm>> -> memref<8x128xf32, #tpu.memory_space<hbm>>
      %dma_wait3A_1734 = arith.constant 0 : i32
      %dma_wait3A_1735 = tpu.memref_slice %arg14[%mul3A_4, %dma_wait3A_1734] : memref<128x128xf32, #tpu.memory_space<vmem_shared>> -> memref<8x128xf32, #tpu.memory_space<vmem_shared>>
      tpu.wait_dma2 semaphore(%run_scoped3A : memref<!tpu.dma_semaphore, #tpu.memory_space<semaphore_mem>>) src(%dma_wait3A_1735 : memref<8x128xf32, #tpu.memory_space<vmem_shared>>) dst(%dma_wait3A_1733 : memref<8x128xf32, #tpu.memory_space<hbm>>)
      tpu.yield
    }) : () -> ()
    "tpu.region"() ({
      %run_scoped3A = tpu.sem_alloc : memref<!tpu.dma_semaphore, #tpu.memory_space<semaphore_mem>>
      %dma_start3A_1724 = arith.constant 0 : i32
      %dma_start3A_1725 = arith.constant 0 : i32
      %dma_start3A_1726 = tpu.memref_slice %arg5[%add3A, %dma_start3A_1724, %dma_start3A_1725] : memref<32x8x16xf32, #tpu.memory_space<hbm>> -> memref<1x8x16xf32, #tpu.memory_space<hbm>>
      %dma_start3A_1727 = tpu.memref_squeeze %dma_start3A_1726 : memref<1x8x16xf32, #tpu.memory_space<hbm>> -> memref<8x16xf32, #tpu.memory_space<hbm>>
      %dma_start3A_1728 = arith.constant 0 : i32
      %dma_start3A_1729 = arith.constant 0 : i32
      %dma_start3A_1730 = tpu.memref_slice %arg5[%add3A, %dma_start3A_1728, %dma_start3A_1729] : memref<32x8x16xf32, #tpu.memory_space<hbm>> -> memref<1x8x16xf32, #tpu.memory_space<hbm>>
      %dma_start3A_1731 = tpu.memref_squeeze %dma_start3A_1730 : memref<1x8x16xf32, #tpu.memory_space<hbm>> -> memref<8x16xf32, #tpu.memory_space<hbm>>
      tpu.enqueue_dma source(%arg13 : memref<8x16xf32, #tpu.memory_space<vmem>>) target(%dma_start3A_1731 : memref<8x16xf32, #tpu.memory_space<hbm>>) target_semaphore(%run_scoped3A : memref<!tpu.dma_semaphore, #tpu.memory_space<semaphore_mem>>)
      %dma_wait3A_1732 = arith.constant 0 : i32
      %dma_wait3A_1733 = arith.constant 0 : i32
      %dma_wait3A_1734 = tpu.memref_slice %arg5[%add3A, %dma_wait3A_1732, %dma_wait3A_1733] : memref<32x8x16xf32, #tpu.memory_space<hbm>> -> memref<1x8x16xf32, #tpu.memory_space<hbm>>
      %dma_wait3A_1735 = tpu.memref_squeeze %dma_wait3A_1734 : memref<1x8x16xf32, #tpu.memory_space<hbm>> -> memref<8x16xf32, #tpu.memory_space<hbm>>
      %dma_wait3A_1736 = arith.constant 0 : i32
      %dma_wait3A_1737 = arith.constant 0 : i32
      %dma_wait3A_1738 = tpu.memref_slice %arg5[%add3A, %dma_wait3A_1736, %dma_wait3A_1737] : memref<32x8x16xf32, #tpu.memory_space<hbm>> -> memref<1x8x16xf32, #tpu.memory_space<hbm>>
      %dma_wait3A_1739 = tpu.memref_squeeze %dma_wait3A_1738 : memref<1x8x16xf32, #tpu.memory_space<hbm>> -> memref<8x16xf32, #tpu.memory_space<hbm>>
      tpu.wait_dma2 semaphore(%run_scoped3A : memref<!tpu.dma_semaphore, #tpu.memory_space<semaphore_mem>>) src(%arg13 : memref<8x16xf32, #tpu.memory_space<vmem>>) dst(%dma_wait3A_1739 : memref<8x16xf32, #tpu.memory_space<hbm>>)
      tpu.yield
    }) : () -> ()
    return
  }
}

module attributes {stable_mosaic.version = 14 : i64} {
  func.func @_tc_segment_body(%arg0: i32, %arg1: memref<4000x128xf32, #tpu.memory_space<vmem>>, %arg2: memref<1x1x4000xi32, #tpu.memory_space<vmem>>, %arg3: memref<8x128xf32, #tpu.memory_space<vmem>>, %arg4: memref<8x128xf32, #tpu.memory_space<vmem>>) attributes {dimension_semantics = [#tpu.dimension_semantics<arbitrary>], iteration_bounds = array<i64: 32>, scalar_prefetch = 0 : i64, scratch_operands = 0 : i64, tpu.core_type = #tpu.core_type<tc>, window_params = [{transform_indices = @transform_0, window_bounds = array<i64: 4000, 128>}, {transform_indices = @transform_1, window_bounds = array<i64: 1, 1, 4000>}, {pipeline_mode = #tpu.pipeline_mode<synchronous>, transform_indices = @transform_2, window_bounds = array<i64: 8, 128>}, {pipeline_mode = #tpu.pipeline_mode<synchronous>, transform_indices = @transform_3, window_bounds = array<i64: 8, 128>}]} {
    %get3A = arith.constant 0 : index
    %get3A_0 = arith.constant 0 : index
    %get3A_1 = arith.constant 0 : index
    %get3A_2 = vector.load %arg2[%get3A, %get3A_0, %get3A_1] : memref<1x1x4000xi32, #tpu.memory_space<vmem>>, vector<1x1x4000xi32>
    %get3A_3 = vector.shape_cast %get3A_2 : vector<1x1x4000xi32> to vector<4000xi32>
    %broadcast_in_dim3A = vector.shape_cast %get3A_3 : vector<4000xi32> to vector<4000x1xi32>
    %iota3A = tpu.iota {dimensions = array<i32: 1>} : vector<4000x8xi32>
    %eq3A = vector.broadcast %broadcast_in_dim3A : vector<4000x1xi32> to vector<4000x8xi32>
    %eq3A_4 = arith.cmpi eq, %eq3A, %iota3A : vector<4000x8xi32>
    %convert_element_type3A = arith.extui %eq3A_4 : vector<4000x8xi1> to vector<4000x8xi32>
    %convert_element_type3A_5 = arith.sitofp %convert_element_type3A : vector<4000x8xi32> to vector<4000x8xf32>
    %get3A_6 = arith.constant 0 : index
    %get3A_7 = arith.constant 0 : index
    %get3A_8 = vector.load %arg1[%get3A_6, %get3A_7] : memref<4000x128xf32, #tpu.memory_space<vmem>>, vector<4000x128xf32>
    %dot_general3A = arith.constant dense<0.000000e+00> : vector<8x128xf32>
    %dot_general3A_9 = tpu.matmul %convert_element_type3A_5, %get3A_8, %dot_general3A {dimension_numbers = #tpu.dot_dimension_numbers<[0], [0], [1], [1], [0, 1, 1, 1], [], []>, transpose_lhs_hint = false} : vector<4000x8xf32>, vector<4000x128xf32>, vector<8x128xf32> -> vector<8x128xf32>
    %reduce_sum3A = arith.constant dense<0.000000e+00> : vector<8xf32>
    %reduce_sum3A_10 = vector.multi_reduction <add>, %convert_element_type3A_5, %reduce_sum3A [0] : vector<4000x8xf32> to vector<8xf32>
    %broadcast_in_dim3A_11 = vector.shape_cast %reduce_sum3A_10 : vector<8xf32> to vector<8x1xf32>
    %broadcast_in_dim3A_12 = vector.shape_cast %broadcast_in_dim3A_11 : vector<8x1xf32> to vector<8x1xf32>
    %broadcast_in_dim3A_13 = vector.broadcast %broadcast_in_dim3A_12 : vector<8x1xf32> to vector<8x128xf32>
    %eq3A_14 = arith.constant 0 : i32
    %eq3A_15 = arith.cmpi eq, %arg0, %eq3A_14 : i32
    %convert_element_type3A_16 = arith.extui %eq3A_15 : i1 to i32
    %cond3A = arith.constant 0 : i32
    %cond3A_17 = arith.cmpi ne, %convert_element_type3A_16, %cond3A : i32
    scf.if %cond3A_17 {
      %swap3A = arith.constant 0 : index
      %swap3A_22 = arith.constant 0 : index
      %swap3A_23 = vector.load %arg3[%swap3A, %swap3A_22] : memref<8x128xf32, #tpu.memory_space<vmem>>, vector<8x128xf32>
      tpu.vector_store %arg3[%swap3A, %swap3A_22], %dot_general3A_9 {strides = array<i32>} : memref<8x128xf32, #tpu.memory_space<vmem>>, vector<8x128xf32>,
      %swap3A_24 = arith.constant 0 : index
      %swap3A_25 = arith.constant 0 : index
      %swap3A_26 = vector.load %arg4[%swap3A_24, %swap3A_25] : memref<8x128xf32, #tpu.memory_space<vmem>>, vector<8x128xf32>
      tpu.vector_store %arg4[%swap3A_24, %swap3A_25], %broadcast_in_dim3A_13 {strides = array<i32>} : memref<8x128xf32, #tpu.memory_space<vmem>>, vector<8x128xf32>,
    } else {
    }
    %ne3A = arith.constant 0 : i32
    %ne3A_18 = arith.cmpi ne, %arg0, %ne3A : i32
    %convert_element_type3A_19 = arith.extui %ne3A_18 : i1 to i32
    %cond3A_20 = arith.constant 0 : i32
    %cond3A_21 = arith.cmpi ne, %convert_element_type3A_19, %cond3A_20 : i32
    scf.if %cond3A_21 {
      %get3A_22 = arith.constant 0 : index
      %get3A_23 = arith.constant 0 : index
      %get3A_24 = vector.load %arg3[%get3A_22, %get3A_23] : memref<8x128xf32, #tpu.memory_space<vmem>>, vector<8x128xf32>
      %add3A = arith.addf %get3A_24, %dot_general3A_9 : vector<8x128xf32>
      %swap3A = arith.constant 0 : index
      %swap3A_25 = arith.constant 0 : index
      %swap3A_26 = vector.load %arg3[%swap3A, %swap3A_25] : memref<8x128xf32, #tpu.memory_space<vmem>>, vector<8x128xf32>
      tpu.vector_store %arg3[%swap3A, %swap3A_25], %add3A {strides = array<i32>} : memref<8x128xf32, #tpu.memory_space<vmem>>, vector<8x128xf32>,
      %get3A_27 = arith.constant 0 : index
      %get3A_28 = arith.constant 0 : index
      %get3A_29 = vector.load %arg4[%get3A_27, %get3A_28] : memref<8x128xf32, #tpu.memory_space<vmem>>, vector<8x128xf32>
      %add3A_30 = arith.addf %get3A_29, %broadcast_in_dim3A_13 : vector<8x128xf32>
      %swap3A_31 = arith.constant 0 : index
      %swap3A_32 = arith.constant 0 : index
      %swap3A_33 = vector.load %arg4[%swap3A_31, %swap3A_32] : memref<8x128xf32, #tpu.memory_space<vmem>>, vector<8x128xf32>
      tpu.vector_store %arg4[%swap3A_31, %swap3A_32], %add3A_30 {strides = array<i32>} : memref<8x128xf32, #tpu.memory_space<vmem>>, vector<8x128xf32>,
    } else {
    }
    return
  }
  func.func @transform_0(%arg0: i32) -> (i32, i32) {
    %add3A = arith.constant 48 : i32
    %add3A_0 = arith.addi %add3A, %arg0 : i32
    %c0_i32 = arith.constant 0 : i32
    %c0_i32_1 = arith.constant 0 : i32
    return %add3A_0, %c0_i32 : i32, i32
  }
  func.func @transform_1(%arg0: i32) -> (i32, i32, i32) {
    %add3A = arith.constant 48 : i32
    %add3A_0 = arith.addi %add3A, %arg0 : i32
    %c0_i32 = arith.constant 0 : i32
    %c0_i32_1 = arith.constant 0 : i32
    %c0_i32_2 = arith.constant 0 : i32
    return %add3A_0, %c0_i32, %c0_i32_1 : i32, i32, i32
  }
  func.func @transform_2(%arg0: i32) -> (i32, i32) {
    %c0_i32 = arith.constant 0 : i32
    %c0_i32_0 = arith.constant 0 : i32
    %c0_i32_1 = arith.constant 0 : i32
    return %c0_i32, %c0_i32_0 : i32, i32
  }
  func.func @transform_3(%arg0: i32) -> (i32, i32) {
    %c0_i32 = arith.constant 0 : i32
    %c0_i32_0 = arith.constant 0 : i32
    %c0_i32_1 = arith.constant 0 : i32
    return %c0_i32, %c0_i32_0 : i32, i32
  }
}

module attributes {stable_mosaic.version = 14 : i64} {
  func.func @_tc_finish_body(%arg0: memref<7x128xf32, #tpu.memory_space<vmem>>, %arg1: memref<32x8x128xf32, #tpu.memory_space<vmem>>, %arg2: memref<32x8x16xf32, #tpu.memory_space<vmem>>, %arg3: memref<8x128xf32, #tpu.memory_space<vmem>>, %arg4: memref<8x128xf32, #tpu.memory_space<vmem>>, %arg5: memref<1x1xf32, #tpu.memory_space<vmem>>, %arg6: memref<7x128xf32, #tpu.memory_space<vmem>>) attributes {dimension_semantics = [], scalar_prefetch = 0 : i64, scratch_operands = 0 : i64, tpu.core_type = #tpu.core_type<tc>} {
    %get3A = arith.constant 0 : index
    %get3A_0 = arith.constant 0 : index
    %get3A_1 = arith.constant 0 : index
    %get3A_2 = vector.load %arg1[%get3A, %get3A_0, %get3A_1] : memref<32x8x128xf32, #tpu.memory_space<vmem>>, vector<32x8x128xf32>
    %reduce_sum3A = arith.constant dense<0.000000e+00> : vector<8x128xf32>
    %reduce_sum3A_3 = vector.multi_reduction <add>, %get3A_2, %reduce_sum3A [0] : vector<32x8x128xf32> to vector<8x128xf32>
    %get3A_4 = arith.constant 0 : index
    %get3A_5 = arith.constant 0 : index
    %get3A_6 = vector.load %arg3[%get3A_4, %get3A_5] : memref<8x128xf32, #tpu.memory_space<vmem>>, vector<8x128xf32>
    %add3A = arith.addf %reduce_sum3A_3, %get3A_6 : vector<8x128xf32>
    %get3A_7 = arith.constant 0 : index
    %get3A_8 = arith.constant 0 : index
    %get3A_9 = arith.constant 0 : index
    %get3A_10 = vector.load %arg2[%get3A_7, %get3A_8, %get3A_9] : memref<32x8x16xf32, #tpu.memory_space<vmem>>, vector<32x8x16xf32>
    %reduce_sum3A_11 = arith.constant dense<0.000000e+00> : vector<8xf32>
    %reduce_sum3A_12 = vector.multi_reduction <add>, %get3A_10, %reduce_sum3A_11 [0, 2] : vector<32x8x16xf32> to vector<8xf32>
    %get3A_13 = arith.constant 0 : index
    %get3A_14 = arith.constant 0 : index
    %get3A_15 = vector.load %arg4[%get3A_13, %get3A_14] : memref<8x128xf32, #tpu.memory_space<vmem>>, vector<8x1xf32>
    %get3A_16 = vector.shape_cast %get3A_15 : vector<8x1xf32> to vector<8xf32>
    %add3A_17 = arith.addf %reduce_sum3A_12, %get3A_16 : vector<8xf32>
    %broadcast_in_dim3A = vector.shape_cast %add3A_17 : vector<8xf32> to vector<8x1xf32>
    %eq3A = arith.constant 0.000000e+00 : f32
    %eq3A_18 = vector.broadcast %eq3A : f32 to vector<8x1xf32>
    %eq3A_19 = arith.cmpf oeq, %broadcast_in_dim3A, %eq3A_18 : vector<8x1xf32>
    %jit3A = arith.constant 1.000000e+00 : f32
    %broadcast_in_dim3A_20 = vector.broadcast %jit3A : f32 to vector<8x1xf32>
    %select_n3A = arith.select %eq3A_19, %broadcast_in_dim3A_20, %broadcast_in_dim3A : vector<8x1xi1>, vector<8x1xf32>
    %div3A = vector.broadcast %select_n3A : vector<8x1xf32> to vector<8x128xf32>
    %div3A_21 = arith.divf %add3A, %div3A : vector<8x128xf32>
    %slice3A = vector.extract_strided_slice %div3A_21 {offsets = [0, 0], sizes = [7, 128], strides = [1, 1]} : vector<8x128xf32> to vector<7x128xf32>
    %swap3A = arith.constant 0 : index
    %swap3A_22 = arith.constant 0 : index
    %swap3A_23 = vector.load %arg6[%swap3A, %swap3A_22] : memref<7x128xf32, #tpu.memory_space<vmem>>, vector<7x128xf32>
    tpu.vector_store %arg6[%swap3A, %swap3A_22], %slice3A {strides = array<i32>} : memref<7x128xf32, #tpu.memory_space<vmem>>, vector<7x128xf32>,
    %get3A_24 = arith.constant 0 : index
    %get3A_25 = arith.constant 0 : index
    %get3A_26 = vector.load %arg0[%get3A_24, %get3A_25] : memref<7x128xf32, #tpu.memory_space<vmem>>, vector<7x128xf32>
    %mul3A = arith.mulf %get3A_26, %get3A_26 : vector<7x128xf32>
    %reduce_sum3A_27 = arith.constant dense<0.000000e+00> : vector<7xf32>
    %reduce_sum3A_28 = vector.multi_reduction <add>, %mul3A, %reduce_sum3A_27 [1] : vector<7x128xf32> to vector<7xf32>
    %broadcast_in_dim3A_29 = vector.shape_cast %reduce_sum3A_28 : vector<7xf32> to vector<7x1xf32>
    %sqrt3A = math.sqrt %broadcast_in_dim3A_29 : vector<7x1xf32>
    %max3A = arith.constant 9.99999996E-13 : f32
    %max3A_30 = vector.broadcast %max3A : f32 to vector<7x1xf32>
    %max3A_31 = arith.maximumf %sqrt3A, %max3A_30 : vector<7x1xf32>
    %div3A_32 = vector.broadcast %max3A_31 : vector<7x1xf32> to vector<7x128xf32>
    %div3A_33 = arith.divf %get3A_26, %div3A_32 : vector<7x128xf32>
    %mul3A_34 = arith.mulf %slice3A, %slice3A : vector<7x128xf32>
    %reduce_sum3A_35 = arith.constant dense<0.000000e+00> : vector<7xf32>
    %reduce_sum3A_36 = vector.multi_reduction <add>, %mul3A_34, %reduce_sum3A_35 [1] : vector<7x128xf32> to vector<7xf32>
    %broadcast_in_dim3A_37 = vector.shape_cast %reduce_sum3A_36 : vector<7xf32> to vector<7x1xf32>
    %sqrt3A_38 = math.sqrt %broadcast_in_dim3A_37 : vector<7x1xf32>
    %max3A_39 = arith.constant 9.99999996E-13 : f32
    %max3A_40 = vector.broadcast %max3A_39 : f32 to vector<7x1xf32>
    %max3A_41 = arith.maximumf %sqrt3A_38, %max3A_40 : vector<7x1xf32>
    %div3A_42 = vector.broadcast %max3A_41 : vector<7x1xf32> to vector<7x128xf32>
    %div3A_43 = arith.divf %slice3A, %div3A_42 : vector<7x128xf32>
    %dot_general3A = arith.constant dense<0.000000e+00> : vector<7x7xf32>
    %dot_general3A_44 = tpu.matmul %div3A_43, %div3A_33, %dot_general3A {dimension_numbers = #tpu.dot_dimension_numbers<[1], [1], [0], [0], [0, 0, 1, 0], [], []>, transpose_lhs_hint = false} : vector<7x128xf32>, vector<7x128xf32>, vector<7x7xf32> -> vector<7x7xf32>
    %reduce_sum3A_45 = arith.constant dense<0.000000e+00> : vector<7xf32>
    %reduce_sum3A_46 = vector.multi_reduction <add>, %dot_general3A_44, %reduce_sum3A_45 [1] : vector<7x7xf32> to vector<7xf32>
    %ne3A = arith.constant 0.000000e+00 : f32
    %ne3A_47 = vector.broadcast %ne3A : f32 to vector<7xf32>
    %ne3A_48 = arith.cmpf one, %reduce_sum3A_46, %ne3A_47 : vector<7xf32>
    %reduce_max3A = arith.constant dense<0xFF800000> : vector<7xf32>
    %reduce_max3A_49 = vector.multi_reduction <maximumf>, %dot_general3A_44, %reduce_max3A [1] : vector<7x7xf32> to vector<7xf32>
    %broadcast_in_dim3A_50 = vector.shape_cast %reduce_max3A_49 : vector<7xf32> to vector<7x1xf32>
    %sub3A = vector.broadcast %broadcast_in_dim3A_50 : vector<7x1xf32> to vector<7x7xf32>
    %sub3A_51 = arith.subf %dot_general3A_44, %sub3A : vector<7x7xf32>
    %exp3A = math.exp %sub3A_51 : vector<7x7xf32>
    %reduce_sum3A_52 = arith.constant dense<0.000000e+00> : vector<7xf32>
    %reduce_sum3A_53 = vector.multi_reduction <add>, %exp3A, %reduce_sum3A_52 [1] : vector<7x7xf32> to vector<7xf32>
    %log3A = math.log %reduce_sum3A_53 : vector<7xf32>
    %add3A_54 = arith.addf %log3A, %reduce_max3A_49 : vector<7xf32>
    %iota3A = tpu.iota {dimensions = array<i32: 0>} : vector<7x7xi32>
    %iota3A_55 = tpu.iota {dimensions = array<i32: 1>} : vector<7x7xi32>
    %eq3A_56 = arith.cmpi eq, %iota3A, %iota3A_55 : vector<7x7xi32>
    %jit3A_57 = arith.constant 0.000000e+00 : f32
    %broadcast_in_dim3A_58 = vector.broadcast %jit3A_57 : f32 to vector<7x7xf32>
    %select_n3A_59 = arith.select %eq3A_56, %dot_general3A_44, %broadcast_in_dim3A_58 : vector<7x7xi1>, vector<7x7xf32>
    %reduce_sum3A_60 = arith.constant dense<0.000000e+00> : vector<7xf32>
    %reduce_sum3A_61 = vector.multi_reduction <add>, %select_n3A_59, %reduce_sum3A_60 [1] : vector<7x7xf32> to vector<7xf32>
    %sub3A_62 = arith.subf %add3A_54, %reduce_sum3A_61 : vector<7xf32>
    %convert_element_type3A = arith.extui %ne3A_48 : vector<7xi1> to vector<7xi32>
    %reduce_sum3A_63 = vector.shape_cast %convert_element_type3A : vector<7xi32> to vector<1x7xi32>
    %reduce_sum3A_64 = arith.constant dense<0> : vector<1xi32>
    %reduce_sum3A_65 = vector.multi_reduction <add>, %reduce_sum3A_63, %reduce_sum3A_64 [1] : vector<1x7xi32> to vector<1xi32>
    %reduce_sum3A_66 = vector.shape_cast %reduce_sum3A_65 : vector<1xi32> to vector<1x1xi32>
    %reduce_sum3A_67 = vector.extract %reduce_sum3A_66[0, 0] : i32 from vector<1x1xi32>
    %jit3A_68 = arith.constant 0.000000e+00 : f32
    %broadcast_in_dim3A_69 = vector.broadcast %jit3A_68 : f32 to vector<7xf32>
    %select_n3A_70 = arith.select %ne3A_48, %sub3A_62, %broadcast_in_dim3A_69 : vector<7xi1>, vector<7xf32>
    %reduce_sum3A_71 = vector.shape_cast %select_n3A_70 : vector<7xf32> to vector<1x7xf32>
    %reduce_sum3A_72 = arith.constant dense<0.000000e+00> : vector<1xf32>
    %reduce_sum3A_73 = vector.multi_reduction <add>, %reduce_sum3A_71, %reduce_sum3A_72 [1] : vector<1x7xf32> to vector<1xf32>
    %reduce_sum3A_74 = vector.shape_cast %reduce_sum3A_73 : vector<1xf32> to vector<1x1xf32>
    %reduce_sum3A_75 = vector.extract %reduce_sum3A_74[0, 0] : f32 from vector<1x1xf32>
    %max3A_76 = arith.constant 1 : i32
    %max3A_77 = arith.maxsi %reduce_sum3A_67, %max3A_76 : i32
    %convert_element_type3A_78 = arith.sitofp %max3A_77 : i32 to f32
    %div3A_79 = arith.divf %reduce_sum3A_75, %convert_element_type3A_78 : f32
    %reshape3A = vector.broadcast %div3A_79 : f32 to vector<1x1xf32>
    %swap3A_80 = arith.constant 0 : index
    %swap3A_81 = arith.constant 0 : index
    %swap3A_82 = vector.load %arg5[%swap3A_80, %swap3A_81] : memref<1x1xf32, #tpu.memory_space<vmem>>, vector<1x1xf32>
    tpu.vector_store %arg5[%swap3A_80, %swap3A_81], %reshape3A {strides = array<i32>} : memref<1x1xf32, #tpu.memory_space<vmem>>, vector<1x1xf32>,
    return
  }
}

</mosaic_0001>

<sc_bundles>
// kernel: kernel.5.cloned.1.call-start
scs
__scs_entry_jumppad:
0x0: {  	(pc) =	sbr.rel $0x88, $3  }
0x1: {  	(tag) =	ssettag $0x0;
	lr =	simm.s32 $0x1  }
0x2: {  	[smem:$0x3F9E] =	sst lr;
	_ =	strace $0xD0000000  }
0x3: {  	_ = 	snop  }
0x4: {  	_ = 	snop  }
0x5: {  	_ = 	snop  }
0x6: {  	_ = 	snop  }
0x7: {  	_ = 	snop  }
__scs_overlays_trampoline_lowered:
0x8: {  	[smem:$0x3FAD] =	sst s0  }
0x9: {  	[smem:$0x3FAE] =	sst s1  }
0xa: {  	[smem:$0x3FAF] =	sst s2  }
0xb: {  	[smem:$0x3FB0] =	sst s3  }
0xc: {  	[smem:$0x3FB1] =	sst s4  }
0xd: {  	[smem:$0x3FB2] =	sst s5  }
0xe: {  	[smem:$0x3FB3] =	sst s6  }
0xf: {  	[smem:$0x3FB4] =	sst s7  }
0x10: {  	[smem:$0x3FB5] =	sst s8  }
0x11: {  	[smem:$0x3FB6] =	sst s9;
	s0 =	simm.s32 @!p0 $0x0  }
0x12: {  	s1 =	sld [smem:$0x3F9C];
	s0 =	simm.s32 @p0 $0x1  }
0x13: {  	[smem:$0x3FB7] =	sst s0;
	s0 =	simm.s32 @!p1 $0x0  }
0x14: {  	s2 =	sld [smem:$0x3F9B];
	s0 =	simm.s32 @p1 $0x1  }
0x15: {  	[smem:$0x3FB8] =	sst s0;
	s0 =	simm.s32 @!p2 $0x0  }
0x16: {  	s3 =	sld [smem:$0x3FDB];
	s0 =	simm.s32 @p2 $0x1  }
0x17: {  	s4 =	simm.s32 $0x1BF5;
	[smem:$0x3FBA] =	sst s0  }
0x18: {  	s0 =	sld [smem:$0x3F9D];
	_ =	swait.ge [sflag:s4], $0x0  }
0x19: {  	s7 =	sld [smem:$0x3F9E]  }
0x1a: {  	s8 =	sadd.s32 $0xFFFFE003, lr  }
0x1b: {  	s9 =	sadd.s32 $0xFFFFFEF7, lr;
	s5 =	simm.s32 $0xFFFFFFFF;
	p2 =	slt.u32 s8, $0xFFFFF086  }
0x1c: {  	p1 =	slt.u32 s9, $0xF7A;
	s5 =	simm.s32 @!p2 $0x0  }
0x1d: {  	s5 =	simm.s32 @p1 $0x1;
	p0 =	seq.s32 s7, s2  }
0x1e: {  	s7 =	smul.u32 @!p0 $0xF7A, s2;
	p2 =	seq.s32 @!p0 s5, $0x0  }
0x1f: {  	s9 =	smul.u32 $0xF7A, s1;
	s8 =	simm.s32 @!p0 $0x1BF5;
	p2 =	por !p2, p0  }
0x20: {  	[sflag:s8] =	ssyncset.s32 @!p0 $0xFFFFF086;
	s6 =	sadd.s32 @!p0 s3, s7;
	s7 =	simm.s32 @!p0 $0x108  }
0x21: {  	s3 =	sadd.s32 s3, s9;
	s6 =	sadd.s32 @!p0 $0x88, s6;
	s7 =	simm.s32 @p2 $0x1082  }
0x22: {  	[simem:s7], [sflag:s8] =	dma.local @!p0 [hbm:s6], $0xF7A  }
0x23: {  	s9 =	sor.u32 $0xD0000000, s2;
	s6 =	simm.s32 $0x108;
	_ =	swait.ge @!p0 [sflag:s8], $0x0  }
0x24: {  	s3 =	sadd.s32 $0x88, s3;
	s6 =	simm.s32 @!p1 $0x1082;
	[sflag:s4] =	ssyncset.s32 $0xFFFFF086  }
0x25: {  	[simem:s6], [sflag:s4] =	dma.local [hbm:s3], $0xF7A  }
0x26: {  	[smem:$0x3F9E] =	sst s1;
	(tag) =	ssettag s2;
	_ =	strace s9  }
0x27: {  	s1 =	sld [smem:$0x3FAE]  }
0x28: {  	s2 =	sld [smem:$0x3FAF]  }
0x29: {  	s4 =	sld [smem:$0x3FB1]  }
0x2a: {  	p0 =	seq.s32 s5, $0x0;
	s5 =	sld [smem:$0x3FB2]  }
0x2b: {  	s6 =	sld [smem:$0x3FB3]  }
0x2c: {  	s7 =	sld [smem:$0x3FB4]  }
0x2d: {  	s3 =	simm.s32 $0x108;
	s8 =	sld [smem:$0x3FB5]  }
0x2e: {  	s3 =	simm.s32 @!p0 $0x1082;
	s9 =	sld [smem:$0x3FB6]  }
0x2f: {  	lr =	sadd.s32 s0, s3;
	s0 =	sld [smem:$0x3FAD]  }
0x30: {  	s3 =	sld [smem:$0x3FB0]  }
0x31: {  	[smem:$0x3FB9] =	sst s10  }
0x32: {  	s10 =	sld [smem:$0x3FB7];
	_ =	sdelay $0x3  }
0x33: {  	p0 =	seq.s32 s10, $0x1;
	s10 =	sld [smem:$0x3FB9];
	_ =	sdelay $0x3  }
0x34: {  	[smem:$0x3FB9] =	sst s10  }
0x35: {  	s10 =	sld [smem:$0x3FB8];
	_ =	sdelay $0x3  }
0x36: {  	p1 =	seq.s32 s10, $0x1;
	s10 =	sld [smem:$0x3FB9];
	_ =	sdelay $0x3  }
0x37: {  	[smem:$0x3FB9] =	sst s10  }
0x38: {  	s10 =	sld [smem:$0x3FBA]  }
0x39: {  	_ = 	snop;
	(pc) =	sbr.ind lr, $3  }
0x3a: {  	_ = 	snop  }
0x3b: {  	_ = 	snop  }
0x3c: {  	p2 =	seq.s32 s10, $0x1;
	s10 =	sld [smem:$0x3FB9]  }
0x3d: {  	_ =	shalt  }
0x3e: {  	_ =	shalt  }
0x3f: {  	_ =	shalt  }
0x40: {  	_ =	shalt  }
0x41: {  	_ =	shalt  }
0x42: {  	_ =	shalt  }
0x43: {  	_ =	shalt  }
0x44: {  	_ =	shalt  }
0x45: {  	_ =	shalt  }
0x46: {  	_ =	shalt  }
0x47: {  	_ =	shalt  }
0x48: {  	_ =	shalt  }
0x49: {  	_ =	shalt  }
0x4a: {  	_ =	shalt  }
0x4b: {  	_ =	shalt  }
0x4c: {  	_ =	shalt  }
0x4d: {  	_ =	shalt  }
0x4e: {  	_ =	shalt  }
0x4f: {  	_ =	shalt  }
0x50: {  	_ =	shalt  }
0x51: {  	_ =	shalt  }
0x52: {  	_ =	shalt  }
0x53: {  	_ =	shalt  }
0x54: {  	_ =	shalt  }
0x55: {  	_ =	shalt  }
0x56: {  	_ =	shalt  }
0x57: {  	_ =	shalt  }
0x58: {  	_ =	shalt  }
0x59: {  	_ =	shalt  }
0x5a: {  	_ =	shalt  }
0x5b: {  	_ =	shalt  }
0x5c: {  	_ =	shalt  }
0x5d: {  	_ =	shalt  }
0x5e: {  	_ =	shalt  }
0x5f: {  	_ =	shalt  }
0x60: {  	_ =	shalt  }
0x61: {  	_ =	shalt  }
0x62: {  	_ =	shalt  }
0x63: {  	_ =	shalt  }
0x64: {  	_ =	shalt  }
0x65: {  	_ =	shalt  }
0x66: {  	_ =	shalt  }
0x67: {  	_ =	shalt  }
0x68: {  	_ =	shalt  }
0x69: {  	_ =	shalt  }
0x6a: {  	_ =	shalt  }
0x6b: {  	_ =	shalt  }
0x6c: {  	_ =	shalt  }
0x6d: {  	_ =	shalt  }
0x6e: {  	_ =	shalt  }
0x6f: {  	_ =	shalt  }
0x70: {  	_ =	shalt  }
0x71: {  	_ =	shalt  }
0x72: {  	_ =	shalt  }
0x73: {  	_ =	shalt  }
0x74: {  	_ =	shalt  }
0x75: {  	_ =	shalt  }
0x76: {  	_ =	shalt  }
0x77: {  	_ =	shalt  }
0x78: {  	_ =	shalt  }
0x79: {  	_ =	shalt  }
0x7a: {  	_ =	shalt  }
0x7b: {  	_ =	shalt  }
0x7c: {  	_ =	shalt  }
0x7d: {  	_ =	shalt  }
0x7e: {  	_ =	shalt  }
0x7f: {  	_ =	shalt  }
0x80: {  	_ =	shalt  }
0x81: {  	_ =	shalt  }
0x82: {  	_ =	shalt  }
0x83: {  	_ =	shalt  }
0x84: {  	_ =	shalt  }
0x85: {  	_ =	shalt  }
0x86: {  	_ =	shalt  }
0x87: {  	_ =	shalt  }
.Lfunc_end0:
.L_simem_size_0:
called_computation_lowered:
.L_overlay_start_0:
0x88: {  	s2 =	sld [smem:$0x3FD9]  }
0x89: {  	s3 =	sld [smem:$0x3FFE];
	_ =	sdelay $0x1  }
0x8a: {  	s1 =	srdreg.scid  }
0x8b: {  	s0 =	sand.u32 $0x1, s1  }
0x8c: {  	s17 =	sshll.u32 s0, $0xA;
	s2 =	sadd.s32 s3, s2  }
0x8d: {  	s2 =	sadd.s32 s2, s17  }
0x8e: {  	[smem:$0x3FC5] =	sst s2  }
0x8f: {  	_ = 	snop  }
0x90: {  	s2 =	sld [smem:$0x3FC8]  }
0x91: {  	s18 =	sld [smem:$0x3FC7];
	(tm) =	ssettm $0x1  }
0x92: {  	s4 =	sld [smem:$0x3FFB];
	_ =	sdelay $0x3  }
0x93: {  	_ =	strace s4  }
0x94: {  	s4 =	sld [smem:$0x3FFC];
	_ =	sdelay $0x3  }
0x95: {  	_ =	strace s4  }
0x96: {  	s4 =	sld [smem:$0x3FFD];
	_ =	sdelay $0x3  }
0x97: {  	_ =	strace s4  }
0x98: {  	_ =	strace $0x8FFFFFFF  }
0x99: {  	s19 =	sld [smem:$0x3FDB];
	_ =	sdelay $0x1  }
0x9a: {  	s5 =	simm.s32 $_scs_section_size  }
0x9b: {  	s6 =	simm.s32 $_size__tile_overlayer_lowered;
	s7 =	simm.s32 $_tile_overlayer_lowered  }
0x9c: {  	s22 =	simm.s32 $0x1BFF;
	s21 =	sshll.u32 s7, $0x1;
	s4 =	sadd.s32 s5, s19  }
0x9d: {  	s8 =	simm.s32 $0x0;
	s20 =	sshll.u32 s6, $0x1;
	s6 =	sadd.s32 s21, s4  }
0x9e: {  	[timem:s8], [sflag:s22] =	dma.local [hbm:s6], s20  }
0x9f: {  	_ =	swait.ge [sflag:s22], s20  }
0xa0: {  	s5 =	ssub.s32 $0x0, s20;
	[sflag:s22] =	ssyncset.done $0x0  }
0xa1: {  	[sflag:s22] =	ssyncadd.s32 s5;
	_ =	sdelay $0x1  }
0xa2: {  	s23 =	simm.s32 $0x1B8B  }
0xa3: {  	_ =	swait.ge [sflag:s23], $0x1  }
0xa4: {  	[sflag:s23] =	ssyncset.done $0x0  }
0xa5: {  	s25 =	simm.s32 $0x1B8E;
	s24 =	sld [smem:$0x3FFE];
	[sflag:s23] =	ssyncadd.s32 $0xFFFFFFFF  }
0xa6: {  	s26 =	simm.s32 $execute0_lowered;
	[smem:$0x3FD2] =	sst s25  }
0xa7: {  	s6 =	sshll.u32 s26, $0x1;
	_ =	strace $0x80000046;
	[dreg:$0x1] =	wrdreg $0xFFFFFFFF  }
0xa8: {  	s28 =	simm.s32 $_size_execute0_lowered;
	s4 =	sadd.s32 s4, s6;
	[dreg:$0x0] =	wrdreg $0x0  }
0xa9: {  	s6 =	sshll.u32 s28, $0x1;
	[dreg:$0x2] =	wrdreg s4  }
0xaa: {  	[dreg:$0x3] =	wrdreg s6  }
0xab: {  	[dreg:$0x4] =	wrdreg $0xC0  }
0xac: {  	_ =	task [dreg:s8], $0x5FFFF  }
0xad: {  	[dreg:$0x1] =	wrdreg $0xFFFFFFFF  }
0xae: {  	[dreg:$0x0] =	wrdreg $0x60  }
0xaf: {  	[dreg:$0x2] =	wrdreg s2  }
0xb0: {  	[dreg:$0x3] =	wrdreg s18  }
0xb1: {  	[dreg:$0x4] =	wrdreg s24  }
0xb2: {  	[dreg:$0x5] =	wrdreg $0x1A4000  }
0xb3: {  	[dreg:$0x6] =	wrdreg $0x9  }
0xb4: {  	_ =	task.clear_ibuf [dreg:s8], $0x7FFFF;
	_ =	strace $0x90000046  }
0xb5: {  	s29 =	simm.s32 $0x9;
	_ =	strace $0x80000048  }
0xb6: {  	_ =	swait.ge [sflag:s29], $0x1  }
0xb7: {  	[sflag:s29] =	ssyncadd.s32 $0xFFFFFFFF  }
0xb8: {  	_ =	strace $0x90000048  }
0xb9: {  	_ =	sfence  }
0xba: {  	s30 =	sld [smem:$0x0];
	_ =	sdelay $0x2  }
0xbb: {  	s31 =	sshll.u32 s1, $0xD;
	s1 =	sshrl.u32 s1, $0x2  }
0xbc: {  	s3 =	sand.u32 $0x4000, s31;
	s1 =	sadd.s32 s1, s30  }
0xbd: {  	s0 =	sor.u32 s3, s0;
	s1 =	sshll.u32 s1, $0x11  }
0xbe: {  	s0 =	sor.u32 s1, s0  }
0xbf: {  	s0 =	sadd.s32 $0x8F2B, s0  }
0xc0: {  	[sflag:s0] =	ssyncadd.remote.s32 $0x1  }
0xc1: {  	_ =	sfence.sel $0xFFFF  }
0xc2: {  	[dreg:$0x0] =	wrdreg $0xFFFFFFFF;
	(pc) =	sbr.abs _section_cstart, $3  }
0xc3: {  	[dreg:$0x1] =	wrdreg $0xFFFFFFFF  }
0xc4: {  	_ =	task.clear_ibuf [dreg:s8], $0x2FFFF;
	_ =	strace $0x9FFFFFFF  }
0xc5: {  	(tm) =	ssettm $0x7FFFFFFF  }
tec
execute0_lowered:
.L_overlay_start_1:
0x0: {  	(tag) =	ssettag $0x1  }
0x1: {  	s0 =	rddreg [dreg:$0x0]  }
0x2: {  	s11 =	rddreg [dreg:$0x1]  }
0x3: {  	s1 =	rddreg [dreg:$0x2]  }
0x4: {  	s3 =	rddreg [dreg:$0x3]  }
0x5: {  	s2 =	srdreg.scid;
	s12 =	stileid.u32  }
0x6: {  	s4 =	simm.s32 $0x0;
	s28 =	simm.s32 $0x19500;
	s29 =	simm.s32 $0x5000  }
0x7: {  	s30 =	simm.s32 $0x19580;
	s31 =	simm.s32 $0x7800;
	s2 =	sand.u32 $0x1, s2  }
0x8: {  	s5 =	sshll.u32 s12, $0x1;
	[smem:$0x7FF] =	sst s4;
	s17 =	smul.u32 $0x2EE0, s12  }
0x9: {  	s14 =	sshll.u32 s12, $0xA;
	s9 =	sshll.u32 s12, $0x3;
	s19 =	smul.u32 $0x2EE00, s12  }
0xa: {  	s12 =	simm.s32 $0x11800;
	s5 =	sor.u32 s2, s5;
	s10 =	smul.u32 $0x1770, s2  }
0xb: {  	_ =	strace $0x80000047;
	s7 =	ssub.s32 $0x2, s2;
	s2 =	smul.u32 $0x17700, s2  }
0xc: {  	s20 =	sadd.s32 s14, s3;
	v0 =	vmov s9;
	s9 =	simm.s32 $0x0;
	s8 =	smul.u32 $0x17700, s5  }
0xd: {  	s6 =	sshll.u32 s5, $0x7;
	s13 =	sshrl.u32 s7, $0x1;
	s5 =	smul.u32 $0x1770, s5  }
0xe: {  	[dreg:$0x5] =	wrdreg s20;
	s1 =	sadd.s32 s6, s1;
	s6 =	ssub.s32 s7, s13  }
0xf: {  	s21 =	sadd.s32 s10, s17;
	s10 =	simm.s32 $0x7;
	s13 =	simm.s32 $0x19980  }
0x10: {  	s17 =	simm.s32 $0x16800;
	s15 =	sadd.s32 s0, s8;
	s16 =	sshrl.u32 s5, $0x3  }
0x11: {  	s5 =	sadd.s32 $0x190, s5;
	s22 =	sadd.s32 $0x1400, s1;
	s23 =	sadd.s32 $0x4B0, s21  }
0x12: {  	s1 =	sadd.s32 $0x2400, s1;
	s25 =	smax.u32 s6, $0x1;
	[dreg:$0x6] =	wrdreg s15  }
0x13: {  	s26 =	sadd.s32 $0x320, s21;
	s21 =	simm.s32 $0x1;
	[dreg:$0xa] =	wrdreg s22  }
0x14: {  	s6 =	simm.s32 $0x2;
	s7 =	sadd.s32 s11, s16;
	[dreg:$0xb] =	wrdreg s1  }
0x15: {  	s18 =	sshll.u32 s5, $0x4;
	s5 =	sshrl.u32 s5, $0x3;
	[dreg:$0xc] =	wrdreg s25  }
0x16: {  	s24 =	sshrl.u32 s23, $0x3;
	[dreg:$0xe] =	wrdreg s26;
	s22 =	simm.s32 $0x3  }
0x17: {  	s23 =	simm.s32 $0x50;
	s25 =	simm.s32 $0x19480;
	s26 =	simm.s32 $0x2800  }
0x18: {  	s16 =	simm.s32 $0xA000;
	s15 =	simm.s32 $0x14000;
	s1 =	simm.s32 $0x6  }
0x19: {  	[dreg:$0x7] =	wrdreg s7;
	s7 =	sadd.s32 s0, s18;
	s5 =	sadd.s32 s11, s5  }
.Ltmp0:
0x1a: {  	s0 =	sadd.s32 s19, s0;
	s14 =	sadd.s32 s24, s11;
	(pc) =	sbr.rel .LBB2_1-.Ltmp0, $4  }
0x1b: {  	s18 =	simm.s32 $0x19000;
	s19 =	simm.s32 $0xC800;
	[dreg:$0x8] =	wrdreg s7  }
0x1c: {  	s24 =	simm.s32 $0x19400;
	[dreg:$0x9] =	wrdreg s5;
	s0 =	sadd.s32 s2, s0  }
0x1d: {  	s2 =	simm.s32 $0x5;
	s7 =	simm.s32 $0x4;
	s0 =	sadd.s32 $0x4B00, s0  }
0x1e: {  	v1 =	vimm.f32 $0.0e+00;
	s5 =	simm.s32 $0x19A00;
	[dreg:$0xd] =	wrdreg s0;
	s0 =	simm.s32 $0x19600  }
.LBB2_4:
0x1f: {  	_ =	swait.ge [sflag:s21], $0xC800  }
0x20: {  	[sflag:s21] =	ssyncset.done $0x0  }
0x21: {  	[sflag:s21] =	ssyncadd.s32 $0xFFFF3800  }
0x22: {  	_ =	swait.ge [sflag:s22], $0x190  }
0x23: {  	[sflag:s22] =	ssyncset.done $0x0  }
0x24: {  	[sflag:s22] =	ssyncadd.s32 $0xFFFFFE70  }
0x25: {  	v2 =	vld [tilespmem:$0x19000];
	_ =	sdelay $0x1  }
0x26: {  	v3 =	vld [tilespmem:$0x19010];
	_ =	sdelay $0x2  }
0x27: {  	vm0 =	veq.s32 v2, $0x0;
	vm1 =	veq.s32 v2, $0x1;
	vm11 =	veq.s32 v2, $0x2  }
0x28: {  	vm12 =	veq.s32 v2, $0x3;
	vm13 =	veq.s32 v2, $0x4;
	vm14 =	veq.s32 v2, $0x5  }
0x29: {  	vm15 =	veq.s32 v2, $0x6;
	vm4 =	veq.s32 v3, $0x0;
	vm5 =	veq.s32 v3, $0x1  }
0x2a: {  	vm6 =	veq.s32 v3, $0x2;
	vm7 =	veq.s32 v3, $0x3;
	vm8 =	veq.s32 v3, $0x4  }
0x2b: {  	vm9 =	veq.s32 v3, $0x5;
	vm10 =	veq.s32 v3, $0x6;
	v2 =	vmin.u32 v2, $0x7  }
0x2c: {  	v3 =	vmin.u32 v3, $0x7;
	v11 =	vsel vm0, $0x3F800000, v1;
	v12 =	vsel vm1, $0x3F800000, v1  }
0x2d: {  	v27 =	vsel vm11, $0x3F800000, v1;
	v28 =	vsel vm12, $0x3F800000, v1;
	v29 =	vsel vm13, $0x3F800000, v1  }
0x2e: {  	v30 =	vsel vm14, $0x3F800000, v1;
	v31 =	vsel vm15, $0x3F800000, v1;
	v32 =	vsel vm4, $0x3F800000, v1  }
0x2f: {  	v13 =	vsel vm5, $0x3F800000, v1;
	v33 =	vsel vm6, $0x3F800000, v1;
	v10 =	vadd.f32 v11, v10  }
0x30: {  	v34 =	vsel vm7, $0x3F800000, v1;
	v9 =	vadd.f32 v12, v9;
	v8 =	vadd.f32 v27, v8  }
0x31: {  	v35 =	vsel vm8, $0x3F800000, v1;
	v7 =	vadd.f32 v28, v7;
	v11 =	vadd.f32 v31, v4;
	v4 =	vld [tilespmem:$0x19020]  }
0x32: {  	v36 =	vsel vm9, $0x3F800000, v1;
	v6 =	vadd.f32 v29, v6;
	v5 =	vadd.f32 v30, v5  }
0x33: {  	v37 =	vsel vm10, $0x3F800000, v1;
	v10 =	vadd.f32 v32, v10;
	v9 =	vadd.f32 v13, v9  }
0x34: {  	v2 =	vor.u32 v0, v2;
	v8 =	vadd.f32 v33, v8;
	v7 =	vadd.f32 v34, v7  }
0x35: {  	v3 =	vor.u32 v0, v3;
	v6 =	vadd.f32 v35, v6;
	v13 =	vadd.f32 v36, v5  }
0x36: {  	v11 =	vadd.f32 v37, v11;
	vm11 =	veq.s32 v4, $0x0;
	vm12 =	veq.s32 v4, $0x1  }
0x37: {  	vm13 =	veq.s32 v4, $0x2;
	vm14 =	veq.s32 v4, $0x3;
	vm15 =	veq.s32 v4, $0x4  }
0x38: {  	v5 =	vld [tilespmem:$0x19030];
	vm4 =	veq.s32 v4, $0x5;
	vm5 =	veq.s32 v4, $0x6;
	v4 =	vmin.u32 v4, $0x7  }
0x39: {  	v14 =	vsel vm11, $0x3F800000, v1;
	v38 =	vsel vm12, $0x3F800000, v1;
	v39 =	vsel vm13, $0x3F800000, v1  }
0x3a: {  	v40 =	vsel vm14, $0x3F800000, v1;
	v41 =	vsel vm15, $0x3F800000, v1;
	v42 =	vsel vm4, $0x3F800000, v1  }
0x3b: {  	v43 =	vsel vm5, $0x3F800000, v1;
	v10 =	vadd.f32 v14, v10;
	v9 =	vadd.f32 v38, v9  }
0x3c: {  	v4 =	vor.u32 v0, v4;
	v8 =	vadd.f32 v39, v8;
	v7 =	vadd.f32 v40, v7  }
0x3d: {  	v14 =	vadd.f32 v41, v6;
	vm6 =	veq.s32 v5, $0x0;
	v12 =	vadd.f32 v42, v13  }
0x3e: {  	vm7 =	veq.s32 v5, $0x1;
	v11 =	vadd.f32 v43, v11;
	vm8 =	veq.s32 v5, $0x2  }
0x3f: {  	vm9 =	veq.s32 v5, $0x3;
	vm10 =	veq.s32 v5, $0x4;
	vm11 =	veq.s32 v5, $0x5  }
0x40: {  	v6 =	vld [tilespmem:$0x19040];
	vm12 =	veq.s32 v5, $0x6;
	v5 =	vmin.u32 v5, $0x7;
	v44 =	vsel vm6, $0x3F800000, v1  }
0x41: {  	v15 =	vsel vm7, $0x3F800000, v1;
	v45 =	vsel vm8, $0x3F800000, v1;
	v46 =	vsel vm9, $0x3F800000, v1  }
0x42: {  	v47 =	vsel vm10, $0x3F800000, v1;
	v48 =	vsel vm11, $0x3F800000, v1;
	v10 =	vadd.f32 v44, v10  }
0x43: {  	v49 =	vsel vm12, $0x3F800000, v1;
	v9 =	vadd.f32 v15, v9;
	v8 =	vadd.f32 v45, v8  }
0x44: {  	v5 =	vor.u32 v0, v5;
	v15 =	vadd.f32 v46, v7;
	v13 =	vadd.f32 v47, v14  }
0x45: {  	v12 =	vadd.f32 v48, v12;
	v11 =	vadd.f32 v49, v11;
	vm13 =	veq.s32 v6, $0x0  }
0x46: {  	vm14 =	veq.s32 v6, $0x1;
	vm15 =	veq.s32 v6, $0x2;
	vm4 =	veq.s32 v6, $0x3  }
0x47: {  	v7 =	vld [tilespmem:$0x19050];
	vm5 =	veq.s32 v6, $0x4;
	vm6 =	veq.s32 v6, $0x5;
	vm7 =	veq.s32 v6, $0x6  }
0x48: {  	v6 =	vmin.u32 v6, $0x7;
	v16 =	vsel vm13, $0x3F800000, v1;
	v50 =	vsel vm14, $0x3F800000, v1  }
0x49: {  	v51 =	vsel vm15, $0x3F800000, v1;
	v52 =	vsel vm4, $0x3F800000, v1;
	v53 =	vsel vm5, $0x3F800000, v1  }
0x4a: {  	v54 =	vsel vm6, $0x3F800000, v1;
	v55 =	vsel vm7, $0x3F800000, v1;
	v10 =	vadd.f32 v16, v10  }
0x4b: {  	v6 =	vor.u32 v0, v6;
	v9 =	vadd.f32 v50, v9;
	v16 =	vadd.f32 v51, v8  }
0x4c: {  	v14 =	vadd.f32 v52, v15;
	v13 =	vadd.f32 v53, v13;
	vm8 =	veq.s32 v7, $0x0  }
0x4d: {  	v12 =	vadd.f32 v54, v12;
	vm9 =	veq.s32 v7, $0x1;
	v11 =	vadd.f32 v55, v11  }
0x4e: {  	vm10 =	veq.s32 v7, $0x2;
	vm11 =	veq.s32 v7, $0x3;
	vm12 =	veq.s32 v7, $0x4  }
0x4f: {  	vm13 =	veq.s32 v7, $0x5;
	vm14 =	veq.s32 v7, $0x6;
	v7 =	vmin.u32 v7, $0x7  }
0x50: {  	v8 =	vld [tilespmem:$0x19060];
	v56 =	vsel vm8, $0x3F800000, v1;
	v17 =	vsel vm9, $0x3F800000, v1;
	v57 =	vsel vm10, $0x3F800000, v1  }
0x51: {  	v58 =	vsel vm11, $0x3F800000, v1;
	v59 =	vsel vm12, $0x3F800000, v1;
	v10 =	vadd.f32 v56, v10  }
0x52: {  	v60 =	vsel vm13, $0x3F800000, v1;
	v17 =	vadd.f32 v17, v9;
	v15 =	vadd.f32 v57, v16  }
0x53: {  	v61 =	vsel vm14, $0x3F800000, v1;
	v14 =	vadd.f32 v58, v14;
	v13 =	vadd.f32 v59, v13  }
0x54: {  	v7 =	vor.u32 v0, v7;
	v12 =	vadd.f32 v60, v12;
	v11 =	vadd.f32 v61, v11  }
0x55: {  	vm15 =	veq.s32 v8, $0x0;
	vm4 =	veq.s32 v8, $0x1;
	vm5 =	veq.s32 v8, $0x2  }
0x56: {  	vm6 =	veq.s32 v8, $0x3;
	vm7 =	veq.s32 v8, $0x4;
	vm8 =	veq.s32 v8, $0x5  }
0x57: {  	v9 =	vld [tilespmem:$0x19070];
	vm9 =	veq.s32 v8, $0x6;
	v8 =	vmin.u32 v8, $0x7;
	v18 =	vsel vm15, $0x3F800000, v1  }
0x58: {  	v62 =	vsel vm4, $0x3F800000, v1;
	v63 =	vsel vm5, $0x3F800000, v1;
	v20 =	vsel vm6, $0x3F800000, v1  }
0x59: {  	v21 =	vsel vm7, $0x3F800000, v1;
	v22 =	vsel vm8, $0x3F800000, v1;
	v18 =	vadd.f32 v18, v10  }
0x5a: {  	v23 =	vsel vm9, $0x3F800000, v1;
	v16 =	vadd.f32 v62, v17;
	v15 =	vadd.f32 v63, v15  }
0x5b: {  	v8 =	vor.u32 v0, v8;
	v14 =	vadd.f32 v20, v14;
	v13 =	vadd.f32 v21, v13  }
0x5c: {  	vm10 =	veq.s32 v9, $0x0;
	v12 =	vadd.f32 v22, v12;
	vm11 =	veq.s32 v9, $0x1  }
0x5d: {  	v11 =	vadd.f32 v23, v11;
	vm12 =	veq.s32 v9, $0x2;
	vm13 =	veq.s32 v9, $0x3  }
0x5e: {  	vm14 =	veq.s32 v9, $0x4;
	vm15 =	veq.s32 v9, $0x5;
	vm4 =	veq.s32 v9, $0x6  }
0x5f: {  	v10 =	vld [tilespmem:$0x19080];
	v9 =	vmin.u32 v9, $0x7;
	v24 =	vsel vm10, $0x3F800000, v1;
	v19 =	vsel vm11, $0x3F800000, v1  }
0x60: {  	v25 =	vsel vm12, $0x3F800000, v1;
	v26 =	vsel vm13, $0x3F800000, v1;
	v27 =	vsel vm14, $0x3F800000, v1  }
0x61: {  	v28 =	vsel vm15, $0x3F800000, v1;
	v17 =	vadd.f32 v24, v18;
	v16 =	vadd.f32 v19, v16  }
0x62: {  	v29 =	vsel vm4, $0x3F800000, v1;
	v15 =	vadd.f32 v25, v15;
	v14 =	vadd.f32 v26, v14  }
0x63: {  	v9 =	vor.u32 v0, v9;
	v13 =	vadd.f32 v27, v13;
	v12 =	vadd.f32 v28, v12  }
0x64: {  	v18 =	vadd.f32 v29, v11;
	vm5 =	veq.s32 v10, $0x0;
	vm6 =	veq.s32 v10, $0x1  }
0x65: {  	vm7 =	veq.s32 v10, $0x2;
	vm8 =	veq.s32 v10, $0x3;
	vm9 =	veq.s32 v10, $0x4  }
0x66: {  	v11 =	vld [tilespmem:$0x19090];
	vm10 =	veq.s32 v10, $0x5;
	vm11 =	veq.s32 v10, $0x6;
	v10 =	vmin.u32 v10, $0x7  }
0x67: {  	v30 =	vsel vm5, $0x3F800000, v1;
	v20 =	vsel vm6, $0x3F800000, v1;
	v31 =	vsel vm7, $0x3F800000, v1  }
0x68: {  	v32 =	vsel vm8, $0x3F800000, v1;
	v33 =	vsel vm9, $0x3F800000, v1;
	v34 =	vsel vm10, $0x3F800000, v1  }
0x69: {  	v35 =	vsel vm11, $0x3F800000, v1;
	v17 =	vadd.f32 v30, v17;
	v16 =	vadd.f32 v20, v16  }
0x6a: {  	v10 =	vor.u32 v0, v10;
	v15 =	vadd.f32 v31, v15;
	v14 =	vadd.f32 v32, v14  }
0x6b: {  	v13 =	vadd.f32 v33, v13;
	vm12 =	veq.s32 v11, $0x0;
	v20 =	vadd.f32 v34, v12  }
0x6c: {  	vm13 =	veq.s32 v11, $0x1;
	v18 =	vadd.f32 v35, v18;
	vm14 =	veq.s32 v11, $0x2  }
0x6d: {  	vm15 =	veq.s32 v11, $0x3;
	vm4 =	veq.s32 v11, $0x4;
	vm5 =	veq.s32 v11, $0x5  }
0x6e: {  	v12 =	vld [tilespmem:$0x190A0];
	vm6 =	veq.s32 v11, $0x6;
	v11 =	vmin.u32 v11, $0x7;
	v21 =	vsel vm12, $0x3F800000, v1  }
0x6f: {  	v36 =	vsel vm13, $0x3F800000, v1;
	v37 =	vsel vm14, $0x3F800000, v1;
	v38 =	vsel vm15, $0x3F800000, v1  }
0x70: {  	v39 =	vsel vm4, $0x3F800000, v1;
	v40 =	vsel vm5, $0x3F800000, v1;
	v17 =	vadd.f32 v21, v17  }
0x71: {  	v41 =	vsel vm6, $0x3F800000, v1;
	v16 =	vadd.f32 v36, v16;
	v15 =	vadd.f32 v37, v15  }
0x72: {  	[tilespmem:$0x19400] =	vst v2;
	v2 =	vor.u32 v0, v11;
	v14 =	vadd.f32 v38, v14;
	v21 =	vadd.f32 v39, v13  }
0x73: {  	v19 =	vadd.f32 v40, v20;
	v18 =	vadd.f32 v41, v18;
	vm7 =	veq.s32 v12, $0x0  }
0x74: {  	vm8 =	veq.s32 v12, $0x1;
	vm9 =	veq.s32 v12, $0x2;
	vm10 =	veq.s32 v12, $0x3  }
0x75: {  	v13 =	vld [tilespmem:$0x190B0];
	vm11 =	veq.s32 v12, $0x4;
	vm12 =	veq.s32 v12, $0x5;
	vm13 =	veq.s32 v12, $0x6  }
0x76: {  	v42 =	vsel vm7, $0x3F800000, v1;
	v22 =	vsel vm8, $0x3F800000, v1;
	v43 =	vsel vm9, $0x3F800000, v1  }
0x77: {  	v44 =	vsel vm10, $0x3F800000, v1;
	v45 =	vsel vm11, $0x3F800000, v1;
	v17 =	vadd.f32 v42, v17  }
0x78: {  	v46 =	vsel vm12, $0x3F800000, v1;
	v16 =	vadd.f32 v22, v16;
	v15 =	vadd.f32 v43, v15  }
0x79: {  	v47 =	vsel vm13, $0x3F800000, v1;
	v22 =	vadd.f32 v44, v14;
	v20 =	vadd.f32 v45, v21  }
0x7a: {  	vm14 =	veq.s32 v13, $0x0;
	v19 =	vadd.f32 v46, v19;
	vm15 =	veq.s32 v13, $0x1  }
0x7b: {  	v18 =	vadd.f32 v47, v18;
	vm4 =	veq.s32 v13, $0x2;
	vm5 =	veq.s32 v13, $0x3  }
0x7c: {  	v14 =	vld [tilespmem:$0x190C0];
	vm6 =	veq.s32 v13, $0x4;
	vm7 =	veq.s32 v13, $0x5;
	vm8 =	veq.s32 v13, $0x6  }
0x7d: {  	v23 =	vsel vm14, $0x3F800000, v1;
	v48 =	vsel vm15, $0x3F800000, v1;
	v49 =	vsel vm4, $0x3F800000, v1  }
0x7e: {  	v50 =	vsel vm5, $0x3F800000, v1;
	v51 =	vsel vm6, $0x3F800000, v1;
	v17 =	vadd.f32 v23, v17  }
0x7f: {  	v52 =	vsel vm7, $0x3F800000, v1;
	v16 =	vadd.f32 v48, v16;
	v23 =	vadd.f32 v49, v15  }
0x80: {  	v53 =	vsel vm8, $0x3F800000, v1;
	v21 =	vadd.f32 v50, v22;
	v20 =	vadd.f32 v51, v20  }
0x81: {  	v19 =	vadd.f32 v52, v19;
	v18 =	vadd.f32 v53, v18;
	vm9 =	veq.s32 v14, $0x0  }
0x82: {  	vm10 =	veq.s32 v14, $0x1;
	vm11 =	veq.s32 v14, $0x2;
	vm12 =	veq.s32 v14, $0x3  }
0x83: {  	v15 =	vld [tilespmem:$0x190D0];
	vm13 =	veq.s32 v14, $0x4;
	vm14 =	veq.s32 v14, $0x5;
	vm15 =	veq.s32 v14, $0x6  }
0x84: {  	v54 =	vsel vm9, $0x3F800000, v1;
	v24 =	vsel vm10, $0x3F800000, v1;
	v55 =	vsel vm11, $0x3F800000, v1  }
0x85: {  	v56 =	vsel vm12, $0x3F800000, v1;
	v57 =	vsel vm13, $0x3F800000, v1;
	v17 =	vadd.f32 v54, v17  }
0x86: {  	v58 =	vsel vm14, $0x3F800000, v1;
	v24 =	vadd.f32 v24, v16;
	v22 =	vadd.f32 v55, v23  }
0x87: {  	v59 =	vsel vm15, $0x3F800000, v1;
	v21 =	vadd.f32 v56, v21;
	v20 =	vadd.f32 v57, v20  }
0x88: {  	vm4 =	veq.s32 v15, $0x0;
	v19 =	vadd.f32 v58, v19;
	vm5 =	veq.s32 v15, $0x1  }
0x89: {  	v18 =	vadd.f32 v59, v18;
	vm6 =	veq.s32 v15, $0x2;
	vm7 =	veq.s32 v15, $0x3  }
0x8a: {  	vm8 =	veq.s32 v15, $0x4;
	vm9 =	veq.s32 v15, $0x5;
	vm10 =	veq.s32 v15, $0x6  }
0x8b: {  	v16 =	vld [tilespmem:$0x190E0];
	v25 =	vsel vm4, $0x3F800000, v1;
	v60 =	vsel vm5, $0x3F800000, v1;
	v61 =	vsel vm6, $0x3F800000, v1  }
0x8c: {  	v62 =	vsel vm7, $0x3F800000, v1;
	v63 =	vsel vm8, $0x3F800000, v1;
	v25 =	vadd.f32 v25, v17  }
0x8d: {  	v28 =	vsel vm9, $0x3F800000, v1;
	v23 =	vadd.f32 v60, v24;
	v22 =	vadd.f32 v61, v22  }
0x8e: {  	v29 =	vsel vm10, $0x3F800000, v1;
	v21 =	vadd.f32 v62, v21;
	v20 =	vadd.f32 v63, v20  }
0x8f: {  	v19 =	vadd.f32 v28, v19;
	v18 =	vadd.f32 v29, v18;
	v63 =	vmin.u32 v12, $0x7  }
0x90: {  	[tilespmem:$0x19410] =	vst v3;
	v27 =	vld [tilespmem:$0x19100];
	v3 =	vor.u32 v0, v63;
	vm11 =	veq.s32 v16, $0x0;
	vm12 =	veq.s32 v16, $0x1  }
0x91: {  	vm13 =	veq.s32 v16, $0x2;
	vm14 =	veq.s32 v16, $0x3;
	vm15 =	veq.s32 v16, $0x4  }
0x92: {  	vm4 =	veq.s32 v16, $0x5;
	vm5 =	veq.s32 v16, $0x6;
	v30 =	vsel vm11, $0x3F800000, v1  }
0x93: {  	v17 =	vld [tilespmem:$0x190F0];
	v26 =	vsel vm12, $0x3F800000, v1;
	v31 =	vsel vm13, $0x3F800000, v1;
	v32 =	vsel vm14, $0x3F800000, v1  }
0x94: {  	v33 =	vsel vm15, $0x3F800000, v1;
	v34 =	vsel vm4, $0x3F800000, v1;
	v35 =	vsel vm5, $0x3F800000, v1  }
0x95: {  	vm13 =	veq.s32 v27, $0x0;
	vm14 =	veq.s32 v27, $0x1;
	vm15 =	veq.s32 v27, $0x2  }
0x96: {  	vm4 =	veq.s32 v27, $0x3;
	v24 =	vadd.f32 v30, v25;
	v23 =	vadd.f32 v26, v23  }
0x97: {  	v28 =	vld [tilespmem:$0x19110];
	vm5 =	veq.s32 v27, $0x4;
	v22 =	vadd.f32 v31, v22;
	v21 =	vadd.f32 v32, v21  }
0x98: {  	v29 =	vld [tilespmem:$0x19120];
	v20 =	vadd.f32 v33, v20;
	vm6 =	veq.s32 v17, $0x0;
	v19 =	vadd.f32 v34, v19  }
0x99: {  	vm7 =	veq.s32 v17, $0x1;
	v18 =	vadd.f32 v35, v18;
	vm8 =	veq.s32 v17, $0x2  }
0x9a: {  	vm9 =	veq.s32 v17, $0x3;
	vm10 =	veq.s32 v17, $0x4;
	vm11 =	veq.s32 v17, $0x5  }
0x9b: {  	vm12 =	veq.s32 v17, $0x6;
	v43 =	vsel vm13, $0x3F800000, v1;
	v44 =	vsel vm14, $0x3F800000, v1  }
0x9c: {  	v45 =	vsel vm15, $0x3F800000, v1;
	v46 =	vsel vm4, $0x3F800000, v1;
	v47 =	vsel vm5, $0x3F800000, v1  }
0x9d: {  	vm13 =	veq.s32 v28, $0x5;
	vm14 =	veq.s32 v28, $0x6;
	vm15 =	veq.s32 v29, $0x0  }
0x9e: {  	vm4 =	veq.s32 v29, $0x1;
	vm5 =	veq.s32 v29, $0x2;
	v26 =	vmin.u32 v13, $0x7  }
0x9f: {  	v32 =	vmin.u32 v14, $0x7;
	v33 =	vmin.u32 v15, $0x7;
	v36 =	vsel vm6, $0x3F800000, v1  }
0xa0: {  	v37 =	vsel vm7, $0x3F800000, v1;
	v38 =	vsel vm8, $0x3F800000, v1;
	v39 =	vsel vm9, $0x3F800000, v1  }
0xa1: {  	v40 =	vsel vm10, $0x3F800000, v1;
	v41 =	vsel vm11, $0x3F800000, v1;
	v42 =	vsel vm12, $0x3F800000, v1  }
0xa2: {  	vm6 =	veq.s32 v27, $0x5;
	vm7 =	veq.s32 v27, $0x6;
	vm8 =	veq.s32 v28, $0x0  }
0xa3: {  	vm9 =	veq.s32 v28, $0x1;
	vm10 =	veq.s32 v28, $0x2;
	vm11 =	veq.s32 v28, $0x3  }
0xa4: {  	vm12 =	veq.s32 v28, $0x4;
	v55 =	vsel vm13, $0x3F800000, v1;
	v56 =	vsel vm14, $0x3F800000, v1  }
0xa5: {  	v57 =	vsel vm15, $0x3F800000, v1;
	v58 =	vsel vm4, $0x3F800000, v1;
	v59 =	vsel vm5, $0x3F800000, v1  }
0xa6: {  	v31 =	vor.u32 v0, v26;
	v24 =	vadd.f32 v36, v24;
	v23 =	vadd.f32 v37, v23  }
0xa7: {  	v34 =	vor.u32 v0, v32;
	v22 =	vadd.f32 v38, v22;
	v21 =	vadd.f32 v39, v21  }
0xa8: {  	v35 =	vor.u32 v0, v33;
	v20 =	vadd.f32 v40, v20;
	v19 =	vadd.f32 v41, v19  }
0xa9: {  	v63 =	vld [tilespmem:$0x19160];
	v18 =	vadd.f32 v42, v18;
	v48 =	vsel vm6, $0x3F800000, v1;
	v49 =	vsel vm7, $0x3F800000, v1  }
0xaa: {  	v50 =	vsel vm8, $0x3F800000, v1;
	v51 =	vsel vm9, $0x3F800000, v1;
	v52 =	vsel vm10, $0x3F800000, v1  }
0xab: {  	v53 =	vsel vm11, $0x3F800000, v1;
	v54 =	vsel vm12, $0x3F800000, v1;
	vm6 =	veq.s32 v29, $0x3  }
0xac: {  	vm7 =	veq.s32 v29, $0x4;
	vm8 =	veq.s32 v29, $0x5;
	vm9 =	veq.s32 v29, $0x6  }
0xad: {  	v36 =	vmin.u32 v16, $0x7;
	v38 =	vmin.u32 v17, $0x7;
	v39 =	vmin.u32 v27, $0x7  }
0xae: {  	v42 =	vmin.u32 v28, $0x7;
	v28 =	vmin.u32 v63, $0x7;
	v60 =	vsel vm6, $0x3F800000, v1  }
0xaf: {  	v30 =	vld [tilespmem:$0x19130];
	v61 =	vsel vm7, $0x3F800000, v1;
	v62 =	vsel vm8, $0x3F800000, v1;
	v25 =	vsel vm9, $0x3F800000, v1  }
0xb0: {  	v37 =	vor.u32 v0, v36;
	v24 =	vadd.f32 v43, v24;
	v23 =	vadd.f32 v44, v23  }
0xb1: {  	v40 =	vor.u32 v0, v38;
	v22 =	vadd.f32 v45, v22;
	v21 =	vadd.f32 v46, v21  }
0xb2: {  	v41 =	vor.u32 v0, v39;
	v20 =	vadd.f32 v47, v20;
	v19 =	vadd.f32 v48, v19  }
0xb3: {  	[tilespmem:$0x19420] =	vst v4;
	v18 =	vadd.f32 v49, v18;
	v43 =	vor.u32 v0, v42;
	v44 =	vmin.u32 v29, $0x7  }
0xb4: {  	[tilespmem:$0x19430] =	vst v5;
	v29 =	vor.u32 v0, v28;
	vm10 =	veq.s32 v30, $0x0;
	v45 =	vor.u32 v0, v44  }
0xb5: {  	[tilespmem:$0x19440] =	vst v6;
	vm11 =	veq.s32 v30, $0x1;
	vm12 =	veq.s32 v30, $0x2;
	vm13 =	veq.s32 v30, $0x3  }
0xb6: {  	[tilespmem:$0x19480] =	vst v7;
	vm14 =	veq.s32 v30, $0x4;
	v24 =	vadd.f32 v50, v24;
	v23 =	vadd.f32 v51, v23  }
0xb7: {  	[tilespmem:$0x19490] =	vst v8;
	vm15 =	veq.s32 v30, $0x5;
	v22 =	vadd.f32 v52, v22;
	v21 =	vadd.f32 v53, v21  }
0xb8: {  	[tilespmem:$0x194A0] =	vst v9;
	vm4 =	veq.s32 v30, $0x6;
	v20 =	vadd.f32 v54, v20;
	v19 =	vadd.f32 v55, v19  }
0xb9: {  	[tilespmem:$0x194B0] =	vst v10;
	v49 =	vld [tilespmem:$0x19140];
	v18 =	vadd.f32 v56, v18;
	v46 =	vsel vm10, $0x3F800000, v1;
	v48 =	vsel vm11, $0x3F800000, v1  }
0xba: {  	[tilespmem:$0x194C0] =	vst v2;
	v50 =	vsel vm12, $0x3F800000, v1;
	v51 =	vsel vm13, $0x3F800000, v1;
	v24 =	vadd.f32 v57, v24  }
0xbb: {  	[tilespmem:$0x19500] =	vst v3;
	v53 =	vsel vm14, $0x3F800000, v1;
	v23 =	vadd.f32 v58, v23;
	v22 =	vadd.f32 v59, v22  }
0xbc: {  	[tilespmem:$0x19510] =	vst v31;
	v55 =	vsel vm15, $0x3F800000, v1;
	v21 =	vadd.f32 v60, v21;
	v20 =	vadd.f32 v61, v20  }
0xbd: {  	[tilespmem:$0x19520] =	vst v34;
	v19 =	vadd.f32 v62, v19;
	v12 =	vadd.f32 v25, v18;
	v57 =	vsel vm4, $0x3F800000, v1  }
0xbe: {  	[tilespmem:$0x19530] =	vst v35;
	v61 =	vmin.u32 v30, $0x7;
	vm5 =	veq.s32 v49, $0x0;
	vm6 =	veq.s32 v49, $0x1  }
0xbf: {  	[tilespmem:$0x19540] =	vst v37;
	vm7 =	veq.s32 v49, $0x2;
	vm8 =	veq.s32 v49, $0x3;
	v7 =	vor.u32 v0, v61  }
0xc0: {  	[tilespmem:$0x19580] =	vst v40;
	v60 =	vld [tilespmem:$0x19150];
	vm9 =	veq.s32 v49, $0x4;
	v47 =	vadd.f32 v46, v24;
	v2 =	vadd.f32 v48, v23  }
0xc1: {  	[tilespmem:$0x19590] =	vst v41;
	v3 =	vadd.f32 v50, v22;
	v54 =	vadd.f32 v53, v20;
	v62 =	vsel vm6, $0x3F800000, v1;
	v20 =	vld [tilespmem:$0x19170]  }
0xc2: {  	[tilespmem:$0x195A0] =	vst v43;
	vm10 =	veq.s32 v49, $0x5;
	v52 =	vadd.f32 v51, v21;
	v21 =	vadd.f32 v62, v2;
	v2 =	vld [tilespmem:$0x19180]  }
0xc3: {  	[tilespmem:$0x19620] =	vst v29;
	vm11 =	veq.s32 v49, $0x6;
	v56 =	vadd.f32 v55, v19;
	v58 =	vadd.f32 v57, v12  }
0xc4: {  	[tilespmem:$0x195B0] =	vst v45;
	v59 =	vsel vm5, $0x3F800000, v1;
	v19 =	vsel vm7, $0x3F800000, v1;
	v23 =	vmin.u32 v49, $0x7  }
0xc5: {  	v22 =	vsel vm8, $0x3F800000, v1;
	[tilespmem:$0x195C0] =	vst v7;
	v24 =	vor.u32 v0, v23;
	v25 =	vmin.u32 v60, $0x7  }
0xc6: {  	v26 =	vsel vm9, $0x3F800000, v1;
	[tilespmem:$0x19600] =	vst v24;
	v27 =	vor.u32 v0, v25;
	v30 =	vmin.u32 v20, $0x7  }
0xc7: {  	v33 =	vsel vm10, $0x3F800000, v1;
	[tilespmem:$0x19610] =	vst v27;
	v31 =	vor.u32 v0, v30;
	v32 =	vmin.u32 v2, $0x7  }
0xc8: {  	v36 =	vsel vm11, $0x3F800000, v1;
	vm7 =	veq.s32 v63, $0x0;
	[tilespmem:$0x19630] =	vst v31;
	v34 =	vor.u32 v0, v32  }
0xc9: {  	vm8 =	veq.s32 v63, $0x1;
	vm9 =	veq.s32 v63, $0x2;
	vm10 =	veq.s32 v63, $0x3;
	[tilespmem:$0x19640] =	vst v34  }
0xca: {  	vm11 =	veq.s32 v63, $0x4;
	v44 =	vsel vm7, $0x3F800000, v1;
	v45 =	vsel vm8, $0x3F800000, v1;
	[spmem:s3] =	stream.indirect.scatter.add.f32 [tilespmem:s4], [sflag:$0x5], $0x80, s24, s23, $0xb8;
	[tilespmem:$0x1A800] =	vst v63  }
0xcb: {  	v46 =	vsel vm9, $0x3F800000, v1;
	v10 =	vadd.f32 v59, v47;
	v3 =	vadd.f32 v19, v3  }
0xcc: {  	v48 =	vsel vm11, $0x3F800000, v1;
	v4 =	vadd.f32 v22, v52;
	v5 =	vadd.f32 v26, v54;
	[spmem:s3] =	stream.indirect.scatter.add.f32 [tilespmem:s26], [sflag:$0x5], $0x80, s25, s23, $0xb8;
	[tilespmem:$0x1A800] =	vst v63  }
0xcd: {  	v35 =	vadd.f32 v33, v56;
	v6 =	vadd.f32 v36, v58;
	v47 =	vsel vm10, $0x3F800000, v1  }
0xce: {  	vm12 =	veq.s32 v60, $0x0;
	vm13 =	veq.s32 v60, $0x1;
	vm14 =	veq.s32 v60, $0x2;
	[spmem:s3] =	stream.indirect.scatter.add.f32 [tilespmem:s29], [sflag:$0x5], $0x80, s28, s23, $0xb8;
	[tilespmem:$0x1A800] =	vst v63  }
0xcf: {  	vm15 =	veq.s32 v60, $0x3;
	vm4 =	veq.s32 v60, $0x4;
	vm5 =	veq.s32 v60, $0x5  }
0xd0: {  	vm6 =	veq.s32 v60, $0x6;
	v37 =	vsel vm12, $0x3F800000, v1;
	v38 =	vsel vm13, $0x3F800000, v1;
	[spmem:s3] =	stream.indirect.scatter.add.f32 [tilespmem:s31], [sflag:$0x5], $0x80, s30, s23, $0xb8;
	[tilespmem:$0x1A800] =	vst v63  }
0xd1: {  	v39 =	vsel vm14, $0x3F800000, v1;
	v40 =	vsel vm15, $0x3F800000, v1;
	v41 =	vsel vm4, $0x3F800000, v1  }
0xd2: {  	v42 =	vsel vm5, $0x3F800000, v1;
	v43 =	vsel vm6, $0x3F800000, v1;
	v7 =	vadd.f32 v37, v10;
	[spmem:s3] =	stream.indirect.scatter.add.f32 [tilespmem:s16], [sflag:$0x5], $0x80, s0, s23, $0xb8;
	[tilespmem:$0x1A800] =	vst v63  }
0xd3: {  	vm12 =	veq.s32 v63, $0x5;
	v8 =	vadd.f32 v38, v21;
	v3 =	vadd.f32 v39, v3;
	_ =	swait.ge [sflag:s2], $0x2800  }
0xd4: {  	vm13 =	veq.s32 v63, $0x6;
	v4 =	vadd.f32 v40, v4;
	v5 =	vadd.f32 v41, v5;
	[sflag:s2] =	ssyncset.done $0x0  }
0xd5: {  	v9 =	vadd.f32 v42, v35;
	v6 =	vadd.f32 v43, v6;
	v49 =	vsel vm12, $0x3F800000, v1;
	[sflag:s2] =	ssyncadd.s32 $0xFFFFD800  }
0xd6: {  	v50 =	vsel vm13, $0x3F800000, v1;
	vm14 =	veq.s32 v20, $0x0;
	vm15 =	veq.s32 v20, $0x1;
	_ =	swait.ge [sflag:s2], $0x2800  }
0xd7: {  	vm4 =	veq.s32 v20, $0x2;
	vm5 =	veq.s32 v20, $0x3;
	vm6 =	veq.s32 v20, $0x4;
	[sflag:s2] =	ssyncset.done $0x0  }
0xd8: {  	vm7 =	veq.s32 v20, $0x5;
	vm8 =	veq.s32 v20, $0x6;
	v51 =	vsel vm14, $0x3F800000, v1;
	[sflag:s2] =	ssyncadd.s32 $0xFFFFD800  }
0xd9: {  	v52 =	vsel vm15, $0x3F800000, v1;
	v53 =	vsel vm4, $0x3F800000, v1;
	v7 =	vadd.f32 v44, v7;
	_ =	swait.ge [sflag:s2], $0x2800  }
0xda: {  	v54 =	vsel vm5, $0x3F800000, v1;
	v8 =	vadd.f32 v45, v8;
	v3 =	vadd.f32 v46, v3;
	[sflag:s2] =	ssyncset.done $0x0  }
0xdb: {  	v55 =	vsel vm6, $0x3F800000, v1;
	v4 =	vadd.f32 v47, v4;
	v5 =	vadd.f32 v48, v5;
	[sflag:s2] =	ssyncadd.s32 $0xFFFFD800  }
0xdc: {  	v56 =	vsel vm7, $0x3F800000, v1;
	v9 =	vadd.f32 v49, v9;
	v6 =	vadd.f32 v50, v6;
	_ =	swait.ge [sflag:s2], $0x2800  }
0xdd: {  	vm9 =	veq.s32 v2, $0x0;
	vm10 =	veq.s32 v2, $0x1;
	vm11 =	veq.s32 v2, $0x2;
	[sflag:s2] =	ssyncset.done $0x0  }
0xde: {  	vm12 =	veq.s32 v2, $0x3;
	vm13 =	veq.s32 v2, $0x4;
	v7 =	vadd.f32 v51, v7;
	[sflag:s2] =	ssyncadd.s32 $0xFFFFD800  }
0xdf: {  	vm14 =	veq.s32 v2, $0x5;
	v58 =	vsel vm9, $0x3F800000, v1;
	v8 =	vadd.f32 v52, v8;
	_ =	swait.ge [sflag:s2], $0x2800  }
0xe0: {  	v59 =	vsel vm10, $0x3F800000, v1;
	v3 =	vadd.f32 v53, v3;
	v7 =	vadd.f32 v58, v7;
	[sflag:s2] =	ssyncset.done $0x0  }
0xe1: {  	v60 =	vsel vm11, $0x3F800000, v1;
	v4 =	vadd.f32 v54, v4;
	v8 =	vadd.f32 v59, v8;
	[sflag:s2] =	ssyncadd.s32 $0xFFFFD800  }
0xe2: {  	v61 =	vsel vm12, $0x3F800000, v1;
	v5 =	vadd.f32 v55, v5;
	v3 =	vadd.f32 v60, v3;
	[tilespmem:$0x1A000] =	vst v7  }
0xe3: {  	v62 =	vsel vm13, $0x3F800000, v1;
	v9 =	vadd.f32 v56, v9;
	v4 =	vadd.f32 v61, v4;
	[tilespmem:$0x1A080] =	vst v8  }
0xe4: {  	v57 =	vsel vm8, $0x3F800000, v1;
	v63 =	vsel vm14, $0x3F800000, v1;
	v5 =	vadd.f32 v62, v5;
	[tilespmem:$0x1A100] =	vst v3  }
0xe5: {  	vm15 =	veq.s32 v2, $0x6;
	v6 =	vadd.f32 v57, v6;
	v2 =	vadd.f32 v63, v9;
	[tilespmem:$0x1A180] =	vst v4  }
0xe6: {  	v3 =	vsel vm15, $0x3F800000, v1;
	[tilespmem:$0x1A200] =	vst v5  }
0xe7: {  	s8 =	stileid.u32;
	[tilespmem:$0x1A280] =	vst v2;
	v3 =	vadd.f32 v3, v6  }
0xe8: {  	s8 =	sshll.u32 s8, $0x6;
	s20 =	rddreg [dreg:$0x5];
	[tilespmem:$0x1A380] =	vst v1  }
0xe9: {  	s8 =	sor.u32 $0x1C07, s8;
	s10 =	rddreg [dreg:$0xa];
	s9 =	sshrl.u32 s20, $0x3;
	[tilespmem:$0x1A300] =	vst v3  }
0xea: {  	[hbm:s10], [sflag:s8] =	dma.local [spmem:s9], $0x80  }
0xeb: {  	s10 =	simm.s32 $0x7  }
0xec: {  	_ =	swait.ge [sflag:s10], $0x80  }
0xed: {  	[sflag:s10] =	ssyncset.done $0x0  }
0xee: {  	s11 =	simm.s32 $0x1A000;
	s9 =	rddreg [dreg:$0xb];
	[sflag:s10] =	ssyncadd.s32 $0xFFFFFF80  }
0xef: {  	[hbm4b:s9+s4] =	stream.linear.scatter [tilespmem:s11], [sflag:$0x7], $0x400, $0x38;
	[tilespmem:$0x1A800] =	vst v63  }
0xf0: {  	_ =	swait.ge [sflag:s10], $0x400  }
0xf1: {  	s8 =	rddreg [dreg:$0xf]  }
0xf2: {  	s11 =	rddreg [dreg:$0xc];
	s9 =	sadd.s32 $0x1, s8  }
0xf3: {  	p0 =	sne.s32 s9, s11  }
.Ltmp1:
0xf4: {  	_ = 	snop;
	(pc) =	sbr.rel @!p0 .LBB2_5-.Ltmp1, $3  }
0xf5: {  	_ =	sdelay $0x1  }
0xf6: {  	[sflag:s10] =	ssyncset.done $0x0  }
0xf7: {  	[sflag:s10] =	ssyncadd.s32 $0xFFFFFC00  }
.LBB2_1:
0xf8: {  	[tilespmem:$0x19C00] =	vst v1  }
0xf9: {  	[tilespmem:$0x19C10] =	vst v1  }
0xfa: {  	[tilespmem:$0x19C20] =	vst v1  }
0xfb: {  	[tilespmem:$0x19C30] =	vst v1  }
0xfc: {  	[tilespmem:$0x19C40] =	vst v1  }
0xfd: {  	[tilespmem:$0x19C50] =	vst v1  }
0xfe: {  	[tilespmem:$0x19C60] =	vst v1  }
0xff: {  	[tilespmem:$0x19C70] =	vst v1  }
0x100: {  	[tilespmem:$0x19C80] =	vst v1  }
0x101: {  	[tilespmem:$0x19C90] =	vst v1  }
0x102: {  	[tilespmem:$0x19CA0] =	vst v1  }
0x103: {  	[tilespmem:$0x19CB0] =	vst v1  }
0x104: {  	[tilespmem:$0x19CC0] =	vst v1  }
0x105: {  	[tilespmem:$0x19CD0] =	vst v1  }
0x106: {  	[tilespmem:$0x19CE0] =	vst v1  }
0x107: {  	[tilespmem:$0x19CF0] =	vst v1  }
0x108: {  	[tilespmem:$0x19D00] =	vst v1  }
0x109: {  	[tilespmem:$0x19D10] =	vst v1  }
0x10a: {  	[tilespmem:$0x19D20] =	vst v1  }
0x10b: {  	[tilespmem:$0x19D30] =	vst v1  }
0x10c: {  	[tilespmem:$0x19D40] =	vst v1  }
0x10d: {  	[tilespmem:$0x19D50] =	vst v1  }
0x10e: {  	[tilespmem:$0x19D60] =	vst v1  }
0x10f: {  	[tilespmem:$0x19D70] =	vst v1  }
0x110: {  	[tilespmem:$0x19D80] =	vst v1  }
0x111: {  	[tilespmem:$0x19D90] =	vst v1  }
0x112: {  	[tilespmem:$0x19DA0] =	vst v1  }
0x113: {  	[tilespmem:$0x19DB0] =	vst v1  }
0x114: {  	[tilespmem:$0x19DC0] =	vst v1  }
0x115: {  	[tilespmem:$0x19DD0] =	vst v1  }
0x116: {  	[tilespmem:$0x19DE0] =	vst v1  }
0x117: {  	[tilespmem:$0x19DF0] =	vst v1  }
0x118: {  	[tilespmem:$0x19E00] =	vst v1  }
0x119: {  	[tilespmem:$0x19E10] =	vst v1  }
0x11a: {  	[tilespmem:$0x19E20] =	vst v1  }
0x11b: {  	[tilespmem:$0x19E30] =	vst v1  }
0x11c: {  	[tilespmem:$0x19E40] =	vst v1  }
0x11d: {  	[tilespmem:$0x19E50] =	vst v1  }
0x11e: {  	[tilespmem:$0x19E60] =	vst v1  }
0x11f: {  	[tilespmem:$0x19E70] =	vst v1  }
0x120: {  	[tilespmem:$0x19E80] =	vst v1  }
0x121: {  	[tilespmem:$0x19E90] =	vst v1  }
0x122: {  	[tilespmem:$0x19EA0] =	vst v1  }
0x123: {  	[tilespmem:$0x19EB0] =	vst v1  }
0x124: {  	[tilespmem:$0x19EC0] =	vst v1  }
0x125: {  	[tilespmem:$0x19ED0] =	vst v1  }
0x126: {  	[tilespmem:$0x19EE0] =	vst v1  }
0x127: {  	[tilespmem:$0x19EF0] =	vst v1  }
0x128: {  	[tilespmem:$0x19F00] =	vst v1  }
0x129: {  	[tilespmem:$0x19F10] =	vst v1  }
0x12a: {  	[tilespmem:$0x19F20] =	vst v1  }
0x12b: {  	[tilespmem:$0x19F30] =	vst v1  }
0x12c: {  	[tilespmem:$0x19F40] =	vst v1  }
0x12d: {  	[tilespmem:$0x19F50] =	vst v1  }
0x12e: {  	[tilespmem:$0x19F60] =	vst v1  }
0x12f: {  	[tilespmem:$0x19F70] =	vst v1  }
0x130: {  	[tilespmem:$0x19F80] =	vst v1  }
0x131: {  	[tilespmem:$0x19F90] =	vst v1  }
0x132: {  	[tilespmem:$0x19FA0] =	vst v1  }
0x133: {  	[tilespmem:$0x19FB0] =	vst v1  }
0x134: {  	[tilespmem:$0x19FC0] =	vst v1  }
0x135: {  	[tilespmem:$0x19FD0] =	vst v1  }
0x136: {  	[tilespmem:$0x19FE0] =	vst v1  }
0x137: {  	[dreg:$0xf] =	wrdreg s9;
	[tilespmem:$0x19FF0] =	vst v1;
	s8 =	simm.s32 $0x19C00  }
0x138: {  	[spmem:s20] =	stream.linear.scatter [tilespmem:s8], [sflag:$0x7], $0x400, $0x38;
	[tilespmem:$0x1A800] =	vst v63  }
0x139: {  	_ =	swait.ge [sflag:s10], $0x400  }
0x13a: {  	[sflag:s10] =	ssyncset.done $0x0;
	s20 =	rddreg [dreg:$0x6]  }
0x13b: {  	s9 =	rddreg [dreg:$0x7];
	[sflag:s10] =	ssyncadd.s32 $0xFFFFFC00  }
0x13c: {  	[tilespmem:s4], [sflag:$0x1] =	stream.linear.gather [hbm4b:s20+s4], $0xC800, $0x38;
	[tilespmem:$0x1A800] =	vst v63  }
0x13d: {  	s11 =	rddreg [dreg:$0x9]  }
0x13e: {  	[tilespmem:s18], [sflag:$0x3] =	stream.linear.gather [hbm4b:s9+s4], $0x190, $0x38;
	[tilespmem:$0x1A800] =	vst v63  }
0x13f: {  	s10 =	rddreg [dreg:$0x8]  }
0x140: {  	[tilespmem:s19], [sflag:$0x2] =	stream.linear.gather [hbm4b:s10+s4], $0xC800, $0x38;
	[tilespmem:$0x1A800] =	vst v63  }
0x141: {  	v4 =	vimm.f32 $0.0e+00;
	s20 =	simm.s32 $0x19200;
	s9 =	rddreg [dreg:$0xd]  }
0x142: {  	v5 =	vimm.f32 $0.0e+00;
	v6 =	vimm.f32 $0.0e+00;
	v7 =	vimm.f32 $0.0e+00;
	[tilespmem:s20], [sflag:$0x4] =	stream.linear.gather [hbm4b:s11+s4], $0x190, $0x38;
	[tilespmem:$0x1A800] =	vst v63  }
0x143: {  	v8 =	vimm.f32 $0.0e+00;
	v9 =	vimm.f32 $0.0e+00;
	v10 =	vimm.f32 $0.0e+00;
	s8 =	simm.s32 $0x0;
	s20 =	rddreg [dreg:$0xe]  }
.LBB2_2:
0x144: {  	_ =	swait.ge [sflag:s21], $0xC800  }
0x145: {  	[sflag:s21] =	ssyncset.done $0x0  }
0x146: {  	[sflag:s21] =	ssyncadd.s32 $0xFFFF3800  }
0x147: {  	_ =	swait.ge [sflag:s22], $0x190  }
0x148: {  	[sflag:s22] =	ssyncset.done $0x0  }
0x149: {  	[sflag:s22] =	ssyncadd.s32 $0xFFFFFE70  }
0x14a: {  	v2 =	vld [tilespmem:$0x19000];
	_ =	sdelay $0x1  }
0x14b: {  	v11 =	vld [tilespmem:$0x19010];
	_ =	sdelay $0x2  }
0x14c: {  	vm0 =	veq.s32 v2, $0x0;
	vm15 =	veq.s32 v2, $0x1;
	vm4 =	veq.s32 v2, $0x2  }
0x14d: {  	v14 =	vld [tilespmem:$0x19020];
	vm5 =	veq.s32 v2, $0x3;
	vm6 =	veq.s32 v2, $0x4;
	vm7 =	veq.s32 v2, $0x5  }
0x14e: {  	v48 =	vld [tilespmem:$0x19030];
	vm8 =	veq.s32 v2, $0x6;
	vm9 =	veq.s32 v11, $0x0;
	vm10 =	veq.s32 v11, $0x1  }
0x14f: {  	v2 =	vmin.u32 v2, $0x7;
	vm11 =	veq.s32 v11, $0x2;
	vm12 =	veq.s32 v11, $0x3  }
0x150: {  	v53 =	vld [tilespmem:$0x19040];
	vm13 =	veq.s32 v11, $0x4;
	vm14 =	veq.s32 v11, $0x5;
	v3 =	vsel vm0, $0x3F800000, v1  }
0x151: {  	v17 =	vld [tilespmem:$0x19050];
	v12 =	vsel vm10, $0x3F800000, v1;
	v2 =	vor.u32 v0, v2;
	v13 =	vsel vm11, $0x3F800000, v1  }
0x152: {  	v45 =	vsel vm13, $0x3F800000, v1;
	v46 =	vsel vm14, $0x3F800000, v1;
	vm10 =	veq.s32 v14, $0x6  }
0x153: {  	vm11 =	veq.s32 v48, $0x0;
	vm13 =	veq.s32 v48, $0x2;
	vm14 =	veq.s32 v48, $0x3  }
0x154: {  	v21 =	vld [tilespmem:$0x19060];
	v3 =	vadd.f32 v3, v10;
	v10 =	vsel vm15, $0x3F800000, v1;
	vm15 =	veq.s32 v11, $0x6  }
0x155: {  	v51 =	vsel vm11, $0x3F800000, v1;
	v54 =	vsel vm13, $0x3F800000, v1;
	v55 =	vsel vm14, $0x3F800000, v1  }
0x156: {  	vm11 =	veq.s32 v53, $0x5;
	vm13 =	veq.s32 v17, $0x0;
	vm14 =	veq.s32 v17, $0x1  }
0x157: {  	v9 =	vadd.f32 v10, v9;
	v10 =	vsel vm4, $0x3F800000, v1;
	vm4 =	veq.s32 v14, $0x0  }
0x158: {  	v61 =	vsel vm11, $0x3F800000, v1;
	v62 =	vsel vm13, $0x3F800000, v1;
	v63 =	vsel vm14, $0x3F800000, v1  }
0x159: {  	vm11 =	veq.s32 v21, $0x3;
	vm13 =	veq.s32 v21, $0x5;
	vm14 =	veq.s32 v21, $0x6  }
0x15a: {  	v8 =	vadd.f32 v10, v8;
	v10 =	vsel vm5, $0x3F800000, v1;
	vm5 =	veq.s32 v14, $0x1  }
0x15b: {  	v7 =	vadd.f32 v10, v7;
	v10 =	vsel vm6, $0x3F800000, v1;
	v9 =	vadd.f32 v12, v9  }
0x15c: {  	v47 =	vsel vm5, $0x3F800000, v1;
	vm6 =	veq.s32 v14, $0x2;
	vm5 =	veq.s32 v48, $0x6  }
0x15d: {  	v6 =	vadd.f32 v10, v6;
	v10 =	vsel vm7, $0x3F800000, v1;
	v8 =	vadd.f32 v13, v8  }
0x15e: {  	vm7 =	veq.s32 v14, $0x3;
	v5 =	vadd.f32 v10, v5;
	v10 =	vsel vm8, $0x3F800000, v1  }
0x15f: {  	v9 =	vadd.f32 v47, v9;
	v49 =	vsel vm7, $0x3F800000, v1;
	vm8 =	veq.s32 v14, $0x4  }
0x160: {  	vm7 =	veq.s32 v53, $0x1;
	v4 =	vadd.f32 v10, v4;
	v10 =	vsel vm9, $0x3F800000, v1  }
0x161: {  	v6 =	vadd.f32 v45, v6;
	vm9 =	veq.s32 v14, $0x5;
	v58 =	vsel vm7, $0x3F800000, v1  }
0x162: {  	vm7 =	veq.s32 v17, $0x6;
	v10 =	vadd.f32 v10, v3;
	v3 =	vsel vm12, $0x3F800000, v1  }
0x163: {  	v5 =	vadd.f32 v46, v5;
	v50 =	vsel vm9, $0x3F800000, v1;
	vm12 =	veq.s32 v48, $0x1  }
0x164: {  	v26 =	vld [tilespmem:$0x19070];
	vm9 =	veq.s32 v53, $0x3;
	v7 =	vadd.f32 v3, v7;
	v3 =	vsel vm15, $0x3F800000, v1  }
0x165: {  	v38 =	vld [tilespmem:$0x190A0];
	v52 =	vsel vm12, $0x3F800000, v1;
	vm15 =	veq.s32 v48, $0x4;
	v59 =	vsel vm9, $0x3F800000, v1  }
0x166: {  	vm12 =	veq.s32 v53, $0x6;
	vm9 =	veq.s32 v21, $0x1;
	v4 =	vadd.f32 v3, v4  }
0x167: {  	v3 =	vmin.u32 v11, $0x7;
	v11 =	vsel vm4, $0x3F800000, v1;
	v5 =	vadd.f32 v50, v5  }
0x168: {  	v9 =	vadd.f32 v52, v9;
	v56 =	vsel vm15, $0x3F800000, v1;
	vm4 =	veq.s32 v48, $0x5  }
0x169: {  	vm15 =	veq.s32 v17, $0x2;
	v25 =	vsel vm9, $0x3F800000, v1;
	vm9 =	veq.s32 v26, $0x6  }
0x16a: {  	v50 =	vmin.u32 v38, $0x7;
	v3 =	vor.u32 v0, v3;
	v10 =	vadd.f32 v11, v10  }
0x16b: {  	v11 =	vsel vm6, $0x3F800000, v1;
	v7 =	vadd.f32 v49, v7;
	v57 =	vsel vm4, $0x3F800000, v1  }
0x16c: {  	vm6 =	veq.s32 v53, $0x0;
	v20 =	vsel vm15, $0x3F800000, v1;
	vm4 =	veq.s32 v17, $0x3  }
0x16d: {  	vm15 =	veq.s32 v26, $0x0;
	v8 =	vadd.f32 v11, v8;
	v11 =	vsel vm8, $0x3F800000, v1  }
0x16e: {  	v12 =	vadd.f32 v57, v5;
	v5 =	vsel vm5, $0x3F800000, v1;
	v15 =	vsel vm6, $0x3F800000, v1  }
0x16f: {  	vm8 =	veq.s32 v53, $0x2;
	v9 =	vadd.f32 v58, v9;
	v22 =	vsel vm4, $0x3F800000, v1  }
0x170: {  	vm5 =	veq.s32 v17, $0x4;
	vm6 =	veq.s32 v17, $0x5;
	v18 =	vsel vm15, $0x3F800000, v1  }
0x171: {  	vm4 =	veq.s32 v26, $0x1;
	v6 =	vadd.f32 v11, v6;
	v11 =	vsel vm10, $0x3F800000, v1  }
0x172: {  	v10 =	vadd.f32 v51, v10;
	v7 =	vadd.f32 v55, v7;
	v16 =	vsel vm8, $0x3F800000, v1  }
0x173: {  	v33 =	vld [tilespmem:$0x19090];
	vm10 =	veq.s32 v53, $0x4;
	v23 =	vsel vm5, $0x3F800000, v1;
	vm8 =	veq.s32 v21, $0x0  }
0x174: {  	v28 =	vsel vm4, $0x3F800000, v1;
	vm5 =	veq.s32 v26, $0x2;
	v11 =	vadd.f32 v11, v4  }
0x175: {  	v4 =	vmin.u32 v14, $0x7;
	v8 =	vadd.f32 v54, v8;
	v60 =	vsel vm10, $0x3F800000, v1  }
0x176: {  	v12 =	vadd.f32 v61, v12;
	v9 =	vadd.f32 v63, v9;
	v24 =	vsel vm8, $0x3F800000, v1  }
0x177: {  	vm10 =	veq.s32 v21, $0x2;
	v19 =	vsel vm5, $0x3F800000, v1;
	vm8 =	veq.s32 v26, $0x5  }
0x178: {  	vm5 =	veq.s32 v33, $0x0;
	v4 =	vor.u32 v0, v4;
	v6 =	vadd.f32 v56, v6  }
0x179: {  	v10 =	vadd.f32 v15, v10;
	v7 =	vadd.f32 v59, v7;
	v27 =	vsel vm10, $0x3F800000, v1  }
0x17a: {  	v30 =	vsel vm8, $0x3F800000, v1;
	v36 =	vsel vm5, $0x3F800000, v1;
	vm8 =	veq.s32 v33, $0x3  }
0x17b: {  	vm5 =	veq.s32 v38, $0x5;
	v11 =	vadd.f32 v5, v11;
	v5 =	vmin.u32 v48, $0x7  }
0x17c: {  	v8 =	vadd.f32 v16, v8;
	v9 =	vadd.f32 v25, v9;
	v40 =	vsel vm8, $0x3F800000, v1  }
0x17d: {  	v47 =	vsel vm5, $0x3F800000, v1;
	v5 =	vor.u32 v0, v5;
	v13 =	vadd.f32 v60, v6  }
0x17e: {  	v6 =	vsel vm12, $0x3F800000, v1;
	v10 =	vadd.f32 v62, v10;
	v15 =	vadd.f32 v22, v7  }
0x17f: {  	v7 =	vsel vm6, $0x3F800000, v1;
	vm12 =	veq.s32 v21, $0x4;
	vm6 =	veq.s32 v26, $0x3  }
0x180: {  	v54 =	vld [tilespmem:$0x190C0];
	v11 =	vadd.f32 v6, v11;
	v6 =	vmin.u32 v53, $0x7;
	v8 =	vadd.f32 v20, v8  }
0x181: {  	v12 =	vadd.f32 v7, v12;
	v7 =	vsel vm7, $0x3F800000, v1;
	v29 =	vsel vm6, $0x3F800000, v1  }
0x182: {  	vm7 =	veq.s32 v26, $0x4;
	v16 =	vadd.f32 v28, v9;
	vm6 =	veq.s32 v33, $0x1  }
0x183: {  	v6 =	vor.u32 v0, v6;
	v13 =	vadd.f32 v23, v13;
	v10 =	vadd.f32 v24, v10  }
0x184: {  	v9 =	vsel vm7, $0x3F800000, v1;
	v37 =	vsel vm6, $0x3F800000, v1;
	vm7 =	veq.s32 v33, $0x2  }
0x185: {  	vm6 =	veq.s32 v38, $0x6;
	vm5 =	veq.s32 v54, $0x3;
	v11 =	vadd.f32 v7, v11  }
0x186: {  	v7 =	vmin.u32 v17, $0x7;
	v14 =	vadd.f32 v27, v8;
	v8 =	vsel vm11, $0x3F800000, v1  }
0x187: {  	v20 =	vld [tilespmem:$0x19080];
	v39 =	vsel vm7, $0x3F800000, v1;
	v48 =	vsel vm6, $0x3F800000, v1;
	v24 =	vsel vm5, $0x3F800000, v1  }
0x188: {  	vm6 =	veq.s32 v54, $0x4;
	v7 =	vor.u32 v0, v7;
	v15 =	vadd.f32 v8, v15  }
0x189: {  	v8 =	vsel vm12, $0x3F800000, v1;
	v10 =	vadd.f32 v18, v10;
	v25 =	vsel vm6, $0x3F800000, v1  }
0x18a: {  	v13 =	vadd.f32 v8, v13;
	v8 =	vsel vm13, $0x3F800000, v1;
	v14 =	vadd.f32 v19, v14  }
0x18b: {  	v12 =	vadd.f32 v8, v12;
	v8 =	vsel vm14, $0x3F800000, v1;
	v15 =	vadd.f32 v29, v15  }
0x18c: {  	vm10 =	veq.s32 v20, $0x0;
	vm11 =	veq.s32 v20, $0x1;
	vm12 =	veq.s32 v20, $0x2  }
0x18d: {  	v23 =	vld [tilespmem:$0x190B0];
	vm13 =	veq.s32 v20, $0x3;
	vm14 =	veq.s32 v20, $0x4;
	vm15 =	veq.s32 v20, $0x5  }
0x18e: {  	vm4 =	veq.s32 v20, $0x6;
	v11 =	vadd.f32 v8, v11;
	v8 =	vmin.u32 v21, $0x7  }
0x18f: {  	v13 =	vadd.f32 v9, v13;
	v9 =	vsel vm9, $0x3F800000, v1;
	v31 =	vsel vm10, $0x3F800000, v1  }
0x190: {  	v32 =	vsel vm11, $0x3F800000, v1;
	v34 =	vsel vm13, $0x3F800000, v1;
	v35 =	vsel vm15, $0x3F800000, v1  }
0x191: {  	vm9 =	veq.s32 v33, $0x4;
	vm10 =	veq.s32 v33, $0x5;
	vm11 =	veq.s32 v33, $0x6  }
0x192: {  	vm13 =	veq.s32 v38, $0x1;
	vm15 =	veq.s32 v38, $0x3;
	vm7 =	veq.s32 v23, $0x0  }
0x193: {  	vm8 =	veq.s32 v23, $0x1;
	v59 =	vmin.u32 v23, $0x7;
	v8 =	vor.u32 v0, v8  }
0x194: {  	v12 =	vadd.f32 v30, v12;
	v17 =	vadd.f32 v31, v10;
	v10 =	vsel vm12, $0x3F800000, v1  }
0x195: {  	v16 =	vadd.f32 v32, v16;
	v15 =	vadd.f32 v34, v15;
	v41 =	vsel vm9, $0x3F800000, v1  }
0x196: {  	v42 =	vsel vm10, $0x3F800000, v1;
	v43 =	vsel vm11, $0x3F800000, v1;
	vm12 =	veq.s32 v38, $0x0  }
0x197: {  	v44 =	vsel vm13, $0x3F800000, v1;
	v45 =	vsel vm15, $0x3F800000, v1;
	v51 =	vsel vm7, $0x3F800000, v1  }
0x198: {  	v52 =	vsel vm8, $0x3F800000, v1;
	vm9 =	veq.s32 v23, $0x2;
	vm10 =	veq.s32 v23, $0x3  }
0x199: {  	vm11 =	veq.s32 v23, $0x4;
	vm13 =	veq.s32 v23, $0x6;
	vm15 =	veq.s32 v54, $0x1  }
0x19a: {  	v62 =	vld [tilespmem:$0x190D0];
	vm7 =	veq.s32 v54, $0x5;
	vm8 =	veq.s32 v54, $0x6;
	v11 =	vadd.f32 v9, v11  }
0x19b: {  	v9 =	vmin.u32 v26, $0x7;
	v14 =	vadd.f32 v10, v14;
	v10 =	vsel vm14, $0x3F800000, v1  }
0x19c: {  	v21 =	vsel vm12, $0x3F800000, v1;
	vm14 =	veq.s32 v38, $0x2;
	v53 =	vsel vm9, $0x3F800000, v1  }
0x19d: {  	v55 =	vsel vm10, $0x3F800000, v1;
	v56 =	vsel vm11, $0x3F800000, v1;
	vm12 =	veq.s32 v23, $0x5  }
0x19e: {  	v58 =	vsel vm13, $0x3F800000, v1;
	v61 =	vsel vm15, $0x3F800000, v1;
	v26 =	vsel vm7, $0x3F800000, v1  }
0x19f: {  	v27 =	vsel vm8, $0x3F800000, v1;
	vm9 =	veq.s32 v62, $0x0;
	vm10 =	veq.s32 v62, $0x1  }
0x1a0: {  	vm11 =	veq.s32 v62, $0x2;
	vm13 =	veq.s32 v62, $0x4;
	vm15 =	veq.s32 v62, $0x6  }
0x1a1: {  	v9 =	vor.u32 v0, v9;
	v13 =	vadd.f32 v10, v13;
	v12 =	vadd.f32 v35, v12  }
0x1a2: {  	v10 =	vsel vm4, $0x3F800000, v1;
	v17 =	vadd.f32 v36, v17;
	v16 =	vadd.f32 v37, v16  }
0x1a3: {  	v15 =	vadd.f32 v40, v15;
	v22 =	vsel vm14, $0x3F800000, v1;
	vm4 =	veq.s32 v38, $0x4  }
0x1a4: {  	v57 =	vsel vm12, $0x3F800000, v1;
	vm14 =	veq.s32 v54, $0x0;
	v28 =	vsel vm9, $0x3F800000, v1  }
0x1a5: {  	vm12 =	veq.s32 v62, $0x3;
	v30 =	vsel vm13, $0x3F800000, v1;
	v32 =	vsel vm15, $0x3F800000, v1  }
0x1a6: {  	v11 =	vadd.f32 v10, v11;
	v10 =	vmin.u32 v20, $0x7;
	v14 =	vadd.f32 v39, v14  }
0x1a7: {  	v46 =	vsel vm4, $0x3F800000, v1;
	v60 =	vsel vm14, $0x3F800000, v1;
	vm4 =	veq.s32 v54, $0x2  }
0x1a8: {  	v29 =	vsel vm12, $0x3F800000, v1;
	vm14 =	veq.s32 v62, $0x5;
	v13 =	vadd.f32 v41, v13  }
0x1a9: {  	v10 =	vor.u32 v0, v10;
	v12 =	vadd.f32 v42, v12;
	v17 =	vadd.f32 v21, v17  }
0x1aa: {  	v16 =	vadd.f32 v44, v16;
	v15 =	vadd.f32 v45, v15;
	v63 =	vsel vm4, $0x3F800000, v1  }
0x1ab: {  	v37 =	vld [tilespmem:$0x190F0];
	v31 =	vsel vm14, $0x3F800000, v1;
	v18 =	vadd.f32 v43, v11;
	v11 =	vmin.u32 v33, $0x7  }
0x1ac: {  	v14 =	vadd.f32 v22, v14;
	v22 =	vmin.u32 v54, $0x7;
	v33 =	vmin.u32 v62, $0x7  }
0x1ad: {  	v11 =	vor.u32 v0, v11;
	v13 =	vadd.f32 v46, v13;
	v49 =	vadd.f32 v47, v12  }
0x1ae: {  	v12 =	vor.u32 v0, v50;
	v17 =	vadd.f32 v51, v17;
	v16 =	vadd.f32 v52, v16  }
0x1af: {  	v15 =	vadd.f32 v55, v15;
	v22 =	vor.u32 v0, v22;
	v21 =	vor.u32 v0, v33  }
0x1b0: {  	v18 =	vadd.f32 v48, v18;
	v14 =	vadd.f32 v53, v14;
	vm12 =	veq.s32 v37, $0x1  }
0x1b1: {  	v45 =	vld [tilespmem:$0x19100];
	vm13 =	veq.s32 v37, $0x2;
	vm14 =	veq.s32 v37, $0x3;
	v19 =	vadd.f32 v56, v13  }
0x1b2: {  	vm15 =	veq.s32 v37, $0x4;
	v20 =	vadd.f32 v57, v49;
	v17 =	vadd.f32 v60, v17  }
0x1b3: {  	v13 =	vor.u32 v0, v59;
	v16 =	vadd.f32 v61, v16;
	v15 =	vadd.f32 v24, v15  }
0x1b4: {  	v24 =	vsel vm10, $0x3F800000, v1;
	v44 =	vsel vm12, $0x3F800000, v1;
	v46 =	vsel vm13, $0x3F800000, v1  }
0x1b5: {  	v47 =	vsel vm14, $0x3F800000, v1;
	v48 =	vsel vm15, $0x3F800000, v1;
	v18 =	vadd.f32 v58, v18  }
0x1b6: {  	v14 =	vadd.f32 v63, v14;
	vm12 =	veq.s32 v45, $0x6;
	v19 =	vadd.f32 v25, v19  }
0x1b7: {  	[tilespmem:$0x19440] =	vst v6;
	v6 =	vmin.u32 v45, $0x7;
	v20 =	vadd.f32 v26, v20;
	v17 =	vadd.f32 v28, v17  }
0x1b8: {  	v60 =	vld [tilespmem:$0x19120];
	v25 =	vsel vm11, $0x3F800000, v1;
	v16 =	vadd.f32 v24, v16;
	v15 =	vadd.f32 v29, v15  }
0x1b9: {  	v26 =	vld [tilespmem:$0x190E0];
	vm11 =	veq.s32 v37, $0x0;
	v56 =	vsel vm12, $0x3F800000, v1;
	v6 =	vor.u32 v0, v6  }
0x1ba: {  	v18 =	vadd.f32 v27, v18;
	v14 =	vadd.f32 v25, v14;
	v43 =	vsel vm11, $0x3F800000, v1  }
0x1bb: {  	v29 =	vld [tilespmem:$0x19110];
	v25 =	vmin.u32 v37, $0x7;
	vm11 =	veq.s32 v45, $0x5;
	v19 =	vadd.f32 v30, v19  }
0x1bc: {  	v20 =	vadd.f32 v31, v20;
	v25 =	vor.u32 v0, v25;
	v54 =	vsel vm11, $0x3F800000, v1  }
0x1bd: {  	v18 =	vadd.f32 v32, v18;
	vm11 =	veq.s32 v60, $0x3;
	vm12 =	veq.s32 v60, $0x4  }
0x1be: {  	vm4 =	veq.s32 v26, $0x0;
	vm5 =	veq.s32 v26, $0x1;
	vm6 =	veq.s32 v26, $0x2  }
0x1bf: {  	vm7 =	veq.s32 v26, $0x3;
	vm8 =	veq.s32 v26, $0x4;
	vm9 =	veq.s32 v26, $0x5  }
0x1c0: {  	vm10 =	veq.s32 v26, $0x6;
	v42 =	vmin.u32 v26, $0x7;
	vm13 =	veq.s32 v29, $0x0  }
0x1c1: {  	vm14 =	veq.s32 v29, $0x1;
	vm15 =	veq.s32 v29, $0x2;
	v34 =	vsel vm4, $0x3F800000, v1  }
0x1c2: {  	v35 =	vsel vm5, $0x3F800000, v1;
	v36 =	vsel vm6, $0x3F800000, v1;
	v38 =	vsel vm7, $0x3F800000, v1  }
0x1c3: {  	v39 =	vsel vm8, $0x3F800000, v1;
	v40 =	vsel vm9, $0x3F800000, v1;
	v41 =	vsel vm10, $0x3F800000, v1  }
0x1c4: {  	v23 =	vor.u32 v0, v42;
	vm4 =	veq.s32 v37, $0x5;
	vm5 =	veq.s32 v37, $0x6  }
0x1c5: {  	v61 =	vld [tilespmem:$0x19130];
	vm6 =	veq.s32 v45, $0x0;
	vm7 =	veq.s32 v45, $0x1;
	vm8 =	veq.s32 v45, $0x2  }
0x1c6: {  	vm9 =	veq.s32 v45, $0x3;
	vm10 =	veq.s32 v45, $0x4;
	v58 =	vsel vm13, $0x3F800000, v1  }
0x1c7: {  	[tilespmem:$0x19480] =	vst v7;
	v7 =	vsel vm14, $0x3F800000, v1;
	v59 =	vsel vm15, $0x3F800000, v1;
	v17 =	vadd.f32 v34, v17  }
0x1c8: {  	vm13 =	veq.s32 v60, $0x5;
	v16 =	vadd.f32 v35, v16;
	v14 =	vadd.f32 v36, v14  }
0x1c9: {  	vm14 =	veq.s32 v60, $0x6;
	v15 =	vadd.f32 v38, v15;
	v19 =	vadd.f32 v39, v19  }
0x1ca: {  	vm15 =	veq.s32 v61, $0x0;
	v20 =	vadd.f32 v40, v20;
	v18 =	vadd.f32 v41, v18  }
0x1cb: {  	v49 =	vsel vm4, $0x3F800000, v1;
	v50 =	vsel vm5, $0x3F800000, v1;
	v51 =	vsel vm6, $0x3F800000, v1  }
0x1cc: {  	v27 =	vsel vm7, $0x3F800000, v1;
	v28 =	vsel vm8, $0x3F800000, v1;
	v52 =	vsel vm9, $0x3F800000, v1  }
0x1cd: {  	v53 =	vsel vm10, $0x3F800000, v1;
	vm4 =	veq.s32 v29, $0x3;
	vm5 =	veq.s32 v29, $0x4  }
0x1ce: {  	[tilespmem:$0x19400] =	vst v2;
	v62 =	vld [tilespmem:$0x19140];
	vm6 =	veq.s32 v29, $0x5;
	vm7 =	veq.s32 v29, $0x6;
	vm8 =	veq.s32 v60, $0x0  }
0x1cf: {  	[tilespmem:$0x19410] =	vst v3;
	vm9 =	veq.s32 v60, $0x1;
	v17 =	vadd.f32 v43, v17;
	v16 =	vadd.f32 v44, v16  }
0x1d0: {  	[tilespmem:$0x19420] =	vst v4;
	vm10 =	veq.s32 v60, $0x2;
	v14 =	vadd.f32 v46, v14;
	v15 =	vadd.f32 v47, v15  }
0x1d1: {  	[tilespmem:$0x19520] =	vst v22;
	v22 =	vsel vm13, $0x3F800000, v1;
	v19 =	vadd.f32 v48, v19;
	v20 =	vadd.f32 v49, v20  }
0x1d2: {  	[tilespmem:$0x19540] =	vst v23;
	v23 =	vsel vm15, $0x3F800000, v1;
	v18 =	vadd.f32 v50, v18;
	v2 =	vadd.f32 v27, v16  }
0x1d3: {  	[tilespmem:$0x19430] =	vst v5;
	vm13 =	veq.s32 v62, $0x3;
	v17 =	vadd.f32 v51, v17;
	v4 =	vadd.f32 v52, v15  }
0x1d4: {  	[tilespmem:$0x19490] =	vst v8;
	v5 =	vadd.f32 v54, v20;
	v2 =	vadd.f32 v7, v2;
	v7 =	vsel vm4, $0x3F800000, v1  }
0x1d5: {  	[tilespmem:$0x194A0] =	vst v9;
	v57 =	vadd.f32 v56, v18;
	v7 =	vadd.f32 v7, v4;
	v4 =	vsel vm6, $0x3F800000, v1  }
0x1d6: {  	[tilespmem:$0x194B0] =	vst v10;
	v3 =	vadd.f32 v28, v14;
	v5 =	vadd.f32 v4, v5;
	v4 =	vsel vm7, $0x3F800000, v1  }
0x1d7: {  	[tilespmem:$0x194C0] =	vst v11;
	v8 =	vadd.f32 v58, v17;
	v10 =	vadd.f32 v4, v57;
	v4 =	vmin.u32 v29, $0x7  }
0x1d8: {  	[tilespmem:$0x19500] =	vst v12;
	v55 =	vadd.f32 v53, v19;
	v11 =	vor.u32 v0, v4;
	v4 =	vsel vm8, $0x3F800000, v1  }
0x1d9: {  	[tilespmem:$0x19530] =	vst v21;
	v3 =	vadd.f32 v59, v3;
	v8 =	vadd.f32 v4, v8;
	v4 =	vsel vm9, $0x3F800000, v1  }
0x1da: {  	v21 =	vld [tilespmem:$0x19150];
	[tilespmem:$0x19510] =	vst v13;
	v9 =	vsel vm5, $0x3F800000, v1;
	v63 =	vadd.f32 v4, v2;
	v2 =	vsel vm10, $0x3F800000, v1  }
0x1db: {  	[tilespmem:$0x19590] =	vst v6;
	v9 =	vadd.f32 v9, v55;
	v4 =	vld [tilespmem:$0x19160];
	v16 =	vadd.f32 v2, v3;
	v2 =	vsel vm11, $0x3F800000, v1  }
0x1dc: {  	[tilespmem:$0x19580] =	vst v25;
	v3 =	vsel vm12, $0x3F800000, v1;
	v6 =	vadd.f32 v2, v7;
	v7 =	vmin.u32 v60, $0x7;
	v2 =	vld [tilespmem:$0x19170]  }
0x1dd: {  	[tilespmem:$0x195A0] =	vst v11;
	v11 =	vmin.u32 v61, $0x7;
	v9 =	vadd.f32 v3, v9;
	v3 =	vld [tilespmem:$0x19180];
	v7 =	vor.u32 v0, v7  }
0x1de: {  	vm15 =	veq.s32 v62, $0x5;
	[tilespmem:$0x195B0] =	vst v7;
	v7 =	vor.u32 v0, v11;
	v11 =	vmin.u32 v62, $0x7  }
0x1df: {  	vm5 =	veq.s32 v61, $0x2;
	[tilespmem:$0x195C0] =	vst v7;
	v7 =	vor.u32 v0, v11;
	v11 =	vmin.u32 v21, $0x7  }
0x1e0: {  	v30 =	vsel vm13, $0x3F800000, v1;
	[tilespmem:$0x19600] =	vst v7;
	v7 =	vor.u32 v0, v11;
	v11 =	vmin.u32 v4, $0x7  }
0x1e1: {  	v32 =	vsel vm15, $0x3F800000, v1;
	[tilespmem:$0x19610] =	vst v7;
	v7 =	vor.u32 v0, v11;
	v11 =	vmin.u32 v2, $0x7  }
0x1e2: {  	v17 =	vsel vm14, $0x3F800000, v1;
	[tilespmem:$0x19620] =	vst v7;
	v7 =	vor.u32 v0, v11;
	v11 =	vmin.u32 v3, $0x7  }
0x1e3: {  	vm4 =	veq.s32 v61, $0x1;
	vm14 =	veq.s32 v62, $0x4;
	[tilespmem:$0x19630] =	vst v7;
	v7 =	vor.u32 v0, v11  }
0x1e4: {  	vm6 =	veq.s32 v61, $0x3;
	v31 =	vsel vm14, $0x3F800000, v1;
	vm7 =	veq.s32 v61, $0x4;
	[tilespmem:$0x19640] =	vst v7  }
0x1e5: {  	v24 =	vsel vm6, $0x3F800000, v1;
	vm6 =	veq.s32 v21, $0x1;
	v25 =	vsel vm7, $0x3F800000, v1;
	[spmem:s3] =	stream.indirect.scatter.add.f32 [tilespmem:s4], [sflag:$0x5], $0x80, s24, s23, $0xb8;
	[tilespmem:$0x1A800] =	vst v63  }
0x1e6: {  	v34 =	vsel vm6, $0x3F800000, v1;
	vm7 =	veq.s32 v21, $0x2;
	v5 =	vadd.f32 v22, v5  }
0x1e7: {  	vm8 =	veq.s32 v61, $0x5;
	v35 =	vsel vm7, $0x3F800000, v1;
	vm9 =	veq.s32 v61, $0x6;
	[spmem:s3] =	stream.indirect.scatter.add.f32 [tilespmem:s26], [sflag:$0x5], $0x80, s25, s23, $0xb8;
	[tilespmem:$0x1A800] =	vst v63  }
0x1e8: {  	v26 =	vsel vm8, $0x3F800000, v1;
	vm8 =	veq.s32 v21, $0x3;
	v12 =	vsel vm9, $0x3F800000, v1  }
0x1e9: {  	vm10 =	veq.s32 v62, $0x0;
	v5 =	vadd.f32 v26, v5;
	v36 =	vsel vm8, $0x3F800000, v1;
	[spmem:s3] =	stream.indirect.scatter.add.f32 [tilespmem:s29], [sflag:$0x5], $0x80, s28, s23, $0xb8;
	[tilespmem:$0x1A800] =	vst v63  }
0x1ea: {  	vm9 =	veq.s32 v21, $0x4;
	v8 =	vadd.f32 v23, v8;
	v27 =	vsel vm10, $0x3F800000, v1  }
0x1eb: {  	vm11 =	veq.s32 v62, $0x1;
	vm12 =	veq.s32 v62, $0x2;
	v37 =	vsel vm9, $0x3F800000, v1;
	[spmem:s3] =	stream.indirect.scatter.add.f32 [tilespmem:s31], [sflag:$0x5], $0x80, s30, s23, $0xb8;
	[tilespmem:$0x1A800] =	vst v63  }
0x1ec: {  	vm10 =	veq.s32 v21, $0x5;
	v28 =	vsel vm11, $0x3F800000, v1;
	v29 =	vsel vm12, $0x3F800000, v1  }
0x1ed: {  	v5 =	vadd.f32 v32, v5;
	v38 =	vsel vm10, $0x3F800000, v1;
	vm11 =	veq.s32 v21, $0x6;
	[spmem:s3] =	stream.indirect.scatter.add.f32 [tilespmem:s16], [sflag:$0x5], $0x80, s0, s23, $0xb8;
	[tilespmem:$0x1A800] =	vst v63  }
0x1ee: {  	v8 =	vadd.f32 v27, v8;
	v39 =	vsel vm11, $0x3F800000, v1;
	v6 =	vadd.f32 v24, v6;
	_ =	swait.ge [sflag:s2], $0x2800  }
0x1ef: {  	v9 =	vadd.f32 v25, v9;
	v5 =	vadd.f32 v38, v5;
	vm12 =	veq.s32 v4, $0x0;
	[sflag:s2] =	ssyncset.done $0x0  }
0x1f0: {  	vm13 =	veq.s32 v4, $0x1;
	vm14 =	veq.s32 v4, $0x2;
	vm15 =	veq.s32 v4, $0x3;
	[sflag:s2] =	ssyncadd.s32 $0xFFFFD800  }
0x1f1: {  	vm6 =	veq.s32 v4, $0x6;
	v6 =	vadd.f32 v30, v6;
	v9 =	vadd.f32 v31, v9;
	_ =	swait.ge [sflag:s2], $0x2800  }
0x1f2: {  	v40 =	vsel vm12, $0x3F800000, v1;
	v41 =	vsel vm13, $0x3F800000, v1;
	v42 =	vsel vm14, $0x3F800000, v1;
	[sflag:s2] =	ssyncset.done $0x0  }
0x1f3: {  	v43 =	vsel vm15, $0x3F800000, v1;
	vm7 =	veq.s32 v2, $0x0;
	vm8 =	veq.s32 v2, $0x1;
	[sflag:s2] =	ssyncadd.s32 $0xFFFFD800  }
0x1f4: {  	vm9 =	veq.s32 v2, $0x2;
	vm10 =	veq.s32 v2, $0x3;
	vm11 =	veq.s32 v2, $0x4;
	_ =	swait.ge [sflag:s2], $0x2800  }
0x1f5: {  	vm12 =	veq.s32 v2, $0x5;
	vm13 =	veq.s32 v2, $0x6;
	vm14 =	veq.s32 v3, $0x0;
	[sflag:s2] =	ssyncset.done $0x0  }
0x1f6: {  	vm15 =	veq.s32 v3, $0x1;
	v6 =	vadd.f32 v36, v6;
	v9 =	vadd.f32 v37, v9;
	[sflag:s2] =	ssyncadd.s32 $0xFFFFD800  }
0x1f7: {  	v46 =	vsel vm7, $0x3F800000, v1;
	v47 =	vsel vm8, $0x3F800000, v1;
	v48 =	vsel vm10, $0x3F800000, v1;
	_ =	swait.ge [sflag:s2], $0x2800  }
0x1f8: {  	v49 =	vsel vm11, $0x3F800000, v1;
	v50 =	vsel vm13, $0x3F800000, v1;
	v51 =	vsel vm14, $0x3F800000, v1;
	[sflag:s2] =	ssyncset.done $0x0  }
0x1f9: {  	vm7 =	veq.s32 v3, $0x5;
	vm8 =	veq.s32 v3, $0x6;
	v11 =	vsel vm4, $0x3F800000, v1;
	[sflag:s2] =	ssyncadd.s32 $0xFFFFD800  }
0x1fa: {  	vm4 =	veq.s32 v62, $0x6;
	v54 =	vsel vm7, $0x3F800000, v1;
	v7 =	vadd.f32 v17, v10;
	_ =	swait.ge [sflag:s2], $0x2800  }
0x1fb: {  	v10 =	vsel vm5, $0x3F800000, v1;
	v11 =	vadd.f32 v11, v63;
	v13 =	vsel vm4, $0x3F800000, v1;
	[sflag:s2] =	ssyncset.done $0x0  }
0x1fc: {  	s10 =	sadd.s32 $0xFFFFE700, s9;
	vm5 =	veq.s32 v21, $0x0;
	vm4 =	veq.s32 v4, $0x4;
	v10 =	vadd.f32 v10, v16;
	[sflag:s2] =	ssyncadd.s32 $0xFFFFD800  }
0x1fd: {  	v33 =	vsel vm5, $0x3F800000, v1;
	vm5 =	veq.s32 v4, $0x5;
	v4 =	vadd.f32 v43, v6;
	[tilespmem:s4], [sflag:$0x1] =	stream.linear.gather [hbm4b:s10+s4], $0xC800, $0x38;
	[tilespmem:$0x1A800] =	vst v63  }
0x1fe: {  	v44 =	vsel vm4, $0x3F800000, v1;
	v7 =	vadd.f32 v12, v7;
	v11 =	vadd.f32 v28, v11;
	s10 =	sshrl.u32 s20, $0x3;
	s11 =	rddreg [dreg:$0x1]  }
0x1ff: {  	v8 =	vadd.f32 v33, v8;
	v45 =	vsel vm5, $0x3F800000, v1;
	v9 =	vadd.f32 v44, v9;
	s10 =	sadd.s32 s11, s10  }
0x200: {  	v6 =	vsel vm6, $0x3F800000, v1;
	v10 =	vadd.f32 v29, v10;
	v5 =	vadd.f32 v45, v5;
	[tilespmem:s18], [sflag:$0x3] =	stream.linear.gather [hbm4b:s10+s4], $0x190, $0x38;
	[tilespmem:$0x1A800] =	vst v63  }
0x201: {  	vm4 =	veq.s32 v3, $0x2;
	v4 =	vadd.f32 v48, v4;
	v7 =	vadd.f32 v13, v7;
	_ =	swait.ge [sflag:s6], $0xC800  }
0x202: {  	vm5 =	veq.s32 v3, $0x3;
	v11 =	vadd.f32 v34, v11;
	v8 =	vadd.f32 v40, v8;
	[sflag:s6] =	ssyncset.done $0x0  }
0x203: {  	v53 =	vsel vm5, $0x3F800000, v1;
	v9 =	vadd.f32 v49, v9;
	v10 =	vadd.f32 v35, v10;
	[sflag:s6] =	ssyncadd.s32 $0xFFFF3800  }
0x204: {  	vm6 =	veq.s32 v3, $0x4;
	v4 =	vadd.f32 v53, v4;
	v7 =	vadd.f32 v39, v7;
	_ =	swait.ge [sflag:s7], $0x190  }
0x205: {  	v52 =	vsel vm4, $0x3F800000, v1;
	v11 =	vadd.f32 v41, v11;
	v10 =	vadd.f32 v42, v10;
	[sflag:s7] =	ssyncset.done $0x0  }
0x206: {  	v8 =	vadd.f32 v46, v8;
	v6 =	vadd.f32 v6, v7;
	v7 =	vsel vm9, $0x3F800000, v1;
	[sflag:s7] =	ssyncadd.s32 $0xFFFFFE70  }
0x207: {  	v11 =	vadd.f32 v47, v11;
	v7 =	vadd.f32 v7, v10;
	v10 =	vsel vm12, $0x3F800000, v1;
	v2 =	vld [tilespmem:$0x19200]  }
0x208: {  	v8 =	vadd.f32 v51, v8;
	v5 =	vadd.f32 v10, v5;
	v10 =	vsel vm15, $0x3F800000, v1  }
0x209: {  	v6 =	vadd.f32 v50, v6;
	v10 =	vadd.f32 v10, v11;
	v11 =	vsel vm6, $0x3F800000, v1;
	v3 =	vld [tilespmem:$0x19210]  }
0x20a: {  	v55 =	vsel vm8, $0x3F800000, v1;
	v7 =	vadd.f32 v52, v7;
	v9 =	vadd.f32 v11, v9  }
0x20b: {  	v5 =	vadd.f32 v54, v5;
	v6 =	vadd.f32 v55, v6  }
0x20c: {  	vm9 =	veq.s32 v2, $0x0;
	vm10 =	veq.s32 v2, $0x1;
	vm11 =	veq.s32 v2, $0x2  }
0x20d: {  	vm12 =	veq.s32 v2, $0x3;
	vm13 =	veq.s32 v2, $0x4;
	vm14 =	veq.s32 v2, $0x5  }
0x20e: {  	vm15 =	veq.s32 v2, $0x6;
	vm4 =	veq.s32 v3, $0x0;
	vm5 =	veq.s32 v3, $0x1  }
0x20f: {  	vm6 =	veq.s32 v3, $0x2;
	vm7 =	veq.s32 v3, $0x3;
	vm8 =	veq.s32 v3, $0x4  }
0x210: {  	v2 =	vmin.u32 v2, $0x7;
	v11 =	vsel vm9, $0x3F800000, v1;
	v56 =	vsel vm10, $0x3F800000, v1  }
0x211: {  	v57 =	vsel vm11, $0x3F800000, v1;
	v58 =	vsel vm13, $0x3F800000, v1;
	v59 =	vsel vm14, $0x3F800000, v1  }
0x212: {  	v60 =	vsel vm15, $0x3F800000, v1;
	v61 =	vsel vm4, $0x3F800000, v1;
	v62 =	vsel vm5, $0x3F800000, v1  }
0x213: {  	v63 =	vsel vm6, $0x3F800000, v1;
	v16 =	vsel vm7, $0x3F800000, v1;
	v17 =	vsel vm8, $0x3F800000, v1  }
0x214: {  	vm9 =	veq.s32 v3, $0x5;
	vm10 =	veq.s32 v3, $0x6;
	v8 =	vadd.f32 v11, v8  }
0x215: {  	v11 =	vsel vm12, $0x3F800000, v1;
	v10 =	vadd.f32 v56, v10;
	v7 =	vadd.f32 v57, v7  }
0x216: {  	v3 =	vmin.u32 v3, $0x7;
	v9 =	vadd.f32 v58, v9;
	v11 =	vadd.f32 v11, v4;
	v4 =	vld [tilespmem:$0x19220]  }
0x217: {  	v2 =	vor.u32 v0, v2;
	v5 =	vadd.f32 v59, v5;
	v6 =	vadd.f32 v60, v6  }
0x218: {  	v18 =	vsel vm9, $0x3F800000, v1;
	v8 =	vadd.f32 v61, v8;
	v10 =	vadd.f32 v62, v10  }
0x219: {  	v19 =	vsel vm10, $0x3F800000, v1;
	v7 =	vadd.f32 v63, v7;
	v9 =	vadd.f32 v17, v9  }
0x21a: {  	v3 =	vor.u32 v0, v3;
	v14 =	vadd.f32 v18, v5;
	v12 =	vadd.f32 v19, v6  }
0x21b: {  	v5 =	vld [tilespmem:$0x19230];
	v11 =	vadd.f32 v16, v11;
	vm11 =	veq.s32 v4, $0x0;
	vm12 =	veq.s32 v4, $0x1  }
0x21c: {  	vm13 =	veq.s32 v4, $0x2;
	vm14 =	veq.s32 v4, $0x3;
	vm15 =	veq.s32 v4, $0x4  }
0x21d: {  	vm4 =	veq.s32 v4, $0x5;
	vm5 =	veq.s32 v4, $0x6;
	v4 =	vmin.u32 v4, $0x7  }
0x21e: {  	v20 =	vsel vm11, $0x3F800000, v1;
	v21 =	vsel vm12, $0x3F800000, v1;
	v6 =	vsel vm13, $0x3F800000, v1  }
0x21f: {  	v22 =	vsel vm14, $0x3F800000, v1;
	v23 =	vsel vm15, $0x3F800000, v1;
	v24 =	vsel vm5, $0x3F800000, v1  }
0x220: {  	vm6 =	veq.s32 v5, $0x0;
	vm7 =	veq.s32 v5, $0x1;
	vm8 =	veq.s32 v5, $0x2  }
0x221: {  	vm9 =	veq.s32 v5, $0x3;
	vm10 =	veq.s32 v5, $0x4;
	vm11 =	veq.s32 v5, $0x5  }
0x222: {  	vm12 =	veq.s32 v5, $0x6;
	v4 =	vor.u32 v0, v4;
	v8 =	vadd.f32 v20, v8  }
0x223: {  	v5 =	vmin.u32 v5, $0x7;
	v10 =	vadd.f32 v21, v10;
	v7 =	vadd.f32 v6, v7  }
0x224: {  	v6 =	vsel vm4, $0x3F800000, v1;
	v11 =	vadd.f32 v22, v11;
	v9 =	vadd.f32 v23, v9  }
0x225: {  	v25 =	vsel vm6, $0x3F800000, v1;
	v26 =	vsel vm7, $0x3F800000, v1;
	v14 =	vadd.f32 v6, v14;
	v6 =	vld [tilespmem:$0x19240]  }
0x226: {  	v12 =	vadd.f32 v24, v12;
	v27 =	vsel vm8, $0x3F800000, v1;
	v28 =	vsel vm9, $0x3F800000, v1  }
0x227: {  	v29 =	vsel vm10, $0x3F800000, v1;
	v30 =	vsel vm12, $0x3F800000, v1;
	v8 =	vadd.f32 v25, v8  }
0x228: {  	v5 =	vor.u32 v0, v5;
	v10 =	vadd.f32 v26, v10;
	v13 =	vadd.f32 v27, v7  }
0x229: {  	v7 =	vsel vm11, $0x3F800000, v1;
	v11 =	vadd.f32 v28, v11;
	v9 =	vadd.f32 v29, v9  }
0x22a: {  	v12 =	vadd.f32 v30, v12;
	v14 =	vadd.f32 v7, v14;
	vm13 =	veq.s32 v6, $0x0  }
0x22b: {  	vm14 =	veq.s32 v6, $0x1;
	vm15 =	veq.s32 v6, $0x2;
	vm4 =	veq.s32 v6, $0x3  }
0x22c: {  	v7 =	vld [tilespmem:$0x19250];
	vm5 =	veq.s32 v6, $0x4;
	vm6 =	veq.s32 v6, $0x5;
	vm7 =	veq.s32 v6, $0x6  }
0x22d: {  	v6 =	vmin.u32 v6, $0x7;
	v31 =	vsel vm13, $0x3F800000, v1;
	v32 =	vsel vm14, $0x3F800000, v1  }
0x22e: {  	v33 =	vsel vm15, $0x3F800000, v1;
	v34 =	vsel vm5, $0x3F800000, v1;
	v35 =	vsel vm6, $0x3F800000, v1  }
0x22f: {  	v36 =	vsel vm7, $0x3F800000, v1;
	v6 =	vor.u32 v0, v6;
	v16 =	vadd.f32 v31, v8  }
0x230: {  	v8 =	vsel vm4, $0x3F800000, v1;
	v10 =	vadd.f32 v32, v10;
	v13 =	vadd.f32 v33, v13  }
0x231: {  	vm8 =	veq.s32 v7, $0x0;
	v9 =	vadd.f32 v34, v9;
	vm9 =	veq.s32 v7, $0x1  }
0x232: {  	v14 =	vadd.f32 v35, v14;
	vm10 =	veq.s32 v7, $0x2;
	v12 =	vadd.f32 v36, v12  }
0x233: {  	vm11 =	veq.s32 v7, $0x3;
	vm12 =	veq.s32 v7, $0x4;
	vm13 =	veq.s32 v7, $0x5  }
0x234: {  	vm14 =	veq.s32 v7, $0x6;
	v7 =	vmin.u32 v7, $0x7;
	v11 =	vadd.f32 v8, v11  }
0x235: {  	v37 =	vsel vm8, $0x3F800000, v1;
	v38 =	vsel vm9, $0x3F800000, v1;
	v8 =	vld [tilespmem:$0x19260];
	v39 =	vsel vm10, $0x3F800000, v1  }
0x236: {  	v40 =	vsel vm11, $0x3F800000, v1;
	v41 =	vsel vm12, $0x3F800000, v1;
	v16 =	vadd.f32 v37, v16  }
0x237: {  	v42 =	vsel vm13, $0x3F800000, v1;
	v10 =	vadd.f32 v38, v10;
	v13 =	vadd.f32 v39, v13  }
0x238: {  	v43 =	vsel vm14, $0x3F800000, v1;
	v15 =	vadd.f32 v41, v9;
	v14 =	vadd.f32 v42, v14  }
0x239: {  	v7 =	vor.u32 v0, v7;
	v9 =	vld [tilespmem:$0x19270];
	v12 =	vadd.f32 v43, v12;
	v11 =	vadd.f32 v40, v11  }
0x23a: {  	vm15 =	veq.s32 v8, $0x0;
	vm4 =	veq.s32 v8, $0x1;
	vm5 =	veq.s32 v8, $0x2  }
0x23b: {  	vm6 =	veq.s32 v8, $0x3;
	vm7 =	veq.s32 v8, $0x4;
	vm8 =	veq.s32 v8, $0x5  }
0x23c: {  	[tilespmem:$0x19800] =	vst v2;
	vm9 =	veq.s32 v8, $0x6;
	v2 =	vmin.u32 v8, $0x7;
	v44 =	vsel vm15, $0x3F800000, v1  }
0x23d: {  	v45 =	vsel vm4, $0x3F800000, v1;
	v46 =	vsel vm5, $0x3F800000, v1;
	v47 =	vsel vm6, $0x3F800000, v1  }
0x23e: {  	v48 =	vsel vm8, $0x3F800000, v1;
	v49 =	vsel vm9, $0x3F800000, v1;
	vm10 =	veq.s32 v9, $0x0  }
0x23f: {  	vm11 =	veq.s32 v9, $0x1;
	vm12 =	veq.s32 v9, $0x2;
	vm13 =	veq.s32 v9, $0x3  }
0x240: {  	vm14 =	veq.s32 v9, $0x4;
	vm15 =	veq.s32 v9, $0x5;
	vm4 =	veq.s32 v9, $0x6  }
0x241: {  	v8 =	vmin.u32 v9, $0x7;
	v2 =	vor.u32 v0, v2;
	v16 =	vadd.f32 v44, v16  }
0x242: {  	v18 =	vadd.f32 v45, v10;
	v10 =	vsel vm7, $0x3F800000, v1;
	v13 =	vadd.f32 v46, v13  }
0x243: {  	v11 =	vadd.f32 v47, v11;
	v50 =	vsel vm10, $0x3F800000, v1;
	v14 =	vadd.f32 v48, v14  }
0x244: {  	v51 =	vsel vm11, $0x3F800000, v1;
	v12 =	vadd.f32 v49, v12;
	v15 =	vadd.f32 v10, v15;
	v10 =	vld [tilespmem:$0x19280]  }
0x245: {  	v52 =	vsel vm12, $0x3F800000, v1;
	v53 =	vsel vm13, $0x3F800000, v1;
	v54 =	vsel vm14, $0x3F800000, v1  }
0x246: {  	v55 =	vsel vm15, $0x3F800000, v1;
	v16 =	vadd.f32 v50, v16;
	v17 =	vadd.f32 v51, v18  }
0x247: {  	v56 =	vsel vm4, $0x3F800000, v1;
	v13 =	vadd.f32 v52, v13;
	v20 =	vadd.f32 v53, v11  }
0x248: {  	[tilespmem:$0x19810] =	vst v3;
	v3 =	vor.u32 v0, v8;
	v14 =	vadd.f32 v55, v14;
	v21 =	vadd.f32 v56, v12  }
0x249: {  	v11 =	vld [tilespmem:$0x19290];
	v15 =	vadd.f32 v54, v15;
	vm5 =	veq.s32 v10, $0x0;
	vm6 =	veq.s32 v10, $0x1  }
0x24a: {  	vm7 =	veq.s32 v10, $0x2;
	vm8 =	veq.s32 v10, $0x3;
	vm9 =	veq.s32 v10, $0x4  }
0x24b: {  	v12 =	vld [tilespmem:$0x192A0];
	vm10 =	veq.s32 v10, $0x5;
	vm11 =	veq.s32 v10, $0x6;
	v9 =	vmin.u32 v10, $0x7  }
0x24c: {  	v57 =	vsel vm5, $0x3F800000, v1;
	v58 =	vsel vm6, $0x3F800000, v1;
	v59 =	vsel vm7, $0x3F800000, v1  }
0x24d: {  	v60 =	vsel vm8, $0x3F800000, v1;
	v61 =	vsel vm9, $0x3F800000, v1;
	v62 =	vsel vm10, $0x3F800000, v1  }
0x24e: {  	v63 =	vsel vm11, $0x3F800000, v1;
	vm12 =	veq.s32 v11, $0x0;
	vm13 =	veq.s32 v11, $0x1  }
0x24f: {  	vm14 =	veq.s32 v11, $0x2;
	vm15 =	veq.s32 v11, $0x3;
	vm4 =	veq.s32 v11, $0x4  }
0x250: {  	vm5 =	veq.s32 v11, $0x5;
	vm6 =	veq.s32 v11, $0x6;
	vm7 =	veq.s32 v12, $0x0  }
0x251: {  	vm8 =	veq.s32 v12, $0x1;
	vm9 =	veq.s32 v12, $0x2;
	vm10 =	veq.s32 v12, $0x3  }
0x252: {  	vm11 =	veq.s32 v12, $0x4;
	v8 =	vor.u32 v0, v9;
	v16 =	vadd.f32 v57, v16  }
0x253: {  	[tilespmem:$0x19820] =	vst v4;
	v4 =	vmin.u32 v11, $0x7;
	v17 =	vadd.f32 v58, v17;
	v13 =	vadd.f32 v59, v13  }
0x254: {  	v9 =	vmin.u32 v12, $0x7;
	v18 =	vadd.f32 v60, v20;
	v15 =	vadd.f32 v61, v15  }
0x255: {  	v24 =	vsel vm12, $0x3F800000, v1;
	v14 =	vadd.f32 v62, v14;
	v25 =	vsel vm13, $0x3F800000, v1  }
0x256: {  	v20 =	vadd.f32 v63, v21;
	v26 =	vsel vm14, $0x3F800000, v1;
	v27 =	vsel vm15, $0x3F800000, v1  }
0x257: {  	v28 =	vsel vm4, $0x3F800000, v1;
	v29 =	vsel vm5, $0x3F800000, v1;
	v30 =	vsel vm6, $0x3F800000, v1  }
0x258: {  	v31 =	vsel vm7, $0x3F800000, v1;
	v32 =	vsel vm8, $0x3F800000, v1;
	v33 =	vsel vm9, $0x3F800000, v1  }
0x259: {  	v34 =	vsel vm10, $0x3F800000, v1;
	v35 =	vsel vm11, $0x3F800000, v1;
	v16 =	vadd.f32 v24, v16  }
0x25a: {  	vm12 =	veq.s32 v12, $0x5;
	v17 =	vadd.f32 v25, v17;
	v21 =	vadd.f32 v26, v13  }
0x25b: {  	vm13 =	veq.s32 v12, $0x6;
	v18 =	vadd.f32 v27, v18;
	v15 =	vadd.f32 v28, v15;
	v13 =	vld [tilespmem:$0x192B0]  }
0x25c: {  	v4 =	vor.u32 v0, v4;
	v14 =	vadd.f32 v29, v14;
	v19 =	vadd.f32 v30, v20  }
0x25d: {  	[tilespmem:$0x19830] =	vst v5;
	v5 =	vor.u32 v0, v9;
	v16 =	vadd.f32 v31, v16;
	v17 =	vadd.f32 v32, v17  }
0x25e: {  	v36 =	vsel vm12, $0x3F800000, v1;
	v20 =	vadd.f32 v33, v21;
	v18 =	vadd.f32 v34, v18  }
0x25f: {  	v37 =	vsel vm13, $0x3F800000, v1;
	v15 =	vadd.f32 v35, v15;
	v21 =	vadd.f32 v36, v14  }
0x260: {  	v19 =	vadd.f32 v37, v19;
	vm14 =	veq.s32 v13, $0x0;
	vm15 =	veq.s32 v13, $0x1  }
0x261: {  	vm4 =	veq.s32 v13, $0x2;
	vm5 =	veq.s32 v13, $0x3;
	vm6 =	veq.s32 v13, $0x4  }
0x262: {  	[tilespmem:$0x19840] =	vst v6;
	v14 =	vld [tilespmem:$0x192C0];
	vm7 =	veq.s32 v13, $0x5;
	vm8 =	veq.s32 v13, $0x6;
	v6 =	vmin.u32 v13, $0x7  }
0x263: {  	v38 =	vsel vm14, $0x3F800000, v1;
	v39 =	vsel vm15, $0x3F800000, v1;
	v40 =	vsel vm4, $0x3F800000, v1  }
0x264: {  	v41 =	vsel vm5, $0x3F800000, v1;
	v42 =	vsel vm6, $0x3F800000, v1;
	v43 =	vsel vm7, $0x3F800000, v1  }
0x265: {  	v31 =	vld [tilespmem:$0x19330];
	v44 =	vsel vm8, $0x3F800000, v1;
	v16 =	vadd.f32 v38, v16;
	v17 =	vadd.f32 v39, v17  }
0x266: {  	v6 =	vor.u32 v0, v6;
	v20 =	vadd.f32 v40, v20;
	v18 =	vadd.f32 v41, v18  }
0x267: {  	vm9 =	veq.s32 v14, $0x0;
	v24 =	vadd.f32 v42, v15;
	vm10 =	veq.s32 v14, $0x1  }
0x268: {  	v21 =	vadd.f32 v43, v21;
	vm11 =	veq.s32 v14, $0x2;
	v19 =	vadd.f32 v44, v19  }
0x269: {  	vm12 =	veq.s32 v14, $0x3;
	vm13 =	veq.s32 v14, $0x4;
	vm14 =	veq.s32 v14, $0x5  }
0x26a: {  	[tilespmem:$0x19900] =	vst v5;
	vm15 =	veq.s32 v14, $0x6;
	v10 =	vmin.u32 v14, $0x7;
	v5 =	vmin.u32 v31, $0x7  }
0x26b: {  	v15 =	vld [tilespmem:$0x192D0];
	v45 =	vsel vm9, $0x3F800000, v1;
	v46 =	vsel vm10, $0x3F800000, v1;
	v47 =	vsel vm11, $0x3F800000, v1  }
0x26c: {  	v48 =	vsel vm12, $0x3F800000, v1;
	v49 =	vsel vm13, $0x3F800000, v1;
	v50 =	vsel vm14, $0x3F800000, v1  }
0x26d: {  	v51 =	vsel vm15, $0x3F800000, v1;
	v25 =	vadd.f32 v45, v16;
	v17 =	vadd.f32 v46, v17  }
0x26e: {  	[tilespmem:$0x19880] =	vst v7;
	v7 =	vor.u32 v0, v10;
	v20 =	vadd.f32 v47, v20;
	v18 =	vadd.f32 v48, v18  }
0x26f: {  	v5 =	vor.u32 v0, v5;
	v22 =	vadd.f32 v49, v24;
	v21 =	vadd.f32 v50, v21  }
0x270: {  	v19 =	vadd.f32 v51, v19;
	vm4 =	veq.s32 v15, $0x0;
	vm5 =	veq.s32 v15, $0x1  }
0x271: {  	vm6 =	veq.s32 v15, $0x2;
	vm7 =	veq.s32 v15, $0x3;
	vm8 =	veq.s32 v15, $0x4  }
0x272: {  	v16 =	vld [tilespmem:$0x192E0];
	vm9 =	veq.s32 v15, $0x5;
	vm10 =	veq.s32 v15, $0x6;
	v10 =	vmin.u32 v15, $0x7  }
0x273: {  	v52 =	vsel vm4, $0x3F800000, v1;
	v53 =	vsel vm5, $0x3F800000, v1;
	v54 =	vsel vm6, $0x3F800000, v1  }
0x274: {  	v55 =	vsel vm7, $0x3F800000, v1;
	v56 =	vsel vm8, $0x3F800000, v1;
	v57 =	vsel vm9, $0x3F800000, v1  }
0x275: {  	v58 =	vsel vm10, $0x3F800000, v1;
	v24 =	vadd.f32 v52, v25;
	v23 =	vadd.f32 v53, v17  }
0x276: {  	[tilespmem:$0x19890] =	vst v2;
	v2 =	vor.u32 v0, v10;
	v20 =	vadd.f32 v54, v20;
	v18 =	vadd.f32 v55, v18  }
0x277: {  	vm11 =	veq.s32 v16, $0x0;
	v22 =	vadd.f32 v56, v22;
	vm12 =	veq.s32 v16, $0x1  }
0x278: {  	v21 =	vadd.f32 v57, v21;
	vm13 =	veq.s32 v16, $0x2;
	v19 =	vadd.f32 v58, v19  }
0x279: {  	vm14 =	veq.s32 v16, $0x3;
	vm15 =	veq.s32 v16, $0x4;
	vm4 =	veq.s32 v16, $0x5  }
0x27a: {  	v17 =	vld [tilespmem:$0x192F0];
	vm5 =	veq.s32 v16, $0x6;
	v10 =	vmin.u32 v16, $0x7;
	v59 =	vsel vm11, $0x3F800000, v1  }
0x27b: {  	v60 =	vsel vm12, $0x3F800000, v1;
	v61 =	vsel vm13, $0x3F800000, v1;
	v62 =	vsel vm14, $0x3F800000, v1  }
0x27c: {  	v63 =	vsel vm15, $0x3F800000, v1;
	v32 =	vsel vm4, $0x3F800000, v1;
	v24 =	vadd.f32 v59, v24  }
0x27d: {  	v33 =	vsel vm5, $0x3F800000, v1;
	v23 =	vadd.f32 v60, v23;
	v20 =	vadd.f32 v61, v20  }
0x27e: {  	[tilespmem:$0x198A0] =	vst v3;
	v3 =	vor.u32 v0, v10;
	v27 =	vadd.f32 v62, v18;
	v22 =	vadd.f32 v63, v22  }
0x27f: {  	v43 =	vld [tilespmem:$0x19310];
	v21 =	vadd.f32 v32, v21;
	v19 =	vadd.f32 v33, v19;
	vm6 =	veq.s32 v17, $0x0  }
0x280: {  	vm7 =	veq.s32 v17, $0x1;
	vm8 =	veq.s32 v17, $0x2;
	vm9 =	veq.s32 v17, $0x3  }
0x281: {  	vm10 =	veq.s32 v17, $0x4;
	vm11 =	veq.s32 v17, $0x5;
	vm12 =	veq.s32 v17, $0x6  }
0x282: {  	v18 =	vld [tilespmem:$0x19300];
	v34 =	vsel vm6, $0x3F800000, v1;
	v35 =	vsel vm7, $0x3F800000, v1;
	v36 =	vsel vm8, $0x3F800000, v1  }
0x283: {  	v37 =	vsel vm9, $0x3F800000, v1;
	v38 =	vsel vm10, $0x3F800000, v1;
	v39 =	vsel vm11, $0x3F800000, v1  }
0x284: {  	v40 =	vsel vm12, $0x3F800000, v1;
	vm8 =	veq.s32 v43, $0x0;
	vm9 =	veq.s32 v43, $0x1  }
0x285: {  	vm10 =	veq.s32 v43, $0x2;
	vm11 =	veq.s32 v43, $0x3;
	v24 =	vadd.f32 v34, v24  }
0x286: {  	vm12 =	veq.s32 v43, $0x4;
	v23 =	vadd.f32 v35, v23;
	v20 =	vadd.f32 v36, v20  }
0x287: {  	v30 =	vld [tilespmem:$0x19320];
	v26 =	vadd.f32 v37, v27;
	vm13 =	veq.s32 v18, $0x0;
	v22 =	vadd.f32 v38, v22  }
0x288: {  	vm14 =	veq.s32 v18, $0x1;
	v21 =	vadd.f32 v39, v21;
	vm15 =	veq.s32 v18, $0x2  }
0x289: {  	v19 =	vadd.f32 v40, v19;
	vm4 =	veq.s32 v18, $0x3;
	vm5 =	veq.s32 v18, $0x4  }
0x28a: {  	vm6 =	veq.s32 v18, $0x5;
	vm7 =	veq.s32 v18, $0x6;
	v49 =	vsel vm8, $0x3F800000, v1  }
0x28b: {  	v50 =	vsel vm9, $0x3F800000, v1;
	v51 =	vsel vm10, $0x3F800000, v1;
	v52 =	vsel vm11, $0x3F800000, v1  }
0x28c: {  	v53 =	vsel vm12, $0x3F800000, v1;
	vm8 =	veq.s32 v30, $0x5;
	vm9 =	veq.s32 v30, $0x6  }
0x28d: {  	vm10 =	veq.s32 v31, $0x0;
	vm11 =	veq.s32 v31, $0x1;
	vm12 =	veq.s32 v31, $0x2  }
0x28e: {  	v37 =	vmin.u32 v17, $0x7;
	v38 =	vmin.u32 v18, $0x7;
	v39 =	vmin.u32 v43, $0x7  }
0x28f: {  	v40 =	vmin.u32 v30, $0x7;
	v41 =	vsel vm13, $0x3F800000, v1;
	v42 =	vsel vm14, $0x3F800000, v1  }
0x290: {  	v44 =	vsel vm15, $0x3F800000, v1;
	v45 =	vsel vm4, $0x3F800000, v1;
	v46 =	vsel vm5, $0x3F800000, v1  }
0x291: {  	v11 =	vld [tilespmem:$0x19340];
	v47 =	vsel vm6, $0x3F800000, v1;
	v48 =	vsel vm7, $0x3F800000, v1;
	vm13 =	veq.s32 v43, $0x5  }
0x292: {  	vm14 =	veq.s32 v43, $0x6;
	vm15 =	veq.s32 v30, $0x0;
	vm4 =	veq.s32 v30, $0x1  }
0x293: {  	vm5 =	veq.s32 v30, $0x2;
	vm6 =	veq.s32 v30, $0x3;
	vm7 =	veq.s32 v30, $0x4  }
0x294: {  	v61 =	vsel vm8, $0x3F800000, v1;
	v62 =	vsel vm9, $0x3F800000, v1;
	v63 =	vsel vm10, $0x3F800000, v1  }
0x295: {  	[tilespmem:$0x198B0] =	vst v8;
	v32 =	vsel vm11, $0x3F800000, v1;
	v33 =	vsel vm12, $0x3F800000, v1;
	v10 =	vor.u32 v0, v37  }
0x296: {  	[tilespmem:$0x198C0] =	vst v4;
	v8 =	vor.u32 v0, v38;
	v4 =	vor.u32 v0, v39;
	vm8 =	veq.s32 v11, $0x3  }
0x297: {  	vm9 =	veq.s32 v11, $0x4;
	v24 =	vadd.f32 v41, v24;
	v23 =	vadd.f32 v42, v23  }
0x298: {  	vm10 =	veq.s32 v11, $0x5;
	v20 =	vadd.f32 v44, v20;
	v25 =	vadd.f32 v45, v26  }
0x299: {  	vm11 =	veq.s32 v11, $0x6;
	v22 =	vadd.f32 v46, v22;
	v21 =	vadd.f32 v47, v21  }
0x29a: {  	v19 =	vadd.f32 v48, v19;
	v54 =	vsel vm13, $0x3F800000, v1;
	v55 =	vsel vm14, $0x3F800000, v1  }
0x29b: {  	v56 =	vsel vm15, $0x3F800000, v1;
	v57 =	vsel vm4, $0x3F800000, v1;
	v58 =	vsel vm5, $0x3F800000, v1  }
0x29c: {  	v59 =	vsel vm6, $0x3F800000, v1;
	v60 =	vsel vm7, $0x3F800000, v1;
	vm13 =	veq.s32 v31, $0x3  }
0x29d: {  	vm14 =	veq.s32 v31, $0x4;
	vm15 =	veq.s32 v31, $0x5;
	vm4 =	veq.s32 v31, $0x6  }
0x29e: {  	v41 =	vor.u32 v0, v40;
	vm5 =	veq.s32 v11, $0x0;
	vm6 =	veq.s32 v11, $0x1  }
0x29f: {  	vm7 =	veq.s32 v11, $0x2;
	v45 =	vsel vm9, $0x3F800000, v1;
	[tilespmem:$0x19980] =	vst v10;
	v10 =	vsel vm10, $0x3F800000, v1  }
0x2a0: {  	v47 =	vsel vm11, $0x3F800000, v1;
	v34 =	vsel vm13, $0x3F800000, v1;
	v24 =	vadd.f32 v49, v24  }
0x2a1: {  	v35 =	vsel vm14, $0x3F800000, v1;
	v23 =	vadd.f32 v50, v23;
	v20 =	vadd.f32 v51, v20  }
0x2a2: {  	v44 =	vld [tilespmem:$0x19350];
	v36 =	vsel vm15, $0x3F800000, v1;
	v25 =	vadd.f32 v52, v25;
	v22 =	vadd.f32 v53, v22  }
0x2a3: {  	v46 =	vld [tilespmem:$0x19360];
	v9 =	vsel vm4, $0x3F800000, v1;
	v21 =	vadd.f32 v54, v21;
	v19 =	vadd.f32 v55, v19  }
0x2a4: {  	v48 =	vld [tilespmem:$0x19370];
	v42 =	vsel vm5, $0x3F800000, v1;
	v24 =	vadd.f32 v56, v24;
	v23 =	vadd.f32 v57, v23  }
0x2a5: {  	[tilespmem:$0x19910] =	vst v6;
	v6 =	vsel vm6, $0x3F800000, v1;
	v20 =	vadd.f32 v58, v20;
	v25 =	vadd.f32 v59, v25  }
0x2a6: {  	v43 =	vsel vm7, $0x3F800000, v1;
	v22 =	vadd.f32 v60, v22;
	v21 =	vadd.f32 v61, v21  }
0x2a7: {  	v19 =	vadd.f32 v62, v19;
	vm12 =	veq.s32 v44, $0x0;
	vm13 =	veq.s32 v44, $0x1  }
0x2a8: {  	[tilespmem:$0x19920] =	vst v7;
	v50 =	vmin.u32 v44, $0x7;
	vm14 =	veq.s32 v44, $0x2;
	v51 =	vmin.u32 v46, $0x7  }
0x2a9: {  	[tilespmem:$0x199C0] =	vst v5;
	v53 =	vmin.u32 v48, $0x7;
	vm15 =	veq.s32 v44, $0x3;
	vm4 =	veq.s32 v44, $0x4  }
0x2aa: {  	[tilespmem:$0x19930] =	vst v2;
	vm5 =	veq.s32 v44, $0x5;
	vm6 =	veq.s32 v44, $0x6;
	v9 =	vadd.f32 v9, v19  }
0x2ab: {  	[tilespmem:$0x19940] =	vst v3;
	vm7 =	veq.s32 v46, $0x0;
	vm9 =	veq.s32 v46, $0x2;
	vm10 =	veq.s32 v46, $0x3  }
0x2ac: {  	[tilespmem:$0x199A0] =	vst v4;
	v24 =	vadd.f32 v63, v24;
	v4 =	vadd.f32 v47, v9;
	v9 =	vmin.u32 v11, $0x7;
	v11 =	vld [tilespmem:$0x19380]  }
0x2ad: {  	[tilespmem:$0x19990] =	vst v8;
	vm11 =	veq.s32 v46, $0x4;
	v23 =	vadd.f32 v32, v23;
	v20 =	vadd.f32 v33, v20  }
0x2ae: {  	[tilespmem:$0x199B0] =	vst v41;
	v25 =	vadd.f32 v34, v25;
	v22 =	vadd.f32 v35, v22;
	v9 =	vor.u32 v0, v9  }
0x2af: {  	v21 =	vadd.f32 v36, v21;
	v49 =	vsel vm12, $0x3F800000, v1;
	[tilespmem:$0x19A00] =	vst v9;
	v9 =	vor.u32 v0, v50  }
0x2b0: {  	v52 =	vsel vm14, $0x3F800000, v1;
	v55 =	vsel vm5, $0x3F800000, v1;
	[tilespmem:$0x19A10] =	vst v9;
	v9 =	vor.u32 v0, v51  }
0x2b1: {  	v57 =	vsel vm11, $0x3F800000, v1;
	[tilespmem:$0x19A20] =	vst v9;
	v9 =	vor.u32 v0, v53;
	v54 =	vmin.u32 v11, $0x7  }
0x2b2: {  	vm14 =	veq.s32 v48, $0x0;
	vm5 =	veq.s32 v48, $0x3;
	[tilespmem:$0x19A30] =	vst v9;
	v12 =	vor.u32 v0, v54  }
0x2b3: {  	s11 =	simm.s32 $0x19800;
	vm12 =	veq.s32 v46, $0x5;
	v58 =	vsel vm14, $0x3F800000, v1;
	v59 =	vsel vm5, $0x3F800000, v1;
	[tilespmem:$0x19A40] =	vst v12  }
0x2b4: {  	v7 =	vadd.f32 v42, v24;
	v2 =	vadd.f32 v6, v23;
	v6 =	vsel vm8, $0x3F800000, v1;
	[spmem:s3] =	stream.indirect.scatter.add.f32 [tilespmem:s19], [sflag:$0x6], $0x80, s11, s23, $0xb8;
	[tilespmem:$0x1A800] =	vst v63  }
0x2b5: {  	s10 =	simm.s32 $0x19880;
	v3 =	vadd.f32 v43, v20;
	v8 =	vadd.f32 v45, v22;
	vm8 =	veq.s32 v46, $0x1;
	s11 =	simm.s32 $0xF000  }
0x2b6: {  	v10 =	vadd.f32 v10, v21;
	v6 =	vadd.f32 v6, v25;
	v56 =	vsel vm8, $0x3F800000, v1;
	[spmem:s3] =	stream.indirect.scatter.add.f32 [tilespmem:s11], [sflag:$0x6], $0x80, s10, s23, $0xb8;
	[tilespmem:$0x1A800] =	vst v63  }
0x2b7: {  	vm8 =	veq.s32 v48, $0x6;
	v5 =	vadd.f32 v49, v7;
	v7 =	vsel vm13, $0x3F800000, v1;
	s11 =	simm.s32 $0x19900  }
0x2b8: {  	v3 =	vadd.f32 v52, v3;
	v10 =	vadd.f32 v55, v10;
	vm13 =	veq.s32 v46, $0x6;
	[spmem:s3] =	stream.indirect.scatter.add.f32 [tilespmem:s12], [sflag:$0x6], $0x80, s11, s23, $0xb8;
	[tilespmem:$0x1A800] =	vst v63  }
0x2b9: {  	v60 =	vsel vm8, $0x3F800000, v1;
	v2 =	vadd.f32 v7, v2;
	v7 =	vsel vm4, $0x3F800000, v1  }
0x2ba: {  	vm4 =	veq.s32 v48, $0x2;
	v7 =	vadd.f32 v7, v8;
	v8 =	vsel vm7, $0x3F800000, v1;
	[spmem:s3] =	stream.indirect.scatter.add.f32 [tilespmem:s15], [sflag:$0x6], $0x80, s13, s23, $0xb8;
	[tilespmem:$0x1A800] =	vst v63  }
0x2bb: {  	vm7 =	veq.s32 v48, $0x5;
	v9 =	vsel vm15, $0x3F800000, v1;
	v5 =	vadd.f32 v8, v5  }
0x2bc: {  	v8 =	vsel vm10, $0x3F800000, v1;
	v2 =	vadd.f32 v56, v2;
	vm15 =	veq.s32 v48, $0x1;
	[spmem:s3] =	stream.indirect.scatter.add.f32 [tilespmem:s17], [sflag:$0x6], $0x80, s5, s23, $0xb8;
	[tilespmem:$0x1A800] =	vst v63  }
0x2bd: {  	vm10 =	veq.s32 v11, $0x1;
	vm11 =	veq.s32 v11, $0x2;
	vm14 =	veq.s32 v11, $0x5;
	_ =	swait.ge [sflag:s1], $0x2800  }
0x2be: {  	v6 =	vadd.f32 v9, v6;
	v9 =	vsel vm6, $0x3F800000, v1;
	v7 =	vadd.f32 v57, v7;
	[sflag:s1] =	ssyncset.done $0x0  }
0x2bf: {  	vm6 =	veq.s32 v48, $0x4;
	v63 =	vsel vm11, $0x3F800000, v1;
	v4 =	vadd.f32 v9, v4;
	[sflag:s1] =	ssyncadd.s32 $0xFFFFD800  }
0x2c0: {  	v9 =	vsel vm9, $0x3F800000, v1;
	v5 =	vadd.f32 v58, v5;
	vm9 =	veq.s32 v11, $0x0;
	_ =	swait.ge [sflag:s1], $0x2800  }
0x2c1: {  	v3 =	vadd.f32 v9, v3;
	v9 =	vsel vm12, $0x3F800000, v1;
	v6 =	vadd.f32 v8, v6;
	[sflag:s1] =	ssyncset.done $0x0  }
0x2c2: {  	v8 =	vsel vm13, $0x3F800000, v1;
	vm12 =	veq.s32 v11, $0x3;
	vm13 =	veq.s32 v11, $0x4;
	[sflag:s1] =	ssyncadd.s32 $0xFFFFD800  }
0x2c3: {  	v9 =	vadd.f32 v9, v10;
	v10 =	vsel vm15, $0x3F800000, v1;
	v4 =	vadd.f32 v8, v4;
	_ =	swait.ge [sflag:s1], $0x2800  }
0x2c4: {  	v8 =	vsel vm4, $0x3F800000, v1;
	vm15 =	veq.s32 v11, $0x6;
	v2 =	vadd.f32 v10, v2;
	[sflag:s1] =	ssyncset.done $0x0  }
0x2c5: {  	v10 =	vsel vm6, $0x3F800000, v1;
	v3 =	vadd.f32 v8, v3;
	v8 =	vsel vm7, $0x3F800000, v1;
	[sflag:s1] =	ssyncadd.s32 $0xFFFFD800  }
0x2c6: {  	p0 =	seq.s32 s8, $0x258;
	v6 =	vadd.f32 v59, v6;
	v61 =	vadd.f32 v10, v7;
	v7 =	vsel vm9, $0x3F800000, v1;
	_ =	swait.ge [sflag:s1], $0x2800  }
.Ltmp2:
0x2c7: {  	v62 =	vadd.f32 v8, v9;
	v8 =	vsel vm10, $0x3F800000, v1;
	v4 =	vadd.f32 v60, v4;
	[sflag:s1] =	ssyncset.done $0x0;
	(pc) =	sbr.rel @p0 .LBB2_4-.Ltmp2, $4  }
0x2c8: {  	v10 =	vadd.f32 v7, v5;
	v5 =	vsel vm12, $0x3F800000, v1;
	v9 =	vadd.f32 v8, v2;
	[sflag:s1] =	ssyncadd.s32 $0xFFFFD800  }
0x2c9: {  	v2 =	vsel vm13, $0x3F800000, v1;
	v8 =	vadd.f32 v63, v3;
	v3 =	vsel vm14, $0x3F800000, v1;
	_ =	swait.ge [sflag:s1], $0x2800  }
0x2ca: {  	v7 =	vadd.f32 v5, v6;
	v6 =	vadd.f32 v2, v61;
	v2 =	vsel vm15, $0x3F800000, v1;
	[sflag:s1] =	ssyncset.done $0x0  }
0x2cb: {  	v5 =	vadd.f32 v3, v62;
	v4 =	vadd.f32 v2, v4;
	[sflag:s1] =	ssyncadd.s32 $0xFFFFD800  }
.Ltmp3:
0x2cc: {  	(pc) =	sbr.rel .LBB2_2-.Ltmp3, $4  }
0x2cd: {  	[tilespmem:s19], [sflag:$0x2] =	stream.linear.gather [hbm4b:s9+s4], $0xC800, $0x38;
	[tilespmem:$0x1A800] =	vst v63  }
0x2ce: {  	s10 =	sadd.s32 s8, s14;
	s11 =	simm.s32 $0x19200  }
0x2cf: {  	s9 =	sadd.s32 $0x3200, s9;
	s8 =	sadd.s32 $0x64, s8;
	s20 =	sadd.s32 $0x320, s20  }
0x2d0: {  	[tilespmem:s11], [sflag:$0x4] =	stream.linear.gather [hbm4b:s10+s4], $0x190, $0x38;
	[tilespmem:$0x1A800] =	vst v63  }
.LBB2_5:
0x2d1: {  	_ =	sfence.sel $0x180000  }
0x2d2: {  	[bflag:$0x0] =	sbarrier.arrive $0xFFFF  }
0x2d3: {  	_ =	strace $0x90000047  }
0x2d4: {  	s0 =	stileid.u32;
	[bflag:$0x2] =	sbarrier.arrive $0xFFFF  }
0x2d5: {  	p0 =	sne.s32 s0, $0x0;
	s0 =	rddreg [dreg:$0x4]  }
0x2d6: {  	s0 =	sadd.s32 @!p0 $0x100000, s0  }
0x2d7: {  	[sflag:s0] =	ssyncadd.tile.s32 @!p0 $0x1;
	_ =	shalt  }
.Lfunc_end2:
_tile_overlayer_lowered:
.L_overlay_start_2:
0x2d8: {  	(tag) =	ssettag $0x2  }
0x2d9: {  	s0 =	rddreg [dreg:$0x0];
	s2 =	stileid.u32  }
0x2da: {  	s1 =	rddreg [dreg:$0x1];
	p0 =	sne.s32 s2, $0x0  }
0x2db: {  	s3 =	rddreg [dreg:$0x2];
	[bflag:$0x3] =	sbarrier.arrive $0xFFFF;
	s2 =	simm.s32 @!p0 $0x1C07  }
0x2dc: {  	[timem:s3], [sflag:s2] =	dma.local @!p0 [hbm:s0], s1  }
0x2dd: {  	s0 =	simm.s32 @!p0 $0x7  }
0x2de: {  	_ =	swait.ge @!p0 [sflag:s0], s1  }
0x2df: {  	s1 =	ssub.s32 @!p0 $0x0, s1;
	[sflag:s0] =	ssyncset.done @!p0 $0x0  }
0x2e0: {  	[sflag:s0] =	ssyncadd.s32 @!p0 s1  }
0x2e1: {  	[bflag:$0x3] =	sbarrier.arrive $0xFFFF  }
0x2e2: {  	_ =	shalt  }

</sc_bundles>
